<compile_context>
chip_gen: v7x
topology: tpu7x:2x2x1
jax: 0.10.2.dev20260603
libtpu: 0.0.44.dev20260713+nightly
codegen_flags: <defaults>
</compile_context>

<pallas_src>
import functools

import jax
import jax.numpy as jnp
from jax import lax
from jax.experimental import pallas as pl
from jax.experimental.pallas import tpu as pltpu
from jax.experimental.pallas import tpu_sc as plsc

NC = 2
NS = 16
NW = NC * NS

LANES = 16
NBUF = 4
ROUND_MAGIC = 8388608.0


@functools.lru_cache(maxsize=None)
def _build(b, t, a, vocab, embed_dim):
    n_pairs = t * a
    ppw = n_pairs // NW
    eh_n = embed_dim // 8
    bh_n = b // 128
    assert ppw * NW == n_pairs
    assert eh_n * 8 == embed_dim and bh_n * 128 == b
    assert eh_n % NBUF == 0 and b % LANES == 0
    mesh = plsc.VectorSubcoreMesh(core_axis_name="c", subcore_axis_name="s")

    @functools.partial(
        pl.kernel,
        mesh=mesh,
        compiler_params=pltpu.CompilerParams(use_tc_tiling_on_sc=False, needs_layout_passes=False),
        out_type=jax.ShapeDtypeStruct(
            (t, a, eh_n, bh_n, 8, 128), jnp.float32),
        scratch_types=[
            pltpu.VMEM((vocab * embed_dim,), jnp.float32),
            pltpu.VMEM((ppw, bh_n, 128), jnp.float32),
            pltpu.VMEM((b,), jnp.int32),
            pltpu.VMEM((NBUF, bh_n, 8, 128), jnp.float32),
            pltpu.SemaphoreType.DMA,
            pltpu.SemaphoreType.DMA,
        ],
    )
    def k(act_hbm, tab_hbm, out_hbm, tab_v, act_v, tok_v, bufs, sem_i,
          sem_s):
        wid = lax.axis_index("s") * NC + lax.axis_index("c")
        p0 = wid * ppw
        for q in range(ppw):
            p = p0 + q
            tt = lax.div(p, a)
            ar = lax.rem(p, a)
            pltpu.async_copy(
                act_hbm.at[tt, lax.div(ar, 8), :, lax.rem(ar, 8)],
                act_v.at[q], sem_i)
        pltpu.sync_copy(tab_hbm, tab_v)
        for _ in range(ppw):
            pltpu.make_async_copy(
                act_hbm.at[0, 0, :, 0], act_v.at[0], sem_i).wait()

        def wait_one_scatter():
            pltpu.make_async_copy(
                bufs.at[0], out_hbm.at[0, 0, 0], sem_s).wait()

        def pair_body(q, _):
            p = p0 + q
            tt = lax.div(p, a)
            aa = lax.rem(p, a)

            @plsc.parallel_loop(0, b // LANES, unroll=4)
            def quant(i):
                x = act_v[q, lax.div(i, 8), pl.ds(lax.rem(i, 8) * LANES,
                                                  LANES)]
                s = (x - (-1.0)) / 2.0 * (vocab - 1.0)
                v = (s + ROUND_MAGIC) - ROUND_MAGIC
                v = jnp.minimum(jnp.maximum(v, 0.0), vocab - 1.0)
                tok_v[pl.ds(i * LANES, LANES)] = v.astype(jnp.int32)

            for eh in range(eh_n):
                buf = bufs.at[eh % NBUF]
                if eh < NBUF:
                    @pl.when(q > 0)
                    def _():
                        wait_one_scatter()
                else:
                    wait_one_scatter()

                @plsc.parallel_loop(0, bh_n * 8, unroll=2)
                def unit(g):
                    bh = lax.div(g, 8)
                    gg = lax.rem(g, 8)
                    tok16 = tok_v[pl.ds(g * LANES, LANES)]
                    for el in range(8):
                        idx = tok16 + (eh * 8 + el) * vocab
                        val = plsc.load_gather(tab_v, [idx])
                        buf[bh, el, pl.ds(gg * LANES, LANES)] = val
                pltpu.async_copy(buf, out_hbm.at[tt, aa, eh], sem_s)
            return 0

        lax.fori_loop(0, ppw, pair_body, 0)
        for _ in range(NBUF):
            wait_one_scatter()

    return k


def kernel(actions, embedding):
    b, t, a = actions.shape
    vocab, embed_dim = embedding.shape
    act5 = actions.reshape(8, b // 8, t, a // 8, 8).transpose(2, 3, 0, 4, 1)
    tab_flat = embedding.T.reshape(vocab * embed_dim)
    o = _build(b, t, a, vocab, embed_dim)(act5, tab_flat)
    o = o.transpose(3, 5, 0, 1, 2, 4)
    return o.reshape(b, t, a, embed_dim)

# --- scband reference (transcript-rebuilt; emitter-appended) ---
"""Pipeline reference for scband-continuous-action-encoder-3642132267058 (READ-ONLY COPY).

The authoritative reference and input builder live on the scoring server;
editing this copy changes nothing except your own understanding.
"""

import jax, jax.numpy as jnp
import numpy as np

VMIN = -1.0
VMAX = 1.0
VOCAB = 1000
EMBED_DIM = 64


def setup_inputs(seed: int = 0) -> dict:
    key = jax.random.key(seed)
    k1, k2 = jax.random.split(key)
    # actions: float32[b, t, action_dim], values in [-1, 1] (valid quantizer range)
    actions = jax.random.uniform(k1, (1024, 20, 32), dtype=jnp.float32, minval=-1.0, maxval=1.0)
    # learned embedding table: [action_vocab_size, embed_dim]
    embedding = jax.random.normal(k2, (VOCAB, EMBED_DIM), dtype=jnp.float32) * 0.02
    return {"actions": actions, "embedding": embedding}


def reference(actions, embedding):
    # UniformVQ.vector_to_tokens_pt: uniform quantization of [-1, 1] into VOCAB bins
    scaled = (actions - VMIN) / (VMAX - VMIN) * (VOCAB - 1)
    tokens = jnp.clip(jnp.round(scaled), 0, VOCAB - 1).astype(jnp.int32)
    # nn.Embedding lookup: [b, t, action_dim] -> [b, t, action_dim, embed_dim]
    out = jnp.take(embedding, tokens, axis=0)
    return out

if __name__ == "__main__":
    import jax
    _d = setup_inputs()
    print(jax.jit(kernel)(*tuple(_d.values())))

</pallas_src>

<mosaic_0001>
#map = affine_map<(d0, d1) -> (0, 0, 0, 0, 0)>
#map1 = affine_map<(d0, d1) -> (0)>
#map2 = affine_map<(d0, d1) -> (0, 0, 0, 0, 0, 0)>
module attributes {stable_mosaic.version = 14 : i64} {
  func.func @k(%arg0: i32, %arg1: i32, %arg2: memref<20x4x8x8x128xf32, #tpu.memory_space<hbm>>, %arg3: memref<64000xf32, #tpu.memory_space<hbm>>, %arg4: memref<20x32x8x8x8x128xf32, #tpu.memory_space<hbm>>, %arg5: memref<64000xf32, #tpu.memory_space<vmem>>, %arg6: memref<20x8x128xf32, #tpu.memory_space<vmem>>, %arg7: memref<1024xi32, #tpu.memory_space<vmem>>, %arg8: memref<4x8x8x128xf32, #tpu.memory_space<vmem>>, %arg9: memref<!tpu.dma_semaphore, #tpu.memory_space<semaphore_mem>>, %arg10: memref<!tpu.dma_semaphore, #tpu.memory_space<semaphore_mem>>) attributes {dimension_semantics = [#tpu.dimension_semantics<core_parallel>, #tpu.dimension_semantics<subcore_parallel>], iteration_bounds = array<i64: 2, 16>, scalar_prefetch = 0 : i64, scratch_operands = 6 : i64, tpu.core_type = #tpu.core_type<sc_vector_subcore>, window_params = [{transform_indices = #map}, {transform_indices = #map1}, {transform_indices = #map2}]} {
    %mul3A = arith.constant 2 : i32
    %mul3A_0 = arith.muli %arg1, %mul3A : i32
    %add3A = arith.addi %mul3A_0, %arg0 : i32
    %mul3A_1 = arith.constant 20 : i32
    %mul3A_2 = arith.muli %add3A, %mul3A_1 : i32
    %add3A_3 = arith.constant 0 : i32
    %add3A_4 = arith.addi %mul3A_2, %add3A_3 : i32
    %div3A = arith.constant 32 : i32
    %div3A_5 = arith.divsi %add3A_4, %div3A : i32
    %rem3A = arith.constant 32 : i32
    %rem3A_6 = arith.remsi %add3A_4, %rem3A : i32
    %div3A_7 = arith.constant 8 : i32
    %div3A_8 = arith.divsi %rem3A_6, %div3A_7 : i32
    %rem3A_9 = arith.constant 8 : i32
    %rem3A_10 = arith.remsi %rem3A_6, %rem3A_9 : i32
    %dma_start3A = arith.constant 0 : i32
    %dma_start3A_11 = arith.constant 0 : i32
    %dma_start3A_12 = arith.constant 0 : i32
    %dma_start3A_13 = tpu.memref_slice %arg6[%dma_start3A, %dma_start3A_11, %dma_start3A_12] : memref<20x8x128xf32, #tpu.memory_space<vmem>> -> memref<1x8x128xf32, #tpu.memory_space<vmem>>
    %dma_start3A_14 = tpu.memref_squeeze %dma_start3A_13 : memref<1x8x128xf32, #tpu.memory_space<vmem>> -> memref<8x128xf32, #tpu.memory_space<vmem>>
    %dma_start3A_15 = arith.constant 0 : i32
    %dma_start3A_16 = arith.constant 0 : i32
    %dma_start3A_17 = tpu.memref_slice %arg2[%div3A_5, %div3A_8, %dma_start3A_15, %rem3A_10, %dma_start3A_16] : memref<20x4x8x8x128xf32, #tpu.memory_space<hbm>> -> memref<1x1x8x1x128xf32, #tpu.memory_space<hbm>>
    %dma_start3A_18 = tpu.memref_squeeze %dma_start3A_17 : memref<1x1x8x1x128xf32, #tpu.memory_space<hbm>> -> memref<8x128xf32, #tpu.memory_space<hbm>>
    %dma_start3A_19 = arith.constant 0 : i32
    %dma_start3A_20 = arith.constant 0 : i32
    %dma_start3A_21 = tpu.memref_slice %arg6[%dma_start3A, %dma_start3A_19, %dma_start3A_20] : memref<20x8x128xf32, #tpu.memory_space<vmem>> -> memref<1x8x128xf32, #tpu.memory_space<vmem>>
    %dma_start3A_22 = tpu.memref_squeeze %dma_start3A_21 : memref<1x8x128xf32, #tpu.memory_space<vmem>> -> memref<8x128xf32, #tpu.memory_space<vmem>>
    %dma_start3A_23 = arith.constant 0 : i32
    %dma_start3A_24 = arith.constant 0 : i32
    %dma_start3A_25 = tpu.memref_slice %arg2[%div3A_5, %div3A_8, %dma_start3A_23, %rem3A_10, %dma_start3A_24] : memref<20x4x8x8x128xf32, #tpu.memory_space<hbm>> -> memref<1x1x8x1x128xf32, #tpu.memory_space<hbm>>
    %dma_start3A_26 = tpu.memref_squeeze %dma_start3A_25 : memref<1x1x8x1x128xf32, #tpu.memory_space<hbm>> -> memref<8x128xf32, #tpu.memory_space<hbm>>
    tpu.enqueue_dma source(%dma_start3A_26 : memref<8x128xf32, #tpu.memory_space<hbm>>) target(%dma_start3A_22 : memref<8x128xf32, #tpu.memory_space<vmem>>) target_semaphore(%arg9 : memref<!tpu.dma_semaphore, #tpu.memory_space<semaphore_mem>>)
    %add3A_27 = arith.constant 1 : i32
    %add3A_28 = arith.addi %mul3A_2, %add3A_27 : i32
    %div3A_29 = arith.constant 32 : i32
    %div3A_30 = arith.divsi %add3A_28, %div3A_29 : i32
    %rem3A_31 = arith.constant 32 : i32
    %rem3A_32 = arith.remsi %add3A_28, %rem3A_31 : i32
    %div3A_33 = arith.constant 8 : i32
    %div3A_34 = arith.divsi %rem3A_32, %div3A_33 : i32
    %rem3A_35 = arith.constant 8 : i32
    %rem3A_36 = arith.remsi %rem3A_32, %rem3A_35 : i32
    %dma_start3A_37 = arith.constant 1 : i32
    %dma_start3A_38 = arith.constant 0 : i32
    %dma_start3A_39 = arith.constant 0 : i32
    %dma_start3A_40 = tpu.memref_slice %arg6[%dma_start3A_37, %dma_start3A_38, %dma_start3A_39] : memref<20x8x128xf32, #tpu.memory_space<vmem>> -> memref<1x8x128xf32, #tpu.memory_space<vmem>>
    %dma_start3A_41 = tpu.memref_squeeze %dma_start3A_40 : memref<1x8x128xf32, #tpu.memory_space<vmem>> -> memref<8x128xf32, #tpu.memory_space<vmem>>
    %dma_start3A_42 = arith.constant 0 : i32
    %dma_start3A_43 = arith.constant 0 : i32
    %dma_start3A_44 = tpu.memref_slice %arg2[%div3A_30, %div3A_34, %dma_start3A_42, %rem3A_36, %dma_start3A_43] : memref<20x4x8x8x128xf32, #tpu.memory_space<hbm>> -> memref<1x1x8x1x128xf32, #tpu.memory_space<hbm>>
    %dma_start3A_45 = tpu.memref_squeeze %dma_start3A_44 : memref<1x1x8x1x128xf32, #tpu.memory_space<hbm>> -> memref<8x128xf32, #tpu.memory_space<hbm>>
    %dma_start3A_46 = arith.constant 0 : i32
    %dma_start3A_47 = arith.constant 0 : i32
    %dma_start3A_48 = tpu.memref_slice %arg6[%dma_start3A_37, %dma_start3A_46, %dma_start3A_47] : memref<20x8x128xf32, #tpu.memory_space<vmem>> -> memref<1x8x128xf32, #tpu.memory_space<vmem>>
    %dma_start3A_49 = tpu.memref_squeeze %dma_start3A_48 : memref<1x8x128xf32, #tpu.memory_space<vmem>> -> memref<8x128xf32, #tpu.memory_space<vmem>>
    %dma_start3A_50 = arith.constant 0 : i32
    %dma_start3A_51 = arith.constant 0 : i32
    %dma_start3A_52 = tpu.memref_slice %arg2[%div3A_30, %div3A_34, %dma_start3A_50, %rem3A_36, %dma_start3A_51] : memref<20x4x8x8x128xf32, #tpu.memory_space<hbm>> -> memref<1x1x8x1x128xf32, #tpu.memory_space<hbm>>
    %dma_start3A_53 = tpu.memref_squeeze %dma_start3A_52 : memref<1x1x8x1x128xf32, #tpu.memory_space<hbm>> -> memref<8x128xf32, #tpu.memory_space<hbm>>
    tpu.enqueue_dma source(%dma_start3A_53 : memref<8x128xf32, #tpu.memory_space<hbm>>) target(%dma_start3A_49 : memref<8x128xf32, #tpu.memory_space<vmem>>) target_semaphore(%arg9 : memref<!tpu.dma_semaphore, #tpu.memory_space<semaphore_mem>>)
    %add3A_54 = arith.constant 2 : i32
    %add3A_55 = arith.addi %mul3A_2, %add3A_54 : i32
    %div3A_56 = arith.constant 32 : i32
    %div3A_57 = arith.divsi %add3A_55, %div3A_56 : i32
    %rem3A_58 = arith.constant 32 : i32
    %rem3A_59 = arith.remsi %add3A_55, %rem3A_58 : i32
    %div3A_60 = arith.constant 8 : i32
    %div3A_61 = arith.divsi %rem3A_59, %div3A_60 : i32
    %rem3A_62 = arith.constant 8 : i32
    %rem3A_63 = arith.remsi %rem3A_59, %rem3A_62 : i32
    %dma_start3A_64 = arith.constant 2 : i32
    %dma_start3A_65 = arith.constant 0 : i32
    %dma_start3A_66 = arith.constant 0 : i32
    %dma_start3A_67 = tpu.memref_slice %arg6[%dma_start3A_64, %dma_start3A_65, %dma_start3A_66] : memref<20x8x128xf32, #tpu.memory_space<vmem>> -> memref<1x8x128xf32, #tpu.memory_space<vmem>>
    %dma_start3A_68 = tpu.memref_squeeze %dma_start3A_67 : memref<1x8x128xf32, #tpu.memory_space<vmem>> -> memref<8x128xf32, #tpu.memory_space<vmem>>
    %dma_start3A_69 = arith.constant 0 : i32
    %dma_start3A_70 = arith.constant 0 : i32
    %dma_start3A_71 = tpu.memref_slice %arg2[%div3A_57, %div3A_61, %dma_start3A_69, %rem3A_63, %dma_start3A_70] : memref<20x4x8x8x128xf32, #tpu.memory_space<hbm>> -> memref<1x1x8x1x128xf32, #tpu.memory_space<hbm>>
    %dma_start3A_72 = tpu.memref_squeeze %dma_start3A_71 : memref<1x1x8x1x128xf32, #tpu.memory_space<hbm>> -> memref<8x128xf32, #tpu.memory_space<hbm>>
    %dma_start3A_73 = arith.constant 0 : i32
    %dma_start3A_74 = arith.constant 0 : i32
    %dma_start3A_75 = tpu.memref_slice %arg6[%dma_start3A_64, %dma_start3A_73, %dma_start3A_74] : memref<20x8x128xf32, #tpu.memory_space<vmem>> -> memref<1x8x128xf32, #tpu.memory_space<vmem>>
    %dma_start3A_76 = tpu.memref_squeeze %dma_start3A_75 : memref<1x8x128xf32, #tpu.memory_space<vmem>> -> memref<8x128xf32, #tpu.memory_space<vmem>>
    %dma_start3A_77 = arith.constant 0 : i32
    %dma_start3A_78 = arith.constant 0 : i32
    %dma_start3A_79 = tpu.memref_slice %arg2[%div3A_57, %div3A_61, %dma_start3A_77, %rem3A_63, %dma_start3A_78] : memref<20x4x8x8x128xf32, #tpu.memory_space<hbm>> -> memref<1x1x8x1x128xf32, #tpu.memory_space<hbm>>
    %dma_start3A_80 = tpu.memref_squeeze %dma_start3A_79 : memref<1x1x8x1x128xf32, #tpu.memory_space<hbm>> -> memref<8x128xf32, #tpu.memory_space<hbm>>
    tpu.enqueue_dma source(%dma_start3A_80 : memref<8x128xf32, #tpu.memory_space<hbm>>) target(%dma_start3A_76 : memref<8x128xf32, #tpu.memory_space<vmem>>) target_semaphore(%arg9 : memref<!tpu.dma_semaphore, #tpu.memory_space<semaphore_mem>>)
    %add3A_81 = arith.constant 3 : i32
    %add3A_82 = arith.addi %mul3A_2, %add3A_81 : i32
    %div3A_83 = arith.constant 32 : i32
    %div3A_84 = arith.divsi %add3A_82, %div3A_83 : i32
    %rem3A_85 = arith.constant 32 : i32
    %rem3A_86 = arith.remsi %add3A_82, %rem3A_85 : i32
    %div3A_87 = arith.constant 8 : i32
    %div3A_88 = arith.divsi %rem3A_86, %div3A_87 : i32
    %rem3A_89 = arith.constant 8 : i32
    %rem3A_90 = arith.remsi %rem3A_86, %rem3A_89 : i32
    %dma_start3A_91 = arith.constant 3 : i32
    %dma_start3A_92 = arith.constant 0 : i32
    %dma_start3A_93 = arith.constant 0 : i32
    %dma_start3A_94 = tpu.memref_slice %arg6[%dma_start3A_91, %dma_start3A_92, %dma_start3A_93] : memref<20x8x128xf32, #tpu.memory_space<vmem>> -> memref<1x8x128xf32, #tpu.memory_space<vmem>>
    %dma_start3A_95 = tpu.memref_squeeze %dma_start3A_94 : memref<1x8x128xf32, #tpu.memory_space<vmem>> -> memref<8x128xf32, #tpu.memory_space<vmem>>
    %dma_start3A_96 = arith.constant 0 : i32
    %dma_start3A_97 = arith.constant 0 : i32
    %dma_start3A_98 = tpu.memref_slice %arg2[%div3A_84, %div3A_88, %dma_start3A_96, %rem3A_90, %dma_start3A_97] : memref<20x4x8x8x128xf32, #tpu.memory_space<hbm>> -> memref<1x1x8x1x128xf32, #tpu.memory_space<hbm>>
    %dma_start3A_99 = tpu.memref_squeeze %dma_start3A_98 : memref<1x1x8x1x128xf32, #tpu.memory_space<hbm>> -> memref<8x128xf32, #tpu.memory_space<hbm>>
    %dma_start3A_100 = arith.constant 0 : i32
    %dma_start3A_101 = arith.constant 0 : i32
    %dma_start3A_102 = tpu.memref_slice %arg6[%dma_start3A_91, %dma_start3A_100, %dma_start3A_101] : memref<20x8x128xf32, #tpu.memory_space<vmem>> -> memref<1x8x128xf32, #tpu.memory_space<vmem>>
    %dma_start3A_103 = tpu.memref_squeeze %dma_start3A_102 : memref<1x8x128xf32, #tpu.memory_space<vmem>> -> memref<8x128xf32, #tpu.memory_space<vmem>>
    %dma_start3A_104 = arith.constant 0 : i32
    %dma_start3A_105 = arith.constant 0 : i32
    %dma_start3A_106 = tpu.memref_slice %arg2[%div3A_84, %div3A_88, %dma_start3A_104, %rem3A_90, %dma_start3A_105] : memref<20x4x8x8x128xf32, #tpu.memory_space<hbm>> -> memref<1x1x8x1x128xf32, #tpu.memory_space<hbm>>
    %dma_start3A_107 = tpu.memref_squeeze %dma_start3A_106 : memref<1x1x8x1x128xf32, #tpu.memory_space<hbm>> -> memref<8x128xf32, #tpu.memory_space<hbm>>
    tpu.enqueue_dma source(%dma_start3A_107 : memref<8x128xf32, #tpu.memory_space<hbm>>) target(%dma_start3A_103 : memref<8x128xf32, #tpu.memory_space<vmem>>) target_semaphore(%arg9 : memref<!tpu.dma_semaphore, #tpu.memory_space<semaphore_mem>>)
    %add3A_108 = arith.constant 4 : i32
    %add3A_109 = arith.addi %mul3A_2, %add3A_108 : i32
    %div3A_110 = arith.constant 32 : i32
    %div3A_111 = arith.divsi %add3A_109, %div3A_110 : i32
    %rem3A_112 = arith.constant 32 : i32
    %rem3A_113 = arith.remsi %add3A_109, %rem3A_112 : i32
    %div3A_114 = arith.constant 8 : i32
    %div3A_115 = arith.divsi %rem3A_113, %div3A_114 : i32
    %rem3A_116 = arith.constant 8 : i32
    %rem3A_117 = arith.remsi %rem3A_113, %rem3A_116 : i32
    %dma_start3A_118 = arith.constant 4 : i32
    %dma_start3A_119 = arith.constant 0 : i32
    %dma_start3A_120 = arith.constant 0 : i32
    %dma_start3A_121 = tpu.memref_slice %arg6[%dma_start3A_118, %dma_start3A_119, %dma_start3A_120] : memref<20x8x128xf32, #tpu.memory_space<vmem>> -> memref<1x8x128xf32, #tpu.memory_space<vmem>>
    %dma_start3A_122 = tpu.memref_squeeze %dma_start3A_121 : memref<1x8x128xf32, #tpu.memory_space<vmem>> -> memref<8x128xf32, #tpu.memory_space<vmem>>
    %dma_start3A_123 = arith.constant 0 : i32
    %dma_start3A_124 = arith.constant 0 : i32
    %dma_start3A_125 = tpu.memref_slice %arg2[%div3A_111, %div3A_115, %dma_start3A_123, %rem3A_117, %dma_start3A_124] : memref<20x4x8x8x128xf32, #tpu.memory_space<hbm>> -> memref<1x1x8x1x128xf32, #tpu.memory_space<hbm>>
    %dma_start3A_126 = tpu.memref_squeeze %dma_start3A_125 : memref<1x1x8x1x128xf32, #tpu.memory_space<hbm>> -> memref<8x128xf32, #tpu.memory_space<hbm>>
    %dma_start3A_127 = arith.constant 0 : i32
    %dma_start3A_128 = arith.constant 0 : i32
    %dma_start3A_129 = tpu.memref_slice %arg6[%dma_start3A_118, %dma_start3A_127, %dma_start3A_128] : memref<20x8x128xf32, #tpu.memory_space<vmem>> -> memref<1x8x128xf32, #tpu.memory_space<vmem>>
    %dma_start3A_130 = tpu.memref_squeeze %dma_start3A_129 : memref<1x8x128xf32, #tpu.memory_space<vmem>> -> memref<8x128xf32, #tpu.memory_space<vmem>>
    %dma_start3A_131 = arith.constant 0 : i32
    %dma_start3A_132 = arith.constant 0 : i32
    %dma_start3A_133 = tpu.memref_slice %arg2[%div3A_111, %div3A_115, %dma_start3A_131, %rem3A_117, %dma_start3A_132] : memref<20x4x8x8x128xf32, #tpu.memory_space<hbm>> -> memref<1x1x8x1x128xf32, #tpu.memory_space<hbm>>
    %dma_start3A_134 = tpu.memref_squeeze %dma_start3A_133 : memref<1x1x8x1x128xf32, #tpu.memory_space<hbm>> -> memref<8x128xf32, #tpu.memory_space<hbm>>
    tpu.enqueue_dma source(%dma_start3A_134 : memref<8x128xf32, #tpu.memory_space<hbm>>) target(%dma_start3A_130 : memref<8x128xf32, #tpu.memory_space<vmem>>) target_semaphore(%arg9 : memref<!tpu.dma_semaphore, #tpu.memory_space<semaphore_mem>>)
    %add3A_135 = arith.constant 5 : i32
    %add3A_136 = arith.addi %mul3A_2, %add3A_135 : i32
    %div3A_137 = arith.constant 32 : i32
    %div3A_138 = arith.divsi %add3A_136, %div3A_137 : i32
    %rem3A_139 = arith.constant 32 : i32
    %rem3A_140 = arith.remsi %add3A_136, %rem3A_139 : i32
    %div3A_141 = arith.constant 8 : i32
    %div3A_142 = arith.divsi %rem3A_140, %div3A_141 : i32
    %rem3A_143 = arith.constant 8 : i32
    %rem3A_144 = arith.remsi %rem3A_140, %rem3A_143 : i32
    %dma_start3A_145 = arith.constant 5 : i32
    %dma_start3A_146 = arith.constant 0 : i32
    %dma_start3A_147 = arith.constant 0 : i32
    %dma_start3A_148 = tpu.memref_slice %arg6[%dma_start3A_145, %dma_start3A_146, %dma_start3A_147] : memref<20x8x128xf32, #tpu.memory_space<vmem>> -> memref<1x8x128xf32, #tpu.memory_space<vmem>>
    %dma_start3A_149 = tpu.memref_squeeze %dma_start3A_148 : memref<1x8x128xf32, #tpu.memory_space<vmem>> -> memref<8x128xf32, #tpu.memory_space<vmem>>
    %dma_start3A_150 = arith.constant 0 : i32
    %dma_start3A_151 = arith.constant 0 : i32
    %dma_start3A_152 = tpu.memref_slice %arg2[%div3A_138, %div3A_142, %dma_start3A_150, %rem3A_144, %dma_start3A_151] : memref<20x4x8x8x128xf32, #tpu.memory_space<hbm>> -> memref<1x1x8x1x128xf32, #tpu.memory_space<hbm>>
    %dma_start3A_153 = tpu.memref_squeeze %dma_start3A_152 : memref<1x1x8x1x128xf32, #tpu.memory_space<hbm>> -> memref<8x128xf32, #tpu.memory_space<hbm>>
    %dma_start3A_154 = arith.constant 0 : i32
    %dma_start3A_155 = arith.constant 0 : i32
    %dma_start3A_156 = tpu.memref_slice %arg6[%dma_start3A_145, %dma_start3A_154, %dma_start3A_155] : memref<20x8x128xf32, #tpu.memory_space<vmem>> -> memref<1x8x128xf32, #tpu.memory_space<vmem>>
    %dma_start3A_157 = tpu.memref_squeeze %dma_start3A_156 : memref<1x8x128xf32, #tpu.memory_space<vmem>> -> memref<8x128xf32, #tpu.memory_space<vmem>>
    %dma_start3A_158 = arith.constant 0 : i32
    %dma_start3A_159 = arith.constant 0 : i32
    %dma_start3A_160 = tpu.memref_slice %arg2[%div3A_138, %div3A_142, %dma_start3A_158, %rem3A_144, %dma_start3A_159] : memref<20x4x8x8x128xf32, #tpu.memory_space<hbm>> -> memref<1x1x8x1x128xf32, #tpu.memory_space<hbm>>
    %dma_start3A_161 = tpu.memref_squeeze %dma_start3A_160 : memref<1x1x8x1x128xf32, #tpu.memory_space<hbm>> -> memref<8x128xf32, #tpu.memory_space<hbm>>
    tpu.enqueue_dma source(%dma_start3A_161 : memref<8x128xf32, #tpu.memory_space<hbm>>) target(%dma_start3A_157 : memref<8x128xf32, #tpu.memory_space<vmem>>) target_semaphore(%arg9 : memref<!tpu.dma_semaphore, #tpu.memory_space<semaphore_mem>>)
    %add3A_162 = arith.constant 6 : i32
    %add3A_163 = arith.addi %mul3A_2, %add3A_162 : i32
    %div3A_164 = arith.constant 32 : i32
    %div3A_165 = arith.divsi %add3A_163, %div3A_164 : i32
    %rem3A_166 = arith.constant 32 : i32
    %rem3A_167 = arith.remsi %add3A_163, %rem3A_166 : i32
    %div3A_168 = arith.constant 8 : i32
    %div3A_169 = arith.divsi %rem3A_167, %div3A_168 : i32
    %rem3A_170 = arith.constant 8 : i32
    %rem3A_171 = arith.remsi %rem3A_167, %rem3A_170 : i32
    %dma_start3A_172 = arith.constant 6 : i32
    %dma_start3A_173 = arith.constant 0 : i32
    %dma_start3A_174 = arith.constant 0 : i32
    %dma_start3A_175 = tpu.memref_slice %arg6[%dma_start3A_172, %dma_start3A_173, %dma_start3A_174] : memref<20x8x128xf32, #tpu.memory_space<vmem>> -> memref<1x8x128xf32, #tpu.memory_space<vmem>>
    %dma_start3A_176 = tpu.memref_squeeze %dma_start3A_175 : memref<1x8x128xf32, #tpu.memory_space<vmem>> -> memref<8x128xf32, #tpu.memory_space<vmem>>
    %dma_start3A_177 = arith.constant 0 : i32
    %dma_start3A_178 = arith.constant 0 : i32
    %dma_start3A_179 = tpu.memref_slice %arg2[%div3A_165, %div3A_169, %dma_start3A_177, %rem3A_171, %dma_start3A_178] : memref<20x4x8x8x128xf32, #tpu.memory_space<hbm>> -> memref<1x1x8x1x128xf32, #tpu.memory_space<hbm>>
    %dma_start3A_180 = tpu.memref_squeeze %dma_start3A_179 : memref<1x1x8x1x128xf32, #tpu.memory_space<hbm>> -> memref<8x128xf32, #tpu.memory_space<hbm>>
    %dma_start3A_181 = arith.constant 0 : i32
    %dma_start3A_182 = arith.constant 0 : i32
    %dma_start3A_183 = tpu.memref_slice %arg6[%dma_start3A_172, %dma_start3A_181, %dma_start3A_182] : memref<20x8x128xf32, #tpu.memory_space<vmem>> -> memref<1x8x128xf32, #tpu.memory_space<vmem>>
    %dma_start3A_184 = tpu.memref_squeeze %dma_start3A_183 : memref<1x8x128xf32, #tpu.memory_space<vmem>> -> memref<8x128xf32, #tpu.memory_space<vmem>>
    %dma_start3A_185 = arith.constant 0 : i32
    %dma_start3A_186 = arith.constant 0 : i32
    %dma_start3A_187 = tpu.memref_slice %arg2[%div3A_165, %div3A_169, %dma_start3A_185, %rem3A_171, %dma_start3A_186] : memref<20x4x8x8x128xf32, #tpu.memory_space<hbm>> -> memref<1x1x8x1x128xf32, #tpu.memory_space<hbm>>
    %dma_start3A_188 = tpu.memref_squeeze %dma_start3A_187 : memref<1x1x8x1x128xf32, #tpu.memory_space<hbm>> -> memref<8x128xf32, #tpu.memory_space<hbm>>
    tpu.enqueue_dma source(%dma_start3A_188 : memref<8x128xf32, #tpu.memory_space<hbm>>) target(%dma_start3A_184 : memref<8x128xf32, #tpu.memory_space<vmem>>) target_semaphore(%arg9 : memref<!tpu.dma_semaphore, #tpu.memory_space<semaphore_mem>>)
    %add3A_189 = arith.constant 7 : i32
    %add3A_190 = arith.addi %mul3A_2, %add3A_189 : i32
    %div3A_191 = arith.constant 32 : i32
    %div3A_192 = arith.divsi %add3A_190, %div3A_191 : i32
    %rem3A_193 = arith.constant 32 : i32
    %rem3A_194 = arith.remsi %add3A_190, %rem3A_193 : i32
    %div3A_195 = arith.constant 8 : i32
    %div3A_196 = arith.divsi %rem3A_194, %div3A_195 : i32
    %rem3A_197 = arith.constant 8 : i32
    %rem3A_198 = arith.remsi %rem3A_194, %rem3A_197 : i32
    %dma_start3A_199 = arith.constant 7 : i32
    %dma_start3A_200 = arith.constant 0 : i32
    %dma_start3A_201 = arith.constant 0 : i32
    %dma_start3A_202 = tpu.memref_slice %arg6[%dma_start3A_199, %dma_start3A_200, %dma_start3A_201] : memref<20x8x128xf32, #tpu.memory_space<vmem>> -> memref<1x8x128xf32, #tpu.memory_space<vmem>>
    %dma_start3A_203 = tpu.memref_squeeze %dma_start3A_202 : memref<1x8x128xf32, #tpu.memory_space<vmem>> -> memref<8x128xf32, #tpu.memory_space<vmem>>
    %dma_start3A_204 = arith.constant 0 : i32
    %dma_start3A_205 = arith.constant 0 : i32
    %dma_start3A_206 = tpu.memref_slice %arg2[%div3A_192, %div3A_196, %dma_start3A_204, %rem3A_198, %dma_start3A_205] : memref<20x4x8x8x128xf32, #tpu.memory_space<hbm>> -> memref<1x1x8x1x128xf32, #tpu.memory_space<hbm>>
    %dma_start3A_207 = tpu.memref_squeeze %dma_start3A_206 : memref<1x1x8x1x128xf32, #tpu.memory_space<hbm>> -> memref<8x128xf32, #tpu.memory_space<hbm>>
    %dma_start3A_208 = arith.constant 0 : i32
    %dma_start3A_209 = arith.constant 0 : i32
    %dma_start3A_210 = tpu.memref_slice %arg6[%dma_start3A_199, %dma_start3A_208, %dma_start3A_209] : memref<20x8x128xf32, #tpu.memory_space<vmem>> -> memref<1x8x128xf32, #tpu.memory_space<vmem>>
    %dma_start3A_211 = tpu.memref_squeeze %dma_start3A_210 : memref<1x8x128xf32, #tpu.memory_space<vmem>> -> memref<8x128xf32, #tpu.memory_space<vmem>>
    %dma_start3A_212 = arith.constant 0 : i32
    %dma_start3A_213 = arith.constant 0 : i32
    %dma_start3A_214 = tpu.memref_slice %arg2[%div3A_192, %div3A_196, %dma_start3A_212, %rem3A_198, %dma_start3A_213] : memref<20x4x8x8x128xf32, #tpu.memory_space<hbm>> -> memref<1x1x8x1x128xf32, #tpu.memory_space<hbm>>
    %dma_start3A_215 = tpu.memref_squeeze %dma_start3A_214 : memref<1x1x8x1x128xf32, #tpu.memory_space<hbm>> -> memref<8x128xf32, #tpu.memory_space<hbm>>
    tpu.enqueue_dma source(%dma_start3A_215 : memref<8x128xf32, #tpu.memory_space<hbm>>) target(%dma_start3A_211 : memref<8x128xf32, #tpu.memory_space<vmem>>) target_semaphore(%arg9 : memref<!tpu.dma_semaphore, #tpu.memory_space<semaphore_mem>>)
    %add3A_216 = arith.constant 8 : i32
    %add3A_217 = arith.addi %mul3A_2, %add3A_216 : i32
    %div3A_218 = arith.constant 32 : i32
    %div3A_219 = arith.divsi %add3A_217, %div3A_218 : i32
    %rem3A_220 = arith.constant 32 : i32
    %rem3A_221 = arith.remsi %add3A_217, %rem3A_220 : i32
    %div3A_222 = arith.constant 8 : i32
    %div3A_223 = arith.divsi %rem3A_221, %div3A_222 : i32
    %rem3A_224 = arith.constant 8 : i32
    %rem3A_225 = arith.remsi %rem3A_221, %rem3A_224 : i32
    %dma_start3A_226 = arith.constant 8 : i32
    %dma_start3A_227 = arith.constant 0 : i32
    %dma_start3A_228 = arith.constant 0 : i32
    %dma_start3A_229 = tpu.memref_slice %arg6[%dma_start3A_226, %dma_start3A_227, %dma_start3A_228] : memref<20x8x128xf32, #tpu.memory_space<vmem>> -> memref<1x8x128xf32, #tpu.memory_space<vmem>>
    %dma_start3A_230 = tpu.memref_squeeze %dma_start3A_229 : memref<1x8x128xf32, #tpu.memory_space<vmem>> -> memref<8x128xf32, #tpu.memory_space<vmem>>
    %dma_start3A_231 = arith.constant 0 : i32
    %dma_start3A_232 = arith.constant 0 : i32
    %dma_start3A_233 = tpu.memref_slice %arg2[%div3A_219, %div3A_223, %dma_start3A_231, %rem3A_225, %dma_start3A_232] : memref<20x4x8x8x128xf32, #tpu.memory_space<hbm>> -> memref<1x1x8x1x128xf32, #tpu.memory_space<hbm>>
    %dma_start3A_234 = tpu.memref_squeeze %dma_start3A_233 : memref<1x1x8x1x128xf32, #tpu.memory_space<hbm>> -> memref<8x128xf32, #tpu.memory_space<hbm>>
    %dma_start3A_235 = arith.constant 0 : i32
    %dma_start3A_236 = arith.constant 0 : i32
    %dma_start3A_237 = tpu.memref_slice %arg6[%dma_start3A_226, %dma_start3A_235, %dma_start3A_236] : memref<20x8x128xf32, #tpu.memory_space<vmem>> -> memref<1x8x128xf32, #tpu.memory_space<vmem>>
    %dma_start3A_238 = tpu.memref_squeeze %dma_start3A_237 : memref<1x8x128xf32, #tpu.memory_space<vmem>> -> memref<8x128xf32, #tpu.memory_space<vmem>>
    %dma_start3A_239 = arith.constant 0 : i32
    %dma_start3A_240 = arith.constant 0 : i32
    %dma_start3A_241 = tpu.memref_slice %arg2[%div3A_219, %div3A_223, %dma_start3A_239, %rem3A_225, %dma_start3A_240] : memref<20x4x8x8x128xf32, #tpu.memory_space<hbm>> -> memref<1x1x8x1x128xf32, #tpu.memory_space<hbm>>
    %dma_start3A_242 = tpu.memref_squeeze %dma_start3A_241 : memref<1x1x8x1x128xf32, #tpu.memory_space<hbm>> -> memref<8x128xf32, #tpu.memory_space<hbm>>
    tpu.enqueue_dma source(%dma_start3A_242 : memref<8x128xf32, #tpu.memory_space<hbm>>) target(%dma_start3A_238 : memref<8x128xf32, #tpu.memory_space<vmem>>) target_semaphore(%arg9 : memref<!tpu.dma_semaphore, #tpu.memory_space<semaphore_mem>>)
    %add3A_243 = arith.constant 9 : i32
    %add3A_244 = arith.addi %mul3A_2, %add3A_243 : i32
    %div3A_245 = arith.constant 32 : i32
    %div3A_246 = arith.divsi %add3A_244, %div3A_245 : i32
    %rem3A_247 = arith.constant 32 : i32
    %rem3A_248 = arith.remsi %add3A_244, %rem3A_247 : i32
    %div3A_249 = arith.constant 8 : i32
    %div3A_250 = arith.divsi %rem3A_248, %div3A_249 : i32
    %rem3A_251 = arith.constant 8 : i32
    %rem3A_252 = arith.remsi %rem3A_248, %rem3A_251 : i32
    %dma_start3A_253 = arith.constant 9 : i32
    %dma_start3A_254 = arith.constant 0 : i32
    %dma_start3A_255 = arith.constant 0 : i32
    %dma_start3A_256 = tpu.memref_slice %arg6[%dma_start3A_253, %dma_start3A_254, %dma_start3A_255] : memref<20x8x128xf32, #tpu.memory_space<vmem>> -> memref<1x8x128xf32, #tpu.memory_space<vmem>>
    %dma_start3A_257 = tpu.memref_squeeze %dma_start3A_256 : memref<1x8x128xf32, #tpu.memory_space<vmem>> -> memref<8x128xf32, #tpu.memory_space<vmem>>
    %dma_start3A_258 = arith.constant 0 : i32
    %dma_start3A_259 = arith.constant 0 : i32
    %dma_start3A_260 = tpu.memref_slice %arg2[%div3A_246, %div3A_250, %dma_start3A_258, %rem3A_252, %dma_start3A_259] : memref<20x4x8x8x128xf32, #tpu.memory_space<hbm>> -> memref<1x1x8x1x128xf32, #tpu.memory_space<hbm>>
    %dma_start3A_261 = tpu.memref_squeeze %dma_start3A_260 : memref<1x1x8x1x128xf32, #tpu.memory_space<hbm>> -> memref<8x128xf32, #tpu.memory_space<hbm>>
    %dma_start3A_262 = arith.constant 0 : i32
    %dma_start3A_263 = arith.constant 0 : i32
    %dma_start3A_264 = tpu.memref_slice %arg6[%dma_start3A_253, %dma_start3A_262, %dma_start3A_263] : memref<20x8x128xf32, #tpu.memory_space<vmem>> -> memref<1x8x128xf32, #tpu.memory_space<vmem>>
    %dma_start3A_265 = tpu.memref_squeeze %dma_start3A_264 : memref<1x8x128xf32, #tpu.memory_space<vmem>> -> memref<8x128xf32, #tpu.memory_space<vmem>>
    %dma_start3A_266 = arith.constant 0 : i32
    %dma_start3A_267 = arith.constant 0 : i32
    %dma_start3A_268 = tpu.memref_slice %arg2[%div3A_246, %div3A_250, %dma_start3A_266, %rem3A_252, %dma_start3A_267] : memref<20x4x8x8x128xf32, #tpu.memory_space<hbm>> -> memref<1x1x8x1x128xf32, #tpu.memory_space<hbm>>
    %dma_start3A_269 = tpu.memref_squeeze %dma_start3A_268 : memref<1x1x8x1x128xf32, #tpu.memory_space<hbm>> -> memref<8x128xf32, #tpu.memory_space<hbm>>
    tpu.enqueue_dma source(%dma_start3A_269 : memref<8x128xf32, #tpu.memory_space<hbm>>) target(%dma_start3A_265 : memref<8x128xf32, #tpu.memory_space<vmem>>) target_semaphore(%arg9 : memref<!tpu.dma_semaphore, #tpu.memory_space<semaphore_mem>>)
    %add3A_270 = arith.constant 10 : i32
    %add3A_271 = arith.addi %mul3A_2, %add3A_270 : i32
    %div3A_272 = arith.constant 32 : i32
    %div3A_273 = arith.divsi %add3A_271, %div3A_272 : i32
    %rem3A_274 = arith.constant 32 : i32
    %rem3A_275 = arith.remsi %add3A_271, %rem3A_274 : i32
    %div3A_276 = arith.constant 8 : i32
    %div3A_277 = arith.divsi %rem3A_275, %div3A_276 : i32
    %rem3A_278 = arith.constant 8 : i32
    %rem3A_279 = arith.remsi %rem3A_275, %rem3A_278 : i32
    %dma_start3A_280 = arith.constant 10 : i32
    %dma_start3A_281 = arith.constant 0 : i32
    %dma_start3A_282 = arith.constant 0 : i32
    %dma_start3A_283 = tpu.memref_slice %arg6[%dma_start3A_280, %dma_start3A_281, %dma_start3A_282] : memref<20x8x128xf32, #tpu.memory_space<vmem>> -> memref<1x8x128xf32, #tpu.memory_space<vmem>>
    %dma_start3A_284 = tpu.memref_squeeze %dma_start3A_283 : memref<1x8x128xf32, #tpu.memory_space<vmem>> -> memref<8x128xf32, #tpu.memory_space<vmem>>
    %dma_start3A_285 = arith.constant 0 : i32
    %dma_start3A_286 = arith.constant 0 : i32
    %dma_start3A_287 = tpu.memref_slice %arg2[%div3A_273, %div3A_277, %dma_start3A_285, %rem3A_279, %dma_start3A_286] : memref<20x4x8x8x128xf32, #tpu.memory_space<hbm>> -> memref<1x1x8x1x128xf32, #tpu.memory_space<hbm>>
    %dma_start3A_288 = tpu.memref_squeeze %dma_start3A_287 : memref<1x1x8x1x128xf32, #tpu.memory_space<hbm>> -> memref<8x128xf32, #tpu.memory_space<hbm>>
    %dma_start3A_289 = arith.constant 0 : i32
    %dma_start3A_290 = arith.constant 0 : i32
    %dma_start3A_291 = tpu.memref_slice %arg6[%dma_start3A_280, %dma_start3A_289, %dma_start3A_290] : memref<20x8x128xf32, #tpu.memory_space<vmem>> -> memref<1x8x128xf32, #tpu.memory_space<vmem>>
    %dma_start3A_292 = tpu.memref_squeeze %dma_start3A_291 : memref<1x8x128xf32, #tpu.memory_space<vmem>> -> memref<8x128xf32, #tpu.memory_space<vmem>>
    %dma_start3A_293 = arith.constant 0 : i32
    %dma_start3A_294 = arith.constant 0 : i32
    %dma_start3A_295 = tpu.memref_slice %arg2[%div3A_273, %div3A_277, %dma_start3A_293, %rem3A_279, %dma_start3A_294] : memref<20x4x8x8x128xf32, #tpu.memory_space<hbm>> -> memref<1x1x8x1x128xf32, #tpu.memory_space<hbm>>
    %dma_start3A_296 = tpu.memref_squeeze %dma_start3A_295 : memref<1x1x8x1x128xf32, #tpu.memory_space<hbm>> -> memref<8x128xf32, #tpu.memory_space<hbm>>
    tpu.enqueue_dma source(%dma_start3A_296 : memref<8x128xf32, #tpu.memory_space<hbm>>) target(%dma_start3A_292 : memref<8x128xf32, #tpu.memory_space<vmem>>) target_semaphore(%arg9 : memref<!tpu.dma_semaphore, #tpu.memory_space<semaphore_mem>>)
    %add3A_297 = arith.constant 11 : i32
    %add3A_298 = arith.addi %mul3A_2, %add3A_297 : i32
    %div3A_299 = arith.constant 32 : i32
    %div3A_300 = arith.divsi %add3A_298, %div3A_299 : i32
    %rem3A_301 = arith.constant 32 : i32
    %rem3A_302 = arith.remsi %add3A_298, %rem3A_301 : i32
    %div3A_303 = arith.constant 8 : i32
    %div3A_304 = arith.divsi %rem3A_302, %div3A_303 : i32
    %rem3A_305 = arith.constant 8 : i32
    %rem3A_306 = arith.remsi %rem3A_302, %rem3A_305 : i32
    %dma_start3A_307 = arith.constant 11 : i32
    %dma_start3A_308 = arith.constant 0 : i32
    %dma_start3A_309 = arith.constant 0 : i32
    %dma_start3A_310 = tpu.memref_slice %arg6[%dma_start3A_307, %dma_start3A_308, %dma_start3A_309] : memref<20x8x128xf32, #tpu.memory_space<vmem>> -> memref<1x8x128xf32, #tpu.memory_space<vmem>>
    %dma_start3A_311 = tpu.memref_squeeze %dma_start3A_310 : memref<1x8x128xf32, #tpu.memory_space<vmem>> -> memref<8x128xf32, #tpu.memory_space<vmem>>
    %dma_start3A_312 = arith.constant 0 : i32
    %dma_start3A_313 = arith.constant 0 : i32
    %dma_start3A_314 = tpu.memref_slice %arg2[%div3A_300, %div3A_304, %dma_start3A_312, %rem3A_306, %dma_start3A_313] : memref<20x4x8x8x128xf32, #tpu.memory_space<hbm>> -> memref<1x1x8x1x128xf32, #tpu.memory_space<hbm>>
    %dma_start3A_315 = tpu.memref_squeeze %dma_start3A_314 : memref<1x1x8x1x128xf32, #tpu.memory_space<hbm>> -> memref<8x128xf32, #tpu.memory_space<hbm>>
    %dma_start3A_316 = arith.constant 0 : i32
    %dma_start3A_317 = arith.constant 0 : i32
    %dma_start3A_318 = tpu.memref_slice %arg6[%dma_start3A_307, %dma_start3A_316, %dma_start3A_317] : memref<20x8x128xf32, #tpu.memory_space<vmem>> -> memref<1x8x128xf32, #tpu.memory_space<vmem>>
    %dma_start3A_319 = tpu.memref_squeeze %dma_start3A_318 : memref<1x8x128xf32, #tpu.memory_space<vmem>> -> memref<8x128xf32, #tpu.memory_space<vmem>>
    %dma_start3A_320 = arith.constant 0 : i32
    %dma_start3A_321 = arith.constant 0 : i32
    %dma_start3A_322 = tpu.memref_slice %arg2[%div3A_300, %div3A_304, %dma_start3A_320, %rem3A_306, %dma_start3A_321] : memref<20x4x8x8x128xf32, #tpu.memory_space<hbm>> -> memref<1x1x8x1x128xf32, #tpu.memory_space<hbm>>
    %dma_start3A_323 = tpu.memref_squeeze %dma_start3A_322 : memref<1x1x8x1x128xf32, #tpu.memory_space<hbm>> -> memref<8x128xf32, #tpu.memory_space<hbm>>
    tpu.enqueue_dma source(%dma_start3A_323 : memref<8x128xf32, #tpu.memory_space<hbm>>) target(%dma_start3A_319 : memref<8x128xf32, #tpu.memory_space<vmem>>) target_semaphore(%arg9 : memref<!tpu.dma_semaphore, #tpu.memory_space<semaphore_mem>>)
    %add3A_324 = arith.constant 12 : i32
    %add3A_325 = arith.addi %mul3A_2, %add3A_324 : i32
    %div3A_326 = arith.constant 32 : i32
    %div3A_327 = arith.divsi %add3A_325, %div3A_326 : i32
    %rem3A_328 = arith.constant 32 : i32
    %rem3A_329 = arith.remsi %add3A_325, %rem3A_328 : i32
    %div3A_330 = arith.constant 8 : i32
    %div3A_331 = arith.divsi %rem3A_329, %div3A_330 : i32
    %rem3A_332 = arith.constant 8 : i32
    %rem3A_333 = arith.remsi %rem3A_329, %rem3A_332 : i32
    %dma_start3A_334 = arith.constant 12 : i32
    %dma_start3A_335 = arith.constant 0 : i32
    %dma_start3A_336 = arith.constant 0 : i32
    %dma_start3A_337 = tpu.memref_slice %arg6[%dma_start3A_334, %dma_start3A_335, %dma_start3A_336] : memref<20x8x128xf32, #tpu.memory_space<vmem>> -> memref<1x8x128xf32, #tpu.memory_space<vmem>>
    %dma_start3A_338 = tpu.memref_squeeze %dma_start3A_337 : memref<1x8x128xf32, #tpu.memory_space<vmem>> -> memref<8x128xf32, #tpu.memory_space<vmem>>
    %dma_start3A_339 = arith.constant 0 : i32
    %dma_start3A_340 = arith.constant 0 : i32
    %dma_start3A_341 = tpu.memref_slice %arg2[%div3A_327, %div3A_331, %dma_start3A_339, %rem3A_333, %dma_start3A_340] : memref<20x4x8x8x128xf32, #tpu.memory_space<hbm>> -> memref<1x1x8x1x128xf32, #tpu.memory_space<hbm>>
    %dma_start3A_342 = tpu.memref_squeeze %dma_start3A_341 : memref<1x1x8x1x128xf32, #tpu.memory_space<hbm>> -> memref<8x128xf32, #tpu.memory_space<hbm>>
    %dma_start3A_343 = arith.constant 0 : i32
    %dma_start3A_344 = arith.constant 0 : i32
    %dma_start3A_345 = tpu.memref_slice %arg6[%dma_start3A_334, %dma_start3A_343, %dma_start3A_344] : memref<20x8x128xf32, #tpu.memory_space<vmem>> -> memref<1x8x128xf32, #tpu.memory_space<vmem>>
    %dma_start3A_346 = tpu.memref_squeeze %dma_start3A_345 : memref<1x8x128xf32, #tpu.memory_space<vmem>> -> memref<8x128xf32, #tpu.memory_space<vmem>>
    %dma_start3A_347 = arith.constant 0 : i32
    %dma_start3A_348 = arith.constant 0 : i32
    %dma_start3A_349 = tpu.memref_slice %arg2[%div3A_327, %div3A_331, %dma_start3A_347, %rem3A_333, %dma_start3A_348] : memref<20x4x8x8x128xf32, #tpu.memory_space<hbm>> -> memref<1x1x8x1x128xf32, #tpu.memory_space<hbm>>
    %dma_start3A_350 = tpu.memref_squeeze %dma_start3A_349 : memref<1x1x8x1x128xf32, #tpu.memory_space<hbm>> -> memref<8x128xf32, #tpu.memory_space<hbm>>
    tpu.enqueue_dma source(%dma_start3A_350 : memref<8x128xf32, #tpu.memory_space<hbm>>) target(%dma_start3A_346 : memref<8x128xf32, #tpu.memory_space<vmem>>) target_semaphore(%arg9 : memref<!tpu.dma_semaphore, #tpu.memory_space<semaphore_mem>>)
    %add3A_351 = arith.constant 13 : i32
    %add3A_352 = arith.addi %mul3A_2, %add3A_351 : i32
    %div3A_353 = arith.constant 32 : i32
    %div3A_354 = arith.divsi %add3A_352, %div3A_353 : i32
    %rem3A_355 = arith.constant 32 : i32
    %rem3A_356 = arith.remsi %add3A_352, %rem3A_355 : i32
    %div3A_357 = arith.constant 8 : i32
    %div3A_358 = arith.divsi %rem3A_356, %div3A_357 : i32
    %rem3A_359 = arith.constant 8 : i32
    %rem3A_360 = arith.remsi %rem3A_356, %rem3A_359 : i32
    %dma_start3A_361 = arith.constant 13 : i32
    %dma_start3A_362 = arith.constant 0 : i32
    %dma_start3A_363 = arith.constant 0 : i32
    %dma_start3A_364 = tpu.memref_slice %arg6[%dma_start3A_361, %dma_start3A_362, %dma_start3A_363] : memref<20x8x128xf32, #tpu.memory_space<vmem>> -> memref<1x8x128xf32, #tpu.memory_space<vmem>>
    %dma_start3A_365 = tpu.memref_squeeze %dma_start3A_364 : memref<1x8x128xf32, #tpu.memory_space<vmem>> -> memref<8x128xf32, #tpu.memory_space<vmem>>
    %dma_start3A_366 = arith.constant 0 : i32
    %dma_start3A_367 = arith.constant 0 : i32
    %dma_start3A_368 = tpu.memref_slice %arg2[%div3A_354, %div3A_358, %dma_start3A_366, %rem3A_360, %dma_start3A_367] : memref<20x4x8x8x128xf32, #tpu.memory_space<hbm>> -> memref<1x1x8x1x128xf32, #tpu.memory_space<hbm>>
    %dma_start3A_369 = tpu.memref_squeeze %dma_start3A_368 : memref<1x1x8x1x128xf32, #tpu.memory_space<hbm>> -> memref<8x128xf32, #tpu.memory_space<hbm>>
    %dma_start3A_370 = arith.constant 0 : i32
    %dma_start3A_371 = arith.constant 0 : i32
    %dma_start3A_372 = tpu.memref_slice %arg6[%dma_start3A_361, %dma_start3A_370, %dma_start3A_371] : memref<20x8x128xf32, #tpu.memory_space<vmem>> -> memref<1x8x128xf32, #tpu.memory_space<vmem>>
    %dma_start3A_373 = tpu.memref_squeeze %dma_start3A_372 : memref<1x8x128xf32, #tpu.memory_space<vmem>> -> memref<8x128xf32, #tpu.memory_space<vmem>>
    %dma_start3A_374 = arith.constant 0 : i32
    %dma_start3A_375 = arith.constant 0 : i32
    %dma_start3A_376 = tpu.memref_slice %arg2[%div3A_354, %div3A_358, %dma_start3A_374, %rem3A_360, %dma_start3A_375] : memref<20x4x8x8x128xf32, #tpu.memory_space<hbm>> -> memref<1x1x8x1x128xf32, #tpu.memory_space<hbm>>
    %dma_start3A_377 = tpu.memref_squeeze %dma_start3A_376 : memref<1x1x8x1x128xf32, #tpu.memory_space<hbm>> -> memref<8x128xf32, #tpu.memory_space<hbm>>
    tpu.enqueue_dma source(%dma_start3A_377 : memref<8x128xf32, #tpu.memory_space<hbm>>) target(%dma_start3A_373 : memref<8x128xf32, #tpu.memory_space<vmem>>) target_semaphore(%arg9 : memref<!tpu.dma_semaphore, #tpu.memory_space<semaphore_mem>>)
    %add3A_378 = arith.constant 14 : i32
    %add3A_379 = arith.addi %mul3A_2, %add3A_378 : i32
    %div3A_380 = arith.constant 32 : i32
    %div3A_381 = arith.divsi %add3A_379, %div3A_380 : i32
    %rem3A_382 = arith.constant 32 : i32
    %rem3A_383 = arith.remsi %add3A_379, %rem3A_382 : i32
    %div3A_384 = arith.constant 8 : i32
    %div3A_385 = arith.divsi %rem3A_383, %div3A_384 : i32
    %rem3A_386 = arith.constant 8 : i32
    %rem3A_387 = arith.remsi %rem3A_383, %rem3A_386 : i32
    %dma_start3A_388 = arith.constant 14 : i32
    %dma_start3A_389 = arith.constant 0 : i32
    %dma_start3A_390 = arith.constant 0 : i32
    %dma_start3A_391 = tpu.memref_slice %arg6[%dma_start3A_388, %dma_start3A_389, %dma_start3A_390] : memref<20x8x128xf32, #tpu.memory_space<vmem>> -> memref<1x8x128xf32, #tpu.memory_space<vmem>>
    %dma_start3A_392 = tpu.memref_squeeze %dma_start3A_391 : memref<1x8x128xf32, #tpu.memory_space<vmem>> -> memref<8x128xf32, #tpu.memory_space<vmem>>
    %dma_start3A_393 = arith.constant 0 : i32
    %dma_start3A_394 = arith.constant 0 : i32
    %dma_start3A_395 = tpu.memref_slice %arg2[%div3A_381, %div3A_385, %dma_start3A_393, %rem3A_387, %dma_start3A_394] : memref<20x4x8x8x128xf32, #tpu.memory_space<hbm>> -> memref<1x1x8x1x128xf32, #tpu.memory_space<hbm>>
    %dma_start3A_396 = tpu.memref_squeeze %dma_start3A_395 : memref<1x1x8x1x128xf32, #tpu.memory_space<hbm>> -> memref<8x128xf32, #tpu.memory_space<hbm>>
    %dma_start3A_397 = arith.constant 0 : i32
    %dma_start3A_398 = arith.constant 0 : i32
    %dma_start3A_399 = tpu.memref_slice %arg6[%dma_start3A_388, %dma_start3A_397, %dma_start3A_398] : memref<20x8x128xf32, #tpu.memory_space<vmem>> -> memref<1x8x128xf32, #tpu.memory_space<vmem>>
    %dma_start3A_400 = tpu.memref_squeeze %dma_start3A_399 : memref<1x8x128xf32, #tpu.memory_space<vmem>> -> memref<8x128xf32, #tpu.memory_space<vmem>>
    %dma_start3A_401 = arith.constant 0 : i32
    %dma_start3A_402 = arith.constant 0 : i32
    %dma_start3A_403 = tpu.memref_slice %arg2[%div3A_381, %div3A_385, %dma_start3A_401, %rem3A_387, %dma_start3A_402] : memref<20x4x8x8x128xf32, #tpu.memory_space<hbm>> -> memref<1x1x8x1x128xf32, #tpu.memory_space<hbm>>
    %dma_start3A_404 = tpu.memref_squeeze %dma_start3A_403 : memref<1x1x8x1x128xf32, #tpu.memory_space<hbm>> -> memref<8x128xf32, #tpu.memory_space<hbm>>
    tpu.enqueue_dma source(%dma_start3A_404 : memref<8x128xf32, #tpu.memory_space<hbm>>) target(%dma_start3A_400 : memref<8x128xf32, #tpu.memory_space<vmem>>) target_semaphore(%arg9 : memref<!tpu.dma_semaphore, #tpu.memory_space<semaphore_mem>>)
    %add3A_405 = arith.constant 15 : i32
    %add3A_406 = arith.addi %mul3A_2, %add3A_405 : i32
    %div3A_407 = arith.constant 32 : i32
    %div3A_408 = arith.divsi %add3A_406, %div3A_407 : i32
    %rem3A_409 = arith.constant 32 : i32
    %rem3A_410 = arith.remsi %add3A_406, %rem3A_409 : i32
    %div3A_411 = arith.constant 8 : i32
    %div3A_412 = arith.divsi %rem3A_410, %div3A_411 : i32
    %rem3A_413 = arith.constant 8 : i32
    %rem3A_414 = arith.remsi %rem3A_410, %rem3A_413 : i32
    %dma_start3A_415 = arith.constant 15 : i32
    %dma_start3A_416 = arith.constant 0 : i32
    %dma_start3A_417 = arith.constant 0 : i32
    %dma_start3A_418 = tpu.memref_slice %arg6[%dma_start3A_415, %dma_start3A_416, %dma_start3A_417] : memref<20x8x128xf32, #tpu.memory_space<vmem>> -> memref<1x8x128xf32, #tpu.memory_space<vmem>>
    %dma_start3A_419 = tpu.memref_squeeze %dma_start3A_418 : memref<1x8x128xf32, #tpu.memory_space<vmem>> -> memref<8x128xf32, #tpu.memory_space<vmem>>
    %dma_start3A_420 = arith.constant 0 : i32
    %dma_start3A_421 = arith.constant 0 : i32
    %dma_start3A_422 = tpu.memref_slice %arg2[%div3A_408, %div3A_412, %dma_start3A_420, %rem3A_414, %dma_start3A_421] : memref<20x4x8x8x128xf32, #tpu.memory_space<hbm>> -> memref<1x1x8x1x128xf32, #tpu.memory_space<hbm>>
    %dma_start3A_423 = tpu.memref_squeeze %dma_start3A_422 : memref<1x1x8x1x128xf32, #tpu.memory_space<hbm>> -> memref<8x128xf32, #tpu.memory_space<hbm>>
    %dma_start3A_424 = arith.constant 0 : i32
    %dma_start3A_425 = arith.constant 0 : i32
    %dma_start3A_426 = tpu.memref_slice %arg6[%dma_start3A_415, %dma_start3A_424, %dma_start3A_425] : memref<20x8x128xf32, #tpu.memory_space<vmem>> -> memref<1x8x128xf32, #tpu.memory_space<vmem>>
    %dma_start3A_427 = tpu.memref_squeeze %dma_start3A_426 : memref<1x8x128xf32, #tpu.memory_space<vmem>> -> memref<8x128xf32, #tpu.memory_space<vmem>>
    %dma_start3A_428 = arith.constant 0 : i32
    %dma_start3A_429 = arith.constant 0 : i32
    %dma_start3A_430 = tpu.memref_slice %arg2[%div3A_408, %div3A_412, %dma_start3A_428, %rem3A_414, %dma_start3A_429] : memref<20x4x8x8x128xf32, #tpu.memory_space<hbm>> -> memref<1x1x8x1x128xf32, #tpu.memory_space<hbm>>
    %dma_start3A_431 = tpu.memref_squeeze %dma_start3A_430 : memref<1x1x8x1x128xf32, #tpu.memory_space<hbm>> -> memref<8x128xf32, #tpu.memory_space<hbm>>
    tpu.enqueue_dma source(%dma_start3A_431 : memref<8x128xf32, #tpu.memory_space<hbm>>) target(%dma_start3A_427 : memref<8x128xf32, #tpu.memory_space<vmem>>) target_semaphore(%arg9 : memref<!tpu.dma_semaphore, #tpu.memory_space<semaphore_mem>>)
    %add3A_432 = arith.constant 16 : i32
    %add3A_433 = arith.addi %mul3A_2, %add3A_432 : i32
    %div3A_434 = arith.constant 32 : i32
    %div3A_435 = arith.divsi %add3A_433, %div3A_434 : i32
    %rem3A_436 = arith.constant 32 : i32
    %rem3A_437 = arith.remsi %add3A_433, %rem3A_436 : i32
    %div3A_438 = arith.constant 8 : i32
    %div3A_439 = arith.divsi %rem3A_437, %div3A_438 : i32
    %rem3A_440 = arith.constant 8 : i32
    %rem3A_441 = arith.remsi %rem3A_437, %rem3A_440 : i32
    %dma_start3A_442 = arith.constant 16 : i32
    %dma_start3A_443 = arith.constant 0 : i32
    %dma_start3A_444 = arith.constant 0 : i32
    %dma_start3A_445 = tpu.memref_slice %arg6[%dma_start3A_442, %dma_start3A_443, %dma_start3A_444] : memref<20x8x128xf32, #tpu.memory_space<vmem>> -> memref<1x8x128xf32, #tpu.memory_space<vmem>>
    %dma_start3A_446 = tpu.memref_squeeze %dma_start3A_445 : memref<1x8x128xf32, #tpu.memory_space<vmem>> -> memref<8x128xf32, #tpu.memory_space<vmem>>
    %dma_start3A_447 = arith.constant 0 : i32
    %dma_start3A_448 = arith.constant 0 : i32
    %dma_start3A_449 = tpu.memref_slice %arg2[%div3A_435, %div3A_439, %dma_start3A_447, %rem3A_441, %dma_start3A_448] : memref<20x4x8x8x128xf32, #tpu.memory_space<hbm>> -> memref<1x1x8x1x128xf32, #tpu.memory_space<hbm>>
    %dma_start3A_450 = tpu.memref_squeeze %dma_start3A_449 : memref<1x1x8x1x128xf32, #tpu.memory_space<hbm>> -> memref<8x128xf32, #tpu.memory_space<hbm>>
    %dma_start3A_451 = arith.constant 0 : i32
    %dma_start3A_452 = arith.constant 0 : i32
    %dma_start3A_453 = tpu.memref_slice %arg6[%dma_start3A_442, %dma_start3A_451, %dma_start3A_452] : memref<20x8x128xf32, #tpu.memory_space<vmem>> -> memref<1x8x128xf32, #tpu.memory_space<vmem>>
    %dma_start3A_454 = tpu.memref_squeeze %dma_start3A_453 : memref<1x8x128xf32, #tpu.memory_space<vmem>> -> memref<8x128xf32, #tpu.memory_space<vmem>>
    %dma_start3A_455 = arith.constant 0 : i32
    %dma_start3A_456 = arith.constant 0 : i32
    %dma_start3A_457 = tpu.memref_slice %arg2[%div3A_435, %div3A_439, %dma_start3A_455, %rem3A_441, %dma_start3A_456] : memref<20x4x8x8x128xf32, #tpu.memory_space<hbm>> -> memref<1x1x8x1x128xf32, #tpu.memory_space<hbm>>
    %dma_start3A_458 = tpu.memref_squeeze %dma_start3A_457 : memref<1x1x8x1x128xf32, #tpu.memory_space<hbm>> -> memref<8x128xf32, #tpu.memory_space<hbm>>
    tpu.enqueue_dma source(%dma_start3A_458 : memref<8x128xf32, #tpu.memory_space<hbm>>) target(%dma_start3A_454 : memref<8x128xf32, #tpu.memory_space<vmem>>) target_semaphore(%arg9 : memref<!tpu.dma_semaphore, #tpu.memory_space<semaphore_mem>>)
    %add3A_459 = arith.constant 17 : i32
    %add3A_460 = arith.addi %mul3A_2, %add3A_459 : i32
    %div3A_461 = arith.constant 32 : i32
    %div3A_462 = arith.divsi %add3A_460, %div3A_461 : i32
    %rem3A_463 = arith.constant 32 : i32
    %rem3A_464 = arith.remsi %add3A_460, %rem3A_463 : i32
    %div3A_465 = arith.constant 8 : i32
    %div3A_466 = arith.divsi %rem3A_464, %div3A_465 : i32
    %rem3A_467 = arith.constant 8 : i32
    %rem3A_468 = arith.remsi %rem3A_464, %rem3A_467 : i32
    %dma_start3A_469 = arith.constant 17 : i32
    %dma_start3A_470 = arith.constant 0 : i32
    %dma_start3A_471 = arith.constant 0 : i32
    %dma_start3A_472 = tpu.memref_slice %arg6[%dma_start3A_469, %dma_start3A_470, %dma_start3A_471] : memref<20x8x128xf32, #tpu.memory_space<vmem>> -> memref<1x8x128xf32, #tpu.memory_space<vmem>>
    %dma_start3A_473 = tpu.memref_squeeze %dma_start3A_472 : memref<1x8x128xf32, #tpu.memory_space<vmem>> -> memref<8x128xf32, #tpu.memory_space<vmem>>
    %dma_start3A_474 = arith.constant 0 : i32
    %dma_start3A_475 = arith.constant 0 : i32
    %dma_start3A_476 = tpu.memref_slice %arg2[%div3A_462, %div3A_466, %dma_start3A_474, %rem3A_468, %dma_start3A_475] : memref<20x4x8x8x128xf32, #tpu.memory_space<hbm>> -> memref<1x1x8x1x128xf32, #tpu.memory_space<hbm>>
    %dma_start3A_477 = tpu.memref_squeeze %dma_start3A_476 : memref<1x1x8x1x128xf32, #tpu.memory_space<hbm>> -> memref<8x128xf32, #tpu.memory_space<hbm>>
    %dma_start3A_478 = arith.constant 0 : i32
    %dma_start3A_479 = arith.constant 0 : i32
    %dma_start3A_480 = tpu.memref_slice %arg6[%dma_start3A_469, %dma_start3A_478, %dma_start3A_479] : memref<20x8x128xf32, #tpu.memory_space<vmem>> -> memref<1x8x128xf32, #tpu.memory_space<vmem>>
    %dma_start3A_481 = tpu.memref_squeeze %dma_start3A_480 : memref<1x8x128xf32, #tpu.memory_space<vmem>> -> memref<8x128xf32, #tpu.memory_space<vmem>>
    %dma_start3A_482 = arith.constant 0 : i32
    %dma_start3A_483 = arith.constant 0 : i32
    %dma_start3A_484 = tpu.memref_slice %arg2[%div3A_462, %div3A_466, %dma_start3A_482, %rem3A_468, %dma_start3A_483] : memref<20x4x8x8x128xf32, #tpu.memory_space<hbm>> -> memref<1x1x8x1x128xf32, #tpu.memory_space<hbm>>
    %dma_start3A_485 = tpu.memref_squeeze %dma_start3A_484 : memref<1x1x8x1x128xf32, #tpu.memory_space<hbm>> -> memref<8x128xf32, #tpu.memory_space<hbm>>
    tpu.enqueue_dma source(%dma_start3A_485 : memref<8x128xf32, #tpu.memory_space<hbm>>) target(%dma_start3A_481 : memref<8x128xf32, #tpu.memory_space<vmem>>) target_semaphore(%arg9 : memref<!tpu.dma_semaphore, #tpu.memory_space<semaphore_mem>>)
    %add3A_486 = arith.constant 18 : i32
    %add3A_487 = arith.addi %mul3A_2, %add3A_486 : i32
    %div3A_488 = arith.constant 32 : i32
    %div3A_489 = arith.divsi %add3A_487, %div3A_488 : i32
    %rem3A_490 = arith.constant 32 : i32
    %rem3A_491 = arith.remsi %add3A_487, %rem3A_490 : i32
    %div3A_492 = arith.constant 8 : i32
    %div3A_493 = arith.divsi %rem3A_491, %div3A_492 : i32
    %rem3A_494 = arith.constant 8 : i32
    %rem3A_495 = arith.remsi %rem3A_491, %rem3A_494 : i32
    %dma_start3A_496 = arith.constant 18 : i32
    %dma_start3A_497 = arith.constant 0 : i32
    %dma_start3A_498 = arith.constant 0 : i32
    %dma_start3A_499 = tpu.memref_slice %arg6[%dma_start3A_496, %dma_start3A_497, %dma_start3A_498] : memref<20x8x128xf32, #tpu.memory_space<vmem>> -> memref<1x8x128xf32, #tpu.memory_space<vmem>>
    %dma_start3A_500 = tpu.memref_squeeze %dma_start3A_499 : memref<1x8x128xf32, #tpu.memory_space<vmem>> -> memref<8x128xf32, #tpu.memory_space<vmem>>
    %dma_start3A_501 = arith.constant 0 : i32
    %dma_start3A_502 = arith.constant 0 : i32
    %dma_start3A_503 = tpu.memref_slice %arg2[%div3A_489, %div3A_493, %dma_start3A_501, %rem3A_495, %dma_start3A_502] : memref<20x4x8x8x128xf32, #tpu.memory_space<hbm>> -> memref<1x1x8x1x128xf32, #tpu.memory_space<hbm>>
    %dma_start3A_504 = tpu.memref_squeeze %dma_start3A_503 : memref<1x1x8x1x128xf32, #tpu.memory_space<hbm>> -> memref<8x128xf32, #tpu.memory_space<hbm>>
    %dma_start3A_505 = arith.constant 0 : i32
    %dma_start3A_506 = arith.constant 0 : i32
    %dma_start3A_507 = tpu.memref_slice %arg6[%dma_start3A_496, %dma_start3A_505, %dma_start3A_506] : memref<20x8x128xf32, #tpu.memory_space<vmem>> -> memref<1x8x128xf32, #tpu.memory_space<vmem>>
    %dma_start3A_508 = tpu.memref_squeeze %dma_start3A_507 : memref<1x8x128xf32, #tpu.memory_space<vmem>> -> memref<8x128xf32, #tpu.memory_space<vmem>>
    %dma_start3A_509 = arith.constant 0 : i32
    %dma_start3A_510 = arith.constant 0 : i32
    %dma_start3A_511 = tpu.memref_slice %arg2[%div3A_489, %div3A_493, %dma_start3A_509, %rem3A_495, %dma_start3A_510] : memref<20x4x8x8x128xf32, #tpu.memory_space<hbm>> -> memref<1x1x8x1x128xf32, #tpu.memory_space<hbm>>
    %dma_start3A_512 = tpu.memref_squeeze %dma_start3A_511 : memref<1x1x8x1x128xf32, #tpu.memory_space<hbm>> -> memref<8x128xf32, #tpu.memory_space<hbm>>
    tpu.enqueue_dma source(%dma_start3A_512 : memref<8x128xf32, #tpu.memory_space<hbm>>) target(%dma_start3A_508 : memref<8x128xf32, #tpu.memory_space<vmem>>) target_semaphore(%arg9 : memref<!tpu.dma_semaphore, #tpu.memory_space<semaphore_mem>>)
    %add3A_513 = arith.constant 19 : i32
    %add3A_514 = arith.addi %mul3A_2, %add3A_513 : i32
    %div3A_515 = arith.constant 32 : i32
    %div3A_516 = arith.divsi %add3A_514, %div3A_515 : i32
    %rem3A_517 = arith.constant 32 : i32
    %rem3A_518 = arith.remsi %add3A_514, %rem3A_517 : i32
    %div3A_519 = arith.constant 8 : i32
    %div3A_520 = arith.divsi %rem3A_518, %div3A_519 : i32
    %rem3A_521 = arith.constant 8 : i32
    %rem3A_522 = arith.remsi %rem3A_518, %rem3A_521 : i32
    %dma_start3A_523 = arith.constant 19 : i32
    %dma_start3A_524 = arith.constant 0 : i32
    %dma_start3A_525 = arith.constant 0 : i32
    %dma_start3A_526 = tpu.memref_slice %arg6[%dma_start3A_523, %dma_start3A_524, %dma_start3A_525] : memref<20x8x128xf32, #tpu.memory_space<vmem>> -> memref<1x8x128xf32, #tpu.memory_space<vmem>>
    %dma_start3A_527 = tpu.memref_squeeze %dma_start3A_526 : memref<1x8x128xf32, #tpu.memory_space<vmem>> -> memref<8x128xf32, #tpu.memory_space<vmem>>
    %dma_start3A_528 = arith.constant 0 : i32
    %dma_start3A_529 = arith.constant 0 : i32
    %dma_start3A_530 = tpu.memref_slice %arg2[%div3A_516, %div3A_520, %dma_start3A_528, %rem3A_522, %dma_start3A_529] : memref<20x4x8x8x128xf32, #tpu.memory_space<hbm>> -> memref<1x1x8x1x128xf32, #tpu.memory_space<hbm>>
    %dma_start3A_531 = tpu.memref_squeeze %dma_start3A_530 : memref<1x1x8x1x128xf32, #tpu.memory_space<hbm>> -> memref<8x128xf32, #tpu.memory_space<hbm>>
    %dma_start3A_532 = arith.constant 0 : i32
    %dma_start3A_533 = arith.constant 0 : i32
    %dma_start3A_534 = tpu.memref_slice %arg6[%dma_start3A_523, %dma_start3A_532, %dma_start3A_533] : memref<20x8x128xf32, #tpu.memory_space<vmem>> -> memref<1x8x128xf32, #tpu.memory_space<vmem>>
    %dma_start3A_535 = tpu.memref_squeeze %dma_start3A_534 : memref<1x8x128xf32, #tpu.memory_space<vmem>> -> memref<8x128xf32, #tpu.memory_space<vmem>>
    %dma_start3A_536 = arith.constant 0 : i32
    %dma_start3A_537 = arith.constant 0 : i32
    %dma_start3A_538 = tpu.memref_slice %arg2[%div3A_516, %div3A_520, %dma_start3A_536, %rem3A_522, %dma_start3A_537] : memref<20x4x8x8x128xf32, #tpu.memory_space<hbm>> -> memref<1x1x8x1x128xf32, #tpu.memory_space<hbm>>
    %dma_start3A_539 = tpu.memref_squeeze %dma_start3A_538 : memref<1x1x8x1x128xf32, #tpu.memory_space<hbm>> -> memref<8x128xf32, #tpu.memory_space<hbm>>
    tpu.enqueue_dma source(%dma_start3A_539 : memref<8x128xf32, #tpu.memory_space<hbm>>) target(%dma_start3A_535 : memref<8x128xf32, #tpu.memory_space<vmem>>) target_semaphore(%arg9 : memref<!tpu.dma_semaphore, #tpu.memory_space<semaphore_mem>>)
    "tpu.region"() ({
      %run_scoped3A = tpu.sem_alloc : memref<!tpu.dma_semaphore, #tpu.memory_space<semaphore_mem>>
      tpu.enqueue_dma source(%arg3 : memref<64000xf32, #tpu.memory_space<hbm>>) target(%arg5 : memref<64000xf32, #tpu.memory_space<vmem>>) target_semaphore(%run_scoped3A : memref<!tpu.dma_semaphore, #tpu.memory_space<semaphore_mem>>)
      tpu.wait_dma2 semaphore(%run_scoped3A : memref<!tpu.dma_semaphore, #tpu.memory_space<semaphore_mem>>) src(%arg3 : memref<64000xf32, #tpu.memory_space<hbm>>) dst(%arg5 : memref<64000xf32, #tpu.memory_space<vmem>>)
      tpu.yield
    }) : () -> ()
    %dma_wait3A = arith.constant 0 : i32
    %dma_wait3A_540 = arith.constant 0 : i32
    %dma_wait3A_541 = arith.constant 0 : i32
    %dma_wait3A_542 = arith.constant 0 : i32
    %dma_wait3A_543 = arith.constant 0 : i32
    %dma_wait3A_544 = arith.constant 0 : i32
    %dma_wait3A_545 = tpu.memref_slice %arg6[%dma_wait3A_542, %dma_wait3A_543, %dma_wait3A_544] : memref<20x8x128xf32, #tpu.memory_space<vmem>> -> memref<1x8x128xf32, #tpu.memory_space<vmem>>
    %dma_wait3A_546 = tpu.memref_squeeze %dma_wait3A_545 : memref<1x8x128xf32, #tpu.memory_space<vmem>> -> memref<8x128xf32, #tpu.memory_space<vmem>>
    %dma_wait3A_547 = arith.constant 0 : i32
    %dma_wait3A_548 = arith.constant 0 : i32
    %dma_wait3A_549 = tpu.memref_slice %arg2[%dma_wait3A, %dma_wait3A_540, %dma_wait3A_547, %dma_wait3A_541, %dma_wait3A_548] : memref<20x4x8x8x128xf32, #tpu.memory_space<hbm>> -> memref<1x1x8x1x128xf32, #tpu.memory_space<hbm>>
    %dma_wait3A_550 = tpu.memref_squeeze %dma_wait3A_549 : memref<1x1x8x1x128xf32, #tpu.memory_space<hbm>> -> memref<8x128xf32, #tpu.memory_space<hbm>>
    %dma_wait3A_551 = arith.constant 0 : i32
    %dma_wait3A_552 = arith.constant 0 : i32
    %dma_wait3A_553 = tpu.memref_slice %arg6[%dma_wait3A_542, %dma_wait3A_551, %dma_wait3A_552] : memref<20x8x128xf32, #tpu.memory_space<vmem>> -> memref<1x8x128xf32, #tpu.memory_space<vmem>>
    %dma_wait3A_554 = tpu.memref_squeeze %dma_wait3A_553 : memref<1x8x128xf32, #tpu.memory_space<vmem>> -> memref<8x128xf32, #tpu.memory_space<vmem>>
    %dma_wait3A_555 = arith.constant 0 : i32
    %dma_wait3A_556 = arith.constant 0 : i32
    %dma_wait3A_557 = tpu.memref_slice %arg2[%dma_wait3A, %dma_wait3A_540, %dma_wait3A_555, %dma_wait3A_541, %dma_wait3A_556] : memref<20x4x8x8x128xf32, #tpu.memory_space<hbm>> -> memref<1x1x8x1x128xf32, #tpu.memory_space<hbm>>
    %dma_wait3A_558 = tpu.memref_squeeze %dma_wait3A_557 : memref<1x1x8x1x128xf32, #tpu.memory_space<hbm>> -> memref<8x128xf32, #tpu.memory_space<hbm>>
    tpu.wait_dma2 semaphore(%arg9 : memref<!tpu.dma_semaphore, #tpu.memory_space<semaphore_mem>>) src(%dma_wait3A_558 : memref<8x128xf32, #tpu.memory_space<hbm>>) dst(%dma_wait3A_554 : memref<8x128xf32, #tpu.memory_space<vmem>>)
    %dma_wait3A_559 = arith.constant 0 : i32
    %dma_wait3A_560 = arith.constant 0 : i32
    %dma_wait3A_561 = arith.constant 0 : i32
    %dma_wait3A_562 = arith.constant 0 : i32
    %dma_wait3A_563 = arith.constant 0 : i32
    %dma_wait3A_564 = arith.constant 0 : i32
    %dma_wait3A_565 = tpu.memref_slice %arg6[%dma_wait3A_562, %dma_wait3A_563, %dma_wait3A_564] : memref<20x8x128xf32, #tpu.memory_space<vmem>> -> memref<1x8x128xf32, #tpu.memory_space<vmem>>
    %dma_wait3A_566 = tpu.memref_squeeze %dma_wait3A_565 : memref<1x8x128xf32, #tpu.memory_space<vmem>> -> memref<8x128xf32, #tpu.memory_space<vmem>>
    %dma_wait3A_567 = arith.constant 0 : i32
    %dma_wait3A_568 = arith.constant 0 : i32
    %dma_wait3A_569 = tpu.memref_slice %arg2[%dma_wait3A_559, %dma_wait3A_560, %dma_wait3A_567, %dma_wait3A_561, %dma_wait3A_568] : memref<20x4x8x8x128xf32, #tpu.memory_space<hbm>> -> memref<1x1x8x1x128xf32, #tpu.memory_space<hbm>>
    %dma_wait3A_570 = tpu.memref_squeeze %dma_wait3A_569 : memref<1x1x8x1x128xf32, #tpu.memory_space<hbm>> -> memref<8x128xf32, #tpu.memory_space<hbm>>
    %dma_wait3A_571 = arith.constant 0 : i32
    %dma_wait3A_572 = arith.constant 0 : i32
    %dma_wait3A_573 = tpu.memref_slice %arg6[%dma_wait3A_562, %dma_wait3A_571, %dma_wait3A_572] : memref<20x8x128xf32, #tpu.memory_space<vmem>> -> memref<1x8x128xf32, #tpu.memory_space<vmem>>
    %dma_wait3A_574 = tpu.memref_squeeze %dma_wait3A_573 : memref<1x8x128xf32, #tpu.memory_space<vmem>> -> memref<8x128xf32, #tpu.memory_space<vmem>>
    %dma_wait3A_575 = arith.constant 0 : i32
    %dma_wait3A_576 = arith.constant 0 : i32
    %dma_wait3A_577 = tpu.memref_slice %arg2[%dma_wait3A_559, %dma_wait3A_560, %dma_wait3A_575, %dma_wait3A_561, %dma_wait3A_576] : memref<20x4x8x8x128xf32, #tpu.memory_space<hbm>> -> memref<1x1x8x1x128xf32, #tpu.memory_space<hbm>>
    %dma_wait3A_578 = tpu.memref_squeeze %dma_wait3A_577 : memref<1x1x8x1x128xf32, #tpu.memory_space<hbm>> -> memref<8x128xf32, #tpu.memory_space<hbm>>
    tpu.wait_dma2 semaphore(%arg9 : memref<!tpu.dma_semaphore, #tpu.memory_space<semaphore_mem>>) src(%dma_wait3A_578 : memref<8x128xf32, #tpu.memory_space<hbm>>) dst(%dma_wait3A_574 : memref<8x128xf32, #tpu.memory_space<vmem>>)
    %dma_wait3A_579 = arith.constant 0 : i32
    %dma_wait3A_580 = arith.constant 0 : i32
    %dma_wait3A_581 = arith.constant 0 : i32
    %dma_wait3A_582 = arith.constant 0 : i32
    %dma_wait3A_583 = arith.constant 0 : i32
    %dma_wait3A_584 = arith.constant 0 : i32
    %dma_wait3A_585 = tpu.memref_slice %arg6[%dma_wait3A_582, %dma_wait3A_583, %dma_wait3A_584] : memref<20x8x128xf32, #tpu.memory_space<vmem>> -> memref<1x8x128xf32, #tpu.memory_space<vmem>>
    %dma_wait3A_586 = tpu.memref_squeeze %dma_wait3A_585 : memref<1x8x128xf32, #tpu.memory_space<vmem>> -> memref<8x128xf32, #tpu.memory_space<vmem>>
    %dma_wait3A_587 = arith.constant 0 : i32
    %dma_wait3A_588 = arith.constant 0 : i32
    %dma_wait3A_589 = tpu.memref_slice %arg2[%dma_wait3A_579, %dma_wait3A_580, %dma_wait3A_587, %dma_wait3A_581, %dma_wait3A_588] : memref<20x4x8x8x128xf32, #tpu.memory_space<hbm>> -> memref<1x1x8x1x128xf32, #tpu.memory_space<hbm>>
    %dma_wait3A_590 = tpu.memref_squeeze %dma_wait3A_589 : memref<1x1x8x1x128xf32, #tpu.memory_space<hbm>> -> memref<8x128xf32, #tpu.memory_space<hbm>>
    %dma_wait3A_591 = arith.constant 0 : i32
    %dma_wait3A_592 = arith.constant 0 : i32
    %dma_wait3A_593 = tpu.memref_slice %arg6[%dma_wait3A_582, %dma_wait3A_591, %dma_wait3A_592] : memref<20x8x128xf32, #tpu.memory_space<vmem>> -> memref<1x8x128xf32, #tpu.memory_space<vmem>>
    %dma_wait3A_594 = tpu.memref_squeeze %dma_wait3A_593 : memref<1x8x128xf32, #tpu.memory_space<vmem>> -> memref<8x128xf32, #tpu.memory_space<vmem>>
    %dma_wait3A_595 = arith.constant 0 : i32
    %dma_wait3A_596 = arith.constant 0 : i32
    %dma_wait3A_597 = tpu.memref_slice %arg2[%dma_wait3A_579, %dma_wait3A_580, %dma_wait3A_595, %dma_wait3A_581, %dma_wait3A_596] : memref<20x4x8x8x128xf32, #tpu.memory_space<hbm>> -> memref<1x1x8x1x128xf32, #tpu.memory_space<hbm>>
    %dma_wait3A_598 = tpu.memref_squeeze %dma_wait3A_597 : memref<1x1x8x1x128xf32, #tpu.memory_space<hbm>> -> memref<8x128xf32, #tpu.memory_space<hbm>>
    tpu.wait_dma2 semaphore(%arg9 : memref<!tpu.dma_semaphore, #tpu.memory_space<semaphore_mem>>) src(%dma_wait3A_598 : memref<8x128xf32, #tpu.memory_space<hbm>>) dst(%dma_wait3A_594 : memref<8x128xf32, #tpu.memory_space<vmem>>)
    %dma_wait3A_599 = arith.constant 0 : i32
    %dma_wait3A_600 = arith.constant 0 : i32
    %dma_wait3A_601 = arith.constant 0 : i32
    %dma_wait3A_602 = arith.constant 0 : i32
    %dma_wait3A_603 = arith.constant 0 : i32
    %dma_wait3A_604 = arith.constant 0 : i32
    %dma_wait3A_605 = tpu.memref_slice %arg6[%dma_wait3A_602, %dma_wait3A_603, %dma_wait3A_604] : memref<20x8x128xf32, #tpu.memory_space<vmem>> -> memref<1x8x128xf32, #tpu.memory_space<vmem>>
    %dma_wait3A_606 = tpu.memref_squeeze %dma_wait3A_605 : memref<1x8x128xf32, #tpu.memory_space<vmem>> -> memref<8x128xf32, #tpu.memory_space<vmem>>
    %dma_wait3A_607 = arith.constant 0 : i32
    %dma_wait3A_608 = arith.constant 0 : i32
    %dma_wait3A_609 = tpu.memref_slice %arg2[%dma_wait3A_599, %dma_wait3A_600, %dma_wait3A_607, %dma_wait3A_601, %dma_wait3A_608] : memref<20x4x8x8x128xf32, #tpu.memory_space<hbm>> -> memref<1x1x8x1x128xf32, #tpu.memory_space<hbm>>
    %dma_wait3A_610 = tpu.memref_squeeze %dma_wait3A_609 : memref<1x1x8x1x128xf32, #tpu.memory_space<hbm>> -> memref<8x128xf32, #tpu.memory_space<hbm>>
    %dma_wait3A_611 = arith.constant 0 : i32
    %dma_wait3A_612 = arith.constant 0 : i32
    %dma_wait3A_613 = tpu.memref_slice %arg6[%dma_wait3A_602, %dma_wait3A_611, %dma_wait3A_612] : memref<20x8x128xf32, #tpu.memory_space<vmem>> -> memref<1x8x128xf32, #tpu.memory_space<vmem>>
    %dma_wait3A_614 = tpu.memref_squeeze %dma_wait3A_613 : memref<1x8x128xf32, #tpu.memory_space<vmem>> -> memref<8x128xf32, #tpu.memory_space<vmem>>
    %dma_wait3A_615 = arith.constant 0 : i32
    %dma_wait3A_616 = arith.constant 0 : i32
    %dma_wait3A_617 = tpu.memref_slice %arg2[%dma_wait3A_599, %dma_wait3A_600, %dma_wait3A_615, %dma_wait3A_601, %dma_wait3A_616] : memref<20x4x8x8x128xf32, #tpu.memory_space<hbm>> -> memref<1x1x8x1x128xf32, #tpu.memory_space<hbm>>
    %dma_wait3A_618 = tpu.memref_squeeze %dma_wait3A_617 : memref<1x1x8x1x128xf32, #tpu.memory_space<hbm>> -> memref<8x128xf32, #tpu.memory_space<hbm>>
    tpu.wait_dma2 semaphore(%arg9 : memref<!tpu.dma_semaphore, #tpu.memory_space<semaphore_mem>>) src(%dma_wait3A_618 : memref<8x128xf32, #tpu.memory_space<hbm>>) dst(%dma_wait3A_614 : memref<8x128xf32, #tpu.memory_space<vmem>>)
    %dma_wait3A_619 = arith.constant 0 : i32
    %dma_wait3A_620 = arith.constant 0 : i32
    %dma_wait3A_621 = arith.constant 0 : i32
    %dma_wait3A_622 = arith.constant 0 : i32
    %dma_wait3A_623 = arith.constant 0 : i32
    %dma_wait3A_624 = arith.constant 0 : i32
    %dma_wait3A_625 = tpu.memref_slice %arg6[%dma_wait3A_622, %dma_wait3A_623, %dma_wait3A_624] : memref<20x8x128xf32, #tpu.memory_space<vmem>> -> memref<1x8x128xf32, #tpu.memory_space<vmem>>
    %dma_wait3A_626 = tpu.memref_squeeze %dma_wait3A_625 : memref<1x8x128xf32, #tpu.memory_space<vmem>> -> memref<8x128xf32, #tpu.memory_space<vmem>>
    %dma_wait3A_627 = arith.constant 0 : i32
    %dma_wait3A_628 = arith.constant 0 : i32
    %dma_wait3A_629 = tpu.memref_slice %arg2[%dma_wait3A_619, %dma_wait3A_620, %dma_wait3A_627, %dma_wait3A_621, %dma_wait3A_628] : memref<20x4x8x8x128xf32, #tpu.memory_space<hbm>> -> memref<1x1x8x1x128xf32, #tpu.memory_space<hbm>>
    %dma_wait3A_630 = tpu.memref_squeeze %dma_wait3A_629 : memref<1x1x8x1x128xf32, #tpu.memory_space<hbm>> -> memref<8x128xf32, #tpu.memory_space<hbm>>
    %dma_wait3A_631 = arith.constant 0 : i32
    %dma_wait3A_632 = arith.constant 0 : i32
    %dma_wait3A_633 = tpu.memref_slice %arg6[%dma_wait3A_622, %dma_wait3A_631, %dma_wait3A_632] : memref<20x8x128xf32, #tpu.memory_space<vmem>> -> memref<1x8x128xf32, #tpu.memory_space<vmem>>
    %dma_wait3A_634 = tpu.memref_squeeze %dma_wait3A_633 : memref<1x8x128xf32, #tpu.memory_space<vmem>> -> memref<8x128xf32, #tpu.memory_space<vmem>>
    %dma_wait3A_635 = arith.constant 0 : i32
    %dma_wait3A_636 = arith.constant 0 : i32
    %dma_wait3A_637 = tpu.memref_slice %arg2[%dma_wait3A_619, %dma_wait3A_620, %dma_wait3A_635, %dma_wait3A_621, %dma_wait3A_636] : memref<20x4x8x8x128xf32, #tpu.memory_space<hbm>> -> memref<1x1x8x1x128xf32, #tpu.memory_space<hbm>>
    %dma_wait3A_638 = tpu.memref_squeeze %dma_wait3A_637 : memref<1x1x8x1x128xf32, #tpu.memory_space<hbm>> -> memref<8x128xf32, #tpu.memory_space<hbm>>
    tpu.wait_dma2 semaphore(%arg9 : memref<!tpu.dma_semaphore, #tpu.memory_space<semaphore_mem>>) src(%dma_wait3A_638 : memref<8x128xf32, #tpu.memory_space<hbm>>) dst(%dma_wait3A_634 : memref<8x128xf32, #tpu.memory_space<vmem>>)
    %dma_wait3A_639 = arith.constant 0 : i32
    %dma_wait3A_640 = arith.constant 0 : i32
    %dma_wait3A_641 = arith.constant 0 : i32
    %dma_wait3A_642 = arith.constant 0 : i32
    %dma_wait3A_643 = arith.constant 0 : i32
    %dma_wait3A_644 = arith.constant 0 : i32
    %dma_wait3A_645 = tpu.memref_slice %arg6[%dma_wait3A_642, %dma_wait3A_643, %dma_wait3A_644] : memref<20x8x128xf32, #tpu.memory_space<vmem>> -> memref<1x8x128xf32, #tpu.memory_space<vmem>>
    %dma_wait3A_646 = tpu.memref_squeeze %dma_wait3A_645 : memref<1x8x128xf32, #tpu.memory_space<vmem>> -> memref<8x128xf32, #tpu.memory_space<vmem>>
    %dma_wait3A_647 = arith.constant 0 : i32
    %dma_wait3A_648 = arith.constant 0 : i32
    %dma_wait3A_649 = tpu.memref_slice %arg2[%dma_wait3A_639, %dma_wait3A_640, %dma_wait3A_647, %dma_wait3A_641, %dma_wait3A_648] : memref<20x4x8x8x128xf32, #tpu.memory_space<hbm>> -> memref<1x1x8x1x128xf32, #tpu.memory_space<hbm>>
    %dma_wait3A_650 = tpu.memref_squeeze %dma_wait3A_649 : memref<1x1x8x1x128xf32, #tpu.memory_space<hbm>> -> memref<8x128xf32, #tpu.memory_space<hbm>>
    %dma_wait3A_651 = arith.constant 0 : i32
    %dma_wait3A_652 = arith.constant 0 : i32
    %dma_wait3A_653 = tpu.memref_slice %arg6[%dma_wait3A_642, %dma_wait3A_651, %dma_wait3A_652] : memref<20x8x128xf32, #tpu.memory_space<vmem>> -> memref<1x8x128xf32, #tpu.memory_space<vmem>>
    %dma_wait3A_654 = tpu.memref_squeeze %dma_wait3A_653 : memref<1x8x128xf32, #tpu.memory_space<vmem>> -> memref<8x128xf32, #tpu.memory_space<vmem>>
    %dma_wait3A_655 = arith.constant 0 : i32
    %dma_wait3A_656 = arith.constant 0 : i32
    %dma_wait3A_657 = tpu.memref_slice %arg2[%dma_wait3A_639, %dma_wait3A_640, %dma_wait3A_655, %dma_wait3A_641, %dma_wait3A_656] : memref<20x4x8x8x128xf32, #tpu.memory_space<hbm>> -> memref<1x1x8x1x128xf32, #tpu.memory_space<hbm>>
    %dma_wait3A_658 = tpu.memref_squeeze %dma_wait3A_657 : memref<1x1x8x1x128xf32, #tpu.memory_space<hbm>> -> memref<8x128xf32, #tpu.memory_space<hbm>>
    tpu.wait_dma2 semaphore(%arg9 : memref<!tpu.dma_semaphore, #tpu.memory_space<semaphore_mem>>) src(%dma_wait3A_658 : memref<8x128xf32, #tpu.memory_space<hbm>>) dst(%dma_wait3A_654 : memref<8x128xf32, #tpu.memory_space<vmem>>)
    %dma_wait3A_659 = arith.constant 0 : i32
    %dma_wait3A_660 = arith.constant 0 : i32
    %dma_wait3A_661 = arith.constant 0 : i32
    %dma_wait3A_662 = arith.constant 0 : i32
    %dma_wait3A_663 = arith.constant 0 : i32
    %dma_wait3A_664 = arith.constant 0 : i32
    %dma_wait3A_665 = tpu.memref_slice %arg6[%dma_wait3A_662, %dma_wait3A_663, %dma_wait3A_664] : memref<20x8x128xf32, #tpu.memory_space<vmem>> -> memref<1x8x128xf32, #tpu.memory_space<vmem>>
    %dma_wait3A_666 = tpu.memref_squeeze %dma_wait3A_665 : memref<1x8x128xf32, #tpu.memory_space<vmem>> -> memref<8x128xf32, #tpu.memory_space<vmem>>
    %dma_wait3A_667 = arith.constant 0 : i32
    %dma_wait3A_668 = arith.constant 0 : i32
    %dma_wait3A_669 = tpu.memref_slice %arg2[%dma_wait3A_659, %dma_wait3A_660, %dma_wait3A_667, %dma_wait3A_661, %dma_wait3A_668] : memref<20x4x8x8x128xf32, #tpu.memory_space<hbm>> -> memref<1x1x8x1x128xf32, #tpu.memory_space<hbm>>
    %dma_wait3A_670 = tpu.memref_squeeze %dma_wait3A_669 : memref<1x1x8x1x128xf32, #tpu.memory_space<hbm>> -> memref<8x128xf32, #tpu.memory_space<hbm>>
    %dma_wait3A_671 = arith.constant 0 : i32
    %dma_wait3A_672 = arith.constant 0 : i32
    %dma_wait3A_673 = tpu.memref_slice %arg6[%dma_wait3A_662, %dma_wait3A_671, %dma_wait3A_672] : memref<20x8x128xf32, #tpu.memory_space<vmem>> -> memref<1x8x128xf32, #tpu.memory_space<vmem>>
    %dma_wait3A_674 = tpu.memref_squeeze %dma_wait3A_673 : memref<1x8x128xf32, #tpu.memory_space<vmem>> -> memref<8x128xf32, #tpu.memory_space<vmem>>
    %dma_wait3A_675 = arith.constant 0 : i32
    %dma_wait3A_676 = arith.constant 0 : i32
    %dma_wait3A_677 = tpu.memref_slice %arg2[%dma_wait3A_659, %dma_wait3A_660, %dma_wait3A_675, %dma_wait3A_661, %dma_wait3A_676] : memref<20x4x8x8x128xf32, #tpu.memory_space<hbm>> -> memref<1x1x8x1x128xf32, #tpu.memory_space<hbm>>
    %dma_wait3A_678 = tpu.memref_squeeze %dma_wait3A_677 : memref<1x1x8x1x128xf32, #tpu.memory_space<hbm>> -> memref<8x128xf32, #tpu.memory_space<hbm>>
    tpu.wait_dma2 semaphore(%arg9 : memref<!tpu.dma_semaphore, #tpu.memory_space<semaphore_mem>>) src(%dma_wait3A_678 : memref<8x128xf32, #tpu.memory_space<hbm>>) dst(%dma_wait3A_674 : memref<8x128xf32, #tpu.memory_space<vmem>>)
    %dma_wait3A_679 = arith.constant 0 : i32
    %dma_wait3A_680 = arith.constant 0 : i32
    %dma_wait3A_681 = arith.constant 0 : i32
    %dma_wait3A_682 = arith.constant 0 : i32
    %dma_wait3A_683 = arith.constant 0 : i32
    %dma_wait3A_684 = arith.constant 0 : i32
    %dma_wait3A_685 = tpu.memref_slice %arg6[%dma_wait3A_682, %dma_wait3A_683, %dma_wait3A_684] : memref<20x8x128xf32, #tpu.memory_space<vmem>> -> memref<1x8x128xf32, #tpu.memory_space<vmem>>
    %dma_wait3A_686 = tpu.memref_squeeze %dma_wait3A_685 : memref<1x8x128xf32, #tpu.memory_space<vmem>> -> memref<8x128xf32, #tpu.memory_space<vmem>>
    %dma_wait3A_687 = arith.constant 0 : i32
    %dma_wait3A_688 = arith.constant 0 : i32
    %dma_wait3A_689 = tpu.memref_slice %arg2[%dma_wait3A_679, %dma_wait3A_680, %dma_wait3A_687, %dma_wait3A_681, %dma_wait3A_688] : memref<20x4x8x8x128xf32, #tpu.memory_space<hbm>> -> memref<1x1x8x1x128xf32, #tpu.memory_space<hbm>>
    %dma_wait3A_690 = tpu.memref_squeeze %dma_wait3A_689 : memref<1x1x8x1x128xf32, #tpu.memory_space<hbm>> -> memref<8x128xf32, #tpu.memory_space<hbm>>
    %dma_wait3A_691 = arith.constant 0 : i32
    %dma_wait3A_692 = arith.constant 0 : i32
    %dma_wait3A_693 = tpu.memref_slice %arg6[%dma_wait3A_682, %dma_wait3A_691, %dma_wait3A_692] : memref<20x8x128xf32, #tpu.memory_space<vmem>> -> memref<1x8x128xf32, #tpu.memory_space<vmem>>
    %dma_wait3A_694 = tpu.memref_squeeze %dma_wait3A_693 : memref<1x8x128xf32, #tpu.memory_space<vmem>> -> memref<8x128xf32, #tpu.memory_space<vmem>>
    %dma_wait3A_695 = arith.constant 0 : i32
    %dma_wait3A_696 = arith.constant 0 : i32
    %dma_wait3A_697 = tpu.memref_slice %arg2[%dma_wait3A_679, %dma_wait3A_680, %dma_wait3A_695, %dma_wait3A_681, %dma_wait3A_696] : memref<20x4x8x8x128xf32, #tpu.memory_space<hbm>> -> memref<1x1x8x1x128xf32, #tpu.memory_space<hbm>>
    %dma_wait3A_698 = tpu.memref_squeeze %dma_wait3A_697 : memref<1x1x8x1x128xf32, #tpu.memory_space<hbm>> -> memref<8x128xf32, #tpu.memory_space<hbm>>
    tpu.wait_dma2 semaphore(%arg9 : memref<!tpu.dma_semaphore, #tpu.memory_space<semaphore_mem>>) src(%dma_wait3A_698 : memref<8x128xf32, #tpu.memory_space<hbm>>) dst(%dma_wait3A_694 : memref<8x128xf32, #tpu.memory_space<vmem>>)
    %dma_wait3A_699 = arith.constant 0 : i32
    %dma_wait3A_700 = arith.constant 0 : i32
    %dma_wait3A_701 = arith.constant 0 : i32
    %dma_wait3A_702 = arith.constant 0 : i32
    %dma_wait3A_703 = arith.constant 0 : i32
    %dma_wait3A_704 = arith.constant 0 : i32
    %dma_wait3A_705 = tpu.memref_slice %arg6[%dma_wait3A_702, %dma_wait3A_703, %dma_wait3A_704] : memref<20x8x128xf32, #tpu.memory_space<vmem>> -> memref<1x8x128xf32, #tpu.memory_space<vmem>>
    %dma_wait3A_706 = tpu.memref_squeeze %dma_wait3A_705 : memref<1x8x128xf32, #tpu.memory_space<vmem>> -> memref<8x128xf32, #tpu.memory_space<vmem>>
    %dma_wait3A_707 = arith.constant 0 : i32
    %dma_wait3A_708 = arith.constant 0 : i32
    %dma_wait3A_709 = tpu.memref_slice %arg2[%dma_wait3A_699, %dma_wait3A_700, %dma_wait3A_707, %dma_wait3A_701, %dma_wait3A_708] : memref<20x4x8x8x128xf32, #tpu.memory_space<hbm>> -> memref<1x1x8x1x128xf32, #tpu.memory_space<hbm>>
    %dma_wait3A_710 = tpu.memref_squeeze %dma_wait3A_709 : memref<1x1x8x1x128xf32, #tpu.memory_space<hbm>> -> memref<8x128xf32, #tpu.memory_space<hbm>>
    %dma_wait3A_711 = arith.constant 0 : i32
    %dma_wait3A_712 = arith.constant 0 : i32
    %dma_wait3A_713 = tpu.memref_slice %arg6[%dma_wait3A_702, %dma_wait3A_711, %dma_wait3A_712] : memref<20x8x128xf32, #tpu.memory_space<vmem>> -> memref<1x8x128xf32, #tpu.memory_space<vmem>>
    %dma_wait3A_714 = tpu.memref_squeeze %dma_wait3A_713 : memref<1x8x128xf32, #tpu.memory_space<vmem>> -> memref<8x128xf32, #tpu.memory_space<vmem>>
    %dma_wait3A_715 = arith.constant 0 : i32
    %dma_wait3A_716 = arith.constant 0 : i32
    %dma_wait3A_717 = tpu.memref_slice %arg2[%dma_wait3A_699, %dma_wait3A_700, %dma_wait3A_715, %dma_wait3A_701, %dma_wait3A_716] : memref<20x4x8x8x128xf32, #tpu.memory_space<hbm>> -> memref<1x1x8x1x128xf32, #tpu.memory_space<hbm>>
    %dma_wait3A_718 = tpu.memref_squeeze %dma_wait3A_717 : memref<1x1x8x1x128xf32, #tpu.memory_space<hbm>> -> memref<8x128xf32, #tpu.memory_space<hbm>>
    tpu.wait_dma2 semaphore(%arg9 : memref<!tpu.dma_semaphore, #tpu.memory_space<semaphore_mem>>) src(%dma_wait3A_718 : memref<8x128xf32, #tpu.memory_space<hbm>>) dst(%dma_wait3A_714 : memref<8x128xf32, #tpu.memory_space<vmem>>)
    %dma_wait3A_719 = arith.constant 0 : i32
    %dma_wait3A_720 = arith.constant 0 : i32
    %dma_wait3A_721 = arith.constant 0 : i32
    %dma_wait3A_722 = arith.constant 0 : i32
    %dma_wait3A_723 = arith.constant 0 : i32
    %dma_wait3A_724 = arith.constant 0 : i32
    %dma_wait3A_725 = tpu.memref_slice %arg6[%dma_wait3A_722, %dma_wait3A_723, %dma_wait3A_724] : memref<20x8x128xf32, #tpu.memory_space<vmem>> -> memref<1x8x128xf32, #tpu.memory_space<vmem>>
    %dma_wait3A_726 = tpu.memref_squeeze %dma_wait3A_725 : memref<1x8x128xf32, #tpu.memory_space<vmem>> -> memref<8x128xf32, #tpu.memory_space<vmem>>
    %dma_wait3A_727 = arith.constant 0 : i32
    %dma_wait3A_728 = arith.constant 0 : i32
    %dma_wait3A_729 = tpu.memref_slice %arg2[%dma_wait3A_719, %dma_wait3A_720, %dma_wait3A_727, %dma_wait3A_721, %dma_wait3A_728] : memref<20x4x8x8x128xf32, #tpu.memory_space<hbm>> -> memref<1x1x8x1x128xf32, #tpu.memory_space<hbm>>
    %dma_wait3A_730 = tpu.memref_squeeze %dma_wait3A_729 : memref<1x1x8x1x128xf32, #tpu.memory_space<hbm>> -> memref<8x128xf32, #tpu.memory_space<hbm>>
    %dma_wait3A_731 = arith.constant 0 : i32
    %dma_wait3A_732 = arith.constant 0 : i32
    %dma_wait3A_733 = tpu.memref_slice %arg6[%dma_wait3A_722, %dma_wait3A_731, %dma_wait3A_732] : memref<20x8x128xf32, #tpu.memory_space<vmem>> -> memref<1x8x128xf32, #tpu.memory_space<vmem>>
    %dma_wait3A_734 = tpu.memref_squeeze %dma_wait3A_733 : memref<1x8x128xf32, #tpu.memory_space<vmem>> -> memref<8x128xf32, #tpu.memory_space<vmem>>
    %dma_wait3A_735 = arith.constant 0 : i32
    %dma_wait3A_736 = arith.constant 0 : i32
    %dma_wait3A_737 = tpu.memref_slice %arg2[%dma_wait3A_719, %dma_wait3A_720, %dma_wait3A_735, %dma_wait3A_721, %dma_wait3A_736] : memref<20x4x8x8x128xf32, #tpu.memory_space<hbm>> -> memref<1x1x8x1x128xf32, #tpu.memory_space<hbm>>
    %dma_wait3A_738 = tpu.memref_squeeze %dma_wait3A_737 : memref<1x1x8x1x128xf32, #tpu.memory_space<hbm>> -> memref<8x128xf32, #tpu.memory_space<hbm>>
    tpu.wait_dma2 semaphore(%arg9 : memref<!tpu.dma_semaphore, #tpu.memory_space<semaphore_mem>>) src(%dma_wait3A_738 : memref<8x128xf32, #tpu.memory_space<hbm>>) dst(%dma_wait3A_734 : memref<8x128xf32, #tpu.memory_space<vmem>>)
    %dma_wait3A_739 = arith.constant 0 : i32
    %dma_wait3A_740 = arith.constant 0 : i32
    %dma_wait3A_741 = arith.constant 0 : i32
    %dma_wait3A_742 = arith.constant 0 : i32
    %dma_wait3A_743 = arith.constant 0 : i32
    %dma_wait3A_744 = arith.constant 0 : i32
    %dma_wait3A_745 = tpu.memref_slice %arg6[%dma_wait3A_742, %dma_wait3A_743, %dma_wait3A_744] : memref<20x8x128xf32, #tpu.memory_space<vmem>> -> memref<1x8x128xf32, #tpu.memory_space<vmem>>
    %dma_wait3A_746 = tpu.memref_squeeze %dma_wait3A_745 : memref<1x8x128xf32, #tpu.memory_space<vmem>> -> memref<8x128xf32, #tpu.memory_space<vmem>>
    %dma_wait3A_747 = arith.constant 0 : i32
    %dma_wait3A_748 = arith.constant 0 : i32
    %dma_wait3A_749 = tpu.memref_slice %arg2[%dma_wait3A_739, %dma_wait3A_740, %dma_wait3A_747, %dma_wait3A_741, %dma_wait3A_748] : memref<20x4x8x8x128xf32, #tpu.memory_space<hbm>> -> memref<1x1x8x1x128xf32, #tpu.memory_space<hbm>>
    %dma_wait3A_750 = tpu.memref_squeeze %dma_wait3A_749 : memref<1x1x8x1x128xf32, #tpu.memory_space<hbm>> -> memref<8x128xf32, #tpu.memory_space<hbm>>
    %dma_wait3A_751 = arith.constant 0 : i32
    %dma_wait3A_752 = arith.constant 0 : i32
    %dma_wait3A_753 = tpu.memref_slice %arg6[%dma_wait3A_742, %dma_wait3A_751, %dma_wait3A_752] : memref<20x8x128xf32, #tpu.memory_space<vmem>> -> memref<1x8x128xf32, #tpu.memory_space<vmem>>
    %dma_wait3A_754 = tpu.memref_squeeze %dma_wait3A_753 : memref<1x8x128xf32, #tpu.memory_space<vmem>> -> memref<8x128xf32, #tpu.memory_space<vmem>>
    %dma_wait3A_755 = arith.constant 0 : i32
    %dma_wait3A_756 = arith.constant 0 : i32
    %dma_wait3A_757 = tpu.memref_slice %arg2[%dma_wait3A_739, %dma_wait3A_740, %dma_wait3A_755, %dma_wait3A_741, %dma_wait3A_756] : memref<20x4x8x8x128xf32, #tpu.memory_space<hbm>> -> memref<1x1x8x1x128xf32, #tpu.memory_space<hbm>>
    %dma_wait3A_758 = tpu.memref_squeeze %dma_wait3A_757 : memref<1x1x8x1x128xf32, #tpu.memory_space<hbm>> -> memref<8x128xf32, #tpu.memory_space<hbm>>
    tpu.wait_dma2 semaphore(%arg9 : memref<!tpu.dma_semaphore, #tpu.memory_space<semaphore_mem>>) src(%dma_wait3A_758 : memref<8x128xf32, #tpu.memory_space<hbm>>) dst(%dma_wait3A_754 : memref<8x128xf32, #tpu.memory_space<vmem>>)
    %dma_wait3A_759 = arith.constant 0 : i32
    %dma_wait3A_760 = arith.constant 0 : i32
    %dma_wait3A_761 = arith.constant 0 : i32
    %dma_wait3A_762 = arith.constant 0 : i32
    %dma_wait3A_763 = arith.constant 0 : i32
    %dma_wait3A_764 = arith.constant 0 : i32
    %dma_wait3A_765 = tpu.memref_slice %arg6[%dma_wait3A_762, %dma_wait3A_763, %dma_wait3A_764] : memref<20x8x128xf32, #tpu.memory_space<vmem>> -> memref<1x8x128xf32, #tpu.memory_space<vmem>>
    %dma_wait3A_766 = tpu.memref_squeeze %dma_wait3A_765 : memref<1x8x128xf32, #tpu.memory_space<vmem>> -> memref<8x128xf32, #tpu.memory_space<vmem>>
    %dma_wait3A_767 = arith.constant 0 : i32
    %dma_wait3A_768 = arith.constant 0 : i32
    %dma_wait3A_769 = tpu.memref_slice %arg2[%dma_wait3A_759, %dma_wait3A_760, %dma_wait3A_767, %dma_wait3A_761, %dma_wait3A_768] : memref<20x4x8x8x128xf32, #tpu.memory_space<hbm>> -> memref<1x1x8x1x128xf32, #tpu.memory_space<hbm>>
    %dma_wait3A_770 = tpu.memref_squeeze %dma_wait3A_769 : memref<1x1x8x1x128xf32, #tpu.memory_space<hbm>> -> memref<8x128xf32, #tpu.memory_space<hbm>>
    %dma_wait3A_771 = arith.constant 0 : i32
    %dma_wait3A_772 = arith.constant 0 : i32
    %dma_wait3A_773 = tpu.memref_slice %arg6[%dma_wait3A_762, %dma_wait3A_771, %dma_wait3A_772] : memref<20x8x128xf32, #tpu.memory_space<vmem>> -> memref<1x8x128xf32, #tpu.memory_space<vmem>>
    %dma_wait3A_774 = tpu.memref_squeeze %dma_wait3A_773 : memref<1x8x128xf32, #tpu.memory_space<vmem>> -> memref<8x128xf32, #tpu.memory_space<vmem>>
    %dma_wait3A_775 = arith.constant 0 : i32
    %dma_wait3A_776 = arith.constant 0 : i32
    %dma_wait3A_777 = tpu.memref_slice %arg2[%dma_wait3A_759, %dma_wait3A_760, %dma_wait3A_775, %dma_wait3A_761, %dma_wait3A_776] : memref<20x4x8x8x128xf32, #tpu.memory_space<hbm>> -> memref<1x1x8x1x128xf32, #tpu.memory_space<hbm>>
    %dma_wait3A_778 = tpu.memref_squeeze %dma_wait3A_777 : memref<1x1x8x1x128xf32, #tpu.memory_space<hbm>> -> memref<8x128xf32, #tpu.memory_space<hbm>>
    tpu.wait_dma2 semaphore(%arg9 : memref<!tpu.dma_semaphore, #tpu.memory_space<semaphore_mem>>) src(%dma_wait3A_778 : memref<8x128xf32, #tpu.memory_space<hbm>>) dst(%dma_wait3A_774 : memref<8x128xf32, #tpu.memory_space<vmem>>)
    %dma_wait3A_779 = arith.constant 0 : i32
    %dma_wait3A_780 = arith.constant 0 : i32
    %dma_wait3A_781 = arith.constant 0 : i32
    %dma_wait3A_782 = arith.constant 0 : i32
    %dma_wait3A_783 = arith.constant 0 : i32
    %dma_wait3A_784 = arith.constant 0 : i32
    %dma_wait3A_785 = tpu.memref_slice %arg6[%dma_wait3A_782, %dma_wait3A_783, %dma_wait3A_784] : memref<20x8x128xf32, #tpu.memory_space<vmem>> -> memref<1x8x128xf32, #tpu.memory_space<vmem>>
    %dma_wait3A_786 = tpu.memref_squeeze %dma_wait3A_785 : memref<1x8x128xf32, #tpu.memory_space<vmem>> -> memref<8x128xf32, #tpu.memory_space<vmem>>
    %dma_wait3A_787 = arith.constant 0 : i32
    %dma_wait3A_788 = arith.constant 0 : i32
    %dma_wait3A_789 = tpu.memref_slice %arg2[%dma_wait3A_779, %dma_wait3A_780, %dma_wait3A_787, %dma_wait3A_781, %dma_wait3A_788] : memref<20x4x8x8x128xf32, #tpu.memory_space<hbm>> -> memref<1x1x8x1x128xf32, #tpu.memory_space<hbm>>
    %dma_wait3A_790 = tpu.memref_squeeze %dma_wait3A_789 : memref<1x1x8x1x128xf32, #tpu.memory_space<hbm>> -> memref<8x128xf32, #tpu.memory_space<hbm>>
    %dma_wait3A_791 = arith.constant 0 : i32
    %dma_wait3A_792 = arith.constant 0 : i32
    %dma_wait3A_793 = tpu.memref_slice %arg6[%dma_wait3A_782, %dma_wait3A_791, %dma_wait3A_792] : memref<20x8x128xf32, #tpu.memory_space<vmem>> -> memref<1x8x128xf32, #tpu.memory_space<vmem>>
    %dma_wait3A_794 = tpu.memref_squeeze %dma_wait3A_793 : memref<1x8x128xf32, #tpu.memory_space<vmem>> -> memref<8x128xf32, #tpu.memory_space<vmem>>
    %dma_wait3A_795 = arith.constant 0 : i32
    %dma_wait3A_796 = arith.constant 0 : i32
    %dma_wait3A_797 = tpu.memref_slice %arg2[%dma_wait3A_779, %dma_wait3A_780, %dma_wait3A_795, %dma_wait3A_781, %dma_wait3A_796] : memref<20x4x8x8x128xf32, #tpu.memory_space<hbm>> -> memref<1x1x8x1x128xf32, #tpu.memory_space<hbm>>
    %dma_wait3A_798 = tpu.memref_squeeze %dma_wait3A_797 : memref<1x1x8x1x128xf32, #tpu.memory_space<hbm>> -> memref<8x128xf32, #tpu.memory_space<hbm>>
    tpu.wait_dma2 semaphore(%arg9 : memref<!tpu.dma_semaphore, #tpu.memory_space<semaphore_mem>>) src(%dma_wait3A_798 : memref<8x128xf32, #tpu.memory_space<hbm>>) dst(%dma_wait3A_794 : memref<8x128xf32, #tpu.memory_space<vmem>>)
    %dma_wait3A_799 = arith.constant 0 : i32
    %dma_wait3A_800 = arith.constant 0 : i32
    %dma_wait3A_801 = arith.constant 0 : i32
    %dma_wait3A_802 = arith.constant 0 : i32
    %dma_wait3A_803 = arith.constant 0 : i32
    %dma_wait3A_804 = arith.constant 0 : i32
    %dma_wait3A_805 = tpu.memref_slice %arg6[%dma_wait3A_802, %dma_wait3A_803, %dma_wait3A_804] : memref<20x8x128xf32, #tpu.memory_space<vmem>> -> memref<1x8x128xf32, #tpu.memory_space<vmem>>
    %dma_wait3A_806 = tpu.memref_squeeze %dma_wait3A_805 : memref<1x8x128xf32, #tpu.memory_space<vmem>> -> memref<8x128xf32, #tpu.memory_space<vmem>>
    %dma_wait3A_807 = arith.constant 0 : i32
    %dma_wait3A_808 = arith.constant 0 : i32
    %dma_wait3A_809 = tpu.memref_slice %arg2[%dma_wait3A_799, %dma_wait3A_800, %dma_wait3A_807, %dma_wait3A_801, %dma_wait3A_808] : memref<20x4x8x8x128xf32, #tpu.memory_space<hbm>> -> memref<1x1x8x1x128xf32, #tpu.memory_space<hbm>>
    %dma_wait3A_810 = tpu.memref_squeeze %dma_wait3A_809 : memref<1x1x8x1x128xf32, #tpu.memory_space<hbm>> -> memref<8x128xf32, #tpu.memory_space<hbm>>
    %dma_wait3A_811 = arith.constant 0 : i32
    %dma_wait3A_812 = arith.constant 0 : i32
    %dma_wait3A_813 = tpu.memref_slice %arg6[%dma_wait3A_802, %dma_wait3A_811, %dma_wait3A_812] : memref<20x8x128xf32, #tpu.memory_space<vmem>> -> memref<1x8x128xf32, #tpu.memory_space<vmem>>
    %dma_wait3A_814 = tpu.memref_squeeze %dma_wait3A_813 : memref<1x8x128xf32, #tpu.memory_space<vmem>> -> memref<8x128xf32, #tpu.memory_space<vmem>>
    %dma_wait3A_815 = arith.constant 0 : i32
    %dma_wait3A_816 = arith.constant 0 : i32
    %dma_wait3A_817 = tpu.memref_slice %arg2[%dma_wait3A_799, %dma_wait3A_800, %dma_wait3A_815, %dma_wait3A_801, %dma_wait3A_816] : memref<20x4x8x8x128xf32, #tpu.memory_space<hbm>> -> memref<1x1x8x1x128xf32, #tpu.memory_space<hbm>>
    %dma_wait3A_818 = tpu.memref_squeeze %dma_wait3A_817 : memref<1x1x8x1x128xf32, #tpu.memory_space<hbm>> -> memref<8x128xf32, #tpu.memory_space<hbm>>
    tpu.wait_dma2 semaphore(%arg9 : memref<!tpu.dma_semaphore, #tpu.memory_space<semaphore_mem>>) src(%dma_wait3A_818 : memref<8x128xf32, #tpu.memory_space<hbm>>) dst(%dma_wait3A_814 : memref<8x128xf32, #tpu.memory_space<vmem>>)
    %dma_wait3A_819 = arith.constant 0 : i32
    %dma_wait3A_820 = arith.constant 0 : i32
    %dma_wait3A_821 = arith.constant 0 : i32
    %dma_wait3A_822 = arith.constant 0 : i32
    %dma_wait3A_823 = arith.constant 0 : i32
    %dma_wait3A_824 = arith.constant 0 : i32
    %dma_wait3A_825 = tpu.memref_slice %arg6[%dma_wait3A_822, %dma_wait3A_823, %dma_wait3A_824] : memref<20x8x128xf32, #tpu.memory_space<vmem>> -> memref<1x8x128xf32, #tpu.memory_space<vmem>>
    %dma_wait3A_826 = tpu.memref_squeeze %dma_wait3A_825 : memref<1x8x128xf32, #tpu.memory_space<vmem>> -> memref<8x128xf32, #tpu.memory_space<vmem>>
    %dma_wait3A_827 = arith.constant 0 : i32
    %dma_wait3A_828 = arith.constant 0 : i32
    %dma_wait3A_829 = tpu.memref_slice %arg2[%dma_wait3A_819, %dma_wait3A_820, %dma_wait3A_827, %dma_wait3A_821, %dma_wait3A_828] : memref<20x4x8x8x128xf32, #tpu.memory_space<hbm>> -> memref<1x1x8x1x128xf32, #tpu.memory_space<hbm>>
    %dma_wait3A_830 = tpu.memref_squeeze %dma_wait3A_829 : memref<1x1x8x1x128xf32, #tpu.memory_space<hbm>> -> memref<8x128xf32, #tpu.memory_space<hbm>>
    %dma_wait3A_831 = arith.constant 0 : i32
    %dma_wait3A_832 = arith.constant 0 : i32
    %dma_wait3A_833 = tpu.memref_slice %arg6[%dma_wait3A_822, %dma_wait3A_831, %dma_wait3A_832] : memref<20x8x128xf32, #tpu.memory_space<vmem>> -> memref<1x8x128xf32, #tpu.memory_space<vmem>>
    %dma_wait3A_834 = tpu.memref_squeeze %dma_wait3A_833 : memref<1x8x128xf32, #tpu.memory_space<vmem>> -> memref<8x128xf32, #tpu.memory_space<vmem>>
    %dma_wait3A_835 = arith.constant 0 : i32
    %dma_wait3A_836 = arith.constant 0 : i32
    %dma_wait3A_837 = tpu.memref_slice %arg2[%dma_wait3A_819, %dma_wait3A_820, %dma_wait3A_835, %dma_wait3A_821, %dma_wait3A_836] : memref<20x4x8x8x128xf32, #tpu.memory_space<hbm>> -> memref<1x1x8x1x128xf32, #tpu.memory_space<hbm>>
    %dma_wait3A_838 = tpu.memref_squeeze %dma_wait3A_837 : memref<1x1x8x1x128xf32, #tpu.memory_space<hbm>> -> memref<8x128xf32, #tpu.memory_space<hbm>>
    tpu.wait_dma2 semaphore(%arg9 : memref<!tpu.dma_semaphore, #tpu.memory_space<semaphore_mem>>) src(%dma_wait3A_838 : memref<8x128xf32, #tpu.memory_space<hbm>>) dst(%dma_wait3A_834 : memref<8x128xf32, #tpu.memory_space<vmem>>)
    %dma_wait3A_839 = arith.constant 0 : i32
    %dma_wait3A_840 = arith.constant 0 : i32
    %dma_wait3A_841 = arith.constant 0 : i32
    %dma_wait3A_842 = arith.constant 0 : i32
    %dma_wait3A_843 = arith.constant 0 : i32
    %dma_wait3A_844 = arith.constant 0 : i32
    %dma_wait3A_845 = tpu.memref_slice %arg6[%dma_wait3A_842, %dma_wait3A_843, %dma_wait3A_844] : memref<20x8x128xf32, #tpu.memory_space<vmem>> -> memref<1x8x128xf32, #tpu.memory_space<vmem>>
    %dma_wait3A_846 = tpu.memref_squeeze %dma_wait3A_845 : memref<1x8x128xf32, #tpu.memory_space<vmem>> -> memref<8x128xf32, #tpu.memory_space<vmem>>
    %dma_wait3A_847 = arith.constant 0 : i32
    %dma_wait3A_848 = arith.constant 0 : i32
    %dma_wait3A_849 = tpu.memref_slice %arg2[%dma_wait3A_839, %dma_wait3A_840, %dma_wait3A_847, %dma_wait3A_841, %dma_wait3A_848] : memref<20x4x8x8x128xf32, #tpu.memory_space<hbm>> -> memref<1x1x8x1x128xf32, #tpu.memory_space<hbm>>
    %dma_wait3A_850 = tpu.memref_squeeze %dma_wait3A_849 : memref<1x1x8x1x128xf32, #tpu.memory_space<hbm>> -> memref<8x128xf32, #tpu.memory_space<hbm>>
    %dma_wait3A_851 = arith.constant 0 : i32
    %dma_wait3A_852 = arith.constant 0 : i32
    %dma_wait3A_853 = tpu.memref_slice %arg6[%dma_wait3A_842, %dma_wait3A_851, %dma_wait3A_852] : memref<20x8x128xf32, #tpu.memory_space<vmem>> -> memref<1x8x128xf32, #tpu.memory_space<vmem>>
    %dma_wait3A_854 = tpu.memref_squeeze %dma_wait3A_853 : memref<1x8x128xf32, #tpu.memory_space<vmem>> -> memref<8x128xf32, #tpu.memory_space<vmem>>
    %dma_wait3A_855 = arith.constant 0 : i32
    %dma_wait3A_856 = arith.constant 0 : i32
    %dma_wait3A_857 = tpu.memref_slice %arg2[%dma_wait3A_839, %dma_wait3A_840, %dma_wait3A_855, %dma_wait3A_841, %dma_wait3A_856] : memref<20x4x8x8x128xf32, #tpu.memory_space<hbm>> -> memref<1x1x8x1x128xf32, #tpu.memory_space<hbm>>
    %dma_wait3A_858 = tpu.memref_squeeze %dma_wait3A_857 : memref<1x1x8x1x128xf32, #tpu.memory_space<hbm>> -> memref<8x128xf32, #tpu.memory_space<hbm>>
    tpu.wait_dma2 semaphore(%arg9 : memref<!tpu.dma_semaphore, #tpu.memory_space<semaphore_mem>>) src(%dma_wait3A_858 : memref<8x128xf32, #tpu.memory_space<hbm>>) dst(%dma_wait3A_854 : memref<8x128xf32, #tpu.memory_space<vmem>>)
    %dma_wait3A_859 = arith.constant 0 : i32
    %dma_wait3A_860 = arith.constant 0 : i32
    %dma_wait3A_861 = arith.constant 0 : i32
    %dma_wait3A_862 = arith.constant 0 : i32
    %dma_wait3A_863 = arith.constant 0 : i32
    %dma_wait3A_864 = arith.constant 0 : i32
    %dma_wait3A_865 = tpu.memref_slice %arg6[%dma_wait3A_862, %dma_wait3A_863, %dma_wait3A_864] : memref<20x8x128xf32, #tpu.memory_space<vmem>> -> memref<1x8x128xf32, #tpu.memory_space<vmem>>
    %dma_wait3A_866 = tpu.memref_squeeze %dma_wait3A_865 : memref<1x8x128xf32, #tpu.memory_space<vmem>> -> memref<8x128xf32, #tpu.memory_space<vmem>>
    %dma_wait3A_867 = arith.constant 0 : i32
    %dma_wait3A_868 = arith.constant 0 : i32
    %dma_wait3A_869 = tpu.memref_slice %arg2[%dma_wait3A_859, %dma_wait3A_860, %dma_wait3A_867, %dma_wait3A_861, %dma_wait3A_868] : memref<20x4x8x8x128xf32, #tpu.memory_space<hbm>> -> memref<1x1x8x1x128xf32, #tpu.memory_space<hbm>>
    %dma_wait3A_870 = tpu.memref_squeeze %dma_wait3A_869 : memref<1x1x8x1x128xf32, #tpu.memory_space<hbm>> -> memref<8x128xf32, #tpu.memory_space<hbm>>
    %dma_wait3A_871 = arith.constant 0 : i32
    %dma_wait3A_872 = arith.constant 0 : i32
    %dma_wait3A_873 = tpu.memref_slice %arg6[%dma_wait3A_862, %dma_wait3A_871, %dma_wait3A_872] : memref<20x8x128xf32, #tpu.memory_space<vmem>> -> memref<1x8x128xf32, #tpu.memory_space<vmem>>
    %dma_wait3A_874 = tpu.memref_squeeze %dma_wait3A_873 : memref<1x8x128xf32, #tpu.memory_space<vmem>> -> memref<8x128xf32, #tpu.memory_space<vmem>>
    %dma_wait3A_875 = arith.constant 0 : i32
    %dma_wait3A_876 = arith.constant 0 : i32
    %dma_wait3A_877 = tpu.memref_slice %arg2[%dma_wait3A_859, %dma_wait3A_860, %dma_wait3A_875, %dma_wait3A_861, %dma_wait3A_876] : memref<20x4x8x8x128xf32, #tpu.memory_space<hbm>> -> memref<1x1x8x1x128xf32, #tpu.memory_space<hbm>>
    %dma_wait3A_878 = tpu.memref_squeeze %dma_wait3A_877 : memref<1x1x8x1x128xf32, #tpu.memory_space<hbm>> -> memref<8x128xf32, #tpu.memory_space<hbm>>
    tpu.wait_dma2 semaphore(%arg9 : memref<!tpu.dma_semaphore, #tpu.memory_space<semaphore_mem>>) src(%dma_wait3A_878 : memref<8x128xf32, #tpu.memory_space<hbm>>) dst(%dma_wait3A_874 : memref<8x128xf32, #tpu.memory_space<vmem>>)
    %dma_wait3A_879 = arith.constant 0 : i32
    %dma_wait3A_880 = arith.constant 0 : i32
    %dma_wait3A_881 = arith.constant 0 : i32
    %dma_wait3A_882 = arith.constant 0 : i32
    %dma_wait3A_883 = arith.constant 0 : i32
    %dma_wait3A_884 = arith.constant 0 : i32
    %dma_wait3A_885 = tpu.memref_slice %arg6[%dma_wait3A_882, %dma_wait3A_883, %dma_wait3A_884] : memref<20x8x128xf32, #tpu.memory_space<vmem>> -> memref<1x8x128xf32, #tpu.memory_space<vmem>>
    %dma_wait3A_886 = tpu.memref_squeeze %dma_wait3A_885 : memref<1x8x128xf32, #tpu.memory_space<vmem>> -> memref<8x128xf32, #tpu.memory_space<vmem>>
    %dma_wait3A_887 = arith.constant 0 : i32
    %dma_wait3A_888 = arith.constant 0 : i32
    %dma_wait3A_889 = tpu.memref_slice %arg2[%dma_wait3A_879, %dma_wait3A_880, %dma_wait3A_887, %dma_wait3A_881, %dma_wait3A_888] : memref<20x4x8x8x128xf32, #tpu.memory_space<hbm>> -> memref<1x1x8x1x128xf32, #tpu.memory_space<hbm>>
    %dma_wait3A_890 = tpu.memref_squeeze %dma_wait3A_889 : memref<1x1x8x1x128xf32, #tpu.memory_space<hbm>> -> memref<8x128xf32, #tpu.memory_space<hbm>>
    %dma_wait3A_891 = arith.constant 0 : i32
    %dma_wait3A_892 = arith.constant 0 : i32
    %dma_wait3A_893 = tpu.memref_slice %arg6[%dma_wait3A_882, %dma_wait3A_891, %dma_wait3A_892] : memref<20x8x128xf32, #tpu.memory_space<vmem>> -> memref<1x8x128xf32, #tpu.memory_space<vmem>>
    %dma_wait3A_894 = tpu.memref_squeeze %dma_wait3A_893 : memref<1x8x128xf32, #tpu.memory_space<vmem>> -> memref<8x128xf32, #tpu.memory_space<vmem>>
    %dma_wait3A_895 = arith.constant 0 : i32
    %dma_wait3A_896 = arith.constant 0 : i32
    %dma_wait3A_897 = tpu.memref_slice %arg2[%dma_wait3A_879, %dma_wait3A_880, %dma_wait3A_895, %dma_wait3A_881, %dma_wait3A_896] : memref<20x4x8x8x128xf32, #tpu.memory_space<hbm>> -> memref<1x1x8x1x128xf32, #tpu.memory_space<hbm>>
    %dma_wait3A_898 = tpu.memref_squeeze %dma_wait3A_897 : memref<1x1x8x1x128xf32, #tpu.memory_space<hbm>> -> memref<8x128xf32, #tpu.memory_space<hbm>>
    tpu.wait_dma2 semaphore(%arg9 : memref<!tpu.dma_semaphore, #tpu.memory_space<semaphore_mem>>) src(%dma_wait3A_898 : memref<8x128xf32, #tpu.memory_space<hbm>>) dst(%dma_wait3A_894 : memref<8x128xf32, #tpu.memory_space<vmem>>)
    %dma_wait3A_899 = arith.constant 0 : i32
    %dma_wait3A_900 = arith.constant 0 : i32
    %dma_wait3A_901 = arith.constant 0 : i32
    %dma_wait3A_902 = arith.constant 0 : i32
    %dma_wait3A_903 = arith.constant 0 : i32
    %dma_wait3A_904 = arith.constant 0 : i32
    %dma_wait3A_905 = tpu.memref_slice %arg6[%dma_wait3A_902, %dma_wait3A_903, %dma_wait3A_904] : memref<20x8x128xf32, #tpu.memory_space<vmem>> -> memref<1x8x128xf32, #tpu.memory_space<vmem>>
    %dma_wait3A_906 = tpu.memref_squeeze %dma_wait3A_905 : memref<1x8x128xf32, #tpu.memory_space<vmem>> -> memref<8x128xf32, #tpu.memory_space<vmem>>
    %dma_wait3A_907 = arith.constant 0 : i32
    %dma_wait3A_908 = arith.constant 0 : i32
    %dma_wait3A_909 = tpu.memref_slice %arg2[%dma_wait3A_899, %dma_wait3A_900, %dma_wait3A_907, %dma_wait3A_901, %dma_wait3A_908] : memref<20x4x8x8x128xf32, #tpu.memory_space<hbm>> -> memref<1x1x8x1x128xf32, #tpu.memory_space<hbm>>
    %dma_wait3A_910 = tpu.memref_squeeze %dma_wait3A_909 : memref<1x1x8x1x128xf32, #tpu.memory_space<hbm>> -> memref<8x128xf32, #tpu.memory_space<hbm>>
    %dma_wait3A_911 = arith.constant 0 : i32
    %dma_wait3A_912 = arith.constant 0 : i32
    %dma_wait3A_913 = tpu.memref_slice %arg6[%dma_wait3A_902, %dma_wait3A_911, %dma_wait3A_912] : memref<20x8x128xf32, #tpu.memory_space<vmem>> -> memref<1x8x128xf32, #tpu.memory_space<vmem>>
    %dma_wait3A_914 = tpu.memref_squeeze %dma_wait3A_913 : memref<1x8x128xf32, #tpu.memory_space<vmem>> -> memref<8x128xf32, #tpu.memory_space<vmem>>
    %dma_wait3A_915 = arith.constant 0 : i32
    %dma_wait3A_916 = arith.constant 0 : i32
    %dma_wait3A_917 = tpu.memref_slice %arg2[%dma_wait3A_899, %dma_wait3A_900, %dma_wait3A_915, %dma_wait3A_901, %dma_wait3A_916] : memref<20x4x8x8x128xf32, #tpu.memory_space<hbm>> -> memref<1x1x8x1x128xf32, #tpu.memory_space<hbm>>
    %dma_wait3A_918 = tpu.memref_squeeze %dma_wait3A_917 : memref<1x1x8x1x128xf32, #tpu.memory_space<hbm>> -> memref<8x128xf32, #tpu.memory_space<hbm>>
    tpu.wait_dma2 semaphore(%arg9 : memref<!tpu.dma_semaphore, #tpu.memory_space<semaphore_mem>>) src(%dma_wait3A_918 : memref<8x128xf32, #tpu.memory_space<hbm>>) dst(%dma_wait3A_914 : memref<8x128xf32, #tpu.memory_space<vmem>>)
    %dma_wait3A_919 = arith.constant 0 : i32
    %dma_wait3A_920 = arith.constant 0 : i32
    %dma_wait3A_921 = arith.constant 0 : i32
    %dma_wait3A_922 = arith.constant 0 : i32
    %dma_wait3A_923 = arith.constant 0 : i32
    %dma_wait3A_924 = arith.constant 0 : i32
    %dma_wait3A_925 = tpu.memref_slice %arg6[%dma_wait3A_922, %dma_wait3A_923, %dma_wait3A_924] : memref<20x8x128xf32, #tpu.memory_space<vmem>> -> memref<1x8x128xf32, #tpu.memory_space<vmem>>
    %dma_wait3A_926 = tpu.memref_squeeze %dma_wait3A_925 : memref<1x8x128xf32, #tpu.memory_space<vmem>> -> memref<8x128xf32, #tpu.memory_space<vmem>>
    %dma_wait3A_927 = arith.constant 0 : i32
    %dma_wait3A_928 = arith.constant 0 : i32
    %dma_wait3A_929 = tpu.memref_slice %arg2[%dma_wait3A_919, %dma_wait3A_920, %dma_wait3A_927, %dma_wait3A_921, %dma_wait3A_928] : memref<20x4x8x8x128xf32, #tpu.memory_space<hbm>> -> memref<1x1x8x1x128xf32, #tpu.memory_space<hbm>>
    %dma_wait3A_930 = tpu.memref_squeeze %dma_wait3A_929 : memref<1x1x8x1x128xf32, #tpu.memory_space<hbm>> -> memref<8x128xf32, #tpu.memory_space<hbm>>
    %dma_wait3A_931 = arith.constant 0 : i32
    %dma_wait3A_932 = arith.constant 0 : i32
    %dma_wait3A_933 = tpu.memref_slice %arg6[%dma_wait3A_922, %dma_wait3A_931, %dma_wait3A_932] : memref<20x8x128xf32, #tpu.memory_space<vmem>> -> memref<1x8x128xf32, #tpu.memory_space<vmem>>
    %dma_wait3A_934 = tpu.memref_squeeze %dma_wait3A_933 : memref<1x8x128xf32, #tpu.memory_space<vmem>> -> memref<8x128xf32, #tpu.memory_space<vmem>>
    %dma_wait3A_935 = arith.constant 0 : i32
    %dma_wait3A_936 = arith.constant 0 : i32
    %dma_wait3A_937 = tpu.memref_slice %arg2[%dma_wait3A_919, %dma_wait3A_920, %dma_wait3A_935, %dma_wait3A_921, %dma_wait3A_936] : memref<20x4x8x8x128xf32, #tpu.memory_space<hbm>> -> memref<1x1x8x1x128xf32, #tpu.memory_space<hbm>>
    %dma_wait3A_938 = tpu.memref_squeeze %dma_wait3A_937 : memref<1x1x8x1x128xf32, #tpu.memory_space<hbm>> -> memref<8x128xf32, #tpu.memory_space<hbm>>
    tpu.wait_dma2 semaphore(%arg9 : memref<!tpu.dma_semaphore, #tpu.memory_space<semaphore_mem>>) src(%dma_wait3A_938 : memref<8x128xf32, #tpu.memory_space<hbm>>) dst(%dma_wait3A_934 : memref<8x128xf32, #tpu.memory_space<vmem>>)
    %scan3A = arith.constant 0 : i32
    %scan3A_939 = arith.constant 0 : i32
    %scan3A_940 = arith.constant 20 : i32
    %scan3A_941 = arith.addi %scan3A_939, %scan3A_940 : i32
    %scan3A_942 = arith.constant 1 : i32
    %scan3A_943 = scf.for %scan3A_1041 = %scan3A_939 to %scan3A_941 step %scan3A_942 iter_args(%scan3A_1042 = %scan3A) -> (i32)  : i32 {
      %add3A_1043 = arith.addi %mul3A_2, %scan3A_1041 : i32
      %div3A_1044 = arith.constant 32 : i32
      %div3A_1045 = arith.divsi %add3A_1043, %div3A_1044 : i32
      %rem3A_1046 = arith.constant 32 : i32
      %rem3A_1047 = arith.remsi %add3A_1043, %rem3A_1046 : i32
      %parallel_loop3A = arith.constant 0 : i32
      %parallel_loop3A_1048 = arith.constant 64 : i32
      %parallel_loop3A_1049 = arith.constant 1 : i32
      scf.for %parallel_loop3A_1372 = %parallel_loop3A to %parallel_loop3A_1048 step %parallel_loop3A_1049  : i32 {
        %parallel_loop3A_1373 = arith.constant 8 : i32
        %parallel_loop3A_1374 = arith.divsi %parallel_loop3A_1372, %parallel_loop3A_1373 : i32
        %parallel_loop3A_1375 = arith.constant 8 : i32
        %parallel_loop3A_1376 = arith.remsi %parallel_loop3A_1372, %parallel_loop3A_1375 : i32
        %parallel_loop3A_1377 = arith.constant 16 : i32
        %parallel_loop3A_1378 = arith.muli %parallel_loop3A_1376, %parallel_loop3A_1377 : i32
        %parallel_loop3A_1379 = arith.index_cast %scan3A_1041 : i32 to index
        %parallel_loop3A_1380 = arith.index_cast %parallel_loop3A_1374 : i32 to index
        %parallel_loop3A_1381 = arith.index_cast %parallel_loop3A_1378 : i32 to index
        %parallel_loop3A_1382 = tpu.vector_load %arg6[%parallel_loop3A_1379, %parallel_loop3A_1380, %parallel_loop3A_1381] {strides = array<i32>} : memref<20x8x128xf32, #tpu.memory_space<vmem>>, vector<16xf32>,
        %parallel_loop3A_1383 = arith.constant -1.000000e+00 : f32
        %parallel_loop3A_1384 = vector.broadcast %parallel_loop3A_1383 : f32 to vector<16xf32>
        %parallel_loop3A_1385 = arith.subf %parallel_loop3A_1382, %parallel_loop3A_1384 : vector<16xf32>
        %parallel_loop3A_1386 = arith.constant 2.000000e+00 : f32
        %parallel_loop3A_1387 = vector.broadcast %parallel_loop3A_1386 : f32 to vector<16xf32>
        %parallel_loop3A_1388 = arith.divf %parallel_loop3A_1385, %parallel_loop3A_1387 : vector<16xf32>
        %parallel_loop3A_1389 = arith.constant 9.990000e+02 : f32
        %parallel_loop3A_1390 = vector.broadcast %parallel_loop3A_1389 : f32 to vector<16xf32>
        %parallel_loop3A_1391 = arith.mulf %parallel_loop3A_1388, %parallel_loop3A_1390 : vector<16xf32>
        %parallel_loop3A_1392 = arith.constant 0x4B000000 : f32
        %parallel_loop3A_1393 = vector.broadcast %parallel_loop3A_1392 : f32 to vector<16xf32>
        %parallel_loop3A_1394 = arith.addf %parallel_loop3A_1391, %parallel_loop3A_1393 : vector<16xf32>
        %parallel_loop3A_1395 = arith.constant 0x4B000000 : f32
        %parallel_loop3A_1396 = vector.broadcast %parallel_loop3A_1395 : f32 to vector<16xf32>
        %parallel_loop3A_1397 = arith.subf %parallel_loop3A_1394, %parallel_loop3A_1396 : vector<16xf32>
        %parallel_loop3A_1398 = arith.constant 0.000000e+00 : f32
        %parallel_loop3A_1399 = vector.broadcast %parallel_loop3A_1398 : f32 to vector<16xf32>
        %parallel_loop3A_1400 = arith.maximumf %parallel_loop3A_1397, %parallel_loop3A_1399 : vector<16xf32>
        %parallel_loop3A_1401 = arith.constant 9.990000e+02 : f32
        %parallel_loop3A_1402 = vector.broadcast %parallel_loop3A_1401 : f32 to vector<16xf32>
        %parallel_loop3A_1403 = arith.minimumf %parallel_loop3A_1400, %parallel_loop3A_1402 : vector<16xf32>
        %parallel_loop3A_1404 = arith.fptosi %parallel_loop3A_1403 : vector<16xf32> to vector<16xi32>
        %parallel_loop3A_1405 = arith.constant 16 : i32
        %parallel_loop3A_1406 = arith.muli %parallel_loop3A_1372, %parallel_loop3A_1405 : i32
        %parallel_loop3A_1407 = arith.index_cast %parallel_loop3A_1406 : i32 to index
        %parallel_loop3A_1408 = tpu.vector_load %arg7[%parallel_loop3A_1407] {strides = array<i32>} : memref<1024xi32, #tpu.memory_space<vmem>>, vector<16xi32>,
        tpu.vector_store %arg7[%parallel_loop3A_1407], %parallel_loop3A_1404 {strides = array<i32>} : memref<1024xi32, #tpu.memory_space<vmem>>, vector<16xi32>,
      } {sc.loop_unroll_factor = 4 : i64, sc.parallel_access}
      %gt3A = arith.constant 0 : i32
      %gt3A_1050 = arith.cmpi sgt, %scan3A_1041, %gt3A : i32
      %convert_element_type3A = arith.extui %gt3A_1050 : i1 to i32
      %cond3A = arith.constant 0 : i32
      %cond3A_1051 = arith.cmpi ne, %convert_element_type3A, %cond3A : i32
      scf.if %cond3A_1051 {
        %dma_wait3A_1372 = arith.constant 0 : i32
        %dma_wait3A_1373 = arith.constant 0 : i32
        %dma_wait3A_1374 = arith.constant 0 : i32
        %dma_wait3A_1375 = arith.constant 0 : i32
        %dma_wait3A_1376 = arith.constant 0 : i32
        %dma_wait3A_1377 = arith.constant 0 : i32
        %dma_wait3A_1378 = arith.constant 0 : i32
        %dma_wait3A_1379 = tpu.memref_slice %arg8[%dma_wait3A_1372, %dma_wait3A_1376, %dma_wait3A_1377, %dma_wait3A_1378] : memref<4x8x8x128xf32, #tpu.memory_space<vmem>> -> memref<1x8x8x128xf32, #tpu.memory_space<vmem>>
        %dma_wait3A_1380 = tpu.memref_squeeze %dma_wait3A_1379 : memref<1x8x8x128xf32, #tpu.memory_space<vmem>> -> memref<8x8x128xf32, #tpu.memory_space<vmem>>
        %dma_wait3A_1381 = arith.constant 0 : i32
        %dma_wait3A_1382 = arith.constant 0 : i32
        %dma_wait3A_1383 = arith.constant 0 : i32
        %dma_wait3A_1384 = tpu.memref_slice %arg4[%dma_wait3A_1373, %dma_wait3A_1374, %dma_wait3A_1375, %dma_wait3A_1381, %dma_wait3A_1382, %dma_wait3A_1383] : memref<20x32x8x8x8x128xf32, #tpu.memory_space<hbm>> -> memref<1x1x1x8x8x128xf32, #tpu.memory_space<hbm>>
        %dma_wait3A_1385 = tpu.memref_squeeze %dma_wait3A_1384 : memref<1x1x1x8x8x128xf32, #tpu.memory_space<hbm>> -> memref<8x8x128xf32, #tpu.memory_space<hbm>>
        %dma_wait3A_1386 = arith.constant 0 : i32
        %dma_wait3A_1387 = arith.constant 0 : i32
        %dma_wait3A_1388 = arith.constant 0 : i32
        %dma_wait3A_1389 = tpu.memref_slice %arg4[%dma_wait3A_1373, %dma_wait3A_1374, %dma_wait3A_1375, %dma_wait3A_1386, %dma_wait3A_1387, %dma_wait3A_1388] : memref<20x32x8x8x8x128xf32, #tpu.memory_space<hbm>> -> memref<1x1x1x8x8x128xf32, #tpu.memory_space<hbm>>
        %dma_wait3A_1390 = tpu.memref_squeeze %dma_wait3A_1389 : memref<1x1x1x8x8x128xf32, #tpu.memory_space<hbm>> -> memref<8x8x128xf32, #tpu.memory_space<hbm>>
        %dma_wait3A_1391 = arith.constant 0 : i32
        %dma_wait3A_1392 = arith.constant 0 : i32
        %dma_wait3A_1393 = arith.constant 0 : i32
        %dma_wait3A_1394 = tpu.memref_slice %arg8[%dma_wait3A_1372, %dma_wait3A_1391, %dma_wait3A_1392, %dma_wait3A_1393] : memref<4x8x8x128xf32, #tpu.memory_space<vmem>> -> memref<1x8x8x128xf32, #tpu.memory_space<vmem>>
        %dma_wait3A_1395 = tpu.memref_squeeze %dma_wait3A_1394 : memref<1x8x8x128xf32, #tpu.memory_space<vmem>> -> memref<8x8x128xf32, #tpu.memory_space<vmem>>
        tpu.wait_dma2 semaphore(%arg10 : memref<!tpu.dma_semaphore, #tpu.memory_space<semaphore_mem>>) src(%dma_wait3A_1395 : memref<8x8x128xf32, #tpu.memory_space<vmem>>) dst(%dma_wait3A_1390 : memref<8x8x128xf32, #tpu.memory_space<hbm>>)
      } else {
      }
      %parallel_loop3A_1052 = arith.constant 0 : i32
      %parallel_loop3A_1053 = arith.constant 64 : i32
      %parallel_loop3A_1054 = arith.constant 1 : i32
      %parallel_loop3A_1055 = arith.constant 0 : i32
      scf.for %parallel_loop3A_1372 = %parallel_loop3A_1052 to %parallel_loop3A_1053 step %parallel_loop3A_1054  : i32 {
        %parallel_loop3A_1373 = arith.constant 8 : i32
        %parallel_loop3A_1374 = arith.divsi %parallel_loop3A_1372, %parallel_loop3A_1373 : i32
        %parallel_loop3A_1375 = arith.constant 8 : i32
        %parallel_loop3A_1376 = arith.remsi %parallel_loop3A_1372, %parallel_loop3A_1375 : i32
        %parallel_loop3A_1377 = arith.constant 16 : i32
        %parallel_loop3A_1378 = arith.muli %parallel_loop3A_1372, %parallel_loop3A_1377 : i32
        %parallel_loop3A_1379 = arith.index_cast %parallel_loop3A_1378 : i32 to index
        %parallel_loop3A_1380 = tpu.vector_load %arg7[%parallel_loop3A_1379] {strides = array<i32>} : memref<1024xi32, #tpu.memory_space<vmem>>, vector<16xi32>,
        %parallel_loop3A_1381 = arith.constant 0 : i32
        %parallel_loop3A_1382 = vector.broadcast %parallel_loop3A_1381 : i32 to vector<16xi32>
        %parallel_loop3A_1383 = arith.addi %parallel_loop3A_1380, %parallel_loop3A_1382 : vector<16xi32>
        %parallel_loop3A_1384 = tpu.vector_load_idx %arg5[%parallel_loop3A_1383] : memref<64000xf32, #tpu.memory_space<vmem>>[vector<16xi32>], vector<16xf32>,
        %parallel_loop3A_1385 = arith.constant 16 : i32
        %parallel_loop3A_1386 = arith.muli %parallel_loop3A_1376, %parallel_loop3A_1385 : i32
        %parallel_loop3A_1387 = arith.constant 0 : i32
        %parallel_loop3A_1388 = arith.constant 0 : i32
        %parallel_loop3A_1389 = arith.constant 0 : i32
        %parallel_loop3A_1390 = arith.constant 0 : i32
        %parallel_loop3A_1391 = tpu.memref_slice %arg8[%parallel_loop3A_1055, %parallel_loop3A_1388, %parallel_loop3A_1389, %parallel_loop3A_1390] : memref<4x8x8x128xf32, #tpu.memory_space<vmem>> -> memref<1x8x8x128xf32, #tpu.memory_space<vmem>>
        %parallel_loop3A_1392 = tpu.memref_squeeze %parallel_loop3A_1391 : memref<1x8x8x128xf32, #tpu.memory_space<vmem>> -> memref<8x8x128xf32, #tpu.memory_space<vmem>>
        %parallel_loop3A_1393 = arith.index_cast %parallel_loop3A_1374 : i32 to index
        %parallel_loop3A_1394 = arith.index_cast %parallel_loop3A_1387 : i32 to index
        %parallel_loop3A_1395 = arith.index_cast %parallel_loop3A_1386 : i32 to index
        %parallel_loop3A_1396 = tpu.vector_load %parallel_loop3A_1392[%parallel_loop3A_1393, %parallel_loop3A_1394, %parallel_loop3A_1395] {strides = array<i32>} : memref<8x8x128xf32, #tpu.memory_space<vmem>>, vector<16xf32>,
        tpu.vector_store %parallel_loop3A_1392[%parallel_loop3A_1393, %parallel_loop3A_1394, %parallel_loop3A_1395], %parallel_loop3A_1384 {strides = array<i32>} : memref<8x8x128xf32, #tpu.memory_space<vmem>>, vector<16xf32>,
        %parallel_loop3A_1397 = arith.constant 1000 : i32
        %parallel_loop3A_1398 = vector.broadcast %parallel_loop3A_1397 : i32 to vector<16xi32>
        %parallel_loop3A_1399 = arith.addi %parallel_loop3A_1380, %parallel_loop3A_1398 : vector<16xi32>
        %parallel_loop3A_1400 = tpu.vector_load_idx %arg5[%parallel_loop3A_1399] : memref<64000xf32, #tpu.memory_space<vmem>>[vector<16xi32>], vector<16xf32>,
        %parallel_loop3A_1401 = arith.constant 16 : i32
        %parallel_loop3A_1402 = arith.muli %parallel_loop3A_1376, %parallel_loop3A_1401 : i32
        %parallel_loop3A_1403 = arith.constant 1 : i32
        %parallel_loop3A_1404 = arith.constant 0 : i32
        %parallel_loop3A_1405 = arith.constant 0 : i32
        %parallel_loop3A_1406 = arith.constant 0 : i32
        %parallel_loop3A_1407 = tpu.memref_slice %arg8[%parallel_loop3A_1055, %parallel_loop3A_1404, %parallel_loop3A_1405, %parallel_loop3A_1406] : memref<4x8x8x128xf32, #tpu.memory_space<vmem>> -> memref<1x8x8x128xf32, #tpu.memory_space<vmem>>
        %parallel_loop3A_1408 = tpu.memref_squeeze %parallel_loop3A_1407 : memref<1x8x8x128xf32, #tpu.memory_space<vmem>> -> memref<8x8x128xf32, #tpu.memory_space<vmem>>
        %parallel_loop3A_1409 = arith.index_cast %parallel_loop3A_1374 : i32 to index
        %parallel_loop3A_1410 = arith.index_cast %parallel_loop3A_1403 : i32 to index
        %parallel_loop3A_1411 = arith.index_cast %parallel_loop3A_1402 : i32 to index
        %parallel_loop3A_1412 = tpu.vector_load %parallel_loop3A_1408[%parallel_loop3A_1409, %parallel_loop3A_1410, %parallel_loop3A_1411] {strides = array<i32>} : memref<8x8x128xf32, #tpu.memory_space<vmem>>, vector<16xf32>,
        tpu.vector_store %parallel_loop3A_1408[%parallel_loop3A_1409, %parallel_loop3A_1410, %parallel_loop3A_1411], %parallel_loop3A_1400 {strides = array<i32>} : memref<8x8x128xf32, #tpu.memory_space<vmem>>, vector<16xf32>,
        %parallel_loop3A_1413 = arith.constant 2000 : i32
        %parallel_loop3A_1414 = vector.broadcast %parallel_loop3A_1413 : i32 to vector<16xi32>
        %parallel_loop3A_1415 = arith.addi %parallel_loop3A_1380, %parallel_loop3A_1414 : vector<16xi32>
        %parallel_loop3A_1416 = tpu.vector_load_idx %arg5[%parallel_loop3A_1415] : memref<64000xf32, #tpu.memory_space<vmem>>[vector<16xi32>], vector<16xf32>,
        %parallel_loop3A_1417 = arith.constant 16 : i32
        %parallel_loop3A_1418 = arith.muli %parallel_loop3A_1376, %parallel_loop3A_1417 : i32
        %parallel_loop3A_1419 = arith.constant 2 : i32
        %parallel_loop3A_1420 = arith.constant 0 : i32
        %parallel_loop3A_1421 = arith.constant 0 : i32
        %parallel_loop3A_1422 = arith.constant 0 : i32
        %parallel_loop3A_1423 = tpu.memref_slice %arg8[%parallel_loop3A_1055, %parallel_loop3A_1420, %parallel_loop3A_1421, %parallel_loop3A_1422] : memref<4x8x8x128xf32, #tpu.memory_space<vmem>> -> memref<1x8x8x128xf32, #tpu.memory_space<vmem>>
        %parallel_loop3A_1424 = tpu.memref_squeeze %parallel_loop3A_1423 : memref<1x8x8x128xf32, #tpu.memory_space<vmem>> -> memref<8x8x128xf32, #tpu.memory_space<vmem>>
        %parallel_loop3A_1425 = arith.index_cast %parallel_loop3A_1374 : i32 to index
        %parallel_loop3A_1426 = arith.index_cast %parallel_loop3A_1419 : i32 to index
        %parallel_loop3A_1427 = arith.index_cast %parallel_loop3A_1418 : i32 to index
        %parallel_loop3A_1428 = tpu.vector_load %parallel_loop3A_1424[%parallel_loop3A_1425, %parallel_loop3A_1426, %parallel_loop3A_1427] {strides = array<i32>} : memref<8x8x128xf32, #tpu.memory_space<vmem>>, vector<16xf32>,
        tpu.vector_store %parallel_loop3A_1424[%parallel_loop3A_1425, %parallel_loop3A_1426, %parallel_loop3A_1427], %parallel_loop3A_1416 {strides = array<i32>} : memref<8x8x128xf32, #tpu.memory_space<vmem>>, vector<16xf32>,
        %parallel_loop3A_1429 = arith.constant 3000 : i32
        %parallel_loop3A_1430 = vector.broadcast %parallel_loop3A_1429 : i32 to vector<16xi32>
        %parallel_loop3A_1431 = arith.addi %parallel_loop3A_1380, %parallel_loop3A_1430 : vector<16xi32>
        %parallel_loop3A_1432 = tpu.vector_load_idx %arg5[%parallel_loop3A_1431] : memref<64000xf32, #tpu.memory_space<vmem>>[vector<16xi32>], vector<16xf32>,
        %parallel_loop3A_1433 = arith.constant 16 : i32
        %parallel_loop3A_1434 = arith.muli %parallel_loop3A_1376, %parallel_loop3A_1433 : i32
        %parallel_loop3A_1435 = arith.constant 3 : i32
        %parallel_loop3A_1436 = arith.constant 0 : i32
        %parallel_loop3A_1437 = arith.constant 0 : i32
        %parallel_loop3A_1438 = arith.constant 0 : i32
        %parallel_loop3A_1439 = tpu.memref_slice %arg8[%parallel_loop3A_1055, %parallel_loop3A_1436, %parallel_loop3A_1437, %parallel_loop3A_1438] : memref<4x8x8x128xf32, #tpu.memory_space<vmem>> -> memref<1x8x8x128xf32, #tpu.memory_space<vmem>>
        %parallel_loop3A_1440 = tpu.memref_squeeze %parallel_loop3A_1439 : memref<1x8x8x128xf32, #tpu.memory_space<vmem>> -> memref<8x8x128xf32, #tpu.memory_space<vmem>>
        %parallel_loop3A_1441 = arith.index_cast %parallel_loop3A_1374 : i32 to index
        %parallel_loop3A_1442 = arith.index_cast %parallel_loop3A_1435 : i32 to index
        %parallel_loop3A_1443 = arith.index_cast %parallel_loop3A_1434 : i32 to index
        %parallel_loop3A_1444 = tpu.vector_load %parallel_loop3A_1440[%parallel_loop3A_1441, %parallel_loop3A_1442, %parallel_loop3A_1443] {strides = array<i32>} : memref<8x8x128xf32, #tpu.memory_space<vmem>>, vector<16xf32>,
        tpu.vector_store %parallel_loop3A_1440[%parallel_loop3A_1441, %parallel_loop3A_1442, %parallel_loop3A_1443], %parallel_loop3A_1432 {strides = array<i32>} : memref<8x8x128xf32, #tpu.memory_space<vmem>>, vector<16xf32>,
        %parallel_loop3A_1445 = arith.constant 4000 : i32
        %parallel_loop3A_1446 = vector.broadcast %parallel_loop3A_1445 : i32 to vector<16xi32>
        %parallel_loop3A_1447 = arith.addi %parallel_loop3A_1380, %parallel_loop3A_1446 : vector<16xi32>
        %parallel_loop3A_1448 = tpu.vector_load_idx %arg5[%parallel_loop3A_1447] : memref<64000xf32, #tpu.memory_space<vmem>>[vector<16xi32>], vector<16xf32>,
        %parallel_loop3A_1449 = arith.constant 16 : i32
        %parallel_loop3A_1450 = arith.muli %parallel_loop3A_1376, %parallel_loop3A_1449 : i32
        %parallel_loop3A_1451 = arith.constant 4 : i32
        %parallel_loop3A_1452 = arith.constant 0 : i32
        %parallel_loop3A_1453 = arith.constant 0 : i32
        %parallel_loop3A_1454 = arith.constant 0 : i32
        %parallel_loop3A_1455 = tpu.memref_slice %arg8[%parallel_loop3A_1055, %parallel_loop3A_1452, %parallel_loop3A_1453, %parallel_loop3A_1454] : memref<4x8x8x128xf32, #tpu.memory_space<vmem>> -> memref<1x8x8x128xf32, #tpu.memory_space<vmem>>
        %parallel_loop3A_1456 = tpu.memref_squeeze %parallel_loop3A_1455 : memref<1x8x8x128xf32, #tpu.memory_space<vmem>> -> memref<8x8x128xf32, #tpu.memory_space<vmem>>
        %parallel_loop3A_1457 = arith.index_cast %parallel_loop3A_1374 : i32 to index
        %parallel_loop3A_1458 = arith.index_cast %parallel_loop3A_1451 : i32 to index
        %parallel_loop3A_1459 = arith.index_cast %parallel_loop3A_1450 : i32 to index
        %parallel_loop3A_1460 = tpu.vector_load %parallel_loop3A_1456[%parallel_loop3A_1457, %parallel_loop3A_1458, %parallel_loop3A_1459] {strides = array<i32>} : memref<8x8x128xf32, #tpu.memory_space<vmem>>, vector<16xf32>,
        tpu.vector_store %parallel_loop3A_1456[%parallel_loop3A_1457, %parallel_loop3A_1458, %parallel_loop3A_1459], %parallel_loop3A_1448 {strides = array<i32>} : memref<8x8x128xf32, #tpu.memory_space<vmem>>, vector<16xf32>,
        %parallel_loop3A_1461 = arith.constant 5000 : i32
        %parallel_loop3A_1462 = vector.broadcast %parallel_loop3A_1461 : i32 to vector<16xi32>
        %parallel_loop3A_1463 = arith.addi %parallel_loop3A_1380, %parallel_loop3A_1462 : vector<16xi32>
        %parallel_loop3A_1464 = tpu.vector_load_idx %arg5[%parallel_loop3A_1463] : memref<64000xf32, #tpu.memory_space<vmem>>[vector<16xi32>], vector<16xf32>,
        %parallel_loop3A_1465 = arith.constant 16 : i32
        %parallel_loop3A_1466 = arith.muli %parallel_loop3A_1376, %parallel_loop3A_1465 : i32
        %parallel_loop3A_1467 = arith.constant 5 : i32
        %parallel_loop3A_1468 = arith.constant 0 : i32
        %parallel_loop3A_1469 = arith.constant 0 : i32
        %parallel_loop3A_1470 = arith.constant 0 : i32
        %parallel_loop3A_1471 = tpu.memref_slice %arg8[%parallel_loop3A_1055, %parallel_loop3A_1468, %parallel_loop3A_1469, %parallel_loop3A_1470] : memref<4x8x8x128xf32, #tpu.memory_space<vmem>> -> memref<1x8x8x128xf32, #tpu.memory_space<vmem>>
        %parallel_loop3A_1472 = tpu.memref_squeeze %parallel_loop3A_1471 : memref<1x8x8x128xf32, #tpu.memory_space<vmem>> -> memref<8x8x128xf32, #tpu.memory_space<vmem>>
        %parallel_loop3A_1473 = arith.index_cast %parallel_loop3A_1374 : i32 to index
        %parallel_loop3A_1474 = arith.index_cast %parallel_loop3A_1467 : i32 to index
        %parallel_loop3A_1475 = arith.index_cast %parallel_loop3A_1466 : i32 to index
        %parallel_loop3A_1476 = tpu.vector_load %parallel_loop3A_1472[%parallel_loop3A_1473, %parallel_loop3A_1474, %parallel_loop3A_1475] {strides = array<i32>} : memref<8x8x128xf32, #tpu.memory_space<vmem>>, vector<16xf32>,
        tpu.vector_store %parallel_loop3A_1472[%parallel_loop3A_1473, %parallel_loop3A_1474, %parallel_loop3A_1475], %parallel_loop3A_1464 {strides = array<i32>} : memref<8x8x128xf32, #tpu.memory_space<vmem>>, vector<16xf32>,
        %parallel_loop3A_1477 = arith.constant 6000 : i32
        %parallel_loop3A_1478 = vector.broadcast %parallel_loop3A_1477 : i32 to vector<16xi32>
        %parallel_loop3A_1479 = arith.addi %parallel_loop3A_1380, %parallel_loop3A_1478 : vector<16xi32>
        %parallel_loop3A_1480 = tpu.vector_load_idx %arg5[%parallel_loop3A_1479] : memref<64000xf32, #tpu.memory_space<vmem>>[vector<16xi32>], vector<16xf32>,
        %parallel_loop3A_1481 = arith.constant 16 : i32
        %parallel_loop3A_1482 = arith.muli %parallel_loop3A_1376, %parallel_loop3A_1481 : i32
        %parallel_loop3A_1483 = arith.constant 6 : i32
        %parallel_loop3A_1484 = arith.constant 0 : i32
        %parallel_loop3A_1485 = arith.constant 0 : i32
        %parallel_loop3A_1486 = arith.constant 0 : i32
        %parallel_loop3A_1487 = tpu.memref_slice %arg8[%parallel_loop3A_1055, %parallel_loop3A_1484, %parallel_loop3A_1485, %parallel_loop3A_1486] : memref<4x8x8x128xf32, #tpu.memory_space<vmem>> -> memref<1x8x8x128xf32, #tpu.memory_space<vmem>>
        %parallel_loop3A_1488 = tpu.memref_squeeze %parallel_loop3A_1487 : memref<1x8x8x128xf32, #tpu.memory_space<vmem>> -> memref<8x8x128xf32, #tpu.memory_space<vmem>>
        %parallel_loop3A_1489 = arith.index_cast %parallel_loop3A_1374 : i32 to index
        %parallel_loop3A_1490 = arith.index_cast %parallel_loop3A_1483 : i32 to index
        %parallel_loop3A_1491 = arith.index_cast %parallel_loop3A_1482 : i32 to index
        %parallel_loop3A_1492 = tpu.vector_load %parallel_loop3A_1488[%parallel_loop3A_1489, %parallel_loop3A_1490, %parallel_loop3A_1491] {strides = array<i32>} : memref<8x8x128xf32, #tpu.memory_space<vmem>>, vector<16xf32>,
        tpu.vector_store %parallel_loop3A_1488[%parallel_loop3A_1489, %parallel_loop3A_1490, %parallel_loop3A_1491], %parallel_loop3A_1480 {strides = array<i32>} : memref<8x8x128xf32, #tpu.memory_space<vmem>>, vector<16xf32>,
        %parallel_loop3A_1493 = arith.constant 7000 : i32
        %parallel_loop3A_1494 = vector.broadcast %parallel_loop3A_1493 : i32 to vector<16xi32>
        %parallel_loop3A_1495 = arith.addi %parallel_loop3A_1380, %parallel_loop3A_1494 : vector<16xi32>
        %parallel_loop3A_1496 = tpu.vector_load_idx %arg5[%parallel_loop3A_1495] : memref<64000xf32, #tpu.memory_space<vmem>>[vector<16xi32>], vector<16xf32>,
        %parallel_loop3A_1497 = arith.constant 16 : i32
        %parallel_loop3A_1498 = arith.muli %parallel_loop3A_1376, %parallel_loop3A_1497 : i32
        %parallel_loop3A_1499 = arith.constant 7 : i32
        %parallel_loop3A_1500 = arith.constant 0 : i32
        %parallel_loop3A_1501 = arith.constant 0 : i32
        %parallel_loop3A_1502 = arith.constant 0 : i32
        %parallel_loop3A_1503 = tpu.memref_slice %arg8[%parallel_loop3A_1055, %parallel_loop3A_1500, %parallel_loop3A_1501, %parallel_loop3A_1502] : memref<4x8x8x128xf32, #tpu.memory_space<vmem>> -> memref<1x8x8x128xf32, #tpu.memory_space<vmem>>
        %parallel_loop3A_1504 = tpu.memref_squeeze %parallel_loop3A_1503 : memref<1x8x8x128xf32, #tpu.memory_space<vmem>> -> memref<8x8x128xf32, #tpu.memory_space<vmem>>
        %parallel_loop3A_1505 = arith.index_cast %parallel_loop3A_1374 : i32 to index
        %parallel_loop3A_1506 = arith.index_cast %parallel_loop3A_1499 : i32 to index
        %parallel_loop3A_1507 = arith.index_cast %parallel_loop3A_1498 : i32 to index
        %parallel_loop3A_1508 = tpu.vector_load %parallel_loop3A_1504[%parallel_loop3A_1505, %parallel_loop3A_1506, %parallel_loop3A_1507] {strides = array<i32>} : memref<8x8x128xf32, #tpu.memory_space<vmem>>, vector<16xf32>,
        tpu.vector_store %parallel_loop3A_1504[%parallel_loop3A_1505, %parallel_loop3A_1506, %parallel_loop3A_1507], %parallel_loop3A_1496 {strides = array<i32>} : memref<8x8x128xf32, #tpu.memory_space<vmem>>, vector<16xf32>,
      } {sc.loop_unroll_factor = 2 : i64, sc.parallel_access}
      %dma_start3A_1056 = arith.constant 0 : i32
      %dma_start3A_1057 = arith.constant 0 : i32
      %dma_start3A_1058 = arith.constant 0 : i32
      %dma_start3A_1059 = arith.constant 0 : i32
      %dma_start3A_1060 = arith.constant 0 : i32
      %dma_start3A_1061 = tpu.memref_slice %arg8[%dma_start3A_1056, %dma_start3A_1058, %dma_start3A_1059, %dma_start3A_1060] : memref<4x8x8x128xf32, #tpu.memory_space<vmem>> -> memref<1x8x8x128xf32, #tpu.memory_space<vmem>>
      %dma_start3A_1062 = tpu.memref_squeeze %dma_start3A_1061 : memref<1x8x8x128xf32, #tpu.memory_space<vmem>> -> memref<8x8x128xf32, #tpu.memory_space<vmem>>
      %dma_start3A_1063 = arith.constant 0 : i32
      %dma_start3A_1064 = arith.constant 0 : i32
      %dma_start3A_1065 = arith.constant 0 : i32
      %dma_start3A_1066 = tpu.memref_slice %arg4[%div3A_1045, %rem3A_1047, %dma_start3A_1057, %dma_start3A_1063, %dma_start3A_1064, %dma_start3A_1065] : memref<20x32x8x8x8x128xf32, #tpu.memory_space<hbm>> -> memref<1x1x1x8x8x128xf32, #tpu.memory_space<hbm>>
      %dma_start3A_1067 = tpu.memref_squeeze %dma_start3A_1066 : memref<1x1x1x8x8x128xf32, #tpu.memory_space<hbm>> -> memref<8x8x128xf32, #tpu.memory_space<hbm>>
      %dma_start3A_1068 = arith.constant 0 : i32
      %dma_start3A_1069 = arith.constant 0 : i32
      %dma_start3A_1070 = arith.constant 0 : i32
      %dma_start3A_1071 = tpu.memref_slice %arg4[%div3A_1045, %rem3A_1047, %dma_start3A_1057, %dma_start3A_1068, %dma_start3A_1069, %dma_start3A_1070] : memref<20x32x8x8x8x128xf32, #tpu.memory_space<hbm>> -> memref<1x1x1x8x8x128xf32, #tpu.memory_space<hbm>>
      %dma_start3A_1072 = tpu.memref_squeeze %dma_start3A_1071 : memref<1x1x1x8x8x128xf32, #tpu.memory_space<hbm>> -> memref<8x8x128xf32, #tpu.memory_space<hbm>>
      %dma_start3A_1073 = arith.constant 0 : i32
      %dma_start3A_1074 = arith.constant 0 : i32
      %dma_start3A_1075 = arith.constant 0 : i32
      %dma_start3A_1076 = tpu.memref_slice %arg8[%dma_start3A_1056, %dma_start3A_1073, %dma_start3A_1074, %dma_start3A_1075] : memref<4x8x8x128xf32, #tpu.memory_space<vmem>> -> memref<1x8x8x128xf32, #tpu.memory_space<vmem>>
      %dma_start3A_1077 = tpu.memref_squeeze %dma_start3A_1076 : memref<1x8x8x128xf32, #tpu.memory_space<vmem>> -> memref<8x8x128xf32, #tpu.memory_space<vmem>>
      tpu.enqueue_dma source(%dma_start3A_1077 : memref<8x8x128xf32, #tpu.memory_space<vmem>>) target(%dma_start3A_1072 : memref<8x8x128xf32, #tpu.memory_space<hbm>>) target_semaphore(%arg10 : memref<!tpu.dma_semaphore, #tpu.memory_space<semaphore_mem>>)
      %gt3A_1078 = arith.constant 0 : i32
      %gt3A_1079 = arith.cmpi sgt, %scan3A_1041, %gt3A_1078 : i32
      %convert_element_type3A_1080 = arith.extui %gt3A_1079 : i1 to i32
      %cond3A_1081 = arith.constant 0 : i32
      %cond3A_1082 = arith.cmpi ne, %convert_element_type3A_1080, %cond3A_1081 : i32
      scf.if %cond3A_1082 {
        %dma_wait3A_1372 = arith.constant 0 : i32
        %dma_wait3A_1373 = arith.constant 0 : i32
        %dma_wait3A_1374 = arith.constant 0 : i32
        %dma_wait3A_1375 = arith.constant 0 : i32
        %dma_wait3A_1376 = arith.constant 0 : i32
        %dma_wait3A_1377 = arith.constant 0 : i32
        %dma_wait3A_1378 = arith.constant 0 : i32
        %dma_wait3A_1379 = tpu.memref_slice %arg8[%dma_wait3A_1372, %dma_wait3A_1376, %dma_wait3A_1377, %dma_wait3A_1378] : memref<4x8x8x128xf32, #tpu.memory_space<vmem>> -> memref<1x8x8x128xf32, #tpu.memory_space<vmem>>
        %dma_wait3A_1380 = tpu.memref_squeeze %dma_wait3A_1379 : memref<1x8x8x128xf32, #tpu.memory_space<vmem>> -> memref<8x8x128xf32, #tpu.memory_space<vmem>>
        %dma_wait3A_1381 = arith.constant 0 : i32
        %dma_wait3A_1382 = arith.constant 0 : i32
        %dma_wait3A_1383 = arith.constant 0 : i32
        %dma_wait3A_1384 = tpu.memref_slice %arg4[%dma_wait3A_1373, %dma_wait3A_1374, %dma_wait3A_1375, %dma_wait3A_1381, %dma_wait3A_1382, %dma_wait3A_1383] : memref<20x32x8x8x8x128xf32, #tpu.memory_space<hbm>> -> memref<1x1x1x8x8x128xf32, #tpu.memory_space<hbm>>
        %dma_wait3A_1385 = tpu.memref_squeeze %dma_wait3A_1384 : memref<1x1x1x8x8x128xf32, #tpu.memory_space<hbm>> -> memref<8x8x128xf32, #tpu.memory_space<hbm>>
        %dma_wait3A_1386 = arith.constant 0 : i32
        %dma_wait3A_1387 = arith.constant 0 : i32
        %dma_wait3A_1388 = arith.constant 0 : i32
        %dma_wait3A_1389 = tpu.memref_slice %arg4[%dma_wait3A_1373, %dma_wait3A_1374, %dma_wait3A_1375, %dma_wait3A_1386, %dma_wait3A_1387, %dma_wait3A_1388] : memref<20x32x8x8x8x128xf32, #tpu.memory_space<hbm>> -> memref<1x1x1x8x8x128xf32, #tpu.memory_space<hbm>>
        %dma_wait3A_1390 = tpu.memref_squeeze %dma_wait3A_1389 : memref<1x1x1x8x8x128xf32, #tpu.memory_space<hbm>> -> memref<8x8x128xf32, #tpu.memory_space<hbm>>
        %dma_wait3A_1391 = arith.constant 0 : i32
        %dma_wait3A_1392 = arith.constant 0 : i32
        %dma_wait3A_1393 = arith.constant 0 : i32
        %dma_wait3A_1394 = tpu.memref_slice %arg8[%dma_wait3A_1372, %dma_wait3A_1391, %dma_wait3A_1392, %dma_wait3A_1393] : memref<4x8x8x128xf32, #tpu.memory_space<vmem>> -> memref<1x8x8x128xf32, #tpu.memory_space<vmem>>
        %dma_wait3A_1395 = tpu.memref_squeeze %dma_wait3A_1394 : memref<1x8x8x128xf32, #tpu.memory_space<vmem>> -> memref<8x8x128xf32, #tpu.memory_space<vmem>>
        tpu.wait_dma2 semaphore(%arg10 : memref<!tpu.dma_semaphore, #tpu.memory_space<semaphore_mem>>) src(%dma_wait3A_1395 : memref<8x8x128xf32, #tpu.memory_space<vmem>>) dst(%dma_wait3A_1390 : memref<8x8x128xf32, #tpu.memory_space<hbm>>)
      } else {
      }
      %parallel_loop3A_1083 = arith.constant 0 : i32
      %parallel_loop3A_1084 = arith.constant 64 : i32
      %parallel_loop3A_1085 = arith.constant 1 : i32
      %parallel_loop3A_1086 = arith.constant 1 : i32
      scf.for %parallel_loop3A_1372 = %parallel_loop3A_1083 to %parallel_loop3A_1084 step %parallel_loop3A_1085  : i32 {
        %parallel_loop3A_1373 = arith.constant 8 : i32
        %parallel_loop3A_1374 = arith.divsi %parallel_loop3A_1372, %parallel_loop3A_1373 : i32
        %parallel_loop3A_1375 = arith.constant 8 : i32
        %parallel_loop3A_1376 = arith.remsi %parallel_loop3A_1372, %parallel_loop3A_1375 : i32
        %parallel_loop3A_1377 = arith.constant 16 : i32
        %parallel_loop3A_1378 = arith.muli %parallel_loop3A_1372, %parallel_loop3A_1377 : i32
        %parallel_loop3A_1379 = arith.index_cast %parallel_loop3A_1378 : i32 to index
        %parallel_loop3A_1380 = tpu.vector_load %arg7[%parallel_loop3A_1379] {strides = array<i32>} : memref<1024xi32, #tpu.memory_space<vmem>>, vector<16xi32>,
        %parallel_loop3A_1381 = arith.constant 8000 : i32
        %parallel_loop3A_1382 = vector.broadcast %parallel_loop3A_1381 : i32 to vector<16xi32>
        %parallel_loop3A_1383 = arith.addi %parallel_loop3A_1380, %parallel_loop3A_1382 : vector<16xi32>
        %parallel_loop3A_1384 = tpu.vector_load_idx %arg5[%parallel_loop3A_1383] : memref<64000xf32, #tpu.memory_space<vmem>>[vector<16xi32>], vector<16xf32>,
        %parallel_loop3A_1385 = arith.constant 16 : i32
        %parallel_loop3A_1386 = arith.muli %parallel_loop3A_1376, %parallel_loop3A_1385 : i32
        %parallel_loop3A_1387 = arith.constant 0 : i32
        %parallel_loop3A_1388 = arith.constant 0 : i32
        %parallel_loop3A_1389 = arith.constant 0 : i32
        %parallel_loop3A_1390 = arith.constant 0 : i32
        %parallel_loop3A_1391 = tpu.memref_slice %arg8[%parallel_loop3A_1086, %parallel_loop3A_1388, %parallel_loop3A_1389, %parallel_loop3A_1390] : memref<4x8x8x128xf32, #tpu.memory_space<vmem>> -> memref<1x8x8x128xf32, #tpu.memory_space<vmem>>
        %parallel_loop3A_1392 = tpu.memref_squeeze %parallel_loop3A_1391 : memref<1x8x8x128xf32, #tpu.memory_space<vmem>> -> memref<8x8x128xf32, #tpu.memory_space<vmem>>
        %parallel_loop3A_1393 = arith.index_cast %parallel_loop3A_1374 : i32 to index
        %parallel_loop3A_1394 = arith.index_cast %parallel_loop3A_1387 : i32 to index
        %parallel_loop3A_1395 = arith.index_cast %parallel_loop3A_1386 : i32 to index
        %parallel_loop3A_1396 = tpu.vector_load %parallel_loop3A_1392[%parallel_loop3A_1393, %parallel_loop3A_1394, %parallel_loop3A_1395] {strides = array<i32>} : memref<8x8x128xf32, #tpu.memory_space<vmem>>, vector<16xf32>,
        tpu.vector_store %parallel_loop3A_1392[%parallel_loop3A_1393, %parallel_loop3A_1394, %parallel_loop3A_1395], %parallel_loop3A_1384 {strides = array<i32>} : memref<8x8x128xf32, #tpu.memory_space<vmem>>, vector<16xf32>,
        %parallel_loop3A_1397 = arith.constant 9000 : i32
        %parallel_loop3A_1398 = vector.broadcast %parallel_loop3A_1397 : i32 to vector<16xi32>
        %parallel_loop3A_1399 = arith.addi %parallel_loop3A_1380, %parallel_loop3A_1398 : vector<16xi32>
        %parallel_loop3A_1400 = tpu.vector_load_idx %arg5[%parallel_loop3A_1399] : memref<64000xf32, #tpu.memory_space<vmem>>[vector<16xi32>], vector<16xf32>,
        %parallel_loop3A_1401 = arith.constant 16 : i32
        %parallel_loop3A_1402 = arith.muli %parallel_loop3A_1376, %parallel_loop3A_1401 : i32
        %parallel_loop3A_1403 = arith.constant 1 : i32
        %parallel_loop3A_1404 = arith.constant 0 : i32
        %parallel_loop3A_1405 = arith.constant 0 : i32
        %parallel_loop3A_1406 = arith.constant 0 : i32
        %parallel_loop3A_1407 = tpu.memref_slice %arg8[%parallel_loop3A_1086, %parallel_loop3A_1404, %parallel_loop3A_1405, %parallel_loop3A_1406] : memref<4x8x8x128xf32, #tpu.memory_space<vmem>> -> memref<1x8x8x128xf32, #tpu.memory_space<vmem>>
        %parallel_loop3A_1408 = tpu.memref_squeeze %parallel_loop3A_1407 : memref<1x8x8x128xf32, #tpu.memory_space<vmem>> -> memref<8x8x128xf32, #tpu.memory_space<vmem>>
        %parallel_loop3A_1409 = arith.index_cast %parallel_loop3A_1374 : i32 to index
        %parallel_loop3A_1410 = arith.index_cast %parallel_loop3A_1403 : i32 to index
        %parallel_loop3A_1411 = arith.index_cast %parallel_loop3A_1402 : i32 to index
        %parallel_loop3A_1412 = tpu.vector_load %parallel_loop3A_1408[%parallel_loop3A_1409, %parallel_loop3A_1410, %parallel_loop3A_1411] {strides = array<i32>} : memref<8x8x128xf32, #tpu.memory_space<vmem>>, vector<16xf32>,
        tpu.vector_store %parallel_loop3A_1408[%parallel_loop3A_1409, %parallel_loop3A_1410, %parallel_loop3A_1411], %parallel_loop3A_1400 {strides = array<i32>} : memref<8x8x128xf32, #tpu.memory_space<vmem>>, vector<16xf32>,
        %parallel_loop3A_1413 = arith.constant 10000 : i32
        %parallel_loop3A_1414 = vector.broadcast %parallel_loop3A_1413 : i32 to vector<16xi32>
        %parallel_loop3A_1415 = arith.addi %parallel_loop3A_1380, %parallel_loop3A_1414 : vector<16xi32>
        %parallel_loop3A_1416 = tpu.vector_load_idx %arg5[%parallel_loop3A_1415] : memref<64000xf32, #tpu.memory_space<vmem>>[vector<16xi32>], vector<16xf32>,
        %parallel_loop3A_1417 = arith.constant 16 : i32
        %parallel_loop3A_1418 = arith.muli %parallel_loop3A_1376, %parallel_loop3A_1417 : i32
        %parallel_loop3A_1419 = arith.constant 2 : i32
        %parallel_loop3A_1420 = arith.constant 0 : i32
        %parallel_loop3A_1421 = arith.constant 0 : i32
        %parallel_loop3A_1422 = arith.constant 0 : i32
        %parallel_loop3A_1423 = tpu.memref_slice %arg8[%parallel_loop3A_1086, %parallel_loop3A_1420, %parallel_loop3A_1421, %parallel_loop3A_1422] : memref<4x8x8x128xf32, #tpu.memory_space<vmem>> -> memref<1x8x8x128xf32, #tpu.memory_space<vmem>>
        %parallel_loop3A_1424 = tpu.memref_squeeze %parallel_loop3A_1423 : memref<1x8x8x128xf32, #tpu.memory_space<vmem>> -> memref<8x8x128xf32, #tpu.memory_space<vmem>>
        %parallel_loop3A_1425 = arith.index_cast %parallel_loop3A_1374 : i32 to index
        %parallel_loop3A_1426 = arith.index_cast %parallel_loop3A_1419 : i32 to index
        %parallel_loop3A_1427 = arith.index_cast %parallel_loop3A_1418 : i32 to index
        %parallel_loop3A_1428 = tpu.vector_load %parallel_loop3A_1424[%parallel_loop3A_1425, %parallel_loop3A_1426, %parallel_loop3A_1427] {strides = array<i32>} : memref<8x8x128xf32, #tpu.memory_space<vmem>>, vector<16xf32>,
        tpu.vector_store %parallel_loop3A_1424[%parallel_loop3A_1425, %parallel_loop3A_1426, %parallel_loop3A_1427], %parallel_loop3A_1416 {strides = array<i32>} : memref<8x8x128xf32, #tpu.memory_space<vmem>>, vector<16xf32>,
        %parallel_loop3A_1429 = arith.constant 11000 : i32
        %parallel_loop3A_1430 = vector.broadcast %parallel_loop3A_1429 : i32 to vector<16xi32>
        %parallel_loop3A_1431 = arith.addi %parallel_loop3A_1380, %parallel_loop3A_1430 : vector<16xi32>
        %parallel_loop3A_1432 = tpu.vector_load_idx %arg5[%parallel_loop3A_1431] : memref<64000xf32, #tpu.memory_space<vmem>>[vector<16xi32>], vector<16xf32>,
        %parallel_loop3A_1433 = arith.constant 16 : i32
        %parallel_loop3A_1434 = arith.muli %parallel_loop3A_1376, %parallel_loop3A_1433 : i32
        %parallel_loop3A_1435 = arith.constant 3 : i32
        %parallel_loop3A_1436 = arith.constant 0 : i32
        %parallel_loop3A_1437 = arith.constant 0 : i32
        %parallel_loop3A_1438 = arith.constant 0 : i32
        %parallel_loop3A_1439 = tpu.memref_slice %arg8[%parallel_loop3A_1086, %parallel_loop3A_1436, %parallel_loop3A_1437, %parallel_loop3A_1438] : memref<4x8x8x128xf32, #tpu.memory_space<vmem>> -> memref<1x8x8x128xf32, #tpu.memory_space<vmem>>
        %parallel_loop3A_1440 = tpu.memref_squeeze %parallel_loop3A_1439 : memref<1x8x8x128xf32, #tpu.memory_space<vmem>> -> memref<8x8x128xf32, #tpu.memory_space<vmem>>
        %parallel_loop3A_1441 = arith.index_cast %parallel_loop3A_1374 : i32 to index
        %parallel_loop3A_1442 = arith.index_cast %parallel_loop3A_1435 : i32 to index
        %parallel_loop3A_1443 = arith.index_cast %parallel_loop3A_1434 : i32 to index
        %parallel_loop3A_1444 = tpu.vector_load %parallel_loop3A_1440[%parallel_loop3A_1441, %parallel_loop3A_1442, %parallel_loop3A_1443] {strides = array<i32>} : memref<8x8x128xf32, #tpu.memory_space<vmem>>, vector<16xf32>,
        tpu.vector_store %parallel_loop3A_1440[%parallel_loop3A_1441, %parallel_loop3A_1442, %parallel_loop3A_1443], %parallel_loop3A_1432 {strides = array<i32>} : memref<8x8x128xf32, #tpu.memory_space<vmem>>, vector<16xf32>,
        %parallel_loop3A_1445 = arith.constant 12000 : i32
        %parallel_loop3A_1446 = vector.broadcast %parallel_loop3A_1445 : i32 to vector<16xi32>
        %parallel_loop3A_1447 = arith.addi %parallel_loop3A_1380, %parallel_loop3A_1446 : vector<16xi32>
        %parallel_loop3A_1448 = tpu.vector_load_idx %arg5[%parallel_loop3A_1447] : memref<64000xf32, #tpu.memory_space<vmem>>[vector<16xi32>], vector<16xf32>,
        %parallel_loop3A_1449 = arith.constant 16 : i32
        %parallel_loop3A_1450 = arith.muli %parallel_loop3A_1376, %parallel_loop3A_1449 : i32
        %parallel_loop3A_1451 = arith.constant 4 : i32
        %parallel_loop3A_1452 = arith.constant 0 : i32
        %parallel_loop3A_1453 = arith.constant 0 : i32
        %parallel_loop3A_1454 = arith.constant 0 : i32
        %parallel_loop3A_1455 = tpu.memref_slice %arg8[%parallel_loop3A_1086, %parallel_loop3A_1452, %parallel_loop3A_1453, %parallel_loop3A_1454] : memref<4x8x8x128xf32, #tpu.memory_space<vmem>> -> memref<1x8x8x128xf32, #tpu.memory_space<vmem>>
        %parallel_loop3A_1456 = tpu.memref_squeeze %parallel_loop3A_1455 : memref<1x8x8x128xf32, #tpu.memory_space<vmem>> -> memref<8x8x128xf32, #tpu.memory_space<vmem>>
        %parallel_loop3A_1457 = arith.index_cast %parallel_loop3A_1374 : i32 to index
        %parallel_loop3A_1458 = arith.index_cast %parallel_loop3A_1451 : i32 to index
        %parallel_loop3A_1459 = arith.index_cast %parallel_loop3A_1450 : i32 to index
        %parallel_loop3A_1460 = tpu.vector_load %parallel_loop3A_1456[%parallel_loop3A_1457, %parallel_loop3A_1458, %parallel_loop3A_1459] {strides = array<i32>} : memref<8x8x128xf32, #tpu.memory_space<vmem>>, vector<16xf32>,
        tpu.vector_store %parallel_loop3A_1456[%parallel_loop3A_1457, %parallel_loop3A_1458, %parallel_loop3A_1459], %parallel_loop3A_1448 {strides = array<i32>} : memref<8x8x128xf32, #tpu.memory_space<vmem>>, vector<16xf32>,
        %parallel_loop3A_1461 = arith.constant 13000 : i32
        %parallel_loop3A_1462 = vector.broadcast %parallel_loop3A_1461 : i32 to vector<16xi32>
        %parallel_loop3A_1463 = arith.addi %parallel_loop3A_1380, %parallel_loop3A_1462 : vector<16xi32>
        %parallel_loop3A_1464 = tpu.vector_load_idx %arg5[%parallel_loop3A_1463] : memref<64000xf32, #tpu.memory_space<vmem>>[vector<16xi32>], vector<16xf32>,
        %parallel_loop3A_1465 = arith.constant 16 : i32
        %parallel_loop3A_1466 = arith.muli %parallel_loop3A_1376, %parallel_loop3A_1465 : i32
        %parallel_loop3A_1467 = arith.constant 5 : i32
        %parallel_loop3A_1468 = arith.constant 0 : i32
        %parallel_loop3A_1469 = arith.constant 0 : i32
        %parallel_loop3A_1470 = arith.constant 0 : i32
        %parallel_loop3A_1471 = tpu.memref_slice %arg8[%parallel_loop3A_1086, %parallel_loop3A_1468, %parallel_loop3A_1469, %parallel_loop3A_1470] : memref<4x8x8x128xf32, #tpu.memory_space<vmem>> -> memref<1x8x8x128xf32, #tpu.memory_space<vmem>>
        %parallel_loop3A_1472 = tpu.memref_squeeze %parallel_loop3A_1471 : memref<1x8x8x128xf32, #tpu.memory_space<vmem>> -> memref<8x8x128xf32, #tpu.memory_space<vmem>>
        %parallel_loop3A_1473 = arith.index_cast %parallel_loop3A_1374 : i32 to index
        %parallel_loop3A_1474 = arith.index_cast %parallel_loop3A_1467 : i32 to index
        %parallel_loop3A_1475 = arith.index_cast %parallel_loop3A_1466 : i32 to index
        %parallel_loop3A_1476 = tpu.vector_load %parallel_loop3A_1472[%parallel_loop3A_1473, %parallel_loop3A_1474, %parallel_loop3A_1475] {strides = array<i32>} : memref<8x8x128xf32, #tpu.memory_space<vmem>>, vector<16xf32>,
        tpu.vector_store %parallel_loop3A_1472[%parallel_loop3A_1473, %parallel_loop3A_1474, %parallel_loop3A_1475], %parallel_loop3A_1464 {strides = array<i32>} : memref<8x8x128xf32, #tpu.memory_space<vmem>>, vector<16xf32>,
        %parallel_loop3A_1477 = arith.constant 14000 : i32
        %parallel_loop3A_1478 = vector.broadcast %parallel_loop3A_1477 : i32 to vector<16xi32>
        %parallel_loop3A_1479 = arith.addi %parallel_loop3A_1380, %parallel_loop3A_1478 : vector<16xi32>
        %parallel_loop3A_1480 = tpu.vector_load_idx %arg5[%parallel_loop3A_1479] : memref<64000xf32, #tpu.memory_space<vmem>>[vector<16xi32>], vector<16xf32>,
        %parallel_loop3A_1481 = arith.constant 16 : i32
        %parallel_loop3A_1482 = arith.muli %parallel_loop3A_1376, %parallel_loop3A_1481 : i32
        %parallel_loop3A_1483 = arith.constant 6 : i32
        %parallel_loop3A_1484 = arith.constant 0 : i32
        %parallel_loop3A_1485 = arith.constant 0 : i32
        %parallel_loop3A_1486 = arith.constant 0 : i32
        %parallel_loop3A_1487 = tpu.memref_slice %arg8[%parallel_loop3A_1086, %parallel_loop3A_1484, %parallel_loop3A_1485, %parallel_loop3A_1486] : memref<4x8x8x128xf32, #tpu.memory_space<vmem>> -> memref<1x8x8x128xf32, #tpu.memory_space<vmem>>
        %parallel_loop3A_1488 = tpu.memref_squeeze %parallel_loop3A_1487 : memref<1x8x8x128xf32, #tpu.memory_space<vmem>> -> memref<8x8x128xf32, #tpu.memory_space<vmem>>
        %parallel_loop3A_1489 = arith.index_cast %parallel_loop3A_1374 : i32 to index
        %parallel_loop3A_1490 = arith.index_cast %parallel_loop3A_1483 : i32 to index
        %parallel_loop3A_1491 = arith.index_cast %parallel_loop3A_1482 : i32 to index
        %parallel_loop3A_1492 = tpu.vector_load %parallel_loop3A_1488[%parallel_loop3A_1489, %parallel_loop3A_1490, %parallel_loop3A_1491] {strides = array<i32>} : memref<8x8x128xf32, #tpu.memory_space<vmem>>, vector<16xf32>,
        tpu.vector_store %parallel_loop3A_1488[%parallel_loop3A_1489, %parallel_loop3A_1490, %parallel_loop3A_1491], %parallel_loop3A_1480 {strides = array<i32>} : memref<8x8x128xf32, #tpu.memory_space<vmem>>, vector<16xf32>,
        %parallel_loop3A_1493 = arith.constant 15000 : i32
        %parallel_loop3A_1494 = vector.broadcast %parallel_loop3A_1493 : i32 to vector<16xi32>
        %parallel_loop3A_1495 = arith.addi %parallel_loop3A_1380, %parallel_loop3A_1494 : vector<16xi32>
        %parallel_loop3A_1496 = tpu.vector_load_idx %arg5[%parallel_loop3A_1495] : memref<64000xf32, #tpu.memory_space<vmem>>[vector<16xi32>], vector<16xf32>,
        %parallel_loop3A_1497 = arith.constant 16 : i32
        %parallel_loop3A_1498 = arith.muli %parallel_loop3A_1376, %parallel_loop3A_1497 : i32
        %parallel_loop3A_1499 = arith.constant 7 : i32
        %parallel_loop3A_1500 = arith.constant 0 : i32
        %parallel_loop3A_1501 = arith.constant 0 : i32
        %parallel_loop3A_1502 = arith.constant 0 : i32
        %parallel_loop3A_1503 = tpu.memref_slice %arg8[%parallel_loop3A_1086, %parallel_loop3A_1500, %parallel_loop3A_1501, %parallel_loop3A_1502] : memref<4x8x8x128xf32, #tpu.memory_space<vmem>> -> memref<1x8x8x128xf32, #tpu.memory_space<vmem>>
        %parallel_loop3A_1504 = tpu.memref_squeeze %parallel_loop3A_1503 : memref<1x8x8x128xf32, #tpu.memory_space<vmem>> -> memref<8x8x128xf32, #tpu.memory_space<vmem>>
        %parallel_loop3A_1505 = arith.index_cast %parallel_loop3A_1374 : i32 to index
        %parallel_loop3A_1506 = arith.index_cast %parallel_loop3A_1499 : i32 to index
        %parallel_loop3A_1507 = arith.index_cast %parallel_loop3A_1498 : i32 to index
        %parallel_loop3A_1508 = tpu.vector_load %parallel_loop3A_1504[%parallel_loop3A_1505, %parallel_loop3A_1506, %parallel_loop3A_1507] {strides = array<i32>} : memref<8x8x128xf32, #tpu.memory_space<vmem>>, vector<16xf32>,
        tpu.vector_store %parallel_loop3A_1504[%parallel_loop3A_1505, %parallel_loop3A_1506, %parallel_loop3A_1507], %parallel_loop3A_1496 {strides = array<i32>} : memref<8x8x128xf32, #tpu.memory_space<vmem>>, vector<16xf32>,
      } {sc.loop_unroll_factor = 2 : i64, sc.parallel_access}
      %dma_start3A_1087 = arith.constant 1 : i32
      %dma_start3A_1088 = arith.constant 1 : i32
      %dma_start3A_1089 = arith.constant 0 : i32
      %dma_start3A_1090 = arith.constant 0 : i32
      %dma_start3A_1091 = arith.constant 0 : i32
      %dma_start3A_1092 = tpu.memref_slice %arg8[%dma_start3A_1087, %dma_start3A_1089, %dma_start3A_1090, %dma_start3A_1091] : memref<4x8x8x128xf32, #tpu.memory_space<vmem>> -> memref<1x8x8x128xf32, #tpu.memory_space<vmem>>
      %dma_start3A_1093 = tpu.memref_squeeze %dma_start3A_1092 : memref<1x8x8x128xf32, #tpu.memory_space<vmem>> -> memref<8x8x128xf32, #tpu.memory_space<vmem>>
      %dma_start3A_1094 = arith.constant 0 : i32
      %dma_start3A_1095 = arith.constant 0 : i32
      %dma_start3A_1096 = arith.constant 0 : i32
      %dma_start3A_1097 = tpu.memref_slice %arg4[%div3A_1045, %rem3A_1047, %dma_start3A_1088, %dma_start3A_1094, %dma_start3A_1095, %dma_start3A_1096] : memref<20x32x8x8x8x128xf32, #tpu.memory_space<hbm>> -> memref<1x1x1x8x8x128xf32, #tpu.memory_space<hbm>>
      %dma_start3A_1098 = tpu.memref_squeeze %dma_start3A_1097 : memref<1x1x1x8x8x128xf32, #tpu.memory_space<hbm>> -> memref<8x8x128xf32, #tpu.memory_space<hbm>>
      %dma_start3A_1099 = arith.constant 0 : i32
      %dma_start3A_1100 = arith.constant 0 : i32
      %dma_start3A_1101 = arith.constant 0 : i32
      %dma_start3A_1102 = tpu.memref_slice %arg4[%div3A_1045, %rem3A_1047, %dma_start3A_1088, %dma_start3A_1099, %dma_start3A_1100, %dma_start3A_1101] : memref<20x32x8x8x8x128xf32, #tpu.memory_space<hbm>> -> memref<1x1x1x8x8x128xf32, #tpu.memory_space<hbm>>
      %dma_start3A_1103 = tpu.memref_squeeze %dma_start3A_1102 : memref<1x1x1x8x8x128xf32, #tpu.memory_space<hbm>> -> memref<8x8x128xf32, #tpu.memory_space<hbm>>
      %dma_start3A_1104 = arith.constant 0 : i32
      %dma_start3A_1105 = arith.constant 0 : i32
      %dma_start3A_1106 = arith.constant 0 : i32
      %dma_start3A_1107 = tpu.memref_slice %arg8[%dma_start3A_1087, %dma_start3A_1104, %dma_start3A_1105, %dma_start3A_1106] : memref<4x8x8x128xf32, #tpu.memory_space<vmem>> -> memref<1x8x8x128xf32, #tpu.memory_space<vmem>>
      %dma_start3A_1108 = tpu.memref_squeeze %dma_start3A_1107 : memref<1x8x8x128xf32, #tpu.memory_space<vmem>> -> memref<8x8x128xf32, #tpu.memory_space<vmem>>
      tpu.enqueue_dma source(%dma_start3A_1108 : memref<8x8x128xf32, #tpu.memory_space<vmem>>) target(%dma_start3A_1103 : memref<8x8x128xf32, #tpu.memory_space<hbm>>) target_semaphore(%arg10 : memref<!tpu.dma_semaphore, #tpu.memory_space<semaphore_mem>>)
      %gt3A_1109 = arith.constant 0 : i32
      %gt3A_1110 = arith.cmpi sgt, %scan3A_1041, %gt3A_1109 : i32
      %convert_element_type3A_1111 = arith.extui %gt3A_1110 : i1 to i32
      %cond3A_1112 = arith.constant 0 : i32
      %cond3A_1113 = arith.cmpi ne, %convert_element_type3A_1111, %cond3A_1112 : i32
      scf.if %cond3A_1113 {
        %dma_wait3A_1372 = arith.constant 0 : i32
        %dma_wait3A_1373 = arith.constant 0 : i32
        %dma_wait3A_1374 = arith.constant 0 : i32
        %dma_wait3A_1375 = arith.constant 0 : i32
        %dma_wait3A_1376 = arith.constant 0 : i32
        %dma_wait3A_1377 = arith.constant 0 : i32
        %dma_wait3A_1378 = arith.constant 0 : i32
        %dma_wait3A_1379 = tpu.memref_slice %arg8[%dma_wait3A_1372, %dma_wait3A_1376, %dma_wait3A_1377, %dma_wait3A_1378] : memref<4x8x8x128xf32, #tpu.memory_space<vmem>> -> memref<1x8x8x128xf32, #tpu.memory_space<vmem>>
        %dma_wait3A_1380 = tpu.memref_squeeze %dma_wait3A_1379 : memref<1x8x8x128xf32, #tpu.memory_space<vmem>> -> memref<8x8x128xf32, #tpu.memory_space<vmem>>
        %dma_wait3A_1381 = arith.constant 0 : i32
        %dma_wait3A_1382 = arith.constant 0 : i32
        %dma_wait3A_1383 = arith.constant 0 : i32
        %dma_wait3A_1384 = tpu.memref_slice %arg4[%dma_wait3A_1373, %dma_wait3A_1374, %dma_wait3A_1375, %dma_wait3A_1381, %dma_wait3A_1382, %dma_wait3A_1383] : memref<20x32x8x8x8x128xf32, #tpu.memory_space<hbm>> -> memref<1x1x1x8x8x128xf32, #tpu.memory_space<hbm>>
        %dma_wait3A_1385 = tpu.memref_squeeze %dma_wait3A_1384 : memref<1x1x1x8x8x128xf32, #tpu.memory_space<hbm>> -> memref<8x8x128xf32, #tpu.memory_space<hbm>>
        %dma_wait3A_1386 = arith.constant 0 : i32
        %dma_wait3A_1387 = arith.constant 0 : i32
        %dma_wait3A_1388 = arith.constant 0 : i32
        %dma_wait3A_1389 = tpu.memref_slice %arg4[%dma_wait3A_1373, %dma_wait3A_1374, %dma_wait3A_1375, %dma_wait3A_1386, %dma_wait3A_1387, %dma_wait3A_1388] : memref<20x32x8x8x8x128xf32, #tpu.memory_space<hbm>> -> memref<1x1x1x8x8x128xf32, #tpu.memory_space<hbm>>
        %dma_wait3A_1390 = tpu.memref_squeeze %dma_wait3A_1389 : memref<1x1x1x8x8x128xf32, #tpu.memory_space<hbm>> -> memref<8x8x128xf32, #tpu.memory_space<hbm>>
        %dma_wait3A_1391 = arith.constant 0 : i32
        %dma_wait3A_1392 = arith.constant 0 : i32
        %dma_wait3A_1393 = arith.constant 0 : i32
        %dma_wait3A_1394 = tpu.memref_slice %arg8[%dma_wait3A_1372, %dma_wait3A_1391, %dma_wait3A_1392, %dma_wait3A_1393] : memref<4x8x8x128xf32, #tpu.memory_space<vmem>> -> memref<1x8x8x128xf32, #tpu.memory_space<vmem>>
        %dma_wait3A_1395 = tpu.memref_squeeze %dma_wait3A_1394 : memref<1x8x8x128xf32, #tpu.memory_space<vmem>> -> memref<8x8x128xf32, #tpu.memory_space<vmem>>
        tpu.wait_dma2 semaphore(%arg10 : memref<!tpu.dma_semaphore, #tpu.memory_space<semaphore_mem>>) src(%dma_wait3A_1395 : memref<8x8x128xf32, #tpu.memory_space<vmem>>) dst(%dma_wait3A_1390 : memref<8x8x128xf32, #tpu.memory_space<hbm>>)
      } else {
      }
      %parallel_loop3A_1114 = arith.constant 0 : i32
      %parallel_loop3A_1115 = arith.constant 64 : i32
      %parallel_loop3A_1116 = arith.constant 1 : i32
      %parallel_loop3A_1117 = arith.constant 2 : i32
      scf.for %parallel_loop3A_1372 = %parallel_loop3A_1114 to %parallel_loop3A_1115 step %parallel_loop3A_1116  : i32 {
        %parallel_loop3A_1373 = arith.constant 8 : i32
        %parallel_loop3A_1374 = arith.divsi %parallel_loop3A_1372, %parallel_loop3A_1373 : i32
        %parallel_loop3A_1375 = arith.constant 8 : i32
        %parallel_loop3A_1376 = arith.remsi %parallel_loop3A_1372, %parallel_loop3A_1375 : i32
        %parallel_loop3A_1377 = arith.constant 16 : i32
        %parallel_loop3A_1378 = arith.muli %parallel_loop3A_1372, %parallel_loop3A_1377 : i32
        %parallel_loop3A_1379 = arith.index_cast %parallel_loop3A_1378 : i32 to index
        %parallel_loop3A_1380 = tpu.vector_load %arg7[%parallel_loop3A_1379] {strides = array<i32>} : memref<1024xi32, #tpu.memory_space<vmem>>, vector<16xi32>,
        %parallel_loop3A_1381 = arith.constant 16000 : i32
        %parallel_loop3A_1382 = vector.broadcast %parallel_loop3A_1381 : i32 to vector<16xi32>
        %parallel_loop3A_1383 = arith.addi %parallel_loop3A_1380, %parallel_loop3A_1382 : vector<16xi32>
        %parallel_loop3A_1384 = tpu.vector_load_idx %arg5[%parallel_loop3A_1383] : memref<64000xf32, #tpu.memory_space<vmem>>[vector<16xi32>], vector<16xf32>,
        %parallel_loop3A_1385 = arith.constant 16 : i32
        %parallel_loop3A_1386 = arith.muli %parallel_loop3A_1376, %parallel_loop3A_1385 : i32
        %parallel_loop3A_1387 = arith.constant 0 : i32
        %parallel_loop3A_1388 = arith.constant 0 : i32
        %parallel_loop3A_1389 = arith.constant 0 : i32
        %parallel_loop3A_1390 = arith.constant 0 : i32
        %parallel_loop3A_1391 = tpu.memref_slice %arg8[%parallel_loop3A_1117, %parallel_loop3A_1388, %parallel_loop3A_1389, %parallel_loop3A_1390] : memref<4x8x8x128xf32, #tpu.memory_space<vmem>> -> memref<1x8x8x128xf32, #tpu.memory_space<vmem>>
        %parallel_loop3A_1392 = tpu.memref_squeeze %parallel_loop3A_1391 : memref<1x8x8x128xf32, #tpu.memory_space<vmem>> -> memref<8x8x128xf32, #tpu.memory_space<vmem>>
        %parallel_loop3A_1393 = arith.index_cast %parallel_loop3A_1374 : i32 to index
        %parallel_loop3A_1394 = arith.index_cast %parallel_loop3A_1387 : i32 to index
        %parallel_loop3A_1395 = arith.index_cast %parallel_loop3A_1386 : i32 to index
        %parallel_loop3A_1396 = tpu.vector_load %parallel_loop3A_1392[%parallel_loop3A_1393, %parallel_loop3A_1394, %parallel_loop3A_1395] {strides = array<i32>} : memref<8x8x128xf32, #tpu.memory_space<vmem>>, vector<16xf32>,
        tpu.vector_store %parallel_loop3A_1392[%parallel_loop3A_1393, %parallel_loop3A_1394, %parallel_loop3A_1395], %parallel_loop3A_1384 {strides = array<i32>} : memref<8x8x128xf32, #tpu.memory_space<vmem>>, vector<16xf32>,
        %parallel_loop3A_1397 = arith.constant 17000 : i32
        %parallel_loop3A_1398 = vector.broadcast %parallel_loop3A_1397 : i32 to vector<16xi32>
        %parallel_loop3A_1399 = arith.addi %parallel_loop3A_1380, %parallel_loop3A_1398 : vector<16xi32>
        %parallel_loop3A_1400 = tpu.vector_load_idx %arg5[%parallel_loop3A_1399] : memref<64000xf32, #tpu.memory_space<vmem>>[vector<16xi32>], vector<16xf32>,
        %parallel_loop3A_1401 = arith.constant 16 : i32
        %parallel_loop3A_1402 = arith.muli %parallel_loop3A_1376, %parallel_loop3A_1401 : i32
        %parallel_loop3A_1403 = arith.constant 1 : i32
        %parallel_loop3A_1404 = arith.constant 0 : i32
        %parallel_loop3A_1405 = arith.constant 0 : i32
        %parallel_loop3A_1406 = arith.constant 0 : i32
        %parallel_loop3A_1407 = tpu.memref_slice %arg8[%parallel_loop3A_1117, %parallel_loop3A_1404, %parallel_loop3A_1405, %parallel_loop3A_1406] : memref<4x8x8x128xf32, #tpu.memory_space<vmem>> -> memref<1x8x8x128xf32, #tpu.memory_space<vmem>>
        %parallel_loop3A_1408 = tpu.memref_squeeze %parallel_loop3A_1407 : memref<1x8x8x128xf32, #tpu.memory_space<vmem>> -> memref<8x8x128xf32, #tpu.memory_space<vmem>>
        %parallel_loop3A_1409 = arith.index_cast %parallel_loop3A_1374 : i32 to index
        %parallel_loop3A_1410 = arith.index_cast %parallel_loop3A_1403 : i32 to index
        %parallel_loop3A_1411 = arith.index_cast %parallel_loop3A_1402 : i32 to index
        %parallel_loop3A_1412 = tpu.vector_load %parallel_loop3A_1408[%parallel_loop3A_1409, %parallel_loop3A_1410, %parallel_loop3A_1411] {strides = array<i32>} : memref<8x8x128xf32, #tpu.memory_space<vmem>>, vector<16xf32>,
        tpu.vector_store %parallel_loop3A_1408[%parallel_loop3A_1409, %parallel_loop3A_1410, %parallel_loop3A_1411], %parallel_loop3A_1400 {strides = array<i32>} : memref<8x8x128xf32, #tpu.memory_space<vmem>>, vector<16xf32>,
        %parallel_loop3A_1413 = arith.constant 18000 : i32
        %parallel_loop3A_1414 = vector.broadcast %parallel_loop3A_1413 : i32 to vector<16xi32>
        %parallel_loop3A_1415 = arith.addi %parallel_loop3A_1380, %parallel_loop3A_1414 : vector<16xi32>
        %parallel_loop3A_1416 = tpu.vector_load_idx %arg5[%parallel_loop3A_1415] : memref<64000xf32, #tpu.memory_space<vmem>>[vector<16xi32>], vector<16xf32>,
        %parallel_loop3A_1417 = arith.constant 16 : i32
        %parallel_loop3A_1418 = arith.muli %parallel_loop3A_1376, %parallel_loop3A_1417 : i32
        %parallel_loop3A_1419 = arith.constant 2 : i32
        %parallel_loop3A_1420 = arith.constant 0 : i32
        %parallel_loop3A_1421 = arith.constant 0 : i32
        %parallel_loop3A_1422 = arith.constant 0 : i32
        %parallel_loop3A_1423 = tpu.memref_slice %arg8[%parallel_loop3A_1117, %parallel_loop3A_1420, %parallel_loop3A_1421, %parallel_loop3A_1422] : memref<4x8x8x128xf32, #tpu.memory_space<vmem>> -> memref<1x8x8x128xf32, #tpu.memory_space<vmem>>
        %parallel_loop3A_1424 = tpu.memref_squeeze %parallel_loop3A_1423 : memref<1x8x8x128xf32, #tpu.memory_space<vmem>> -> memref<8x8x128xf32, #tpu.memory_space<vmem>>
        %parallel_loop3A_1425 = arith.index_cast %parallel_loop3A_1374 : i32 to index
        %parallel_loop3A_1426 = arith.index_cast %parallel_loop3A_1419 : i32 to index
        %parallel_loop3A_1427 = arith.index_cast %parallel_loop3A_1418 : i32 to index
        %parallel_loop3A_1428 = tpu.vector_load %parallel_loop3A_1424[%parallel_loop3A_1425, %parallel_loop3A_1426, %parallel_loop3A_1427] {strides = array<i32>} : memref<8x8x128xf32, #tpu.memory_space<vmem>>, vector<16xf32>,
        tpu.vector_store %parallel_loop3A_1424[%parallel_loop3A_1425, %parallel_loop3A_1426, %parallel_loop3A_1427], %parallel_loop3A_1416 {strides = array<i32>} : memref<8x8x128xf32, #tpu.memory_space<vmem>>, vector<16xf32>,
        %parallel_loop3A_1429 = arith.constant 19000 : i32
        %parallel_loop3A_1430 = vector.broadcast %parallel_loop3A_1429 : i32 to vector<16xi32>
        %parallel_loop3A_1431 = arith.addi %parallel_loop3A_1380, %parallel_loop3A_1430 : vector<16xi32>
        %parallel_loop3A_1432 = tpu.vector_load_idx %arg5[%parallel_loop3A_1431] : memref<64000xf32, #tpu.memory_space<vmem>>[vector<16xi32>], vector<16xf32>,
        %parallel_loop3A_1433 = arith.constant 16 : i32
        %parallel_loop3A_1434 = arith.muli %parallel_loop3A_1376, %parallel_loop3A_1433 : i32
        %parallel_loop3A_1435 = arith.constant 3 : i32
        %parallel_loop3A_1436 = arith.constant 0 : i32
        %parallel_loop3A_1437 = arith.constant 0 : i32
        %parallel_loop3A_1438 = arith.constant 0 : i32
        %parallel_loop3A_1439 = tpu.memref_slice %arg8[%parallel_loop3A_1117, %parallel_loop3A_1436, %parallel_loop3A_1437, %parallel_loop3A_1438] : memref<4x8x8x128xf32, #tpu.memory_space<vmem>> -> memref<1x8x8x128xf32, #tpu.memory_space<vmem>>
        %parallel_loop3A_1440 = tpu.memref_squeeze %parallel_loop3A_1439 : memref<1x8x8x128xf32, #tpu.memory_space<vmem>> -> memref<8x8x128xf32, #tpu.memory_space<vmem>>
        %parallel_loop3A_1441 = arith.index_cast %parallel_loop3A_1374 : i32 to index
        %parallel_loop3A_1442 = arith.index_cast %parallel_loop3A_1435 : i32 to index
        %parallel_loop3A_1443 = arith.index_cast %parallel_loop3A_1434 : i32 to index
        %parallel_loop3A_1444 = tpu.vector_load %parallel_loop3A_1440[%parallel_loop3A_1441, %parallel_loop3A_1442, %parallel_loop3A_1443] {strides = array<i32>} : memref<8x8x128xf32, #tpu.memory_space<vmem>>, vector<16xf32>,
        tpu.vector_store %parallel_loop3A_1440[%parallel_loop3A_1441, %parallel_loop3A_1442, %parallel_loop3A_1443], %parallel_loop3A_1432 {strides = array<i32>} : memref<8x8x128xf32, #tpu.memory_space<vmem>>, vector<16xf32>,
        %parallel_loop3A_1445 = arith.constant 20000 : i32
        %parallel_loop3A_1446 = vector.broadcast %parallel_loop3A_1445 : i32 to vector<16xi32>
        %parallel_loop3A_1447 = arith.addi %parallel_loop3A_1380, %parallel_loop3A_1446 : vector<16xi32>
        %parallel_loop3A_1448 = tpu.vector_load_idx %arg5[%parallel_loop3A_1447] : memref<64000xf32, #tpu.memory_space<vmem>>[vector<16xi32>], vector<16xf32>,
        %parallel_loop3A_1449 = arith.constant 16 : i32
        %parallel_loop3A_1450 = arith.muli %parallel_loop3A_1376, %parallel_loop3A_1449 : i32
        %parallel_loop3A_1451 = arith.constant 4 : i32
        %parallel_loop3A_1452 = arith.constant 0 : i32
        %parallel_loop3A_1453 = arith.constant 0 : i32
        %parallel_loop3A_1454 = arith.constant 0 : i32
        %parallel_loop3A_1455 = tpu.memref_slice %arg8[%parallel_loop3A_1117, %parallel_loop3A_1452, %parallel_loop3A_1453, %parallel_loop3A_1454] : memref<4x8x8x128xf32, #tpu.memory_space<vmem>> -> memref<1x8x8x128xf32, #tpu.memory_space<vmem>>
        %parallel_loop3A_1456 = tpu.memref_squeeze %parallel_loop3A_1455 : memref<1x8x8x128xf32, #tpu.memory_space<vmem>> -> memref<8x8x128xf32, #tpu.memory_space<vmem>>
        %parallel_loop3A_1457 = arith.index_cast %parallel_loop3A_1374 : i32 to index
        %parallel_loop3A_1458 = arith.index_cast %parallel_loop3A_1451 : i32 to index
        %parallel_loop3A_1459 = arith.index_cast %parallel_loop3A_1450 : i32 to index
        %parallel_loop3A_1460 = tpu.vector_load %parallel_loop3A_1456[%parallel_loop3A_1457, %parallel_loop3A_1458, %parallel_loop3A_1459] {strides = array<i32>} : memref<8x8x128xf32, #tpu.memory_space<vmem>>, vector<16xf32>,
        tpu.vector_store %parallel_loop3A_1456[%parallel_loop3A_1457, %parallel_loop3A_1458, %parallel_loop3A_1459], %parallel_loop3A_1448 {strides = array<i32>} : memref<8x8x128xf32, #tpu.memory_space<vmem>>, vector<16xf32>,
        %parallel_loop3A_1461 = arith.constant 21000 : i32
        %parallel_loop3A_1462 = vector.broadcast %parallel_loop3A_1461 : i32 to vector<16xi32>
        %parallel_loop3A_1463 = arith.addi %parallel_loop3A_1380, %parallel_loop3A_1462 : vector<16xi32>
        %parallel_loop3A_1464 = tpu.vector_load_idx %arg5[%parallel_loop3A_1463] : memref<64000xf32, #tpu.memory_space<vmem>>[vector<16xi32>], vector<16xf32>,
        %parallel_loop3A_1465 = arith.constant 16 : i32
        %parallel_loop3A_1466 = arith.muli %parallel_loop3A_1376, %parallel_loop3A_1465 : i32
        %parallel_loop3A_1467 = arith.constant 5 : i32
        %parallel_loop3A_1468 = arith.constant 0 : i32
        %parallel_loop3A_1469 = arith.constant 0 : i32
        %parallel_loop3A_1470 = arith.constant 0 : i32
        %parallel_loop3A_1471 = tpu.memref_slice %arg8[%parallel_loop3A_1117, %parallel_loop3A_1468, %parallel_loop3A_1469, %parallel_loop3A_1470] : memref<4x8x8x128xf32, #tpu.memory_space<vmem>> -> memref<1x8x8x128xf32, #tpu.memory_space<vmem>>
        %parallel_loop3A_1472 = tpu.memref_squeeze %parallel_loop3A_1471 : memref<1x8x8x128xf32, #tpu.memory_space<vmem>> -> memref<8x8x128xf32, #tpu.memory_space<vmem>>
        %parallel_loop3A_1473 = arith.index_cast %parallel_loop3A_1374 : i32 to index
        %parallel_loop3A_1474 = arith.index_cast %parallel_loop3A_1467 : i32 to index
        %parallel_loop3A_1475 = arith.index_cast %parallel_loop3A_1466 : i32 to index
        %parallel_loop3A_1476 = tpu.vector_load %parallel_loop3A_1472[%parallel_loop3A_1473, %parallel_loop3A_1474, %parallel_loop3A_1475] {strides = array<i32>} : memref<8x8x128xf32, #tpu.memory_space<vmem>>, vector<16xf32>,
        tpu.vector_store %parallel_loop3A_1472[%parallel_loop3A_1473, %parallel_loop3A_1474, %parallel_loop3A_1475], %parallel_loop3A_1464 {strides = array<i32>} : memref<8x8x128xf32, #tpu.memory_space<vmem>>, vector<16xf32>,
        %parallel_loop3A_1477 = arith.constant 22000 : i32
        %parallel_loop3A_1478 = vector.broadcast %parallel_loop3A_1477 : i32 to vector<16xi32>
        %parallel_loop3A_1479 = arith.addi %parallel_loop3A_1380, %parallel_loop3A_1478 : vector<16xi32>
        %parallel_loop3A_1480 = tpu.vector_load_idx %arg5[%parallel_loop3A_1479] : memref<64000xf32, #tpu.memory_space<vmem>>[vector<16xi32>], vector<16xf32>,
        %parallel_loop3A_1481 = arith.constant 16 : i32
        %parallel_loop3A_1482 = arith.muli %parallel_loop3A_1376, %parallel_loop3A_1481 : i32
        %parallel_loop3A_1483 = arith.constant 6 : i32
        %parallel_loop3A_1484 = arith.constant 0 : i32
        %parallel_loop3A_1485 = arith.constant 0 : i32
        %parallel_loop3A_1486 = arith.constant 0 : i32
        %parallel_loop3A_1487 = tpu.memref_slice %arg8[%parallel_loop3A_1117, %parallel_loop3A_1484, %parallel_loop3A_1485, %parallel_loop3A_1486] : memref<4x8x8x128xf32, #tpu.memory_space<vmem>> -> memref<1x8x8x128xf32, #tpu.memory_space<vmem>>
        %parallel_loop3A_1488 = tpu.memref_squeeze %parallel_loop3A_1487 : memref<1x8x8x128xf32, #tpu.memory_space<vmem>> -> memref<8x8x128xf32, #tpu.memory_space<vmem>>
        %parallel_loop3A_1489 = arith.index_cast %parallel_loop3A_1374 : i32 to index
        %parallel_loop3A_1490 = arith.index_cast %parallel_loop3A_1483 : i32 to index
        %parallel_loop3A_1491 = arith.index_cast %parallel_loop3A_1482 : i32 to index
        %parallel_loop3A_1492 = tpu.vector_load %parallel_loop3A_1488[%parallel_loop3A_1489, %parallel_loop3A_1490, %parallel_loop3A_1491] {strides = array<i32>} : memref<8x8x128xf32, #tpu.memory_space<vmem>>, vector<16xf32>,
        tpu.vector_store %parallel_loop3A_1488[%parallel_loop3A_1489, %parallel_loop3A_1490, %parallel_loop3A_1491], %parallel_loop3A_1480 {strides = array<i32>} : memref<8x8x128xf32, #tpu.memory_space<vmem>>, vector<16xf32>,
        %parallel_loop3A_1493 = arith.constant 23000 : i32
        %parallel_loop3A_1494 = vector.broadcast %parallel_loop3A_1493 : i32 to vector<16xi32>
        %parallel_loop3A_1495 = arith.addi %parallel_loop3A_1380, %parallel_loop3A_1494 : vector<16xi32>
        %parallel_loop3A_1496 = tpu.vector_load_idx %arg5[%parallel_loop3A_1495] : memref<64000xf32, #tpu.memory_space<vmem>>[vector<16xi32>], vector<16xf32>,
        %parallel_loop3A_1497 = arith.constant 16 : i32
        %parallel_loop3A_1498 = arith.muli %parallel_loop3A_1376, %parallel_loop3A_1497 : i32
        %parallel_loop3A_1499 = arith.constant 7 : i32
        %parallel_loop3A_1500 = arith.constant 0 : i32
        %parallel_loop3A_1501 = arith.constant 0 : i32
        %parallel_loop3A_1502 = arith.constant 0 : i32
        %parallel_loop3A_1503 = tpu.memref_slice %arg8[%parallel_loop3A_1117, %parallel_loop3A_1500, %parallel_loop3A_1501, %parallel_loop3A_1502] : memref<4x8x8x128xf32, #tpu.memory_space<vmem>> -> memref<1x8x8x128xf32, #tpu.memory_space<vmem>>
        %parallel_loop3A_1504 = tpu.memref_squeeze %parallel_loop3A_1503 : memref<1x8x8x128xf32, #tpu.memory_space<vmem>> -> memref<8x8x128xf32, #tpu.memory_space<vmem>>
        %parallel_loop3A_1505 = arith.index_cast %parallel_loop3A_1374 : i32 to index
        %parallel_loop3A_1506 = arith.index_cast %parallel_loop3A_1499 : i32 to index
        %parallel_loop3A_1507 = arith.index_cast %parallel_loop3A_1498 : i32 to index
        %parallel_loop3A_1508 = tpu.vector_load %parallel_loop3A_1504[%parallel_loop3A_1505, %parallel_loop3A_1506, %parallel_loop3A_1507] {strides = array<i32>} : memref<8x8x128xf32, #tpu.memory_space<vmem>>, vector<16xf32>,
        tpu.vector_store %parallel_loop3A_1504[%parallel_loop3A_1505, %parallel_loop3A_1506, %parallel_loop3A_1507], %parallel_loop3A_1496 {strides = array<i32>} : memref<8x8x128xf32, #tpu.memory_space<vmem>>, vector<16xf32>,
      } {sc.loop_unroll_factor = 2 : i64, sc.parallel_access}
      %dma_start3A_1118 = arith.constant 2 : i32
      %dma_start3A_1119 = arith.constant 2 : i32
      %dma_start3A_1120 = arith.constant 0 : i32
      %dma_start3A_1121 = arith.constant 0 : i32
      %dma_start3A_1122 = arith.constant 0 : i32
      %dma_start3A_1123 = tpu.memref_slice %arg8[%dma_start3A_1118, %dma_start3A_1120, %dma_start3A_1121, %dma_start3A_1122] : memref<4x8x8x128xf32, #tpu.memory_space<vmem>> -> memref<1x8x8x128xf32, #tpu.memory_space<vmem>>
      %dma_start3A_1124 = tpu.memref_squeeze %dma_start3A_1123 : memref<1x8x8x128xf32, #tpu.memory_space<vmem>> -> memref<8x8x128xf32, #tpu.memory_space<vmem>>
      %dma_start3A_1125 = arith.constant 0 : i32
      %dma_start3A_1126 = arith.constant 0 : i32
      %dma_start3A_1127 = arith.constant 0 : i32
      %dma_start3A_1128 = tpu.memref_slice %arg4[%div3A_1045, %rem3A_1047, %dma_start3A_1119, %dma_start3A_1125, %dma_start3A_1126, %dma_start3A_1127] : memref<20x32x8x8x8x128xf32, #tpu.memory_space<hbm>> -> memref<1x1x1x8x8x128xf32, #tpu.memory_space<hbm>>
      %dma_start3A_1129 = tpu.memref_squeeze %dma_start3A_1128 : memref<1x1x1x8x8x128xf32, #tpu.memory_space<hbm>> -> memref<8x8x128xf32, #tpu.memory_space<hbm>>
      %dma_start3A_1130 = arith.constant 0 : i32
      %dma_start3A_1131 = arith.constant 0 : i32
      %dma_start3A_1132 = arith.constant 0 : i32
      %dma_start3A_1133 = tpu.memref_slice %arg4[%div3A_1045, %rem3A_1047, %dma_start3A_1119, %dma_start3A_1130, %dma_start3A_1131, %dma_start3A_1132] : memref<20x32x8x8x8x128xf32, #tpu.memory_space<hbm>> -> memref<1x1x1x8x8x128xf32, #tpu.memory_space<hbm>>
      %dma_start3A_1134 = tpu.memref_squeeze %dma_start3A_1133 : memref<1x1x1x8x8x128xf32, #tpu.memory_space<hbm>> -> memref<8x8x128xf32, #tpu.memory_space<hbm>>
      %dma_start3A_1135 = arith.constant 0 : i32
      %dma_start3A_1136 = arith.constant 0 : i32
      %dma_start3A_1137 = arith.constant 0 : i32
      %dma_start3A_1138 = tpu.memref_slice %arg8[%dma_start3A_1118, %dma_start3A_1135, %dma_start3A_1136, %dma_start3A_1137] : memref<4x8x8x128xf32, #tpu.memory_space<vmem>> -> memref<1x8x8x128xf32, #tpu.memory_space<vmem>>
      %dma_start3A_1139 = tpu.memref_squeeze %dma_start3A_1138 : memref<1x8x8x128xf32, #tpu.memory_space<vmem>> -> memref<8x8x128xf32, #tpu.memory_space<vmem>>
      tpu.enqueue_dma source(%dma_start3A_1139 : memref<8x8x128xf32, #tpu.memory_space<vmem>>) target(%dma_start3A_1134 : memref<8x8x128xf32, #tpu.memory_space<hbm>>) target_semaphore(%arg10 : memref<!tpu.dma_semaphore, #tpu.memory_space<semaphore_mem>>)
      %gt3A_1140 = arith.constant 0 : i32
      %gt3A_1141 = arith.cmpi sgt, %scan3A_1041, %gt3A_1140 : i32
      %convert_element_type3A_1142 = arith.extui %gt3A_1141 : i1 to i32
      %cond3A_1143 = arith.constant 0 : i32
      %cond3A_1144 = arith.cmpi ne, %convert_element_type3A_1142, %cond3A_1143 : i32
      scf.if %cond3A_1144 {
        %dma_wait3A_1372 = arith.constant 0 : i32
        %dma_wait3A_1373 = arith.constant 0 : i32
        %dma_wait3A_1374 = arith.constant 0 : i32
        %dma_wait3A_1375 = arith.constant 0 : i32
        %dma_wait3A_1376 = arith.constant 0 : i32
        %dma_wait3A_1377 = arith.constant 0 : i32
        %dma_wait3A_1378 = arith.constant 0 : i32
        %dma_wait3A_1379 = tpu.memref_slice %arg8[%dma_wait3A_1372, %dma_wait3A_1376, %dma_wait3A_1377, %dma_wait3A_1378] : memref<4x8x8x128xf32, #tpu.memory_space<vmem>> -> memref<1x8x8x128xf32, #tpu.memory_space<vmem>>
        %dma_wait3A_1380 = tpu.memref_squeeze %dma_wait3A_1379 : memref<1x8x8x128xf32, #tpu.memory_space<vmem>> -> memref<8x8x128xf32, #tpu.memory_space<vmem>>
        %dma_wait3A_1381 = arith.constant 0 : i32
        %dma_wait3A_1382 = arith.constant 0 : i32
        %dma_wait3A_1383 = arith.constant 0 : i32
        %dma_wait3A_1384 = tpu.memref_slice %arg4[%dma_wait3A_1373, %dma_wait3A_1374, %dma_wait3A_1375, %dma_wait3A_1381, %dma_wait3A_1382, %dma_wait3A_1383] : memref<20x32x8x8x8x128xf32, #tpu.memory_space<hbm>> -> memref<1x1x1x8x8x128xf32, #tpu.memory_space<hbm>>
        %dma_wait3A_1385 = tpu.memref_squeeze %dma_wait3A_1384 : memref<1x1x1x8x8x128xf32, #tpu.memory_space<hbm>> -> memref<8x8x128xf32, #tpu.memory_space<hbm>>
        %dma_wait3A_1386 = arith.constant 0 : i32
        %dma_wait3A_1387 = arith.constant 0 : i32
        %dma_wait3A_1388 = arith.constant 0 : i32
        %dma_wait3A_1389 = tpu.memref_slice %arg4[%dma_wait3A_1373, %dma_wait3A_1374, %dma_wait3A_1375, %dma_wait3A_1386, %dma_wait3A_1387, %dma_wait3A_1388] : memref<20x32x8x8x8x128xf32, #tpu.memory_space<hbm>> -> memref<1x1x1x8x8x128xf32, #tpu.memory_space<hbm>>
        %dma_wait3A_1390 = tpu.memref_squeeze %dma_wait3A_1389 : memref<1x1x1x8x8x128xf32, #tpu.memory_space<hbm>> -> memref<8x8x128xf32, #tpu.memory_space<hbm>>
        %dma_wait3A_1391 = arith.constant 0 : i32
        %dma_wait3A_1392 = arith.constant 0 : i32
        %dma_wait3A_1393 = arith.constant 0 : i32
        %dma_wait3A_1394 = tpu.memref_slice %arg8[%dma_wait3A_1372, %dma_wait3A_1391, %dma_wait3A_1392, %dma_wait3A_1393] : memref<4x8x8x128xf32, #tpu.memory_space<vmem>> -> memref<1x8x8x128xf32, #tpu.memory_space<vmem>>
        %dma_wait3A_1395 = tpu.memref_squeeze %dma_wait3A_1394 : memref<1x8x8x128xf32, #tpu.memory_space<vmem>> -> memref<8x8x128xf32, #tpu.memory_space<vmem>>
        tpu.wait_dma2 semaphore(%arg10 : memref<!tpu.dma_semaphore, #tpu.memory_space<semaphore_mem>>) src(%dma_wait3A_1395 : memref<8x8x128xf32, #tpu.memory_space<vmem>>) dst(%dma_wait3A_1390 : memref<8x8x128xf32, #tpu.memory_space<hbm>>)
      } else {
      }
      %parallel_loop3A_1145 = arith.constant 0 : i32
      %parallel_loop3A_1146 = arith.constant 64 : i32
      %parallel_loop3A_1147 = arith.constant 1 : i32
      %parallel_loop3A_1148 = arith.constant 3 : i32
      scf.for %parallel_loop3A_1372 = %parallel_loop3A_1145 to %parallel_loop3A_1146 step %parallel_loop3A_1147  : i32 {
        %parallel_loop3A_1373 = arith.constant 8 : i32
        %parallel_loop3A_1374 = arith.divsi %parallel_loop3A_1372, %parallel_loop3A_1373 : i32
        %parallel_loop3A_1375 = arith.constant 8 : i32
        %parallel_loop3A_1376 = arith.remsi %parallel_loop3A_1372, %parallel_loop3A_1375 : i32
        %parallel_loop3A_1377 = arith.constant 16 : i32
        %parallel_loop3A_1378 = arith.muli %parallel_loop3A_1372, %parallel_loop3A_1377 : i32
        %parallel_loop3A_1379 = arith.index_cast %parallel_loop3A_1378 : i32 to index
        %parallel_loop3A_1380 = tpu.vector_load %arg7[%parallel_loop3A_1379] {strides = array<i32>} : memref<1024xi32, #tpu.memory_space<vmem>>, vector<16xi32>,
        %parallel_loop3A_1381 = arith.constant 24000 : i32
        %parallel_loop3A_1382 = vector.broadcast %parallel_loop3A_1381 : i32 to vector<16xi32>
        %parallel_loop3A_1383 = arith.addi %parallel_loop3A_1380, %parallel_loop3A_1382 : vector<16xi32>
        %parallel_loop3A_1384 = tpu.vector_load_idx %arg5[%parallel_loop3A_1383] : memref<64000xf32, #tpu.memory_space<vmem>>[vector<16xi32>], vector<16xf32>,
        %parallel_loop3A_1385 = arith.constant 16 : i32
        %parallel_loop3A_1386 = arith.muli %parallel_loop3A_1376, %parallel_loop3A_1385 : i32
        %parallel_loop3A_1387 = arith.constant 0 : i32
        %parallel_loop3A_1388 = arith.constant 0 : i32
        %parallel_loop3A_1389 = arith.constant 0 : i32
        %parallel_loop3A_1390 = arith.constant 0 : i32
        %parallel_loop3A_1391 = tpu.memref_slice %arg8[%parallel_loop3A_1148, %parallel_loop3A_1388, %parallel_loop3A_1389, %parallel_loop3A_1390] : memref<4x8x8x128xf32, #tpu.memory_space<vmem>> -> memref<1x8x8x128xf32, #tpu.memory_space<vmem>>
        %parallel_loop3A_1392 = tpu.memref_squeeze %parallel_loop3A_1391 : memref<1x8x8x128xf32, #tpu.memory_space<vmem>> -> memref<8x8x128xf32, #tpu.memory_space<vmem>>
        %parallel_loop3A_1393 = arith.index_cast %parallel_loop3A_1374 : i32 to index
        %parallel_loop3A_1394 = arith.index_cast %parallel_loop3A_1387 : i32 to index
        %parallel_loop3A_1395 = arith.index_cast %parallel_loop3A_1386 : i32 to index
        %parallel_loop3A_1396 = tpu.vector_load %parallel_loop3A_1392[%parallel_loop3A_1393, %parallel_loop3A_1394, %parallel_loop3A_1395] {strides = array<i32>} : memref<8x8x128xf32, #tpu.memory_space<vmem>>, vector<16xf32>,
        tpu.vector_store %parallel_loop3A_1392[%parallel_loop3A_1393, %parallel_loop3A_1394, %parallel_loop3A_1395], %parallel_loop3A_1384 {strides = array<i32>} : memref<8x8x128xf32, #tpu.memory_space<vmem>>, vector<16xf32>,
        %parallel_loop3A_1397 = arith.constant 25000 : i32
        %parallel_loop3A_1398 = vector.broadcast %parallel_loop3A_1397 : i32 to vector<16xi32>
        %parallel_loop3A_1399 = arith.addi %parallel_loop3A_1380, %parallel_loop3A_1398 : vector<16xi32>
        %parallel_loop3A_1400 = tpu.vector_load_idx %arg5[%parallel_loop3A_1399] : memref<64000xf32, #tpu.memory_space<vmem>>[vector<16xi32>], vector<16xf32>,
        %parallel_loop3A_1401 = arith.constant 16 : i32
        %parallel_loop3A_1402 = arith.muli %parallel_loop3A_1376, %parallel_loop3A_1401 : i32
        %parallel_loop3A_1403 = arith.constant 1 : i32
        %parallel_loop3A_1404 = arith.constant 0 : i32
        %parallel_loop3A_1405 = arith.constant 0 : i32
        %parallel_loop3A_1406 = arith.constant 0 : i32
        %parallel_loop3A_1407 = tpu.memref_slice %arg8[%parallel_loop3A_1148, %parallel_loop3A_1404, %parallel_loop3A_1405, %parallel_loop3A_1406] : memref<4x8x8x128xf32, #tpu.memory_space<vmem>> -> memref<1x8x8x128xf32, #tpu.memory_space<vmem>>
        %parallel_loop3A_1408 = tpu.memref_squeeze %parallel_loop3A_1407 : memref<1x8x8x128xf32, #tpu.memory_space<vmem>> -> memref<8x8x128xf32, #tpu.memory_space<vmem>>
        %parallel_loop3A_1409 = arith.index_cast %parallel_loop3A_1374 : i32 to index
        %parallel_loop3A_1410 = arith.index_cast %parallel_loop3A_1403 : i32 to index
        %parallel_loop3A_1411 = arith.index_cast %parallel_loop3A_1402 : i32 to index
        %parallel_loop3A_1412 = tpu.vector_load %parallel_loop3A_1408[%parallel_loop3A_1409, %parallel_loop3A_1410, %parallel_loop3A_1411] {strides = array<i32>} : memref<8x8x128xf32, #tpu.memory_space<vmem>>, vector<16xf32>,
        tpu.vector_store %parallel_loop3A_1408[%parallel_loop3A_1409, %parallel_loop3A_1410, %parallel_loop3A_1411], %parallel_loop3A_1400 {strides = array<i32>} : memref<8x8x128xf32, #tpu.memory_space<vmem>>, vector<16xf32>,
        %parallel_loop3A_1413 = arith.constant 26000 : i32
        %parallel_loop3A_1414 = vector.broadcast %parallel_loop3A_1413 : i32 to vector<16xi32>
        %parallel_loop3A_1415 = arith.addi %parallel_loop3A_1380, %parallel_loop3A_1414 : vector<16xi32>
        %parallel_loop3A_1416 = tpu.vector_load_idx %arg5[%parallel_loop3A_1415] : memref<64000xf32, #tpu.memory_space<vmem>>[vector<16xi32>], vector<16xf32>,
        %parallel_loop3A_1417 = arith.constant 16 : i32
        %parallel_loop3A_1418 = arith.muli %parallel_loop3A_1376, %parallel_loop3A_1417 : i32
        %parallel_loop3A_1419 = arith.constant 2 : i32
        %parallel_loop3A_1420 = arith.constant 0 : i32
        %parallel_loop3A_1421 = arith.constant 0 : i32
        %parallel_loop3A_1422 = arith.constant 0 : i32
        %parallel_loop3A_1423 = tpu.memref_slice %arg8[%parallel_loop3A_1148, %parallel_loop3A_1420, %parallel_loop3A_1421, %parallel_loop3A_1422] : memref<4x8x8x128xf32, #tpu.memory_space<vmem>> -> memref<1x8x8x128xf32, #tpu.memory_space<vmem>>
        %parallel_loop3A_1424 = tpu.memref_squeeze %parallel_loop3A_1423 : memref<1x8x8x128xf32, #tpu.memory_space<vmem>> -> memref<8x8x128xf32, #tpu.memory_space<vmem>>
        %parallel_loop3A_1425 = arith.index_cast %parallel_loop3A_1374 : i32 to index
        %parallel_loop3A_1426 = arith.index_cast %parallel_loop3A_1419 : i32 to index
        %parallel_loop3A_1427 = arith.index_cast %parallel_loop3A_1418 : i32 to index
        %parallel_loop3A_1428 = tpu.vector_load %parallel_loop3A_1424[%parallel_loop3A_1425, %parallel_loop3A_1426, %parallel_loop3A_1427] {strides = array<i32>} : memref<8x8x128xf32, #tpu.memory_space<vmem>>, vector<16xf32>,
        tpu.vector_store %parallel_loop3A_1424[%parallel_loop3A_1425, %parallel_loop3A_1426, %parallel_loop3A_1427], %parallel_loop3A_1416 {strides = array<i32>} : memref<8x8x128xf32, #tpu.memory_space<vmem>>, vector<16xf32>,
        %parallel_loop3A_1429 = arith.constant 27000 : i32
        %parallel_loop3A_1430 = vector.broadcast %parallel_loop3A_1429 : i32 to vector<16xi32>
        %parallel_loop3A_1431 = arith.addi %parallel_loop3A_1380, %parallel_loop3A_1430 : vector<16xi32>
        %parallel_loop3A_1432 = tpu.vector_load_idx %arg5[%parallel_loop3A_1431] : memref<64000xf32, #tpu.memory_space<vmem>>[vector<16xi32>], vector<16xf32>,
        %parallel_loop3A_1433 = arith.constant 16 : i32
        %parallel_loop3A_1434 = arith.muli %parallel_loop3A_1376, %parallel_loop3A_1433 : i32
        %parallel_loop3A_1435 = arith.constant 3 : i32
        %parallel_loop3A_1436 = arith.constant 0 : i32
        %parallel_loop3A_1437 = arith.constant 0 : i32
        %parallel_loop3A_1438 = arith.constant 0 : i32
        %parallel_loop3A_1439 = tpu.memref_slice %arg8[%parallel_loop3A_1148, %parallel_loop3A_1436, %parallel_loop3A_1437, %parallel_loop3A_1438] : memref<4x8x8x128xf32, #tpu.memory_space<vmem>> -> memref<1x8x8x128xf32, #tpu.memory_space<vmem>>
        %parallel_loop3A_1440 = tpu.memref_squeeze %parallel_loop3A_1439 : memref<1x8x8x128xf32, #tpu.memory_space<vmem>> -> memref<8x8x128xf32, #tpu.memory_space<vmem>>
        %parallel_loop3A_1441 = arith.index_cast %parallel_loop3A_1374 : i32 to index
        %parallel_loop3A_1442 = arith.index_cast %parallel_loop3A_1435 : i32 to index
        %parallel_loop3A_1443 = arith.index_cast %parallel_loop3A_1434 : i32 to index
        %parallel_loop3A_1444 = tpu.vector_load %parallel_loop3A_1440[%parallel_loop3A_1441, %parallel_loop3A_1442, %parallel_loop3A_1443] {strides = array<i32>} : memref<8x8x128xf32, #tpu.memory_space<vmem>>, vector<16xf32>,
        tpu.vector_store %parallel_loop3A_1440[%parallel_loop3A_1441, %parallel_loop3A_1442, %parallel_loop3A_1443], %parallel_loop3A_1432 {strides = array<i32>} : memref<8x8x128xf32, #tpu.memory_space<vmem>>, vector<16xf32>,
        %parallel_loop3A_1445 = arith.constant 28000 : i32
        %parallel_loop3A_1446 = vector.broadcast %parallel_loop3A_1445 : i32 to vector<16xi32>
        %parallel_loop3A_1447 = arith.addi %parallel_loop3A_1380, %parallel_loop3A_1446 : vector<16xi32>
        %parallel_loop3A_1448 = tpu.vector_load_idx %arg5[%parallel_loop3A_1447] : memref<64000xf32, #tpu.memory_space<vmem>>[vector<16xi32>], vector<16xf32>,
        %parallel_loop3A_1449 = arith.constant 16 : i32
        %parallel_loop3A_1450 = arith.muli %parallel_loop3A_1376, %parallel_loop3A_1449 : i32
        %parallel_loop3A_1451 = arith.constant 4 : i32
        %parallel_loop3A_1452 = arith.constant 0 : i32
        %parallel_loop3A_1453 = arith.constant 0 : i32
        %parallel_loop3A_1454 = arith.constant 0 : i32
        %parallel_loop3A_1455 = tpu.memref_slice %arg8[%parallel_loop3A_1148, %parallel_loop3A_1452, %parallel_loop3A_1453, %parallel_loop3A_1454] : memref<4x8x8x128xf32, #tpu.memory_space<vmem>> -> memref<1x8x8x128xf32, #tpu.memory_space<vmem>>
        %parallel_loop3A_1456 = tpu.memref_squeeze %parallel_loop3A_1455 : memref<1x8x8x128xf32, #tpu.memory_space<vmem>> -> memref<8x8x128xf32, #tpu.memory_space<vmem>>
        %parallel_loop3A_1457 = arith.index_cast %parallel_loop3A_1374 : i32 to index
        %parallel_loop3A_1458 = arith.index_cast %parallel_loop3A_1451 : i32 to index
        %parallel_loop3A_1459 = arith.index_cast %parallel_loop3A_1450 : i32 to index
        %parallel_loop3A_1460 = tpu.vector_load %parallel_loop3A_1456[%parallel_loop3A_1457, %parallel_loop3A_1458, %parallel_loop3A_1459] {strides = array<i32>} : memref<8x8x128xf32, #tpu.memory_space<vmem>>, vector<16xf32>,
        tpu.vector_store %parallel_loop3A_1456[%parallel_loop3A_1457, %parallel_loop3A_1458, %parallel_loop3A_1459], %parallel_loop3A_1448 {strides = array<i32>} : memref<8x8x128xf32, #tpu.memory_space<vmem>>, vector<16xf32>,
        %parallel_loop3A_1461 = arith.constant 29000 : i32
        %parallel_loop3A_1462 = vector.broadcast %parallel_loop3A_1461 : i32 to vector<16xi32>
        %parallel_loop3A_1463 = arith.addi %parallel_loop3A_1380, %parallel_loop3A_1462 : vector<16xi32>
        %parallel_loop3A_1464 = tpu.vector_load_idx %arg5[%parallel_loop3A_1463] : memref<64000xf32, #tpu.memory_space<vmem>>[vector<16xi32>], vector<16xf32>,
        %parallel_loop3A_1465 = arith.constant 16 : i32
        %parallel_loop3A_1466 = arith.muli %parallel_loop3A_1376, %parallel_loop3A_1465 : i32
        %parallel_loop3A_1467 = arith.constant 5 : i32
        %parallel_loop3A_1468 = arith.constant 0 : i32
        %parallel_loop3A_1469 = arith.constant 0 : i32
        %parallel_loop3A_1470 = arith.constant 0 : i32
        %parallel_loop3A_1471 = tpu.memref_slice %arg8[%parallel_loop3A_1148, %parallel_loop3A_1468, %parallel_loop3A_1469, %parallel_loop3A_1470] : memref<4x8x8x128xf32, #tpu.memory_space<vmem>> -> memref<1x8x8x128xf32, #tpu.memory_space<vmem>>
        %parallel_loop3A_1472 = tpu.memref_squeeze %parallel_loop3A_1471 : memref<1x8x8x128xf32, #tpu.memory_space<vmem>> -> memref<8x8x128xf32, #tpu.memory_space<vmem>>
        %parallel_loop3A_1473 = arith.index_cast %parallel_loop3A_1374 : i32 to index
        %parallel_loop3A_1474 = arith.index_cast %parallel_loop3A_1467 : i32 to index
        %parallel_loop3A_1475 = arith.index_cast %parallel_loop3A_1466 : i32 to index
        %parallel_loop3A_1476 = tpu.vector_load %parallel_loop3A_1472[%parallel_loop3A_1473, %parallel_loop3A_1474, %parallel_loop3A_1475] {strides = array<i32>} : memref<8x8x128xf32, #tpu.memory_space<vmem>>, vector<16xf32>,
        tpu.vector_store %parallel_loop3A_1472[%parallel_loop3A_1473, %parallel_loop3A_1474, %parallel_loop3A_1475], %parallel_loop3A_1464 {strides = array<i32>} : memref<8x8x128xf32, #tpu.memory_space<vmem>>, vector<16xf32>,
        %parallel_loop3A_1477 = arith.constant 30000 : i32
        %parallel_loop3A_1478 = vector.broadcast %parallel_loop3A_1477 : i32 to vector<16xi32>
        %parallel_loop3A_1479 = arith.addi %parallel_loop3A_1380, %parallel_loop3A_1478 : vector<16xi32>
        %parallel_loop3A_1480 = tpu.vector_load_idx %arg5[%parallel_loop3A_1479] : memref<64000xf32, #tpu.memory_space<vmem>>[vector<16xi32>], vector<16xf32>,
        %parallel_loop3A_1481 = arith.constant 16 : i32
        %parallel_loop3A_1482 = arith.muli %parallel_loop3A_1376, %parallel_loop3A_1481 : i32
        %parallel_loop3A_1483 = arith.constant 6 : i32
        %parallel_loop3A_1484 = arith.constant 0 : i32
        %parallel_loop3A_1485 = arith.constant 0 : i32
        %parallel_loop3A_1486 = arith.constant 0 : i32
        %parallel_loop3A_1487 = tpu.memref_slice %arg8[%parallel_loop3A_1148, %parallel_loop3A_1484, %parallel_loop3A_1485, %parallel_loop3A_1486] : memref<4x8x8x128xf32, #tpu.memory_space<vmem>> -> memref<1x8x8x128xf32, #tpu.memory_space<vmem>>
        %parallel_loop3A_1488 = tpu.memref_squeeze %parallel_loop3A_1487 : memref<1x8x8x128xf32, #tpu.memory_space<vmem>> -> memref<8x8x128xf32, #tpu.memory_space<vmem>>
        %parallel_loop3A_1489 = arith.index_cast %parallel_loop3A_1374 : i32 to index
        %parallel_loop3A_1490 = arith.index_cast %parallel_loop3A_1483 : i32 to index
        %parallel_loop3A_1491 = arith.index_cast %parallel_loop3A_1482 : i32 to index
        %parallel_loop3A_1492 = tpu.vector_load %parallel_loop3A_1488[%parallel_loop3A_1489, %parallel_loop3A_1490, %parallel_loop3A_1491] {strides = array<i32>} : memref<8x8x128xf32, #tpu.memory_space<vmem>>, vector<16xf32>,
        tpu.vector_store %parallel_loop3A_1488[%parallel_loop3A_1489, %parallel_loop3A_1490, %parallel_loop3A_1491], %parallel_loop3A_1480 {strides = array<i32>} : memref<8x8x128xf32, #tpu.memory_space<vmem>>, vector<16xf32>,
        %parallel_loop3A_1493 = arith.constant 31000 : i32
        %parallel_loop3A_1494 = vector.broadcast %parallel_loop3A_1493 : i32 to vector<16xi32>
        %parallel_loop3A_1495 = arith.addi %parallel_loop3A_1380, %parallel_loop3A_1494 : vector<16xi32>
        %parallel_loop3A_1496 = tpu.vector_load_idx %arg5[%parallel_loop3A_1495] : memref<64000xf32, #tpu.memory_space<vmem>>[vector<16xi32>], vector<16xf32>,
        %parallel_loop3A_1497 = arith.constant 16 : i32
        %parallel_loop3A_1498 = arith.muli %parallel_loop3A_1376, %parallel_loop3A_1497 : i32
        %parallel_loop3A_1499 = arith.constant 7 : i32
        %parallel_loop3A_1500 = arith.constant 0 : i32
        %parallel_loop3A_1501 = arith.constant 0 : i32
        %parallel_loop3A_1502 = arith.constant 0 : i32
        %parallel_loop3A_1503 = tpu.memref_slice %arg8[%parallel_loop3A_1148, %parallel_loop3A_1500, %parallel_loop3A_1501, %parallel_loop3A_1502] : memref<4x8x8x128xf32, #tpu.memory_space<vmem>> -> memref<1x8x8x128xf32, #tpu.memory_space<vmem>>
        %parallel_loop3A_1504 = tpu.memref_squeeze %parallel_loop3A_1503 : memref<1x8x8x128xf32, #tpu.memory_space<vmem>> -> memref<8x8x128xf32, #tpu.memory_space<vmem>>
        %parallel_loop3A_1505 = arith.index_cast %parallel_loop3A_1374 : i32 to index
        %parallel_loop3A_1506 = arith.index_cast %parallel_loop3A_1499 : i32 to index
        %parallel_loop3A_1507 = arith.index_cast %parallel_loop3A_1498 : i32 to index
        %parallel_loop3A_1508 = tpu.vector_load %parallel_loop3A_1504[%parallel_loop3A_1505, %parallel_loop3A_1506, %parallel_loop3A_1507] {strides = array<i32>} : memref<8x8x128xf32, #tpu.memory_space<vmem>>, vector<16xf32>,
        tpu.vector_store %parallel_loop3A_1504[%parallel_loop3A_1505, %parallel_loop3A_1506, %parallel_loop3A_1507], %parallel_loop3A_1496 {strides = array<i32>} : memref<8x8x128xf32, #tpu.memory_space<vmem>>, vector<16xf32>,
      } {sc.loop_unroll_factor = 2 : i64, sc.parallel_access}
      %dma_start3A_1149 = arith.constant 3 : i32
      %dma_start3A_1150 = arith.constant 3 : i32
      %dma_start3A_1151 = arith.constant 0 : i32
      %dma_start3A_1152 = arith.constant 0 : i32
      %dma_start3A_1153 = arith.constant 0 : i32
      %dma_start3A_1154 = tpu.memref_slice %arg8[%dma_start3A_1149, %dma_start3A_1151, %dma_start3A_1152, %dma_start3A_1153] : memref<4x8x8x128xf32, #tpu.memory_space<vmem>> -> memref<1x8x8x128xf32, #tpu.memory_space<vmem>>
      %dma_start3A_1155 = tpu.memref_squeeze %dma_start3A_1154 : memref<1x8x8x128xf32, #tpu.memory_space<vmem>> -> memref<8x8x128xf32, #tpu.memory_space<vmem>>
      %dma_start3A_1156 = arith.constant 0 : i32
      %dma_start3A_1157 = arith.constant 0 : i32
      %dma_start3A_1158 = arith.constant 0 : i32
      %dma_start3A_1159 = tpu.memref_slice %arg4[%div3A_1045, %rem3A_1047, %dma_start3A_1150, %dma_start3A_1156, %dma_start3A_1157, %dma_start3A_1158] : memref<20x32x8x8x8x128xf32, #tpu.memory_space<hbm>> -> memref<1x1x1x8x8x128xf32, #tpu.memory_space<hbm>>
      %dma_start3A_1160 = tpu.memref_squeeze %dma_start3A_1159 : memref<1x1x1x8x8x128xf32, #tpu.memory_space<hbm>> -> memref<8x8x128xf32, #tpu.memory_space<hbm>>
      %dma_start3A_1161 = arith.constant 0 : i32
      %dma_start3A_1162 = arith.constant 0 : i32
      %dma_start3A_1163 = arith.constant 0 : i32
      %dma_start3A_1164 = tpu.memref_slice %arg4[%div3A_1045, %rem3A_1047, %dma_start3A_1150, %dma_start3A_1161, %dma_start3A_1162, %dma_start3A_1163] : memref<20x32x8x8x8x128xf32, #tpu.memory_space<hbm>> -> memref<1x1x1x8x8x128xf32, #tpu.memory_space<hbm>>
      %dma_start3A_1165 = tpu.memref_squeeze %dma_start3A_1164 : memref<1x1x1x8x8x128xf32, #tpu.memory_space<hbm>> -> memref<8x8x128xf32, #tpu.memory_space<hbm>>
      %dma_start3A_1166 = arith.constant 0 : i32
      %dma_start3A_1167 = arith.constant 0 : i32
      %dma_start3A_1168 = arith.constant 0 : i32
      %dma_start3A_1169 = tpu.memref_slice %arg8[%dma_start3A_1149, %dma_start3A_1166, %dma_start3A_1167, %dma_start3A_1168] : memref<4x8x8x128xf32, #tpu.memory_space<vmem>> -> memref<1x8x8x128xf32, #tpu.memory_space<vmem>>
      %dma_start3A_1170 = tpu.memref_squeeze %dma_start3A_1169 : memref<1x8x8x128xf32, #tpu.memory_space<vmem>> -> memref<8x8x128xf32, #tpu.memory_space<vmem>>
      tpu.enqueue_dma source(%dma_start3A_1170 : memref<8x8x128xf32, #tpu.memory_space<vmem>>) target(%dma_start3A_1165 : memref<8x8x128xf32, #tpu.memory_space<hbm>>) target_semaphore(%arg10 : memref<!tpu.dma_semaphore, #tpu.memory_space<semaphore_mem>>)
      %dma_wait3A_1171 = arith.constant 0 : i32
      %dma_wait3A_1172 = arith.constant 0 : i32
      %dma_wait3A_1173 = arith.constant 0 : i32
      %dma_wait3A_1174 = arith.constant 0 : i32
      %dma_wait3A_1175 = arith.constant 0 : i32
      %dma_wait3A_1176 = arith.constant 0 : i32
      %dma_wait3A_1177 = arith.constant 0 : i32
      %dma_wait3A_1178 = tpu.memref_slice %arg8[%dma_wait3A_1171, %dma_wait3A_1175, %dma_wait3A_1176, %dma_wait3A_1177] : memref<4x8x8x128xf32, #tpu.memory_space<vmem>> -> memref<1x8x8x128xf32, #tpu.memory_space<vmem>>
      %dma_wait3A_1179 = tpu.memref_squeeze %dma_wait3A_1178 : memref<1x8x8x128xf32, #tpu.memory_space<vmem>> -> memref<8x8x128xf32, #tpu.memory_space<vmem>>
      %dma_wait3A_1180 = arith.constant 0 : i32
      %dma_wait3A_1181 = arith.constant 0 : i32
      %dma_wait3A_1182 = arith.constant 0 : i32
      %dma_wait3A_1183 = tpu.memref_slice %arg4[%dma_wait3A_1172, %dma_wait3A_1173, %dma_wait3A_1174, %dma_wait3A_1180, %dma_wait3A_1181, %dma_wait3A_1182] : memref<20x32x8x8x8x128xf32, #tpu.memory_space<hbm>> -> memref<1x1x1x8x8x128xf32, #tpu.memory_space<hbm>>
      %dma_wait3A_1184 = tpu.memref_squeeze %dma_wait3A_1183 : memref<1x1x1x8x8x128xf32, #tpu.memory_space<hbm>> -> memref<8x8x128xf32, #tpu.memory_space<hbm>>
      %dma_wait3A_1185 = arith.constant 0 : i32
      %dma_wait3A_1186 = arith.constant 0 : i32
      %dma_wait3A_1187 = arith.constant 0 : i32
      %dma_wait3A_1188 = tpu.memref_slice %arg4[%dma_wait3A_1172, %dma_wait3A_1173, %dma_wait3A_1174, %dma_wait3A_1185, %dma_wait3A_1186, %dma_wait3A_1187] : memref<20x32x8x8x8x128xf32, #tpu.memory_space<hbm>> -> memref<1x1x1x8x8x128xf32, #tpu.memory_space<hbm>>
      %dma_wait3A_1189 = tpu.memref_squeeze %dma_wait3A_1188 : memref<1x1x1x8x8x128xf32, #tpu.memory_space<hbm>> -> memref<8x8x128xf32, #tpu.memory_space<hbm>>
      %dma_wait3A_1190 = arith.constant 0 : i32
      %dma_wait3A_1191 = arith.constant 0 : i32
      %dma_wait3A_1192 = arith.constant 0 : i32
      %dma_wait3A_1193 = tpu.memref_slice %arg8[%dma_wait3A_1171, %dma_wait3A_1190, %dma_wait3A_1191, %dma_wait3A_1192] : memref<4x8x8x128xf32, #tpu.memory_space<vmem>> -> memref<1x8x8x128xf32, #tpu.memory_space<vmem>>
      %dma_wait3A_1194 = tpu.memref_squeeze %dma_wait3A_1193 : memref<1x8x8x128xf32, #tpu.memory_space<vmem>> -> memref<8x8x128xf32, #tpu.memory_space<vmem>>
      tpu.wait_dma2 semaphore(%arg10 : memref<!tpu.dma_semaphore, #tpu.memory_space<semaphore_mem>>) src(%dma_wait3A_1194 : memref<8x8x128xf32, #tpu.memory_space<vmem>>) dst(%dma_wait3A_1189 : memref<8x8x128xf32, #tpu.memory_space<hbm>>)
      %parallel_loop3A_1195 = arith.constant 0 : i32
      %parallel_loop3A_1196 = arith.constant 64 : i32
      %parallel_loop3A_1197 = arith.constant 1 : i32
      %parallel_loop3A_1198 = arith.constant 0 : i32
      scf.for %parallel_loop3A_1372 = %parallel_loop3A_1195 to %parallel_loop3A_1196 step %parallel_loop3A_1197  : i32 {
        %parallel_loop3A_1373 = arith.constant 8 : i32
        %parallel_loop3A_1374 = arith.divsi %parallel_loop3A_1372, %parallel_loop3A_1373 : i32
        %parallel_loop3A_1375 = arith.constant 8 : i32
        %parallel_loop3A_1376 = arith.remsi %parallel_loop3A_1372, %parallel_loop3A_1375 : i32
        %parallel_loop3A_1377 = arith.constant 16 : i32
        %parallel_loop3A_1378 = arith.muli %parallel_loop3A_1372, %parallel_loop3A_1377 : i32
        %parallel_loop3A_1379 = arith.index_cast %parallel_loop3A_1378 : i32 to index
        %parallel_loop3A_1380 = tpu.vector_load %arg7[%parallel_loop3A_1379] {strides = array<i32>} : memref<1024xi32, #tpu.memory_space<vmem>>, vector<16xi32>,
        %parallel_loop3A_1381 = arith.constant 32000 : i32
        %parallel_loop3A_1382 = vector.broadcast %parallel_loop3A_1381 : i32 to vector<16xi32>
        %parallel_loop3A_1383 = arith.addi %parallel_loop3A_1380, %parallel_loop3A_1382 : vector<16xi32>
        %parallel_loop3A_1384 = tpu.vector_load_idx %arg5[%parallel_loop3A_1383] : memref<64000xf32, #tpu.memory_space<vmem>>[vector<16xi32>], vector<16xf32>,
        %parallel_loop3A_1385 = arith.constant 16 : i32
        %parallel_loop3A_1386 = arith.muli %parallel_loop3A_1376, %parallel_loop3A_1385 : i32
        %parallel_loop3A_1387 = arith.constant 0 : i32
        %parallel_loop3A_1388 = arith.constant 0 : i32
        %parallel_loop3A_1389 = arith.constant 0 : i32
        %parallel_loop3A_1390 = arith.constant 0 : i32
        %parallel_loop3A_1391 = tpu.memref_slice %arg8[%parallel_loop3A_1198, %parallel_loop3A_1388, %parallel_loop3A_1389, %parallel_loop3A_1390] : memref<4x8x8x128xf32, #tpu.memory_space<vmem>> -> memref<1x8x8x128xf32, #tpu.memory_space<vmem>>
        %parallel_loop3A_1392 = tpu.memref_squeeze %parallel_loop3A_1391 : memref<1x8x8x128xf32, #tpu.memory_space<vmem>> -> memref<8x8x128xf32, #tpu.memory_space<vmem>>
        %parallel_loop3A_1393 = arith.index_cast %parallel_loop3A_1374 : i32 to index
        %parallel_loop3A_1394 = arith.index_cast %parallel_loop3A_1387 : i32 to index
        %parallel_loop3A_1395 = arith.index_cast %parallel_loop3A_1386 : i32 to index
        %parallel_loop3A_1396 = tpu.vector_load %parallel_loop3A_1392[%parallel_loop3A_1393, %parallel_loop3A_1394, %parallel_loop3A_1395] {strides = array<i32>} : memref<8x8x128xf32, #tpu.memory_space<vmem>>, vector<16xf32>,
        tpu.vector_store %parallel_loop3A_1392[%parallel_loop3A_1393, %parallel_loop3A_1394, %parallel_loop3A_1395], %parallel_loop3A_1384 {strides = array<i32>} : memref<8x8x128xf32, #tpu.memory_space<vmem>>, vector<16xf32>,
        %parallel_loop3A_1397 = arith.constant 33000 : i32
        %parallel_loop3A_1398 = vector.broadcast %parallel_loop3A_1397 : i32 to vector<16xi32>
        %parallel_loop3A_1399 = arith.addi %parallel_loop3A_1380, %parallel_loop3A_1398 : vector<16xi32>
        %parallel_loop3A_1400 = tpu.vector_load_idx %arg5[%parallel_loop3A_1399] : memref<64000xf32, #tpu.memory_space<vmem>>[vector<16xi32>], vector<16xf32>,
        %parallel_loop3A_1401 = arith.constant 16 : i32
        %parallel_loop3A_1402 = arith.muli %parallel_loop3A_1376, %parallel_loop3A_1401 : i32
        %parallel_loop3A_1403 = arith.constant 1 : i32
        %parallel_loop3A_1404 = arith.constant 0 : i32
        %parallel_loop3A_1405 = arith.constant 0 : i32
        %parallel_loop3A_1406 = arith.constant 0 : i32
        %parallel_loop3A_1407 = tpu.memref_slice %arg8[%parallel_loop3A_1198, %parallel_loop3A_1404, %parallel_loop3A_1405, %parallel_loop3A_1406] : memref<4x8x8x128xf32, #tpu.memory_space<vmem>> -> memref<1x8x8x128xf32, #tpu.memory_space<vmem>>
        %parallel_loop3A_1408 = tpu.memref_squeeze %parallel_loop3A_1407 : memref<1x8x8x128xf32, #tpu.memory_space<vmem>> -> memref<8x8x128xf32, #tpu.memory_space<vmem>>
        %parallel_loop3A_1409 = arith.index_cast %parallel_loop3A_1374 : i32 to index
        %parallel_loop3A_1410 = arith.index_cast %parallel_loop3A_1403 : i32 to index
        %parallel_loop3A_1411 = arith.index_cast %parallel_loop3A_1402 : i32 to index
        %parallel_loop3A_1412 = tpu.vector_load %parallel_loop3A_1408[%parallel_loop3A_1409, %parallel_loop3A_1410, %parallel_loop3A_1411] {strides = array<i32>} : memref<8x8x128xf32, #tpu.memory_space<vmem>>, vector<16xf32>,
        tpu.vector_store %parallel_loop3A_1408[%parallel_loop3A_1409, %parallel_loop3A_1410, %parallel_loop3A_1411], %parallel_loop3A_1400 {strides = array<i32>} : memref<8x8x128xf32, #tpu.memory_space<vmem>>, vector<16xf32>,
        %parallel_loop3A_1413 = arith.constant 34000 : i32
        %parallel_loop3A_1414 = vector.broadcast %parallel_loop3A_1413 : i32 to vector<16xi32>
        %parallel_loop3A_1415 = arith.addi %parallel_loop3A_1380, %parallel_loop3A_1414 : vector<16xi32>
        %parallel_loop3A_1416 = tpu.vector_load_idx %arg5[%parallel_loop3A_1415] : memref<64000xf32, #tpu.memory_space<vmem>>[vector<16xi32>], vector<16xf32>,
        %parallel_loop3A_1417 = arith.constant 16 : i32
        %parallel_loop3A_1418 = arith.muli %parallel_loop3A_1376, %parallel_loop3A_1417 : i32
        %parallel_loop3A_1419 = arith.constant 2 : i32
        %parallel_loop3A_1420 = arith.constant 0 : i32
        %parallel_loop3A_1421 = arith.constant 0 : i32
        %parallel_loop3A_1422 = arith.constant 0 : i32
        %parallel_loop3A_1423 = tpu.memref_slice %arg8[%parallel_loop3A_1198, %parallel_loop3A_1420, %parallel_loop3A_1421, %parallel_loop3A_1422] : memref<4x8x8x128xf32, #tpu.memory_space<vmem>> -> memref<1x8x8x128xf32, #tpu.memory_space<vmem>>
        %parallel_loop3A_1424 = tpu.memref_squeeze %parallel_loop3A_1423 : memref<1x8x8x128xf32, #tpu.memory_space<vmem>> -> memref<8x8x128xf32, #tpu.memory_space<vmem>>
        %parallel_loop3A_1425 = arith.index_cast %parallel_loop3A_1374 : i32 to index
        %parallel_loop3A_1426 = arith.index_cast %parallel_loop3A_1419 : i32 to index
        %parallel_loop3A_1427 = arith.index_cast %parallel_loop3A_1418 : i32 to index
        %parallel_loop3A_1428 = tpu.vector_load %parallel_loop3A_1424[%parallel_loop3A_1425, %parallel_loop3A_1426, %parallel_loop3A_1427] {strides = array<i32>} : memref<8x8x128xf32, #tpu.memory_space<vmem>>, vector<16xf32>,
        tpu.vector_store %parallel_loop3A_1424[%parallel_loop3A_1425, %parallel_loop3A_1426, %parallel_loop3A_1427], %parallel_loop3A_1416 {strides = array<i32>} : memref<8x8x128xf32, #tpu.memory_space<vmem>>, vector<16xf32>,
        %parallel_loop3A_1429 = arith.constant 35000 : i32
        %parallel_loop3A_1430 = vector.broadcast %parallel_loop3A_1429 : i32 to vector<16xi32>
        %parallel_loop3A_1431 = arith.addi %parallel_loop3A_1380, %parallel_loop3A_1430 : vector<16xi32>
        %parallel_loop3A_1432 = tpu.vector_load_idx %arg5[%parallel_loop3A_1431] : memref<64000xf32, #tpu.memory_space<vmem>>[vector<16xi32>], vector<16xf32>,
        %parallel_loop3A_1433 = arith.constant 16 : i32
        %parallel_loop3A_1434 = arith.muli %parallel_loop3A_1376, %parallel_loop3A_1433 : i32
        %parallel_loop3A_1435 = arith.constant 3 : i32
        %parallel_loop3A_1436 = arith.constant 0 : i32
        %parallel_loop3A_1437 = arith.constant 0 : i32
        %parallel_loop3A_1438 = arith.constant 0 : i32
        %parallel_loop3A_1439 = tpu.memref_slice %arg8[%parallel_loop3A_1198, %parallel_loop3A_1436, %parallel_loop3A_1437, %parallel_loop3A_1438] : memref<4x8x8x128xf32, #tpu.memory_space<vmem>> -> memref<1x8x8x128xf32, #tpu.memory_space<vmem>>
        %parallel_loop3A_1440 = tpu.memref_squeeze %parallel_loop3A_1439 : memref<1x8x8x128xf32, #tpu.memory_space<vmem>> -> memref<8x8x128xf32, #tpu.memory_space<vmem>>
        %parallel_loop3A_1441 = arith.index_cast %parallel_loop3A_1374 : i32 to index
        %parallel_loop3A_1442 = arith.index_cast %parallel_loop3A_1435 : i32 to index
        %parallel_loop3A_1443 = arith.index_cast %parallel_loop3A_1434 : i32 to index
        %parallel_loop3A_1444 = tpu.vector_load %parallel_loop3A_1440[%parallel_loop3A_1441, %parallel_loop3A_1442, %parallel_loop3A_1443] {strides = array<i32>} : memref<8x8x128xf32, #tpu.memory_space<vmem>>, vector<16xf32>,
        tpu.vector_store %parallel_loop3A_1440[%parallel_loop3A_1441, %parallel_loop3A_1442, %parallel_loop3A_1443], %parallel_loop3A_1432 {strides = array<i32>} : memref<8x8x128xf32, #tpu.memory_space<vmem>>, vector<16xf32>,
        %parallel_loop3A_1445 = arith.constant 36000 : i32
        %parallel_loop3A_1446 = vector.broadcast %parallel_loop3A_1445 : i32 to vector<16xi32>
        %parallel_loop3A_1447 = arith.addi %parallel_loop3A_1380, %parallel_loop3A_1446 : vector<16xi32>
        %parallel_loop3A_1448 = tpu.vector_load_idx %arg5[%parallel_loop3A_1447] : memref<64000xf32, #tpu.memory_space<vmem>>[vector<16xi32>], vector<16xf32>,
        %parallel_loop3A_1449 = arith.constant 16 : i32
        %parallel_loop3A_1450 = arith.muli %parallel_loop3A_1376, %parallel_loop3A_1449 : i32
        %parallel_loop3A_1451 = arith.constant 4 : i32
        %parallel_loop3A_1452 = arith.constant 0 : i32
        %parallel_loop3A_1453 = arith.constant 0 : i32
        %parallel_loop3A_1454 = arith.constant 0 : i32
        %parallel_loop3A_1455 = tpu.memref_slice %arg8[%parallel_loop3A_1198, %parallel_loop3A_1452, %parallel_loop3A_1453, %parallel_loop3A_1454] : memref<4x8x8x128xf32, #tpu.memory_space<vmem>> -> memref<1x8x8x128xf32, #tpu.memory_space<vmem>>
        %parallel_loop3A_1456 = tpu.memref_squeeze %parallel_loop3A_1455 : memref<1x8x8x128xf32, #tpu.memory_space<vmem>> -> memref<8x8x128xf32, #tpu.memory_space<vmem>>
        %parallel_loop3A_1457 = arith.index_cast %parallel_loop3A_1374 : i32 to index
        %parallel_loop3A_1458 = arith.index_cast %parallel_loop3A_1451 : i32 to index
        %parallel_loop3A_1459 = arith.index_cast %parallel_loop3A_1450 : i32 to index
        %parallel_loop3A_1460 = tpu.vector_load %parallel_loop3A_1456[%parallel_loop3A_1457, %parallel_loop3A_1458, %parallel_loop3A_1459] {strides = array<i32>} : memref<8x8x128xf32, #tpu.memory_space<vmem>>, vector<16xf32>,
        tpu.vector_store %parallel_loop3A_1456[%parallel_loop3A_1457, %parallel_loop3A_1458, %parallel_loop3A_1459], %parallel_loop3A_1448 {strides = array<i32>} : memref<8x8x128xf32, #tpu.memory_space<vmem>>, vector<16xf32>,
        %parallel_loop3A_1461 = arith.constant 37000 : i32
        %parallel_loop3A_1462 = vector.broadcast %parallel_loop3A_1461 : i32 to vector<16xi32>
        %parallel_loop3A_1463 = arith.addi %parallel_loop3A_1380, %parallel_loop3A_1462 : vector<16xi32>
        %parallel_loop3A_1464 = tpu.vector_load_idx %arg5[%parallel_loop3A_1463] : memref<64000xf32, #tpu.memory_space<vmem>>[vector<16xi32>], vector<16xf32>,
        %parallel_loop3A_1465 = arith.constant 16 : i32
        %parallel_loop3A_1466 = arith.muli %parallel_loop3A_1376, %parallel_loop3A_1465 : i32
        %parallel_loop3A_1467 = arith.constant 5 : i32
        %parallel_loop3A_1468 = arith.constant 0 : i32
        %parallel_loop3A_1469 = arith.constant 0 : i32
        %parallel_loop3A_1470 = arith.constant 0 : i32
        %parallel_loop3A_1471 = tpu.memref_slice %arg8[%parallel_loop3A_1198, %parallel_loop3A_1468, %parallel_loop3A_1469, %parallel_loop3A_1470] : memref<4x8x8x128xf32, #tpu.memory_space<vmem>> -> memref<1x8x8x128xf32, #tpu.memory_space<vmem>>
        %parallel_loop3A_1472 = tpu.memref_squeeze %parallel_loop3A_1471 : memref<1x8x8x128xf32, #tpu.memory_space<vmem>> -> memref<8x8x128xf32, #tpu.memory_space<vmem>>
        %parallel_loop3A_1473 = arith.index_cast %parallel_loop3A_1374 : i32 to index
        %parallel_loop3A_1474 = arith.index_cast %parallel_loop3A_1467 : i32 to index
        %parallel_loop3A_1475 = arith.index_cast %parallel_loop3A_1466 : i32 to index
        %parallel_loop3A_1476 = tpu.vector_load %parallel_loop3A_1472[%parallel_loop3A_1473, %parallel_loop3A_1474, %parallel_loop3A_1475] {strides = array<i32>} : memref<8x8x128xf32, #tpu.memory_space<vmem>>, vector<16xf32>,
        tpu.vector_store %parallel_loop3A_1472[%parallel_loop3A_1473, %parallel_loop3A_1474, %parallel_loop3A_1475], %parallel_loop3A_1464 {strides = array<i32>} : memref<8x8x128xf32, #tpu.memory_space<vmem>>, vector<16xf32>,
        %parallel_loop3A_1477 = arith.constant 38000 : i32
        %parallel_loop3A_1478 = vector.broadcast %parallel_loop3A_1477 : i32 to vector<16xi32>
        %parallel_loop3A_1479 = arith.addi %parallel_loop3A_1380, %parallel_loop3A_1478 : vector<16xi32>
        %parallel_loop3A_1480 = tpu.vector_load_idx %arg5[%parallel_loop3A_1479] : memref<64000xf32, #tpu.memory_space<vmem>>[vector<16xi32>], vector<16xf32>,
        %parallel_loop3A_1481 = arith.constant 16 : i32
        %parallel_loop3A_1482 = arith.muli %parallel_loop3A_1376, %parallel_loop3A_1481 : i32
        %parallel_loop3A_1483 = arith.constant 6 : i32
        %parallel_loop3A_1484 = arith.constant 0 : i32
        %parallel_loop3A_1485 = arith.constant 0 : i32
        %parallel_loop3A_1486 = arith.constant 0 : i32
        %parallel_loop3A_1487 = tpu.memref_slice %arg8[%parallel_loop3A_1198, %parallel_loop3A_1484, %parallel_loop3A_1485, %parallel_loop3A_1486] : memref<4x8x8x128xf32, #tpu.memory_space<vmem>> -> memref<1x8x8x128xf32, #tpu.memory_space<vmem>>
        %parallel_loop3A_1488 = tpu.memref_squeeze %parallel_loop3A_1487 : memref<1x8x8x128xf32, #tpu.memory_space<vmem>> -> memref<8x8x128xf32, #tpu.memory_space<vmem>>
        %parallel_loop3A_1489 = arith.index_cast %parallel_loop3A_1374 : i32 to index
        %parallel_loop3A_1490 = arith.index_cast %parallel_loop3A_1483 : i32 to index
        %parallel_loop3A_1491 = arith.index_cast %parallel_loop3A_1482 : i32 to index
        %parallel_loop3A_1492 = tpu.vector_load %parallel_loop3A_1488[%parallel_loop3A_1489, %parallel_loop3A_1490, %parallel_loop3A_1491] {strides = array<i32>} : memref<8x8x128xf32, #tpu.memory_space<vmem>>, vector<16xf32>,
        tpu.vector_store %parallel_loop3A_1488[%parallel_loop3A_1489, %parallel_loop3A_1490, %parallel_loop3A_1491], %parallel_loop3A_1480 {strides = array<i32>} : memref<8x8x128xf32, #tpu.memory_space<vmem>>, vector<16xf32>,
        %parallel_loop3A_1493 = arith.constant 39000 : i32
        %parallel_loop3A_1494 = vector.broadcast %parallel_loop3A_1493 : i32 to vector<16xi32>
        %parallel_loop3A_1495 = arith.addi %parallel_loop3A_1380, %parallel_loop3A_1494 : vector<16xi32>
        %parallel_loop3A_1496 = tpu.vector_load_idx %arg5[%parallel_loop3A_1495] : memref<64000xf32, #tpu.memory_space<vmem>>[vector<16xi32>], vector<16xf32>,
        %parallel_loop3A_1497 = arith.constant 16 : i32
        %parallel_loop3A_1498 = arith.muli %parallel_loop3A_1376, %parallel_loop3A_1497 : i32
        %parallel_loop3A_1499 = arith.constant 7 : i32
        %parallel_loop3A_1500 = arith.constant 0 : i32
        %parallel_loop3A_1501 = arith.constant 0 : i32
        %parallel_loop3A_1502 = arith.constant 0 : i32
        %parallel_loop3A_1503 = tpu.memref_slice %arg8[%parallel_loop3A_1198, %parallel_loop3A_1500, %parallel_loop3A_1501, %parallel_loop3A_1502] : memref<4x8x8x128xf32, #tpu.memory_space<vmem>> -> memref<1x8x8x128xf32, #tpu.memory_space<vmem>>
        %parallel_loop3A_1504 = tpu.memref_squeeze %parallel_loop3A_1503 : memref<1x8x8x128xf32, #tpu.memory_space<vmem>> -> memref<8x8x128xf32, #tpu.memory_space<vmem>>
        %parallel_loop3A_1505 = arith.index_cast %parallel_loop3A_1374 : i32 to index
        %parallel_loop3A_1506 = arith.index_cast %parallel_loop3A_1499 : i32 to index
        %parallel_loop3A_1507 = arith.index_cast %parallel_loop3A_1498 : i32 to index
        %parallel_loop3A_1508 = tpu.vector_load %parallel_loop3A_1504[%parallel_loop3A_1505, %parallel_loop3A_1506, %parallel_loop3A_1507] {strides = array<i32>} : memref<8x8x128xf32, #tpu.memory_space<vmem>>, vector<16xf32>,
        tpu.vector_store %parallel_loop3A_1504[%parallel_loop3A_1505, %parallel_loop3A_1506, %parallel_loop3A_1507], %parallel_loop3A_1496 {strides = array<i32>} : memref<8x8x128xf32, #tpu.memory_space<vmem>>, vector<16xf32>,
      } {sc.loop_unroll_factor = 2 : i64, sc.parallel_access}
      %dma_start3A_1199 = arith.constant 0 : i32
      %dma_start3A_1200 = arith.constant 4 : i32
      %dma_start3A_1201 = arith.constant 0 : i32
      %dma_start3A_1202 = arith.constant 0 : i32
      %dma_start3A_1203 = arith.constant 0 : i32
      %dma_start3A_1204 = tpu.memref_slice %arg8[%dma_start3A_1199, %dma_start3A_1201, %dma_start3A_1202, %dma_start3A_1203] : memref<4x8x8x128xf32, #tpu.memory_space<vmem>> -> memref<1x8x8x128xf32, #tpu.memory_space<vmem>>
      %dma_start3A_1205 = tpu.memref_squeeze %dma_start3A_1204 : memref<1x8x8x128xf32, #tpu.memory_space<vmem>> -> memref<8x8x128xf32, #tpu.memory_space<vmem>>
      %dma_start3A_1206 = arith.constant 0 : i32
      %dma_start3A_1207 = arith.constant 0 : i32
      %dma_start3A_1208 = arith.constant 0 : i32
      %dma_start3A_1209 = tpu.memref_slice %arg4[%div3A_1045, %rem3A_1047, %dma_start3A_1200, %dma_start3A_1206, %dma_start3A_1207, %dma_start3A_1208] : memref<20x32x8x8x8x128xf32, #tpu.memory_space<hbm>> -> memref<1x1x1x8x8x128xf32, #tpu.memory_space<hbm>>
      %dma_start3A_1210 = tpu.memref_squeeze %dma_start3A_1209 : memref<1x1x1x8x8x128xf32, #tpu.memory_space<hbm>> -> memref<8x8x128xf32, #tpu.memory_space<hbm>>
      %dma_start3A_1211 = arith.constant 0 : i32
      %dma_start3A_1212 = arith.constant 0 : i32
      %dma_start3A_1213 = arith.constant 0 : i32
      %dma_start3A_1214 = tpu.memref_slice %arg4[%div3A_1045, %rem3A_1047, %dma_start3A_1200, %dma_start3A_1211, %dma_start3A_1212, %dma_start3A_1213] : memref<20x32x8x8x8x128xf32, #tpu.memory_space<hbm>> -> memref<1x1x1x8x8x128xf32, #tpu.memory_space<hbm>>
      %dma_start3A_1215 = tpu.memref_squeeze %dma_start3A_1214 : memref<1x1x1x8x8x128xf32, #tpu.memory_space<hbm>> -> memref<8x8x128xf32, #tpu.memory_space<hbm>>
      %dma_start3A_1216 = arith.constant 0 : i32
      %dma_start3A_1217 = arith.constant 0 : i32
      %dma_start3A_1218 = arith.constant 0 : i32
      %dma_start3A_1219 = tpu.memref_slice %arg8[%dma_start3A_1199, %dma_start3A_1216, %dma_start3A_1217, %dma_start3A_1218] : memref<4x8x8x128xf32, #tpu.memory_space<vmem>> -> memref<1x8x8x128xf32, #tpu.memory_space<vmem>>
      %dma_start3A_1220 = tpu.memref_squeeze %dma_start3A_1219 : memref<1x8x8x128xf32, #tpu.memory_space<vmem>> -> memref<8x8x128xf32, #tpu.memory_space<vmem>>
      tpu.enqueue_dma source(%dma_start3A_1220 : memref<8x8x128xf32, #tpu.memory_space<vmem>>) target(%dma_start3A_1215 : memref<8x8x128xf32, #tpu.memory_space<hbm>>) target_semaphore(%arg10 : memref<!tpu.dma_semaphore, #tpu.memory_space<semaphore_mem>>)
      %dma_wait3A_1221 = arith.constant 0 : i32
      %dma_wait3A_1222 = arith.constant 0 : i32
      %dma_wait3A_1223 = arith.constant 0 : i32
      %dma_wait3A_1224 = arith.constant 0 : i32
      %dma_wait3A_1225 = arith.constant 0 : i32
      %dma_wait3A_1226 = arith.constant 0 : i32
      %dma_wait3A_1227 = arith.constant 0 : i32
      %dma_wait3A_1228 = tpu.memref_slice %arg8[%dma_wait3A_1221, %dma_wait3A_1225, %dma_wait3A_1226, %dma_wait3A_1227] : memref<4x8x8x128xf32, #tpu.memory_space<vmem>> -> memref<1x8x8x128xf32, #tpu.memory_space<vmem>>
      %dma_wait3A_1229 = tpu.memref_squeeze %dma_wait3A_1228 : memref<1x8x8x128xf32, #tpu.memory_space<vmem>> -> memref<8x8x128xf32, #tpu.memory_space<vmem>>
      %dma_wait3A_1230 = arith.constant 0 : i32
      %dma_wait3A_1231 = arith.constant 0 : i32
      %dma_wait3A_1232 = arith.constant 0 : i32
      %dma_wait3A_1233 = tpu.memref_slice %arg4[%dma_wait3A_1222, %dma_wait3A_1223, %dma_wait3A_1224, %dma_wait3A_1230, %dma_wait3A_1231, %dma_wait3A_1232] : memref<20x32x8x8x8x128xf32, #tpu.memory_space<hbm>> -> memref<1x1x1x8x8x128xf32, #tpu.memory_space<hbm>>
      %dma_wait3A_1234 = tpu.memref_squeeze %dma_wait3A_1233 : memref<1x1x1x8x8x128xf32, #tpu.memory_space<hbm>> -> memref<8x8x128xf32, #tpu.memory_space<hbm>>
      %dma_wait3A_1235 = arith.constant 0 : i32
      %dma_wait3A_1236 = arith.constant 0 : i32
      %dma_wait3A_1237 = arith.constant 0 : i32
      %dma_wait3A_1238 = tpu.memref_slice %arg4[%dma_wait3A_1222, %dma_wait3A_1223, %dma_wait3A_1224, %dma_wait3A_1235, %dma_wait3A_1236, %dma_wait3A_1237] : memref<20x32x8x8x8x128xf32, #tpu.memory_space<hbm>> -> memref<1x1x1x8x8x128xf32, #tpu.memory_space<hbm>>
      %dma_wait3A_1239 = tpu.memref_squeeze %dma_wait3A_1238 : memref<1x1x1x8x8x128xf32, #tpu.memory_space<hbm>> -> memref<8x8x128xf32, #tpu.memory_space<hbm>>
      %dma_wait3A_1240 = arith.constant 0 : i32
      %dma_wait3A_1241 = arith.constant 0 : i32
      %dma_wait3A_1242 = arith.constant 0 : i32
      %dma_wait3A_1243 = tpu.memref_slice %arg8[%dma_wait3A_1221, %dma_wait3A_1240, %dma_wait3A_1241, %dma_wait3A_1242] : memref<4x8x8x128xf32, #tpu.memory_space<vmem>> -> memref<1x8x8x128xf32, #tpu.memory_space<vmem>>
      %dma_wait3A_1244 = tpu.memref_squeeze %dma_wait3A_1243 : memref<1x8x8x128xf32, #tpu.memory_space<vmem>> -> memref<8x8x128xf32, #tpu.memory_space<vmem>>
      tpu.wait_dma2 semaphore(%arg10 : memref<!tpu.dma_semaphore, #tpu.memory_space<semaphore_mem>>) src(%dma_wait3A_1244 : memref<8x8x128xf32, #tpu.memory_space<vmem>>) dst(%dma_wait3A_1239 : memref<8x8x128xf32, #tpu.memory_space<hbm>>)
      %parallel_loop3A_1245 = arith.constant 0 : i32
      %parallel_loop3A_1246 = arith.constant 64 : i32
      %parallel_loop3A_1247 = arith.constant 1 : i32
      %parallel_loop3A_1248 = arith.constant 1 : i32
      scf.for %parallel_loop3A_1372 = %parallel_loop3A_1245 to %parallel_loop3A_1246 step %parallel_loop3A_1247  : i32 {
        %parallel_loop3A_1373 = arith.constant 8 : i32
        %parallel_loop3A_1374 = arith.divsi %parallel_loop3A_1372, %parallel_loop3A_1373 : i32
        %parallel_loop3A_1375 = arith.constant 8 : i32
        %parallel_loop3A_1376 = arith.remsi %parallel_loop3A_1372, %parallel_loop3A_1375 : i32
        %parallel_loop3A_1377 = arith.constant 16 : i32
        %parallel_loop3A_1378 = arith.muli %parallel_loop3A_1372, %parallel_loop3A_1377 : i32
        %parallel_loop3A_1379 = arith.index_cast %parallel_loop3A_1378 : i32 to index
        %parallel_loop3A_1380 = tpu.vector_load %arg7[%parallel_loop3A_1379] {strides = array<i32>} : memref<1024xi32, #tpu.memory_space<vmem>>, vector<16xi32>,
        %parallel_loop3A_1381 = arith.constant 40000 : i32
        %parallel_loop3A_1382 = vector.broadcast %parallel_loop3A_1381 : i32 to vector<16xi32>
        %parallel_loop3A_1383 = arith.addi %parallel_loop3A_1380, %parallel_loop3A_1382 : vector<16xi32>
        %parallel_loop3A_1384 = tpu.vector_load_idx %arg5[%parallel_loop3A_1383] : memref<64000xf32, #tpu.memory_space<vmem>>[vector<16xi32>], vector<16xf32>,
        %parallel_loop3A_1385 = arith.constant 16 : i32
        %parallel_loop3A_1386 = arith.muli %parallel_loop3A_1376, %parallel_loop3A_1385 : i32
        %parallel_loop3A_1387 = arith.constant 0 : i32
        %parallel_loop3A_1388 = arith.constant 0 : i32
        %parallel_loop3A_1389 = arith.constant 0 : i32
        %parallel_loop3A_1390 = arith.constant 0 : i32
        %parallel_loop3A_1391 = tpu.memref_slice %arg8[%parallel_loop3A_1248, %parallel_loop3A_1388, %parallel_loop3A_1389, %parallel_loop3A_1390] : memref<4x8x8x128xf32, #tpu.memory_space<vmem>> -> memref<1x8x8x128xf32, #tpu.memory_space<vmem>>
        %parallel_loop3A_1392 = tpu.memref_squeeze %parallel_loop3A_1391 : memref<1x8x8x128xf32, #tpu.memory_space<vmem>> -> memref<8x8x128xf32, #tpu.memory_space<vmem>>
        %parallel_loop3A_1393 = arith.index_cast %parallel_loop3A_1374 : i32 to index
        %parallel_loop3A_1394 = arith.index_cast %parallel_loop3A_1387 : i32 to index
        %parallel_loop3A_1395 = arith.index_cast %parallel_loop3A_1386 : i32 to index
        %parallel_loop3A_1396 = tpu.vector_load %parallel_loop3A_1392[%parallel_loop3A_1393, %parallel_loop3A_1394, %parallel_loop3A_1395] {strides = array<i32>} : memref<8x8x128xf32, #tpu.memory_space<vmem>>, vector<16xf32>,
        tpu.vector_store %parallel_loop3A_1392[%parallel_loop3A_1393, %parallel_loop3A_1394, %parallel_loop3A_1395], %parallel_loop3A_1384 {strides = array<i32>} : memref<8x8x128xf32, #tpu.memory_space<vmem>>, vector<16xf32>,
        %parallel_loop3A_1397 = arith.constant 41000 : i32
        %parallel_loop3A_1398 = vector.broadcast %parallel_loop3A_1397 : i32 to vector<16xi32>
        %parallel_loop3A_1399 = arith.addi %parallel_loop3A_1380, %parallel_loop3A_1398 : vector<16xi32>
        %parallel_loop3A_1400 = tpu.vector_load_idx %arg5[%parallel_loop3A_1399] : memref<64000xf32, #tpu.memory_space<vmem>>[vector<16xi32>], vector<16xf32>,
        %parallel_loop3A_1401 = arith.constant 16 : i32
        %parallel_loop3A_1402 = arith.muli %parallel_loop3A_1376, %parallel_loop3A_1401 : i32
        %parallel_loop3A_1403 = arith.constant 1 : i32
        %parallel_loop3A_1404 = arith.constant 0 : i32
        %parallel_loop3A_1405 = arith.constant 0 : i32
        %parallel_loop3A_1406 = arith.constant 0 : i32
        %parallel_loop3A_1407 = tpu.memref_slice %arg8[%parallel_loop3A_1248, %parallel_loop3A_1404, %parallel_loop3A_1405, %parallel_loop3A_1406] : memref<4x8x8x128xf32, #tpu.memory_space<vmem>> -> memref<1x8x8x128xf32, #tpu.memory_space<vmem>>
        %parallel_loop3A_1408 = tpu.memref_squeeze %parallel_loop3A_1407 : memref<1x8x8x128xf32, #tpu.memory_space<vmem>> -> memref<8x8x128xf32, #tpu.memory_space<vmem>>
        %parallel_loop3A_1409 = arith.index_cast %parallel_loop3A_1374 : i32 to index
        %parallel_loop3A_1410 = arith.index_cast %parallel_loop3A_1403 : i32 to index
        %parallel_loop3A_1411 = arith.index_cast %parallel_loop3A_1402 : i32 to index
        %parallel_loop3A_1412 = tpu.vector_load %parallel_loop3A_1408[%parallel_loop3A_1409, %parallel_loop3A_1410, %parallel_loop3A_1411] {strides = array<i32>} : memref<8x8x128xf32, #tpu.memory_space<vmem>>, vector<16xf32>,
        tpu.vector_store %parallel_loop3A_1408[%parallel_loop3A_1409, %parallel_loop3A_1410, %parallel_loop3A_1411], %parallel_loop3A_1400 {strides = array<i32>} : memref<8x8x128xf32, #tpu.memory_space<vmem>>, vector<16xf32>,
        %parallel_loop3A_1413 = arith.constant 42000 : i32
        %parallel_loop3A_1414 = vector.broadcast %parallel_loop3A_1413 : i32 to vector<16xi32>
        %parallel_loop3A_1415 = arith.addi %parallel_loop3A_1380, %parallel_loop3A_1414 : vector<16xi32>
        %parallel_loop3A_1416 = tpu.vector_load_idx %arg5[%parallel_loop3A_1415] : memref<64000xf32, #tpu.memory_space<vmem>>[vector<16xi32>], vector<16xf32>,
        %parallel_loop3A_1417 = arith.constant 16 : i32
        %parallel_loop3A_1418 = arith.muli %parallel_loop3A_1376, %parallel_loop3A_1417 : i32
        %parallel_loop3A_1419 = arith.constant 2 : i32
        %parallel_loop3A_1420 = arith.constant 0 : i32
        %parallel_loop3A_1421 = arith.constant 0 : i32
        %parallel_loop3A_1422 = arith.constant 0 : i32
        %parallel_loop3A_1423 = tpu.memref_slice %arg8[%parallel_loop3A_1248, %parallel_loop3A_1420, %parallel_loop3A_1421, %parallel_loop3A_1422] : memref<4x8x8x128xf32, #tpu.memory_space<vmem>> -> memref<1x8x8x128xf32, #tpu.memory_space<vmem>>
        %parallel_loop3A_1424 = tpu.memref_squeeze %parallel_loop3A_1423 : memref<1x8x8x128xf32, #tpu.memory_space<vmem>> -> memref<8x8x128xf32, #tpu.memory_space<vmem>>
        %parallel_loop3A_1425 = arith.index_cast %parallel_loop3A_1374 : i32 to index
        %parallel_loop3A_1426 = arith.index_cast %parallel_loop3A_1419 : i32 to index
        %parallel_loop3A_1427 = arith.index_cast %parallel_loop3A_1418 : i32 to index
        %parallel_loop3A_1428 = tpu.vector_load %parallel_loop3A_1424[%parallel_loop3A_1425, %parallel_loop3A_1426, %parallel_loop3A_1427] {strides = array<i32>} : memref<8x8x128xf32, #tpu.memory_space<vmem>>, vector<16xf32>,
        tpu.vector_store %parallel_loop3A_1424[%parallel_loop3A_1425, %parallel_loop3A_1426, %parallel_loop3A_1427], %parallel_loop3A_1416 {strides = array<i32>} : memref<8x8x128xf32, #tpu.memory_space<vmem>>, vector<16xf32>,
        %parallel_loop3A_1429 = arith.constant 43000 : i32
        %parallel_loop3A_1430 = vector.broadcast %parallel_loop3A_1429 : i32 to vector<16xi32>
        %parallel_loop3A_1431 = arith.addi %parallel_loop3A_1380, %parallel_loop3A_1430 : vector<16xi32>
        %parallel_loop3A_1432 = tpu.vector_load_idx %arg5[%parallel_loop3A_1431] : memref<64000xf32, #tpu.memory_space<vmem>>[vector<16xi32>], vector<16xf32>,
        %parallel_loop3A_1433 = arith.constant 16 : i32
        %parallel_loop3A_1434 = arith.muli %parallel_loop3A_1376, %parallel_loop3A_1433 : i32
        %parallel_loop3A_1435 = arith.constant 3 : i32
        %parallel_loop3A_1436 = arith.constant 0 : i32
        %parallel_loop3A_1437 = arith.constant 0 : i32
        %parallel_loop3A_1438 = arith.constant 0 : i32
        %parallel_loop3A_1439 = tpu.memref_slice %arg8[%parallel_loop3A_1248, %parallel_loop3A_1436, %parallel_loop3A_1437, %parallel_loop3A_1438] : memref<4x8x8x128xf32, #tpu.memory_space<vmem>> -> memref<1x8x8x128xf32, #tpu.memory_space<vmem>>
        %parallel_loop3A_1440 = tpu.memref_squeeze %parallel_loop3A_1439 : memref<1x8x8x128xf32, #tpu.memory_space<vmem>> -> memref<8x8x128xf32, #tpu.memory_space<vmem>>
        %parallel_loop3A_1441 = arith.index_cast %parallel_loop3A_1374 : i32 to index
        %parallel_loop3A_1442 = arith.index_cast %parallel_loop3A_1435 : i32 to index
        %parallel_loop3A_1443 = arith.index_cast %parallel_loop3A_1434 : i32 to index
        %parallel_loop3A_1444 = tpu.vector_load %parallel_loop3A_1440[%parallel_loop3A_1441, %parallel_loop3A_1442, %parallel_loop3A_1443] {strides = array<i32>} : memref<8x8x128xf32, #tpu.memory_space<vmem>>, vector<16xf32>,
        tpu.vector_store %parallel_loop3A_1440[%parallel_loop3A_1441, %parallel_loop3A_1442, %parallel_loop3A_1443], %parallel_loop3A_1432 {strides = array<i32>} : memref<8x8x128xf32, #tpu.memory_space<vmem>>, vector<16xf32>,
        %parallel_loop3A_1445 = arith.constant 44000 : i32
        %parallel_loop3A_1446 = vector.broadcast %parallel_loop3A_1445 : i32 to vector<16xi32>
        %parallel_loop3A_1447 = arith.addi %parallel_loop3A_1380, %parallel_loop3A_1446 : vector<16xi32>
        %parallel_loop3A_1448 = tpu.vector_load_idx %arg5[%parallel_loop3A_1447] : memref<64000xf32, #tpu.memory_space<vmem>>[vector<16xi32>], vector<16xf32>,
        %parallel_loop3A_1449 = arith.constant 16 : i32
        %parallel_loop3A_1450 = arith.muli %parallel_loop3A_1376, %parallel_loop3A_1449 : i32
        %parallel_loop3A_1451 = arith.constant 4 : i32
        %parallel_loop3A_1452 = arith.constant 0 : i32
        %parallel_loop3A_1453 = arith.constant 0 : i32
        %parallel_loop3A_1454 = arith.constant 0 : i32
        %parallel_loop3A_1455 = tpu.memref_slice %arg8[%parallel_loop3A_1248, %parallel_loop3A_1452, %parallel_loop3A_1453, %parallel_loop3A_1454] : memref<4x8x8x128xf32, #tpu.memory_space<vmem>> -> memref<1x8x8x128xf32, #tpu.memory_space<vmem>>
        %parallel_loop3A_1456 = tpu.memref_squeeze %parallel_loop3A_1455 : memref<1x8x8x128xf32, #tpu.memory_space<vmem>> -> memref<8x8x128xf32, #tpu.memory_space<vmem>>
        %parallel_loop3A_1457 = arith.index_cast %parallel_loop3A_1374 : i32 to index
        %parallel_loop3A_1458 = arith.index_cast %parallel_loop3A_1451 : i32 to index
        %parallel_loop3A_1459 = arith.index_cast %parallel_loop3A_1450 : i32 to index
        %parallel_loop3A_1460 = tpu.vector_load %parallel_loop3A_1456[%parallel_loop3A_1457, %parallel_loop3A_1458, %parallel_loop3A_1459] {strides = array<i32>} : memref<8x8x128xf32, #tpu.memory_space<vmem>>, vector<16xf32>,
        tpu.vector_store %parallel_loop3A_1456[%parallel_loop3A_1457, %parallel_loop3A_1458, %parallel_loop3A_1459], %parallel_loop3A_1448 {strides = array<i32>} : memref<8x8x128xf32, #tpu.memory_space<vmem>>, vector<16xf32>,
        %parallel_loop3A_1461 = arith.constant 45000 : i32
        %parallel_loop3A_1462 = vector.broadcast %parallel_loop3A_1461 : i32 to vector<16xi32>
        %parallel_loop3A_1463 = arith.addi %parallel_loop3A_1380, %parallel_loop3A_1462 : vector<16xi32>
        %parallel_loop3A_1464 = tpu.vector_load_idx %arg5[%parallel_loop3A_1463] : memref<64000xf32, #tpu.memory_space<vmem>>[vector<16xi32>], vector<16xf32>,
        %parallel_loop3A_1465 = arith.constant 16 : i32
        %parallel_loop3A_1466 = arith.muli %parallel_loop3A_1376, %parallel_loop3A_1465 : i32
        %parallel_loop3A_1467 = arith.constant 5 : i32
        %parallel_loop3A_1468 = arith.constant 0 : i32
        %parallel_loop3A_1469 = arith.constant 0 : i32
        %parallel_loop3A_1470 = arith.constant 0 : i32
        %parallel_loop3A_1471 = tpu.memref_slice %arg8[%parallel_loop3A_1248, %parallel_loop3A_1468, %parallel_loop3A_1469, %parallel_loop3A_1470] : memref<4x8x8x128xf32, #tpu.memory_space<vmem>> -> memref<1x8x8x128xf32, #tpu.memory_space<vmem>>
        %parallel_loop3A_1472 = tpu.memref_squeeze %parallel_loop3A_1471 : memref<1x8x8x128xf32, #tpu.memory_space<vmem>> -> memref<8x8x128xf32, #tpu.memory_space<vmem>>
        %parallel_loop3A_1473 = arith.index_cast %parallel_loop3A_1374 : i32 to index
        %parallel_loop3A_1474 = arith.index_cast %parallel_loop3A_1467 : i32 to index
        %parallel_loop3A_1475 = arith.index_cast %parallel_loop3A_1466 : i32 to index
        %parallel_loop3A_1476 = tpu.vector_load %parallel_loop3A_1472[%parallel_loop3A_1473, %parallel_loop3A_1474, %parallel_loop3A_1475] {strides = array<i32>} : memref<8x8x128xf32, #tpu.memory_space<vmem>>, vector<16xf32>,
        tpu.vector_store %parallel_loop3A_1472[%parallel_loop3A_1473, %parallel_loop3A_1474, %parallel_loop3A_1475], %parallel_loop3A_1464 {strides = array<i32>} : memref<8x8x128xf32, #tpu.memory_space<vmem>>, vector<16xf32>,
        %parallel_loop3A_1477 = arith.constant 46000 : i32
        %parallel_loop3A_1478 = vector.broadcast %parallel_loop3A_1477 : i32 to vector<16xi32>
        %parallel_loop3A_1479 = arith.addi %parallel_loop3A_1380, %parallel_loop3A_1478 : vector<16xi32>
        %parallel_loop3A_1480 = tpu.vector_load_idx %arg5[%parallel_loop3A_1479] : memref<64000xf32, #tpu.memory_space<vmem>>[vector<16xi32>], vector<16xf32>,
        %parallel_loop3A_1481 = arith.constant 16 : i32
        %parallel_loop3A_1482 = arith.muli %parallel_loop3A_1376, %parallel_loop3A_1481 : i32
        %parallel_loop3A_1483 = arith.constant 6 : i32
        %parallel_loop3A_1484 = arith.constant 0 : i32
        %parallel_loop3A_1485 = arith.constant 0 : i32
        %parallel_loop3A_1486 = arith.constant 0 : i32
        %parallel_loop3A_1487 = tpu.memref_slice %arg8[%parallel_loop3A_1248, %parallel_loop3A_1484, %parallel_loop3A_1485, %parallel_loop3A_1486] : memref<4x8x8x128xf32, #tpu.memory_space<vmem>> -> memref<1x8x8x128xf32, #tpu.memory_space<vmem>>
        %parallel_loop3A_1488 = tpu.memref_squeeze %parallel_loop3A_1487 : memref<1x8x8x128xf32, #tpu.memory_space<vmem>> -> memref<8x8x128xf32, #tpu.memory_space<vmem>>
        %parallel_loop3A_1489 = arith.index_cast %parallel_loop3A_1374 : i32 to index
        %parallel_loop3A_1490 = arith.index_cast %parallel_loop3A_1483 : i32 to index
        %parallel_loop3A_1491 = arith.index_cast %parallel_loop3A_1482 : i32 to index
        %parallel_loop3A_1492 = tpu.vector_load %parallel_loop3A_1488[%parallel_loop3A_1489, %parallel_loop3A_1490, %parallel_loop3A_1491] {strides = array<i32>} : memref<8x8x128xf32, #tpu.memory_space<vmem>>, vector<16xf32>,
        tpu.vector_store %parallel_loop3A_1488[%parallel_loop3A_1489, %parallel_loop3A_1490, %parallel_loop3A_1491], %parallel_loop3A_1480 {strides = array<i32>} : memref<8x8x128xf32, #tpu.memory_space<vmem>>, vector<16xf32>,
        %parallel_loop3A_1493 = arith.constant 47000 : i32
        %parallel_loop3A_1494 = vector.broadcast %parallel_loop3A_1493 : i32 to vector<16xi32>
        %parallel_loop3A_1495 = arith.addi %parallel_loop3A_1380, %parallel_loop3A_1494 : vector<16xi32>
        %parallel_loop3A_1496 = tpu.vector_load_idx %arg5[%parallel_loop3A_1495] : memref<64000xf32, #tpu.memory_space<vmem>>[vector<16xi32>], vector<16xf32>,
        %parallel_loop3A_1497 = arith.constant 16 : i32
        %parallel_loop3A_1498 = arith.muli %parallel_loop3A_1376, %parallel_loop3A_1497 : i32
        %parallel_loop3A_1499 = arith.constant 7 : i32
        %parallel_loop3A_1500 = arith.constant 0 : i32
        %parallel_loop3A_1501 = arith.constant 0 : i32
        %parallel_loop3A_1502 = arith.constant 0 : i32
        %parallel_loop3A_1503 = tpu.memref_slice %arg8[%parallel_loop3A_1248, %parallel_loop3A_1500, %parallel_loop3A_1501, %parallel_loop3A_1502] : memref<4x8x8x128xf32, #tpu.memory_space<vmem>> -> memref<1x8x8x128xf32, #tpu.memory_space<vmem>>
        %parallel_loop3A_1504 = tpu.memref_squeeze %parallel_loop3A_1503 : memref<1x8x8x128xf32, #tpu.memory_space<vmem>> -> memref<8x8x128xf32, #tpu.memory_space<vmem>>
        %parallel_loop3A_1505 = arith.index_cast %parallel_loop3A_1374 : i32 to index
        %parallel_loop3A_1506 = arith.index_cast %parallel_loop3A_1499 : i32 to index
        %parallel_loop3A_1507 = arith.index_cast %parallel_loop3A_1498 : i32 to index
        %parallel_loop3A_1508 = tpu.vector_load %parallel_loop3A_1504[%parallel_loop3A_1505, %parallel_loop3A_1506, %parallel_loop3A_1507] {strides = array<i32>} : memref<8x8x128xf32, #tpu.memory_space<vmem>>, vector<16xf32>,
        tpu.vector_store %parallel_loop3A_1504[%parallel_loop3A_1505, %parallel_loop3A_1506, %parallel_loop3A_1507], %parallel_loop3A_1496 {strides = array<i32>} : memref<8x8x128xf32, #tpu.memory_space<vmem>>, vector<16xf32>,
      } {sc.loop_unroll_factor = 2 : i64, sc.parallel_access}
      %dma_start3A_1249 = arith.constant 1 : i32
      %dma_start3A_1250 = arith.constant 5 : i32
      %dma_start3A_1251 = arith.constant 0 : i32
      %dma_start3A_1252 = arith.constant 0 : i32
      %dma_start3A_1253 = arith.constant 0 : i32
      %dma_start3A_1254 = tpu.memref_slice %arg8[%dma_start3A_1249, %dma_start3A_1251, %dma_start3A_1252, %dma_start3A_1253] : memref<4x8x8x128xf32, #tpu.memory_space<vmem>> -> memref<1x8x8x128xf32, #tpu.memory_space<vmem>>
      %dma_start3A_1255 = tpu.memref_squeeze %dma_start3A_1254 : memref<1x8x8x128xf32, #tpu.memory_space<vmem>> -> memref<8x8x128xf32, #tpu.memory_space<vmem>>
      %dma_start3A_1256 = arith.constant 0 : i32
      %dma_start3A_1257 = arith.constant 0 : i32
      %dma_start3A_1258 = arith.constant 0 : i32
      %dma_start3A_1259 = tpu.memref_slice %arg4[%div3A_1045, %rem3A_1047, %dma_start3A_1250, %dma_start3A_1256, %dma_start3A_1257, %dma_start3A_1258] : memref<20x32x8x8x8x128xf32, #tpu.memory_space<hbm>> -> memref<1x1x1x8x8x128xf32, #tpu.memory_space<hbm>>
      %dma_start3A_1260 = tpu.memref_squeeze %dma_start3A_1259 : memref<1x1x1x8x8x128xf32, #tpu.memory_space<hbm>> -> memref<8x8x128xf32, #tpu.memory_space<hbm>>
      %dma_start3A_1261 = arith.constant 0 : i32
      %dma_start3A_1262 = arith.constant 0 : i32
      %dma_start3A_1263 = arith.constant 0 : i32
      %dma_start3A_1264 = tpu.memref_slice %arg4[%div3A_1045, %rem3A_1047, %dma_start3A_1250, %dma_start3A_1261, %dma_start3A_1262, %dma_start3A_1263] : memref<20x32x8x8x8x128xf32, #tpu.memory_space<hbm>> -> memref<1x1x1x8x8x128xf32, #tpu.memory_space<hbm>>
      %dma_start3A_1265 = tpu.memref_squeeze %dma_start3A_1264 : memref<1x1x1x8x8x128xf32, #tpu.memory_space<hbm>> -> memref<8x8x128xf32, #tpu.memory_space<hbm>>
      %dma_start3A_1266 = arith.constant 0 : i32
      %dma_start3A_1267 = arith.constant 0 : i32
      %dma_start3A_1268 = arith.constant 0 : i32
      %dma_start3A_1269 = tpu.memref_slice %arg8[%dma_start3A_1249, %dma_start3A_1266, %dma_start3A_1267, %dma_start3A_1268] : memref<4x8x8x128xf32, #tpu.memory_space<vmem>> -> memref<1x8x8x128xf32, #tpu.memory_space<vmem>>
      %dma_start3A_1270 = tpu.memref_squeeze %dma_start3A_1269 : memref<1x8x8x128xf32, #tpu.memory_space<vmem>> -> memref<8x8x128xf32, #tpu.memory_space<vmem>>
      tpu.enqueue_dma source(%dma_start3A_1270 : memref<8x8x128xf32, #tpu.memory_space<vmem>>) target(%dma_start3A_1265 : memref<8x8x128xf32, #tpu.memory_space<hbm>>) target_semaphore(%arg10 : memref<!tpu.dma_semaphore, #tpu.memory_space<semaphore_mem>>)
      %dma_wait3A_1271 = arith.constant 0 : i32
      %dma_wait3A_1272 = arith.constant 0 : i32
      %dma_wait3A_1273 = arith.constant 0 : i32
      %dma_wait3A_1274 = arith.constant 0 : i32
      %dma_wait3A_1275 = arith.constant 0 : i32
      %dma_wait3A_1276 = arith.constant 0 : i32
      %dma_wait3A_1277 = arith.constant 0 : i32
      %dma_wait3A_1278 = tpu.memref_slice %arg8[%dma_wait3A_1271, %dma_wait3A_1275, %dma_wait3A_1276, %dma_wait3A_1277] : memref<4x8x8x128xf32, #tpu.memory_space<vmem>> -> memref<1x8x8x128xf32, #tpu.memory_space<vmem>>
      %dma_wait3A_1279 = tpu.memref_squeeze %dma_wait3A_1278 : memref<1x8x8x128xf32, #tpu.memory_space<vmem>> -> memref<8x8x128xf32, #tpu.memory_space<vmem>>
      %dma_wait3A_1280 = arith.constant 0 : i32
      %dma_wait3A_1281 = arith.constant 0 : i32
      %dma_wait3A_1282 = arith.constant 0 : i32
      %dma_wait3A_1283 = tpu.memref_slice %arg4[%dma_wait3A_1272, %dma_wait3A_1273, %dma_wait3A_1274, %dma_wait3A_1280, %dma_wait3A_1281, %dma_wait3A_1282] : memref<20x32x8x8x8x128xf32, #tpu.memory_space<hbm>> -> memref<1x1x1x8x8x128xf32, #tpu.memory_space<hbm>>
      %dma_wait3A_1284 = tpu.memref_squeeze %dma_wait3A_1283 : memref<1x1x1x8x8x128xf32, #tpu.memory_space<hbm>> -> memref<8x8x128xf32, #tpu.memory_space<hbm>>
      %dma_wait3A_1285 = arith.constant 0 : i32
      %dma_wait3A_1286 = arith.constant 0 : i32
      %dma_wait3A_1287 = arith.constant 0 : i32
      %dma_wait3A_1288 = tpu.memref_slice %arg4[%dma_wait3A_1272, %dma_wait3A_1273, %dma_wait3A_1274, %dma_wait3A_1285, %dma_wait3A_1286, %dma_wait3A_1287] : memref<20x32x8x8x8x128xf32, #tpu.memory_space<hbm>> -> memref<1x1x1x8x8x128xf32, #tpu.memory_space<hbm>>
      %dma_wait3A_1289 = tpu.memref_squeeze %dma_wait3A_1288 : memref<1x1x1x8x8x128xf32, #tpu.memory_space<hbm>> -> memref<8x8x128xf32, #tpu.memory_space<hbm>>
      %dma_wait3A_1290 = arith.constant 0 : i32
      %dma_wait3A_1291 = arith.constant 0 : i32
      %dma_wait3A_1292 = arith.constant 0 : i32
      %dma_wait3A_1293 = tpu.memref_slice %arg8[%dma_wait3A_1271, %dma_wait3A_1290, %dma_wait3A_1291, %dma_wait3A_1292] : memref<4x8x8x128xf32, #tpu.memory_space<vmem>> -> memref<1x8x8x128xf32, #tpu.memory_space<vmem>>
      %dma_wait3A_1294 = tpu.memref_squeeze %dma_wait3A_1293 : memref<1x8x8x128xf32, #tpu.memory_space<vmem>> -> memref<8x8x128xf32, #tpu.memory_space<vmem>>
      tpu.wait_dma2 semaphore(%arg10 : memref<!tpu.dma_semaphore, #tpu.memory_space<semaphore_mem>>) src(%dma_wait3A_1294 : memref<8x8x128xf32, #tpu.memory_space<vmem>>) dst(%dma_wait3A_1289 : memref<8x8x128xf32, #tpu.memory_space<hbm>>)
      %parallel_loop3A_1295 = arith.constant 0 : i32
      %parallel_loop3A_1296 = arith.constant 64 : i32
      %parallel_loop3A_1297 = arith.constant 1 : i32
      %parallel_loop3A_1298 = arith.constant 2 : i32
      scf.for %parallel_loop3A_1372 = %parallel_loop3A_1295 to %parallel_loop3A_1296 step %parallel_loop3A_1297  : i32 {
        %parallel_loop3A_1373 = arith.constant 8 : i32
        %parallel_loop3A_1374 = arith.divsi %parallel_loop3A_1372, %parallel_loop3A_1373 : i32
        %parallel_loop3A_1375 = arith.constant 8 : i32
        %parallel_loop3A_1376 = arith.remsi %parallel_loop3A_1372, %parallel_loop3A_1375 : i32
        %parallel_loop3A_1377 = arith.constant 16 : i32
        %parallel_loop3A_1378 = arith.muli %parallel_loop3A_1372, %parallel_loop3A_1377 : i32
        %parallel_loop3A_1379 = arith.index_cast %parallel_loop3A_1378 : i32 to index
        %parallel_loop3A_1380 = tpu.vector_load %arg7[%parallel_loop3A_1379] {strides = array<i32>} : memref<1024xi32, #tpu.memory_space<vmem>>, vector<16xi32>,
        %parallel_loop3A_1381 = arith.constant 48000 : i32
        %parallel_loop3A_1382 = vector.broadcast %parallel_loop3A_1381 : i32 to vector<16xi32>
        %parallel_loop3A_1383 = arith.addi %parallel_loop3A_1380, %parallel_loop3A_1382 : vector<16xi32>
        %parallel_loop3A_1384 = tpu.vector_load_idx %arg5[%parallel_loop3A_1383] : memref<64000xf32, #tpu.memory_space<vmem>>[vector<16xi32>], vector<16xf32>,
        %parallel_loop3A_1385 = arith.constant 16 : i32
        %parallel_loop3A_1386 = arith.muli %parallel_loop3A_1376, %parallel_loop3A_1385 : i32
        %parallel_loop3A_1387 = arith.constant 0 : i32
        %parallel_loop3A_1388 = arith.constant 0 : i32
        %parallel_loop3A_1389 = arith.constant 0 : i32
        %parallel_loop3A_1390 = arith.constant 0 : i32
        %parallel_loop3A_1391 = tpu.memref_slice %arg8[%parallel_loop3A_1298, %parallel_loop3A_1388, %parallel_loop3A_1389, %parallel_loop3A_1390] : memref<4x8x8x128xf32, #tpu.memory_space<vmem>> -> memref<1x8x8x128xf32, #tpu.memory_space<vmem>>
        %parallel_loop3A_1392 = tpu.memref_squeeze %parallel_loop3A_1391 : memref<1x8x8x128xf32, #tpu.memory_space<vmem>> -> memref<8x8x128xf32, #tpu.memory_space<vmem>>
        %parallel_loop3A_1393 = arith.index_cast %parallel_loop3A_1374 : i32 to index
        %parallel_loop3A_1394 = arith.index_cast %parallel_loop3A_1387 : i32 to index
        %parallel_loop3A_1395 = arith.index_cast %parallel_loop3A_1386 : i32 to index
        %parallel_loop3A_1396 = tpu.vector_load %parallel_loop3A_1392[%parallel_loop3A_1393, %parallel_loop3A_1394, %parallel_loop3A_1395] {strides = array<i32>} : memref<8x8x128xf32, #tpu.memory_space<vmem>>, vector<16xf32>,
        tpu.vector_store %parallel_loop3A_1392[%parallel_loop3A_1393, %parallel_loop3A_1394, %parallel_loop3A_1395], %parallel_loop3A_1384 {strides = array<i32>} : memref<8x8x128xf32, #tpu.memory_space<vmem>>, vector<16xf32>,
        %parallel_loop3A_1397 = arith.constant 49000 : i32
        %parallel_loop3A_1398 = vector.broadcast %parallel_loop3A_1397 : i32 to vector<16xi32>
        %parallel_loop3A_1399 = arith.addi %parallel_loop3A_1380, %parallel_loop3A_1398 : vector<16xi32>
        %parallel_loop3A_1400 = tpu.vector_load_idx %arg5[%parallel_loop3A_1399] : memref<64000xf32, #tpu.memory_space<vmem>>[vector<16xi32>], vector<16xf32>,
        %parallel_loop3A_1401 = arith.constant 16 : i32
        %parallel_loop3A_1402 = arith.muli %parallel_loop3A_1376, %parallel_loop3A_1401 : i32
        %parallel_loop3A_1403 = arith.constant 1 : i32
        %parallel_loop3A_1404 = arith.constant 0 : i32
        %parallel_loop3A_1405 = arith.constant 0 : i32
        %parallel_loop3A_1406 = arith.constant 0 : i32
        %parallel_loop3A_1407 = tpu.memref_slice %arg8[%parallel_loop3A_1298, %parallel_loop3A_1404, %parallel_loop3A_1405, %parallel_loop3A_1406] : memref<4x8x8x128xf32, #tpu.memory_space<vmem>> -> memref<1x8x8x128xf32, #tpu.memory_space<vmem>>
        %parallel_loop3A_1408 = tpu.memref_squeeze %parallel_loop3A_1407 : memref<1x8x8x128xf32, #tpu.memory_space<vmem>> -> memref<8x8x128xf32, #tpu.memory_space<vmem>>
        %parallel_loop3A_1409 = arith.index_cast %parallel_loop3A_1374 : i32 to index
        %parallel_loop3A_1410 = arith.index_cast %parallel_loop3A_1403 : i32 to index
        %parallel_loop3A_1411 = arith.index_cast %parallel_loop3A_1402 : i32 to index
        %parallel_loop3A_1412 = tpu.vector_load %parallel_loop3A_1408[%parallel_loop3A_1409, %parallel_loop3A_1410, %parallel_loop3A_1411] {strides = array<i32>} : memref<8x8x128xf32, #tpu.memory_space<vmem>>, vector<16xf32>,
        tpu.vector_store %parallel_loop3A_1408[%parallel_loop3A_1409, %parallel_loop3A_1410, %parallel_loop3A_1411], %parallel_loop3A_1400 {strides = array<i32>} : memref<8x8x128xf32, #tpu.memory_space<vmem>>, vector<16xf32>,
        %parallel_loop3A_1413 = arith.constant 50000 : i32
        %parallel_loop3A_1414 = vector.broadcast %parallel_loop3A_1413 : i32 to vector<16xi32>
        %parallel_loop3A_1415 = arith.addi %parallel_loop3A_1380, %parallel_loop3A_1414 : vector<16xi32>
        %parallel_loop3A_1416 = tpu.vector_load_idx %arg5[%parallel_loop3A_1415] : memref<64000xf32, #tpu.memory_space<vmem>>[vector<16xi32>], vector<16xf32>,
        %parallel_loop3A_1417 = arith.constant 16 : i32
        %parallel_loop3A_1418 = arith.muli %parallel_loop3A_1376, %parallel_loop3A_1417 : i32
        %parallel_loop3A_1419 = arith.constant 2 : i32
        %parallel_loop3A_1420 = arith.constant 0 : i32
        %parallel_loop3A_1421 = arith.constant 0 : i32
        %parallel_loop3A_1422 = arith.constant 0 : i32
        %parallel_loop3A_1423 = tpu.memref_slice %arg8[%parallel_loop3A_1298, %parallel_loop3A_1420, %parallel_loop3A_1421, %parallel_loop3A_1422] : memref<4x8x8x128xf32, #tpu.memory_space<vmem>> -> memref<1x8x8x128xf32, #tpu.memory_space<vmem>>
        %parallel_loop3A_1424 = tpu.memref_squeeze %parallel_loop3A_1423 : memref<1x8x8x128xf32, #tpu.memory_space<vmem>> -> memref<8x8x128xf32, #tpu.memory_space<vmem>>
        %parallel_loop3A_1425 = arith.index_cast %parallel_loop3A_1374 : i32 to index
        %parallel_loop3A_1426 = arith.index_cast %parallel_loop3A_1419 : i32 to index
        %parallel_loop3A_1427 = arith.index_cast %parallel_loop3A_1418 : i32 to index
        %parallel_loop3A_1428 = tpu.vector_load %parallel_loop3A_1424[%parallel_loop3A_1425, %parallel_loop3A_1426, %parallel_loop3A_1427] {strides = array<i32>} : memref<8x8x128xf32, #tpu.memory_space<vmem>>, vector<16xf32>,
        tpu.vector_store %parallel_loop3A_1424[%parallel_loop3A_1425, %parallel_loop3A_1426, %parallel_loop3A_1427], %parallel_loop3A_1416 {strides = array<i32>} : memref<8x8x128xf32, #tpu.memory_space<vmem>>, vector<16xf32>,
        %parallel_loop3A_1429 = arith.constant 51000 : i32
        %parallel_loop3A_1430 = vector.broadcast %parallel_loop3A_1429 : i32 to vector<16xi32>
        %parallel_loop3A_1431 = arith.addi %parallel_loop3A_1380, %parallel_loop3A_1430 : vector<16xi32>
        %parallel_loop3A_1432 = tpu.vector_load_idx %arg5[%parallel_loop3A_1431] : memref<64000xf32, #tpu.memory_space<vmem>>[vector<16xi32>], vector<16xf32>,
        %parallel_loop3A_1433 = arith.constant 16 : i32
        %parallel_loop3A_1434 = arith.muli %parallel_loop3A_1376, %parallel_loop3A_1433 : i32
        %parallel_loop3A_1435 = arith.constant 3 : i32
        %parallel_loop3A_1436 = arith.constant 0 : i32
        %parallel_loop3A_1437 = arith.constant 0 : i32
        %parallel_loop3A_1438 = arith.constant 0 : i32
        %parallel_loop3A_1439 = tpu.memref_slice %arg8[%parallel_loop3A_1298, %parallel_loop3A_1436, %parallel_loop3A_1437, %parallel_loop3A_1438] : memref<4x8x8x128xf32, #tpu.memory_space<vmem>> -> memref<1x8x8x128xf32, #tpu.memory_space<vmem>>
        %parallel_loop3A_1440 = tpu.memref_squeeze %parallel_loop3A_1439 : memref<1x8x8x128xf32, #tpu.memory_space<vmem>> -> memref<8x8x128xf32, #tpu.memory_space<vmem>>
        %parallel_loop3A_1441 = arith.index_cast %parallel_loop3A_1374 : i32 to index
        %parallel_loop3A_1442 = arith.index_cast %parallel_loop3A_1435 : i32 to index
        %parallel_loop3A_1443 = arith.index_cast %parallel_loop3A_1434 : i32 to index
        %parallel_loop3A_1444 = tpu.vector_load %parallel_loop3A_1440[%parallel_loop3A_1441, %parallel_loop3A_1442, %parallel_loop3A_1443] {strides = array<i32>} : memref<8x8x128xf32, #tpu.memory_space<vmem>>, vector<16xf32>,
        tpu.vector_store %parallel_loop3A_1440[%parallel_loop3A_1441, %parallel_loop3A_1442, %parallel_loop3A_1443], %parallel_loop3A_1432 {strides = array<i32>} : memref<8x8x128xf32, #tpu.memory_space<vmem>>, vector<16xf32>,
        %parallel_loop3A_1445 = arith.constant 52000 : i32
        %parallel_loop3A_1446 = vector.broadcast %parallel_loop3A_1445 : i32 to vector<16xi32>
        %parallel_loop3A_1447 = arith.addi %parallel_loop3A_1380, %parallel_loop3A_1446 : vector<16xi32>
        %parallel_loop3A_1448 = tpu.vector_load_idx %arg5[%parallel_loop3A_1447] : memref<64000xf32, #tpu.memory_space<vmem>>[vector<16xi32>], vector<16xf32>,
        %parallel_loop3A_1449 = arith.constant 16 : i32
        %parallel_loop3A_1450 = arith.muli %parallel_loop3A_1376, %parallel_loop3A_1449 : i32
        %parallel_loop3A_1451 = arith.constant 4 : i32
        %parallel_loop3A_1452 = arith.constant 0 : i32
        %parallel_loop3A_1453 = arith.constant 0 : i32
        %parallel_loop3A_1454 = arith.constant 0 : i32
        %parallel_loop3A_1455 = tpu.memref_slice %arg8[%parallel_loop3A_1298, %parallel_loop3A_1452, %parallel_loop3A_1453, %parallel_loop3A_1454] : memref<4x8x8x128xf32, #tpu.memory_space<vmem>> -> memref<1x8x8x128xf32, #tpu.memory_space<vmem>>
        %parallel_loop3A_1456 = tpu.memref_squeeze %parallel_loop3A_1455 : memref<1x8x8x128xf32, #tpu.memory_space<vmem>> -> memref<8x8x128xf32, #tpu.memory_space<vmem>>
        %parallel_loop3A_1457 = arith.index_cast %parallel_loop3A_1374 : i32 to index
        %parallel_loop3A_1458 = arith.index_cast %parallel_loop3A_1451 : i32 to index
        %parallel_loop3A_1459 = arith.index_cast %parallel_loop3A_1450 : i32 to index
        %parallel_loop3A_1460 = tpu.vector_load %parallel_loop3A_1456[%parallel_loop3A_1457, %parallel_loop3A_1458, %parallel_loop3A_1459] {strides = array<i32>} : memref<8x8x128xf32, #tpu.memory_space<vmem>>, vector<16xf32>,
        tpu.vector_store %parallel_loop3A_1456[%parallel_loop3A_1457, %parallel_loop3A_1458, %parallel_loop3A_1459], %parallel_loop3A_1448 {strides = array<i32>} : memref<8x8x128xf32, #tpu.memory_space<vmem>>, vector<16xf32>,
        %parallel_loop3A_1461 = arith.constant 53000 : i32
        %parallel_loop3A_1462 = vector.broadcast %parallel_loop3A_1461 : i32 to vector<16xi32>
        %parallel_loop3A_1463 = arith.addi %parallel_loop3A_1380, %parallel_loop3A_1462 : vector<16xi32>
        %parallel_loop3A_1464 = tpu.vector_load_idx %arg5[%parallel_loop3A_1463] : memref<64000xf32, #tpu.memory_space<vmem>>[vector<16xi32>], vector<16xf32>,
        %parallel_loop3A_1465 = arith.constant 16 : i32
        %parallel_loop3A_1466 = arith.muli %parallel_loop3A_1376, %parallel_loop3A_1465 : i32
        %parallel_loop3A_1467 = arith.constant 5 : i32
        %parallel_loop3A_1468 = arith.constant 0 : i32
        %parallel_loop3A_1469 = arith.constant 0 : i32
        %parallel_loop3A_1470 = arith.constant 0 : i32
        %parallel_loop3A_1471 = tpu.memref_slice %arg8[%parallel_loop3A_1298, %parallel_loop3A_1468, %parallel_loop3A_1469, %parallel_loop3A_1470] : memref<4x8x8x128xf32, #tpu.memory_space<vmem>> -> memref<1x8x8x128xf32, #tpu.memory_space<vmem>>
        %parallel_loop3A_1472 = tpu.memref_squeeze %parallel_loop3A_1471 : memref<1x8x8x128xf32, #tpu.memory_space<vmem>> -> memref<8x8x128xf32, #tpu.memory_space<vmem>>
        %parallel_loop3A_1473 = arith.index_cast %parallel_loop3A_1374 : i32 to index
        %parallel_loop3A_1474 = arith.index_cast %parallel_loop3A_1467 : i32 to index
        %parallel_loop3A_1475 = arith.index_cast %parallel_loop3A_1466 : i32 to index
        %parallel_loop3A_1476 = tpu.vector_load %parallel_loop3A_1472[%parallel_loop3A_1473, %parallel_loop3A_1474, %parallel_loop3A_1475] {strides = array<i32>} : memref<8x8x128xf32, #tpu.memory_space<vmem>>, vector<16xf32>,
        tpu.vector_store %parallel_loop3A_1472[%parallel_loop3A_1473, %parallel_loop3A_1474, %parallel_loop3A_1475], %parallel_loop3A_1464 {strides = array<i32>} : memref<8x8x128xf32, #tpu.memory_space<vmem>>, vector<16xf32>,
        %parallel_loop3A_1477 = arith.constant 54000 : i32
        %parallel_loop3A_1478 = vector.broadcast %parallel_loop3A_1477 : i32 to vector<16xi32>
        %parallel_loop3A_1479 = arith.addi %parallel_loop3A_1380, %parallel_loop3A_1478 : vector<16xi32>
        %parallel_loop3A_1480 = tpu.vector_load_idx %arg5[%parallel_loop3A_1479] : memref<64000xf32, #tpu.memory_space<vmem>>[vector<16xi32>], vector<16xf32>,
        %parallel_loop3A_1481 = arith.constant 16 : i32
        %parallel_loop3A_1482 = arith.muli %parallel_loop3A_1376, %parallel_loop3A_1481 : i32
        %parallel_loop3A_1483 = arith.constant 6 : i32
        %parallel_loop3A_1484 = arith.constant 0 : i32
        %parallel_loop3A_1485 = arith.constant 0 : i32
        %parallel_loop3A_1486 = arith.constant 0 : i32
        %parallel_loop3A_1487 = tpu.memref_slice %arg8[%parallel_loop3A_1298, %parallel_loop3A_1484, %parallel_loop3A_1485, %parallel_loop3A_1486] : memref<4x8x8x128xf32, #tpu.memory_space<vmem>> -> memref<1x8x8x128xf32, #tpu.memory_space<vmem>>
        %parallel_loop3A_1488 = tpu.memref_squeeze %parallel_loop3A_1487 : memref<1x8x8x128xf32, #tpu.memory_space<vmem>> -> memref<8x8x128xf32, #tpu.memory_space<vmem>>
        %parallel_loop3A_1489 = arith.index_cast %parallel_loop3A_1374 : i32 to index
        %parallel_loop3A_1490 = arith.index_cast %parallel_loop3A_1483 : i32 to index
        %parallel_loop3A_1491 = arith.index_cast %parallel_loop3A_1482 : i32 to index
        %parallel_loop3A_1492 = tpu.vector_load %parallel_loop3A_1488[%parallel_loop3A_1489, %parallel_loop3A_1490, %parallel_loop3A_1491] {strides = array<i32>} : memref<8x8x128xf32, #tpu.memory_space<vmem>>, vector<16xf32>,
        tpu.vector_store %parallel_loop3A_1488[%parallel_loop3A_1489, %parallel_loop3A_1490, %parallel_loop3A_1491], %parallel_loop3A_1480 {strides = array<i32>} : memref<8x8x128xf32, #tpu.memory_space<vmem>>, vector<16xf32>,
        %parallel_loop3A_1493 = arith.constant 55000 : i32
        %parallel_loop3A_1494 = vector.broadcast %parallel_loop3A_1493 : i32 to vector<16xi32>
        %parallel_loop3A_1495 = arith.addi %parallel_loop3A_1380, %parallel_loop3A_1494 : vector<16xi32>
        %parallel_loop3A_1496 = tpu.vector_load_idx %arg5[%parallel_loop3A_1495] : memref<64000xf32, #tpu.memory_space<vmem>>[vector<16xi32>], vector<16xf32>,
        %parallel_loop3A_1497 = arith.constant 16 : i32
        %parallel_loop3A_1498 = arith.muli %parallel_loop3A_1376, %parallel_loop3A_1497 : i32
        %parallel_loop3A_1499 = arith.constant 7 : i32
        %parallel_loop3A_1500 = arith.constant 0 : i32
        %parallel_loop3A_1501 = arith.constant 0 : i32
        %parallel_loop3A_1502 = arith.constant 0 : i32
        %parallel_loop3A_1503 = tpu.memref_slice %arg8[%parallel_loop3A_1298, %parallel_loop3A_1500, %parallel_loop3A_1501, %parallel_loop3A_1502] : memref<4x8x8x128xf32, #tpu.memory_space<vmem>> -> memref<1x8x8x128xf32, #tpu.memory_space<vmem>>
        %parallel_loop3A_1504 = tpu.memref_squeeze %parallel_loop3A_1503 : memref<1x8x8x128xf32, #tpu.memory_space<vmem>> -> memref<8x8x128xf32, #tpu.memory_space<vmem>>
        %parallel_loop3A_1505 = arith.index_cast %parallel_loop3A_1374 : i32 to index
        %parallel_loop3A_1506 = arith.index_cast %parallel_loop3A_1499 : i32 to index
        %parallel_loop3A_1507 = arith.index_cast %parallel_loop3A_1498 : i32 to index
        %parallel_loop3A_1508 = tpu.vector_load %parallel_loop3A_1504[%parallel_loop3A_1505, %parallel_loop3A_1506, %parallel_loop3A_1507] {strides = array<i32>} : memref<8x8x128xf32, #tpu.memory_space<vmem>>, vector<16xf32>,
        tpu.vector_store %parallel_loop3A_1504[%parallel_loop3A_1505, %parallel_loop3A_1506, %parallel_loop3A_1507], %parallel_loop3A_1496 {strides = array<i32>} : memref<8x8x128xf32, #tpu.memory_space<vmem>>, vector<16xf32>,
      } {sc.loop_unroll_factor = 2 : i64, sc.parallel_access}
      %dma_start3A_1299 = arith.constant 2 : i32
      %dma_start3A_1300 = arith.constant 6 : i32
      %dma_start3A_1301 = arith.constant 0 : i32
      %dma_start3A_1302 = arith.constant 0 : i32
      %dma_start3A_1303 = arith.constant 0 : i32
      %dma_start3A_1304 = tpu.memref_slice %arg8[%dma_start3A_1299, %dma_start3A_1301, %dma_start3A_1302, %dma_start3A_1303] : memref<4x8x8x128xf32, #tpu.memory_space<vmem>> -> memref<1x8x8x128xf32, #tpu.memory_space<vmem>>
      %dma_start3A_1305 = tpu.memref_squeeze %dma_start3A_1304 : memref<1x8x8x128xf32, #tpu.memory_space<vmem>> -> memref<8x8x128xf32, #tpu.memory_space<vmem>>
      %dma_start3A_1306 = arith.constant 0 : i32
      %dma_start3A_1307 = arith.constant 0 : i32
      %dma_start3A_1308 = arith.constant 0 : i32
      %dma_start3A_1309 = tpu.memref_slice %arg4[%div3A_1045, %rem3A_1047, %dma_start3A_1300, %dma_start3A_1306, %dma_start3A_1307, %dma_start3A_1308] : memref<20x32x8x8x8x128xf32, #tpu.memory_space<hbm>> -> memref<1x1x1x8x8x128xf32, #tpu.memory_space<hbm>>
      %dma_start3A_1310 = tpu.memref_squeeze %dma_start3A_1309 : memref<1x1x1x8x8x128xf32, #tpu.memory_space<hbm>> -> memref<8x8x128xf32, #tpu.memory_space<hbm>>
      %dma_start3A_1311 = arith.constant 0 : i32
      %dma_start3A_1312 = arith.constant 0 : i32
      %dma_start3A_1313 = arith.constant 0 : i32
      %dma_start3A_1314 = tpu.memref_slice %arg4[%div3A_1045, %rem3A_1047, %dma_start3A_1300, %dma_start3A_1311, %dma_start3A_1312, %dma_start3A_1313] : memref<20x32x8x8x8x128xf32, #tpu.memory_space<hbm>> -> memref<1x1x1x8x8x128xf32, #tpu.memory_space<hbm>>
      %dma_start3A_1315 = tpu.memref_squeeze %dma_start3A_1314 : memref<1x1x1x8x8x128xf32, #tpu.memory_space<hbm>> -> memref<8x8x128xf32, #tpu.memory_space<hbm>>
      %dma_start3A_1316 = arith.constant 0 : i32
      %dma_start3A_1317 = arith.constant 0 : i32
      %dma_start3A_1318 = arith.constant 0 : i32
      %dma_start3A_1319 = tpu.memref_slice %arg8[%dma_start3A_1299, %dma_start3A_1316, %dma_start3A_1317, %dma_start3A_1318] : memref<4x8x8x128xf32, #tpu.memory_space<vmem>> -> memref<1x8x8x128xf32, #tpu.memory_space<vmem>>
      %dma_start3A_1320 = tpu.memref_squeeze %dma_start3A_1319 : memref<1x8x8x128xf32, #tpu.memory_space<vmem>> -> memref<8x8x128xf32, #tpu.memory_space<vmem>>
      tpu.enqueue_dma source(%dma_start3A_1320 : memref<8x8x128xf32, #tpu.memory_space<vmem>>) target(%dma_start3A_1315 : memref<8x8x128xf32, #tpu.memory_space<hbm>>) target_semaphore(%arg10 : memref<!tpu.dma_semaphore, #tpu.memory_space<semaphore_mem>>)
      %dma_wait3A_1321 = arith.constant 0 : i32
      %dma_wait3A_1322 = arith.constant 0 : i32
      %dma_wait3A_1323 = arith.constant 0 : i32
      %dma_wait3A_1324 = arith.constant 0 : i32
      %dma_wait3A_1325 = arith.constant 0 : i32
      %dma_wait3A_1326 = arith.constant 0 : i32
      %dma_wait3A_1327 = arith.constant 0 : i32
      %dma_wait3A_1328 = tpu.memref_slice %arg8[%dma_wait3A_1321, %dma_wait3A_1325, %dma_wait3A_1326, %dma_wait3A_1327] : memref<4x8x8x128xf32, #tpu.memory_space<vmem>> -> memref<1x8x8x128xf32, #tpu.memory_space<vmem>>
      %dma_wait3A_1329 = tpu.memref_squeeze %dma_wait3A_1328 : memref<1x8x8x128xf32, #tpu.memory_space<vmem>> -> memref<8x8x128xf32, #tpu.memory_space<vmem>>
      %dma_wait3A_1330 = arith.constant 0 : i32
      %dma_wait3A_1331 = arith.constant 0 : i32
      %dma_wait3A_1332 = arith.constant 0 : i32
      %dma_wait3A_1333 = tpu.memref_slice %arg4[%dma_wait3A_1322, %dma_wait3A_1323, %dma_wait3A_1324, %dma_wait3A_1330, %dma_wait3A_1331, %dma_wait3A_1332] : memref<20x32x8x8x8x128xf32, #tpu.memory_space<hbm>> -> memref<1x1x1x8x8x128xf32, #tpu.memory_space<hbm>>
      %dma_wait3A_1334 = tpu.memref_squeeze %dma_wait3A_1333 : memref<1x1x1x8x8x128xf32, #tpu.memory_space<hbm>> -> memref<8x8x128xf32, #tpu.memory_space<hbm>>
      %dma_wait3A_1335 = arith.constant 0 : i32
      %dma_wait3A_1336 = arith.constant 0 : i32
      %dma_wait3A_1337 = arith.constant 0 : i32
      %dma_wait3A_1338 = tpu.memref_slice %arg4[%dma_wait3A_1322, %dma_wait3A_1323, %dma_wait3A_1324, %dma_wait3A_1335, %dma_wait3A_1336, %dma_wait3A_1337] : memref<20x32x8x8x8x128xf32, #tpu.memory_space<hbm>> -> memref<1x1x1x8x8x128xf32, #tpu.memory_space<hbm>>
      %dma_wait3A_1339 = tpu.memref_squeeze %dma_wait3A_1338 : memref<1x1x1x8x8x128xf32, #tpu.memory_space<hbm>> -> memref<8x8x128xf32, #tpu.memory_space<hbm>>
      %dma_wait3A_1340 = arith.constant 0 : i32
      %dma_wait3A_1341 = arith.constant 0 : i32
      %dma_wait3A_1342 = arith.constant 0 : i32
      %dma_wait3A_1343 = tpu.memref_slice %arg8[%dma_wait3A_1321, %dma_wait3A_1340, %dma_wait3A_1341, %dma_wait3A_1342] : memref<4x8x8x128xf32, #tpu.memory_space<vmem>> -> memref<1x8x8x128xf32, #tpu.memory_space<vmem>>
      %dma_wait3A_1344 = tpu.memref_squeeze %dma_wait3A_1343 : memref<1x8x8x128xf32, #tpu.memory_space<vmem>> -> memref<8x8x128xf32, #tpu.memory_space<vmem>>
      tpu.wait_dma2 semaphore(%arg10 : memref<!tpu.dma_semaphore, #tpu.memory_space<semaphore_mem>>) src(%dma_wait3A_1344 : memref<8x8x128xf32, #tpu.memory_space<vmem>>) dst(%dma_wait3A_1339 : memref<8x8x128xf32, #tpu.memory_space<hbm>>)
      %parallel_loop3A_1345 = arith.constant 0 : i32
      %parallel_loop3A_1346 = arith.constant 64 : i32
      %parallel_loop3A_1347 = arith.constant 1 : i32
      %parallel_loop3A_1348 = arith.constant 3 : i32
      scf.for %parallel_loop3A_1372 = %parallel_loop3A_1345 to %parallel_loop3A_1346 step %parallel_loop3A_1347  : i32 {
        %parallel_loop3A_1373 = arith.constant 8 : i32
        %parallel_loop3A_1374 = arith.divsi %parallel_loop3A_1372, %parallel_loop3A_1373 : i32
        %parallel_loop3A_1375 = arith.constant 8 : i32
        %parallel_loop3A_1376 = arith.remsi %parallel_loop3A_1372, %parallel_loop3A_1375 : i32
        %parallel_loop3A_1377 = arith.constant 16 : i32
        %parallel_loop3A_1378 = arith.muli %parallel_loop3A_1372, %parallel_loop3A_1377 : i32
        %parallel_loop3A_1379 = arith.index_cast %parallel_loop3A_1378 : i32 to index
        %parallel_loop3A_1380 = tpu.vector_load %arg7[%parallel_loop3A_1379] {strides = array<i32>} : memref<1024xi32, #tpu.memory_space<vmem>>, vector<16xi32>,
        %parallel_loop3A_1381 = arith.constant 56000 : i32
        %parallel_loop3A_1382 = vector.broadcast %parallel_loop3A_1381 : i32 to vector<16xi32>
        %parallel_loop3A_1383 = arith.addi %parallel_loop3A_1380, %parallel_loop3A_1382 : vector<16xi32>
        %parallel_loop3A_1384 = tpu.vector_load_idx %arg5[%parallel_loop3A_1383] : memref<64000xf32, #tpu.memory_space<vmem>>[vector<16xi32>], vector<16xf32>,
        %parallel_loop3A_1385 = arith.constant 16 : i32
        %parallel_loop3A_1386 = arith.muli %parallel_loop3A_1376, %parallel_loop3A_1385 : i32
        %parallel_loop3A_1387 = arith.constant 0 : i32
        %parallel_loop3A_1388 = arith.constant 0 : i32
        %parallel_loop3A_1389 = arith.constant 0 : i32
        %parallel_loop3A_1390 = arith.constant 0 : i32
        %parallel_loop3A_1391 = tpu.memref_slice %arg8[%parallel_loop3A_1348, %parallel_loop3A_1388, %parallel_loop3A_1389, %parallel_loop3A_1390] : memref<4x8x8x128xf32, #tpu.memory_space<vmem>> -> memref<1x8x8x128xf32, #tpu.memory_space<vmem>>
        %parallel_loop3A_1392 = tpu.memref_squeeze %parallel_loop3A_1391 : memref<1x8x8x128xf32, #tpu.memory_space<vmem>> -> memref<8x8x128xf32, #tpu.memory_space<vmem>>
        %parallel_loop3A_1393 = arith.index_cast %parallel_loop3A_1374 : i32 to index
        %parallel_loop3A_1394 = arith.index_cast %parallel_loop3A_1387 : i32 to index
        %parallel_loop3A_1395 = arith.index_cast %parallel_loop3A_1386 : i32 to index
        %parallel_loop3A_1396 = tpu.vector_load %parallel_loop3A_1392[%parallel_loop3A_1393, %parallel_loop3A_1394, %parallel_loop3A_1395] {strides = array<i32>} : memref<8x8x128xf32, #tpu.memory_space<vmem>>, vector<16xf32>,
        tpu.vector_store %parallel_loop3A_1392[%parallel_loop3A_1393, %parallel_loop3A_1394, %parallel_loop3A_1395], %parallel_loop3A_1384 {strides = array<i32>} : memref<8x8x128xf32, #tpu.memory_space<vmem>>, vector<16xf32>,
        %parallel_loop3A_1397 = arith.constant 57000 : i32
        %parallel_loop3A_1398 = vector.broadcast %parallel_loop3A_1397 : i32 to vector<16xi32>
        %parallel_loop3A_1399 = arith.addi %parallel_loop3A_1380, %parallel_loop3A_1398 : vector<16xi32>
        %parallel_loop3A_1400 = tpu.vector_load_idx %arg5[%parallel_loop3A_1399] : memref<64000xf32, #tpu.memory_space<vmem>>[vector<16xi32>], vector<16xf32>,
        %parallel_loop3A_1401 = arith.constant 16 : i32
        %parallel_loop3A_1402 = arith.muli %parallel_loop3A_1376, %parallel_loop3A_1401 : i32
        %parallel_loop3A_1403 = arith.constant 1 : i32
        %parallel_loop3A_1404 = arith.constant 0 : i32
        %parallel_loop3A_1405 = arith.constant 0 : i32
        %parallel_loop3A_1406 = arith.constant 0 : i32
        %parallel_loop3A_1407 = tpu.memref_slice %arg8[%parallel_loop3A_1348, %parallel_loop3A_1404, %parallel_loop3A_1405, %parallel_loop3A_1406] : memref<4x8x8x128xf32, #tpu.memory_space<vmem>> -> memref<1x8x8x128xf32, #tpu.memory_space<vmem>>
        %parallel_loop3A_1408 = tpu.memref_squeeze %parallel_loop3A_1407 : memref<1x8x8x128xf32, #tpu.memory_space<vmem>> -> memref<8x8x128xf32, #tpu.memory_space<vmem>>
        %parallel_loop3A_1409 = arith.index_cast %parallel_loop3A_1374 : i32 to index
        %parallel_loop3A_1410 = arith.index_cast %parallel_loop3A_1403 : i32 to index
        %parallel_loop3A_1411 = arith.index_cast %parallel_loop3A_1402 : i32 to index
        %parallel_loop3A_1412 = tpu.vector_load %parallel_loop3A_1408[%parallel_loop3A_1409, %parallel_loop3A_1410, %parallel_loop3A_1411] {strides = array<i32>} : memref<8x8x128xf32, #tpu.memory_space<vmem>>, vector<16xf32>,
        tpu.vector_store %parallel_loop3A_1408[%parallel_loop3A_1409, %parallel_loop3A_1410, %parallel_loop3A_1411], %parallel_loop3A_1400 {strides = array<i32>} : memref<8x8x128xf32, #tpu.memory_space<vmem>>, vector<16xf32>,
        %parallel_loop3A_1413 = arith.constant 58000 : i32
        %parallel_loop3A_1414 = vector.broadcast %parallel_loop3A_1413 : i32 to vector<16xi32>
        %parallel_loop3A_1415 = arith.addi %parallel_loop3A_1380, %parallel_loop3A_1414 : vector<16xi32>
        %parallel_loop3A_1416 = tpu.vector_load_idx %arg5[%parallel_loop3A_1415] : memref<64000xf32, #tpu.memory_space<vmem>>[vector<16xi32>], vector<16xf32>,
        %parallel_loop3A_1417 = arith.constant 16 : i32
        %parallel_loop3A_1418 = arith.muli %parallel_loop3A_1376, %parallel_loop3A_1417 : i32
        %parallel_loop3A_1419 = arith.constant 2 : i32
        %parallel_loop3A_1420 = arith.constant 0 : i32
        %parallel_loop3A_1421 = arith.constant 0 : i32
        %parallel_loop3A_1422 = arith.constant 0 : i32
        %parallel_loop3A_1423 = tpu.memref_slice %arg8[%parallel_loop3A_1348, %parallel_loop3A_1420, %parallel_loop3A_1421, %parallel_loop3A_1422] : memref<4x8x8x128xf32, #tpu.memory_space<vmem>> -> memref<1x8x8x128xf32, #tpu.memory_space<vmem>>
        %parallel_loop3A_1424 = tpu.memref_squeeze %parallel_loop3A_1423 : memref<1x8x8x128xf32, #tpu.memory_space<vmem>> -> memref<8x8x128xf32, #tpu.memory_space<vmem>>
        %parallel_loop3A_1425 = arith.index_cast %parallel_loop3A_1374 : i32 to index
        %parallel_loop3A_1426 = arith.index_cast %parallel_loop3A_1419 : i32 to index
        %parallel_loop3A_1427 = arith.index_cast %parallel_loop3A_1418 : i32 to index
        %parallel_loop3A_1428 = tpu.vector_load %parallel_loop3A_1424[%parallel_loop3A_1425, %parallel_loop3A_1426, %parallel_loop3A_1427] {strides = array<i32>} : memref<8x8x128xf32, #tpu.memory_space<vmem>>, vector<16xf32>,
        tpu.vector_store %parallel_loop3A_1424[%parallel_loop3A_1425, %parallel_loop3A_1426, %parallel_loop3A_1427], %parallel_loop3A_1416 {strides = array<i32>} : memref<8x8x128xf32, #tpu.memory_space<vmem>>, vector<16xf32>,
        %parallel_loop3A_1429 = arith.constant 59000 : i32
        %parallel_loop3A_1430 = vector.broadcast %parallel_loop3A_1429 : i32 to vector<16xi32>
        %parallel_loop3A_1431 = arith.addi %parallel_loop3A_1380, %parallel_loop3A_1430 : vector<16xi32>
        %parallel_loop3A_1432 = tpu.vector_load_idx %arg5[%parallel_loop3A_1431] : memref<64000xf32, #tpu.memory_space<vmem>>[vector<16xi32>], vector<16xf32>,
        %parallel_loop3A_1433 = arith.constant 16 : i32
        %parallel_loop3A_1434 = arith.muli %parallel_loop3A_1376, %parallel_loop3A_1433 : i32
        %parallel_loop3A_1435 = arith.constant 3 : i32
        %parallel_loop3A_1436 = arith.constant 0 : i32
        %parallel_loop3A_1437 = arith.constant 0 : i32
        %parallel_loop3A_1438 = arith.constant 0 : i32
        %parallel_loop3A_1439 = tpu.memref_slice %arg8[%parallel_loop3A_1348, %parallel_loop3A_1436, %parallel_loop3A_1437, %parallel_loop3A_1438] : memref<4x8x8x128xf32, #tpu.memory_space<vmem>> -> memref<1x8x8x128xf32, #tpu.memory_space<vmem>>
        %parallel_loop3A_1440 = tpu.memref_squeeze %parallel_loop3A_1439 : memref<1x8x8x128xf32, #tpu.memory_space<vmem>> -> memref<8x8x128xf32, #tpu.memory_space<vmem>>
        %parallel_loop3A_1441 = arith.index_cast %parallel_loop3A_1374 : i32 to index
        %parallel_loop3A_1442 = arith.index_cast %parallel_loop3A_1435 : i32 to index
        %parallel_loop3A_1443 = arith.index_cast %parallel_loop3A_1434 : i32 to index
        %parallel_loop3A_1444 = tpu.vector_load %parallel_loop3A_1440[%parallel_loop3A_1441, %parallel_loop3A_1442, %parallel_loop3A_1443] {strides = array<i32>} : memref<8x8x128xf32, #tpu.memory_space<vmem>>, vector<16xf32>,
        tpu.vector_store %parallel_loop3A_1440[%parallel_loop3A_1441, %parallel_loop3A_1442, %parallel_loop3A_1443], %parallel_loop3A_1432 {strides = array<i32>} : memref<8x8x128xf32, #tpu.memory_space<vmem>>, vector<16xf32>,
        %parallel_loop3A_1445 = arith.constant 60000 : i32
        %parallel_loop3A_1446 = vector.broadcast %parallel_loop3A_1445 : i32 to vector<16xi32>
        %parallel_loop3A_1447 = arith.addi %parallel_loop3A_1380, %parallel_loop3A_1446 : vector<16xi32>
        %parallel_loop3A_1448 = tpu.vector_load_idx %arg5[%parallel_loop3A_1447] : memref<64000xf32, #tpu.memory_space<vmem>>[vector<16xi32>], vector<16xf32>,
        %parallel_loop3A_1449 = arith.constant 16 : i32
        %parallel_loop3A_1450 = arith.muli %parallel_loop3A_1376, %parallel_loop3A_1449 : i32
        %parallel_loop3A_1451 = arith.constant 4 : i32
        %parallel_loop3A_1452 = arith.constant 0 : i32
        %parallel_loop3A_1453 = arith.constant 0 : i32
        %parallel_loop3A_1454 = arith.constant 0 : i32
        %parallel_loop3A_1455 = tpu.memref_slice %arg8[%parallel_loop3A_1348, %parallel_loop3A_1452, %parallel_loop3A_1453, %parallel_loop3A_1454] : memref<4x8x8x128xf32, #tpu.memory_space<vmem>> -> memref<1x8x8x128xf32, #tpu.memory_space<vmem>>
        %parallel_loop3A_1456 = tpu.memref_squeeze %parallel_loop3A_1455 : memref<1x8x8x128xf32, #tpu.memory_space<vmem>> -> memref<8x8x128xf32, #tpu.memory_space<vmem>>
        %parallel_loop3A_1457 = arith.index_cast %parallel_loop3A_1374 : i32 to index
        %parallel_loop3A_1458 = arith.index_cast %parallel_loop3A_1451 : i32 to index
        %parallel_loop3A_1459 = arith.index_cast %parallel_loop3A_1450 : i32 to index
        %parallel_loop3A_1460 = tpu.vector_load %parallel_loop3A_1456[%parallel_loop3A_1457, %parallel_loop3A_1458, %parallel_loop3A_1459] {strides = array<i32>} : memref<8x8x128xf32, #tpu.memory_space<vmem>>, vector<16xf32>,
        tpu.vector_store %parallel_loop3A_1456[%parallel_loop3A_1457, %parallel_loop3A_1458, %parallel_loop3A_1459], %parallel_loop3A_1448 {strides = array<i32>} : memref<8x8x128xf32, #tpu.memory_space<vmem>>, vector<16xf32>,
        %parallel_loop3A_1461 = arith.constant 61000 : i32
        %parallel_loop3A_1462 = vector.broadcast %parallel_loop3A_1461 : i32 to vector<16xi32>
        %parallel_loop3A_1463 = arith.addi %parallel_loop3A_1380, %parallel_loop3A_1462 : vector<16xi32>
        %parallel_loop3A_1464 = tpu.vector_load_idx %arg5[%parallel_loop3A_1463] : memref<64000xf32, #tpu.memory_space<vmem>>[vector<16xi32>], vector<16xf32>,
        %parallel_loop3A_1465 = arith.constant 16 : i32
        %parallel_loop3A_1466 = arith.muli %parallel_loop3A_1376, %parallel_loop3A_1465 : i32
        %parallel_loop3A_1467 = arith.constant 5 : i32
        %parallel_loop3A_1468 = arith.constant 0 : i32
        %parallel_loop3A_1469 = arith.constant 0 : i32
        %parallel_loop3A_1470 = arith.constant 0 : i32
        %parallel_loop3A_1471 = tpu.memref_slice %arg8[%parallel_loop3A_1348, %parallel_loop3A_1468, %parallel_loop3A_1469, %parallel_loop3A_1470] : memref<4x8x8x128xf32, #tpu.memory_space<vmem>> -> memref<1x8x8x128xf32, #tpu.memory_space<vmem>>
        %parallel_loop3A_1472 = tpu.memref_squeeze %parallel_loop3A_1471 : memref<1x8x8x128xf32, #tpu.memory_space<vmem>> -> memref<8x8x128xf32, #tpu.memory_space<vmem>>
        %parallel_loop3A_1473 = arith.index_cast %parallel_loop3A_1374 : i32 to index
        %parallel_loop3A_1474 = arith.index_cast %parallel_loop3A_1467 : i32 to index
        %parallel_loop3A_1475 = arith.index_cast %parallel_loop3A_1466 : i32 to index
        %parallel_loop3A_1476 = tpu.vector_load %parallel_loop3A_1472[%parallel_loop3A_1473, %parallel_loop3A_1474, %parallel_loop3A_1475] {strides = array<i32>} : memref<8x8x128xf32, #tpu.memory_space<vmem>>, vector<16xf32>,
        tpu.vector_store %parallel_loop3A_1472[%parallel_loop3A_1473, %parallel_loop3A_1474, %parallel_loop3A_1475], %parallel_loop3A_1464 {strides = array<i32>} : memref<8x8x128xf32, #tpu.memory_space<vmem>>, vector<16xf32>,
        %parallel_loop3A_1477 = arith.constant 62000 : i32
        %parallel_loop3A_1478 = vector.broadcast %parallel_loop3A_1477 : i32 to vector<16xi32>
        %parallel_loop3A_1479 = arith.addi %parallel_loop3A_1380, %parallel_loop3A_1478 : vector<16xi32>
        %parallel_loop3A_1480 = tpu.vector_load_idx %arg5[%parallel_loop3A_1479] : memref<64000xf32, #tpu.memory_space<vmem>>[vector<16xi32>], vector<16xf32>,
        %parallel_loop3A_1481 = arith.constant 16 : i32
        %parallel_loop3A_1482 = arith.muli %parallel_loop3A_1376, %parallel_loop3A_1481 : i32
        %parallel_loop3A_1483 = arith.constant 6 : i32
        %parallel_loop3A_1484 = arith.constant 0 : i32
        %parallel_loop3A_1485 = arith.constant 0 : i32
        %parallel_loop3A_1486 = arith.constant 0 : i32
        %parallel_loop3A_1487 = tpu.memref_slice %arg8[%parallel_loop3A_1348, %parallel_loop3A_1484, %parallel_loop3A_1485, %parallel_loop3A_1486] : memref<4x8x8x128xf32, #tpu.memory_space<vmem>> -> memref<1x8x8x128xf32, #tpu.memory_space<vmem>>
        %parallel_loop3A_1488 = tpu.memref_squeeze %parallel_loop3A_1487 : memref<1x8x8x128xf32, #tpu.memory_space<vmem>> -> memref<8x8x128xf32, #tpu.memory_space<vmem>>
        %parallel_loop3A_1489 = arith.index_cast %parallel_loop3A_1374 : i32 to index
        %parallel_loop3A_1490 = arith.index_cast %parallel_loop3A_1483 : i32 to index
        %parallel_loop3A_1491 = arith.index_cast %parallel_loop3A_1482 : i32 to index
        %parallel_loop3A_1492 = tpu.vector_load %parallel_loop3A_1488[%parallel_loop3A_1489, %parallel_loop3A_1490, %parallel_loop3A_1491] {strides = array<i32>} : memref<8x8x128xf32, #tpu.memory_space<vmem>>, vector<16xf32>,
        tpu.vector_store %parallel_loop3A_1488[%parallel_loop3A_1489, %parallel_loop3A_1490, %parallel_loop3A_1491], %parallel_loop3A_1480 {strides = array<i32>} : memref<8x8x128xf32, #tpu.memory_space<vmem>>, vector<16xf32>,
        %parallel_loop3A_1493 = arith.constant 63000 : i32
        %parallel_loop3A_1494 = vector.broadcast %parallel_loop3A_1493 : i32 to vector<16xi32>
        %parallel_loop3A_1495 = arith.addi %parallel_loop3A_1380, %parallel_loop3A_1494 : vector<16xi32>
        %parallel_loop3A_1496 = tpu.vector_load_idx %arg5[%parallel_loop3A_1495] : memref<64000xf32, #tpu.memory_space<vmem>>[vector<16xi32>], vector<16xf32>,
        %parallel_loop3A_1497 = arith.constant 16 : i32
        %parallel_loop3A_1498 = arith.muli %parallel_loop3A_1376, %parallel_loop3A_1497 : i32
        %parallel_loop3A_1499 = arith.constant 7 : i32
        %parallel_loop3A_1500 = arith.constant 0 : i32
        %parallel_loop3A_1501 = arith.constant 0 : i32
        %parallel_loop3A_1502 = arith.constant 0 : i32
        %parallel_loop3A_1503 = tpu.memref_slice %arg8[%parallel_loop3A_1348, %parallel_loop3A_1500, %parallel_loop3A_1501, %parallel_loop3A_1502] : memref<4x8x8x128xf32, #tpu.memory_space<vmem>> -> memref<1x8x8x128xf32, #tpu.memory_space<vmem>>
        %parallel_loop3A_1504 = tpu.memref_squeeze %parallel_loop3A_1503 : memref<1x8x8x128xf32, #tpu.memory_space<vmem>> -> memref<8x8x128xf32, #tpu.memory_space<vmem>>
        %parallel_loop3A_1505 = arith.index_cast %parallel_loop3A_1374 : i32 to index
        %parallel_loop3A_1506 = arith.index_cast %parallel_loop3A_1499 : i32 to index
        %parallel_loop3A_1507 = arith.index_cast %parallel_loop3A_1498 : i32 to index
        %parallel_loop3A_1508 = tpu.vector_load %parallel_loop3A_1504[%parallel_loop3A_1505, %parallel_loop3A_1506, %parallel_loop3A_1507] {strides = array<i32>} : memref<8x8x128xf32, #tpu.memory_space<vmem>>, vector<16xf32>,
        tpu.vector_store %parallel_loop3A_1504[%parallel_loop3A_1505, %parallel_loop3A_1506, %parallel_loop3A_1507], %parallel_loop3A_1496 {strides = array<i32>} : memref<8x8x128xf32, #tpu.memory_space<vmem>>, vector<16xf32>,
      } {sc.loop_unroll_factor = 2 : i64, sc.parallel_access}
      %dma_start3A_1349 = arith.constant 3 : i32
      %dma_start3A_1350 = arith.constant 7 : i32
      %dma_start3A_1351 = arith.constant 0 : i32
      %dma_start3A_1352 = arith.constant 0 : i32
      %dma_start3A_1353 = arith.constant 0 : i32
      %dma_start3A_1354 = tpu.memref_slice %arg8[%dma_start3A_1349, %dma_start3A_1351, %dma_start3A_1352, %dma_start3A_1353] : memref<4x8x8x128xf32, #tpu.memory_space<vmem>> -> memref<1x8x8x128xf32, #tpu.memory_space<vmem>>
      %dma_start3A_1355 = tpu.memref_squeeze %dma_start3A_1354 : memref<1x8x8x128xf32, #tpu.memory_space<vmem>> -> memref<8x8x128xf32, #tpu.memory_space<vmem>>
      %dma_start3A_1356 = arith.constant 0 : i32
      %dma_start3A_1357 = arith.constant 0 : i32
      %dma_start3A_1358 = arith.constant 0 : i32
      %dma_start3A_1359 = tpu.memref_slice %arg4[%div3A_1045, %rem3A_1047, %dma_start3A_1350, %dma_start3A_1356, %dma_start3A_1357, %dma_start3A_1358] : memref<20x32x8x8x8x128xf32, #tpu.memory_space<hbm>> -> memref<1x1x1x8x8x128xf32, #tpu.memory_space<hbm>>
      %dma_start3A_1360 = tpu.memref_squeeze %dma_start3A_1359 : memref<1x1x1x8x8x128xf32, #tpu.memory_space<hbm>> -> memref<8x8x128xf32, #tpu.memory_space<hbm>>
      %dma_start3A_1361 = arith.constant 0 : i32
      %dma_start3A_1362 = arith.constant 0 : i32
      %dma_start3A_1363 = arith.constant 0 : i32
      %dma_start3A_1364 = tpu.memref_slice %arg4[%div3A_1045, %rem3A_1047, %dma_start3A_1350, %dma_start3A_1361, %dma_start3A_1362, %dma_start3A_1363] : memref<20x32x8x8x8x128xf32, #tpu.memory_space<hbm>> -> memref<1x1x1x8x8x128xf32, #tpu.memory_space<hbm>>
      %dma_start3A_1365 = tpu.memref_squeeze %dma_start3A_1364 : memref<1x1x1x8x8x128xf32, #tpu.memory_space<hbm>> -> memref<8x8x128xf32, #tpu.memory_space<hbm>>
      %dma_start3A_1366 = arith.constant 0 : i32
      %dma_start3A_1367 = arith.constant 0 : i32
      %dma_start3A_1368 = arith.constant 0 : i32
      %dma_start3A_1369 = tpu.memref_slice %arg8[%dma_start3A_1349, %dma_start3A_1366, %dma_start3A_1367, %dma_start3A_1368] : memref<4x8x8x128xf32, #tpu.memory_space<vmem>> -> memref<1x8x8x128xf32, #tpu.memory_space<vmem>>
      %dma_start3A_1370 = tpu.memref_squeeze %dma_start3A_1369 : memref<1x8x8x128xf32, #tpu.memory_space<vmem>> -> memref<8x8x128xf32, #tpu.memory_space<vmem>>
      tpu.enqueue_dma source(%dma_start3A_1370 : memref<8x8x128xf32, #tpu.memory_space<vmem>>) target(%dma_start3A_1365 : memref<8x8x128xf32, #tpu.memory_space<hbm>>) target_semaphore(%arg10 : memref<!tpu.dma_semaphore, #tpu.memory_space<semaphore_mem>>)
      %scan3A_1371 = arith.constant 0 : i32
      scf.yield %scan3A_1371 : i32
    }
    %scan3A_944 = arith.constant 20 : i32
    %dma_wait3A_945 = arith.constant 0 : i32
    %dma_wait3A_946 = arith.constant 0 : i32
    %dma_wait3A_947 = arith.constant 0 : i32
    %dma_wait3A_948 = arith.constant 0 : i32
    %dma_wait3A_949 = arith.constant 0 : i32
    %dma_wait3A_950 = arith.constant 0 : i32
    %dma_wait3A_951 = arith.constant 0 : i32
    %dma_wait3A_952 = tpu.memref_slice %arg8[%dma_wait3A_945, %dma_wait3A_949, %dma_wait3A_950, %dma_wait3A_951] : memref<4x8x8x128xf32, #tpu.memory_space<vmem>> -> memref<1x8x8x128xf32, #tpu.memory_space<vmem>>
    %dma_wait3A_953 = tpu.memref_squeeze %dma_wait3A_952 : memref<1x8x8x128xf32, #tpu.memory_space<vmem>> -> memref<8x8x128xf32, #tpu.memory_space<vmem>>
    %dma_wait3A_954 = arith.constant 0 : i32
    %dma_wait3A_955 = arith.constant 0 : i32
    %dma_wait3A_956 = arith.constant 0 : i32
    %dma_wait3A_957 = tpu.memref_slice %arg4[%dma_wait3A_946, %dma_wait3A_947, %dma_wait3A_948, %dma_wait3A_954, %dma_wait3A_955, %dma_wait3A_956] : memref<20x32x8x8x8x128xf32, #tpu.memory_space<hbm>> -> memref<1x1x1x8x8x128xf32, #tpu.memory_space<hbm>>
    %dma_wait3A_958 = tpu.memref_squeeze %dma_wait3A_957 : memref<1x1x1x8x8x128xf32, #tpu.memory_space<hbm>> -> memref<8x8x128xf32, #tpu.memory_space<hbm>>
    %dma_wait3A_959 = arith.constant 0 : i32
    %dma_wait3A_960 = arith.constant 0 : i32
    %dma_wait3A_961 = arith.constant 0 : i32
    %dma_wait3A_962 = tpu.memref_slice %arg4[%dma_wait3A_946, %dma_wait3A_947, %dma_wait3A_948, %dma_wait3A_959, %dma_wait3A_960, %dma_wait3A_961] : memref<20x32x8x8x8x128xf32, #tpu.memory_space<hbm>> -> memref<1x1x1x8x8x128xf32, #tpu.memory_space<hbm>>
    %dma_wait3A_963 = tpu.memref_squeeze %dma_wait3A_962 : memref<1x1x1x8x8x128xf32, #tpu.memory_space<hbm>> -> memref<8x8x128xf32, #tpu.memory_space<hbm>>
    %dma_wait3A_964 = arith.constant 0 : i32
    %dma_wait3A_965 = arith.constant 0 : i32
    %dma_wait3A_966 = arith.constant 0 : i32
    %dma_wait3A_967 = tpu.memref_slice %arg8[%dma_wait3A_945, %dma_wait3A_964, %dma_wait3A_965, %dma_wait3A_966] : memref<4x8x8x128xf32, #tpu.memory_space<vmem>> -> memref<1x8x8x128xf32, #tpu.memory_space<vmem>>
    %dma_wait3A_968 = tpu.memref_squeeze %dma_wait3A_967 : memref<1x8x8x128xf32, #tpu.memory_space<vmem>> -> memref<8x8x128xf32, #tpu.memory_space<vmem>>
    tpu.wait_dma2 semaphore(%arg10 : memref<!tpu.dma_semaphore, #tpu.memory_space<semaphore_mem>>) src(%dma_wait3A_968 : memref<8x8x128xf32, #tpu.memory_space<vmem>>) dst(%dma_wait3A_963 : memref<8x8x128xf32, #tpu.memory_space<hbm>>)
    %dma_wait3A_969 = arith.constant 0 : i32
    %dma_wait3A_970 = arith.constant 0 : i32
    %dma_wait3A_971 = arith.constant 0 : i32
    %dma_wait3A_972 = arith.constant 0 : i32
    %dma_wait3A_973 = arith.constant 0 : i32
    %dma_wait3A_974 = arith.constant 0 : i32
    %dma_wait3A_975 = arith.constant 0 : i32
    %dma_wait3A_976 = tpu.memref_slice %arg8[%dma_wait3A_969, %dma_wait3A_973, %dma_wait3A_974, %dma_wait3A_975] : memref<4x8x8x128xf32, #tpu.memory_space<vmem>> -> memref<1x8x8x128xf32, #tpu.memory_space<vmem>>
    %dma_wait3A_977 = tpu.memref_squeeze %dma_wait3A_976 : memref<1x8x8x128xf32, #tpu.memory_space<vmem>> -> memref<8x8x128xf32, #tpu.memory_space<vmem>>
    %dma_wait3A_978 = arith.constant 0 : i32
    %dma_wait3A_979 = arith.constant 0 : i32
    %dma_wait3A_980 = arith.constant 0 : i32
    %dma_wait3A_981 = tpu.memref_slice %arg4[%dma_wait3A_970, %dma_wait3A_971, %dma_wait3A_972, %dma_wait3A_978, %dma_wait3A_979, %dma_wait3A_980] : memref<20x32x8x8x8x128xf32, #tpu.memory_space<hbm>> -> memref<1x1x1x8x8x128xf32, #tpu.memory_space<hbm>>
    %dma_wait3A_982 = tpu.memref_squeeze %dma_wait3A_981 : memref<1x1x1x8x8x128xf32, #tpu.memory_space<hbm>> -> memref<8x8x128xf32, #tpu.memory_space<hbm>>
    %dma_wait3A_983 = arith.constant 0 : i32
    %dma_wait3A_984 = arith.constant 0 : i32
    %dma_wait3A_985 = arith.constant 0 : i32
    %dma_wait3A_986 = tpu.memref_slice %arg4[%dma_wait3A_970, %dma_wait3A_971, %dma_wait3A_972, %dma_wait3A_983, %dma_wait3A_984, %dma_wait3A_985] : memref<20x32x8x8x8x128xf32, #tpu.memory_space<hbm>> -> memref<1x1x1x8x8x128xf32, #tpu.memory_space<hbm>>
    %dma_wait3A_987 = tpu.memref_squeeze %dma_wait3A_986 : memref<1x1x1x8x8x128xf32, #tpu.memory_space<hbm>> -> memref<8x8x128xf32, #tpu.memory_space<hbm>>
    %dma_wait3A_988 = arith.constant 0 : i32
    %dma_wait3A_989 = arith.constant 0 : i32
    %dma_wait3A_990 = arith.constant 0 : i32
    %dma_wait3A_991 = tpu.memref_slice %arg8[%dma_wait3A_969, %dma_wait3A_988, %dma_wait3A_989, %dma_wait3A_990] : memref<4x8x8x128xf32, #tpu.memory_space<vmem>> -> memref<1x8x8x128xf32, #tpu.memory_space<vmem>>
    %dma_wait3A_992 = tpu.memref_squeeze %dma_wait3A_991 : memref<1x8x8x128xf32, #tpu.memory_space<vmem>> -> memref<8x8x128xf32, #tpu.memory_space<vmem>>
    tpu.wait_dma2 semaphore(%arg10 : memref<!tpu.dma_semaphore, #tpu.memory_space<semaphore_mem>>) src(%dma_wait3A_992 : memref<8x8x128xf32, #tpu.memory_space<vmem>>) dst(%dma_wait3A_987 : memref<8x8x128xf32, #tpu.memory_space<hbm>>)
    %dma_wait3A_993 = arith.constant 0 : i32
    %dma_wait3A_994 = arith.constant 0 : i32
    %dma_wait3A_995 = arith.constant 0 : i32
    %dma_wait3A_996 = arith.constant 0 : i32
    %dma_wait3A_997 = arith.constant 0 : i32
    %dma_wait3A_998 = arith.constant 0 : i32
    %dma_wait3A_999 = arith.constant 0 : i32
    %dma_wait3A_1000 = tpu.memref_slice %arg8[%dma_wait3A_993, %dma_wait3A_997, %dma_wait3A_998, %dma_wait3A_999] : memref<4x8x8x128xf32, #tpu.memory_space<vmem>> -> memref<1x8x8x128xf32, #tpu.memory_space<vmem>>
    %dma_wait3A_1001 = tpu.memref_squeeze %dma_wait3A_1000 : memref<1x8x8x128xf32, #tpu.memory_space<vmem>> -> memref<8x8x128xf32, #tpu.memory_space<vmem>>
    %dma_wait3A_1002 = arith.constant 0 : i32
    %dma_wait3A_1003 = arith.constant 0 : i32
    %dma_wait3A_1004 = arith.constant 0 : i32
    %dma_wait3A_1005 = tpu.memref_slice %arg4[%dma_wait3A_994, %dma_wait3A_995, %dma_wait3A_996, %dma_wait3A_1002, %dma_wait3A_1003, %dma_wait3A_1004] : memref<20x32x8x8x8x128xf32, #tpu.memory_space<hbm>> -> memref<1x1x1x8x8x128xf32, #tpu.memory_space<hbm>>
    %dma_wait3A_1006 = tpu.memref_squeeze %dma_wait3A_1005 : memref<1x1x1x8x8x128xf32, #tpu.memory_space<hbm>> -> memref<8x8x128xf32, #tpu.memory_space<hbm>>
    %dma_wait3A_1007 = arith.constant 0 : i32
    %dma_wait3A_1008 = arith.constant 0 : i32
    %dma_wait3A_1009 = arith.constant 0 : i32
    %dma_wait3A_1010 = tpu.memref_slice %arg4[%dma_wait3A_994, %dma_wait3A_995, %dma_wait3A_996, %dma_wait3A_1007, %dma_wait3A_1008, %dma_wait3A_1009] : memref<20x32x8x8x8x128xf32, #tpu.memory_space<hbm>> -> memref<1x1x1x8x8x128xf32, #tpu.memory_space<hbm>>
    %dma_wait3A_1011 = tpu.memref_squeeze %dma_wait3A_1010 : memref<1x1x1x8x8x128xf32, #tpu.memory_space<hbm>> -> memref<8x8x128xf32, #tpu.memory_space<hbm>>
    %dma_wait3A_1012 = arith.constant 0 : i32
    %dma_wait3A_1013 = arith.constant 0 : i32
    %dma_wait3A_1014 = arith.constant 0 : i32
    %dma_wait3A_1015 = tpu.memref_slice %arg8[%dma_wait3A_993, %dma_wait3A_1012, %dma_wait3A_1013, %dma_wait3A_1014] : memref<4x8x8x128xf32, #tpu.memory_space<vmem>> -> memref<1x8x8x128xf32, #tpu.memory_space<vmem>>
    %dma_wait3A_1016 = tpu.memref_squeeze %dma_wait3A_1015 : memref<1x8x8x128xf32, #tpu.memory_space<vmem>> -> memref<8x8x128xf32, #tpu.memory_space<vmem>>
    tpu.wait_dma2 semaphore(%arg10 : memref<!tpu.dma_semaphore, #tpu.memory_space<semaphore_mem>>) src(%dma_wait3A_1016 : memref<8x8x128xf32, #tpu.memory_space<vmem>>) dst(%dma_wait3A_1011 : memref<8x8x128xf32, #tpu.memory_space<hbm>>)
    %dma_wait3A_1017 = arith.constant 0 : i32
    %dma_wait3A_1018 = arith.constant 0 : i32
    %dma_wait3A_1019 = arith.constant 0 : i32
    %dma_wait3A_1020 = arith.constant 0 : i32
    %dma_wait3A_1021 = arith.constant 0 : i32
    %dma_wait3A_1022 = arith.constant 0 : i32
    %dma_wait3A_1023 = arith.constant 0 : i32
    %dma_wait3A_1024 = tpu.memref_slice %arg8[%dma_wait3A_1017, %dma_wait3A_1021, %dma_wait3A_1022, %dma_wait3A_1023] : memref<4x8x8x128xf32, #tpu.memory_space<vmem>> -> memref<1x8x8x128xf32, #tpu.memory_space<vmem>>
    %dma_wait3A_1025 = tpu.memref_squeeze %dma_wait3A_1024 : memref<1x8x8x128xf32, #tpu.memory_space<vmem>> -> memref<8x8x128xf32, #tpu.memory_space<vmem>>
    %dma_wait3A_1026 = arith.constant 0 : i32
    %dma_wait3A_1027 = arith.constant 0 : i32
    %dma_wait3A_1028 = arith.constant 0 : i32
    %dma_wait3A_1029 = tpu.memref_slice %arg4[%dma_wait3A_1018, %dma_wait3A_1019, %dma_wait3A_1020, %dma_wait3A_1026, %dma_wait3A_1027, %dma_wait3A_1028] : memref<20x32x8x8x8x128xf32, #tpu.memory_space<hbm>> -> memref<1x1x1x8x8x128xf32, #tpu.memory_space<hbm>>
    %dma_wait3A_1030 = tpu.memref_squeeze %dma_wait3A_1029 : memref<1x1x1x8x8x128xf32, #tpu.memory_space<hbm>> -> memref<8x8x128xf32, #tpu.memory_space<hbm>>
    %dma_wait3A_1031 = arith.constant 0 : i32
    %dma_wait3A_1032 = arith.constant 0 : i32
    %dma_wait3A_1033 = arith.constant 0 : i32
    %dma_wait3A_1034 = tpu.memref_slice %arg4[%dma_wait3A_1018, %dma_wait3A_1019, %dma_wait3A_1020, %dma_wait3A_1031, %dma_wait3A_1032, %dma_wait3A_1033] : memref<20x32x8x8x8x128xf32, #tpu.memory_space<hbm>> -> memref<1x1x1x8x8x128xf32, #tpu.memory_space<hbm>>
    %dma_wait3A_1035 = tpu.memref_squeeze %dma_wait3A_1034 : memref<1x1x1x8x8x128xf32, #tpu.memory_space<hbm>> -> memref<8x8x128xf32, #tpu.memory_space<hbm>>
    %dma_wait3A_1036 = arith.constant 0 : i32
    %dma_wait3A_1037 = arith.constant 0 : i32
    %dma_wait3A_1038 = arith.constant 0 : i32
    %dma_wait3A_1039 = tpu.memref_slice %arg8[%dma_wait3A_1017, %dma_wait3A_1036, %dma_wait3A_1037, %dma_wait3A_1038] : memref<4x8x8x128xf32, #tpu.memory_space<vmem>> -> memref<1x8x8x128xf32, #tpu.memory_space<vmem>>
    %dma_wait3A_1040 = tpu.memref_squeeze %dma_wait3A_1039 : memref<1x8x8x128xf32, #tpu.memory_space<vmem>> -> memref<8x8x128xf32, #tpu.memory_space<vmem>>
    tpu.wait_dma2 semaphore(%arg10 : memref<!tpu.dma_semaphore, #tpu.memory_space<semaphore_mem>>) src(%dma_wait3A_1040 : memref<8x8x128xf32, #tpu.memory_space<vmem>>) dst(%dma_wait3A_1035 : memref<8x8x128xf32, #tpu.memory_space<hbm>>)
    return
  }
}

</mosaic_0001>

<sc_bundles>
// kernel: kernel.3.cloned.1.call-start
scs
__scs_entry_jumppad:
0x0: {  	(pc) =	sbr.rel $0x88, $3  }
0x1: {  	(tag) =	ssettag $0x0;
	lr =	simm.s32 $0x1  }
0x2: {  	[smem:$0x3F9F] =	sst lr;
	_ =	strace $0xD0000000  }
0x3: {  	_ = 	snop  }
0x4: {  	_ = 	snop  }
0x5: {  	_ = 	snop  }
0x6: {  	_ = 	snop  }
0x7: {  	_ = 	snop  }
__scs_overlays_trampoline_lowered:
0x8: {  	[smem:$0x3FAE] =	sst s0  }
0x9: {  	[smem:$0x3FAF] =	sst s1  }
0xa: {  	[smem:$0x3FB0] =	sst s2  }
0xb: {  	[smem:$0x3FB1] =	sst s3  }
0xc: {  	[smem:$0x3FB2] =	sst s4  }
0xd: {  	[smem:$0x3FB3] =	sst s5  }
0xe: {  	[smem:$0x3FB4] =	sst s6  }
0xf: {  	[smem:$0x3FB5] =	sst s7  }
0x10: {  	[smem:$0x3FB6] =	sst s8  }
0x11: {  	[smem:$0x3FB7] =	sst s9;
	s0 =	simm.s32 @!p0 $0x0  }
0x12: {  	s1 =	sld [smem:$0x3F9D];
	s0 =	simm.s32 @p0 $0x1  }
0x13: {  	[smem:$0x3FB8] =	sst s0;
	s0 =	simm.s32 @!p1 $0x0  }
0x14: {  	s2 =	sld [smem:$0x3F9C];
	s0 =	simm.s32 @p1 $0x1  }
0x15: {  	[smem:$0x3FB9] =	sst s0;
	s0 =	simm.s32 @!p2 $0x0  }
0x16: {  	s3 =	sld [smem:$0x3FDB];
	s0 =	simm.s32 @p2 $0x1  }
0x17: {  	s4 =	simm.s32 $0x1BF5;
	[smem:$0x3FBB] =	sst s0  }
0x18: {  	s0 =	sld [smem:$0x3F9E];
	_ =	swait.ge [sflag:s4], $0x0  }
0x19: {  	s7 =	sld [smem:$0x3F9F]  }
0x1a: {  	s8 =	sadd.s32 $0xFFFFE003, lr  }
0x1b: {  	s9 =	sadd.s32 $0xFFFFFEF7, lr;
	s5 =	simm.s32 $0xFFFFFFFF;
	p2 =	slt.u32 s8, $0xFFFFF086  }
0x1c: {  	p1 =	slt.u32 s9, $0xF7A;
	s5 =	simm.s32 @!p2 $0x0  }
0x1d: {  	s5 =	simm.s32 @p1 $0x1;
	p0 =	seq.s32 s7, s2  }
0x1e: {  	s7 =	smul.u32 @!p0 $0xF7A, s2;
	p2 =	seq.s32 @!p0 s5, $0x0  }
0x1f: {  	s9 =	smul.u32 $0xF7A, s1;
	s8 =	simm.s32 @!p0 $0x1BF5;
	p2 =	por !p2, p0  }
0x20: {  	[sflag:s8] =	ssyncset.s32 @!p0 $0xFFFFF086;
	s6 =	sadd.s32 @!p0 s3, s7;
	s7 =	simm.s32 @!p0 $0x108  }
0x21: {  	s3 =	sadd.s32 s3, s9;
	s6 =	sadd.s32 @!p0 $0x88, s6;
	s7 =	simm.s32 @p2 $0x1082  }
0x22: {  	[simem:s7], [sflag:s8] =	dma.local @!p0 [hbm:s6], $0xF7A  }
0x23: {  	s9 =	sor.u32 $0xD0000000, s2;
	s6 =	simm.s32 $0x108;
	_ =	swait.ge @!p0 [sflag:s8], $0x0  }
0x24: {  	s3 =	sadd.s32 $0x88, s3;
	s6 =	simm.s32 @!p1 $0x1082;
	[sflag:s4] =	ssyncset.s32 $0xFFFFF086  }
0x25: {  	[simem:s6], [sflag:s4] =	dma.local [hbm:s3], $0xF7A  }
0x26: {  	[smem:$0x3F9F] =	sst s1;
	(tag) =	ssettag s2;
	_ =	strace s9  }
0x27: {  	s1 =	sld [smem:$0x3FAF]  }
0x28: {  	s2 =	sld [smem:$0x3FB0]  }
0x29: {  	s4 =	sld [smem:$0x3FB2]  }
0x2a: {  	p0 =	seq.s32 s5, $0x0;
	s5 =	sld [smem:$0x3FB3]  }
0x2b: {  	s6 =	sld [smem:$0x3FB4]  }
0x2c: {  	s7 =	sld [smem:$0x3FB5]  }
0x2d: {  	s3 =	simm.s32 $0x108;
	s8 =	sld [smem:$0x3FB6]  }
0x2e: {  	s3 =	simm.s32 @!p0 $0x1082;
	s9 =	sld [smem:$0x3FB7]  }
0x2f: {  	lr =	sadd.s32 s0, s3;
	s0 =	sld [smem:$0x3FAE]  }
0x30: {  	s3 =	sld [smem:$0x3FB1]  }
0x31: {  	[smem:$0x3FBA] =	sst s10  }
0x32: {  	s10 =	sld [smem:$0x3FB8];
	_ =	sdelay $0x3  }
0x33: {  	p0 =	seq.s32 s10, $0x1;
	s10 =	sld [smem:$0x3FBA];
	_ =	sdelay $0x3  }
0x34: {  	[smem:$0x3FBA] =	sst s10  }
0x35: {  	s10 =	sld [smem:$0x3FB9];
	_ =	sdelay $0x3  }
0x36: {  	p1 =	seq.s32 s10, $0x1;
	s10 =	sld [smem:$0x3FBA];
	_ =	sdelay $0x3  }
0x37: {  	[smem:$0x3FBA] =	sst s10  }
0x38: {  	s10 =	sld [smem:$0x3FBB]  }
0x39: {  	_ = 	snop;
	(pc) =	sbr.ind lr, $3  }
0x3a: {  	_ = 	snop  }
0x3b: {  	_ = 	snop  }
0x3c: {  	p2 =	seq.s32 s10, $0x1;
	s10 =	sld [smem:$0x3FBA]  }
0x3d: {  	_ =	shalt  }
0x3e: {  	_ =	shalt  }
0x3f: {  	_ =	shalt  }
0x40: {  	_ =	shalt  }
0x41: {  	_ =	shalt  }
0x42: {  	_ =	shalt  }
0x43: {  	_ =	shalt  }
0x44: {  	_ =	shalt  }
0x45: {  	_ =	shalt  }
0x46: {  	_ =	shalt  }
0x47: {  	_ =	shalt  }
0x48: {  	_ =	shalt  }
0x49: {  	_ =	shalt  }
0x4a: {  	_ =	shalt  }
0x4b: {  	_ =	shalt  }
0x4c: {  	_ =	shalt  }
0x4d: {  	_ =	shalt  }
0x4e: {  	_ =	shalt  }
0x4f: {  	_ =	shalt  }
0x50: {  	_ =	shalt  }
0x51: {  	_ =	shalt  }
0x52: {  	_ =	shalt  }
0x53: {  	_ =	shalt  }
0x54: {  	_ =	shalt  }
0x55: {  	_ =	shalt  }
0x56: {  	_ =	shalt  }
0x57: {  	_ =	shalt  }
0x58: {  	_ =	shalt  }
0x59: {  	_ =	shalt  }
0x5a: {  	_ =	shalt  }
0x5b: {  	_ =	shalt  }
0x5c: {  	_ =	shalt  }
0x5d: {  	_ =	shalt  }
0x5e: {  	_ =	shalt  }
0x5f: {  	_ =	shalt  }
0x60: {  	_ =	shalt  }
0x61: {  	_ =	shalt  }
0x62: {  	_ =	shalt  }
0x63: {  	_ =	shalt  }
0x64: {  	_ =	shalt  }
0x65: {  	_ =	shalt  }
0x66: {  	_ =	shalt  }
0x67: {  	_ =	shalt  }
0x68: {  	_ =	shalt  }
0x69: {  	_ =	shalt  }
0x6a: {  	_ =	shalt  }
0x6b: {  	_ =	shalt  }
0x6c: {  	_ =	shalt  }
0x6d: {  	_ =	shalt  }
0x6e: {  	_ =	shalt  }
0x6f: {  	_ =	shalt  }
0x70: {  	_ =	shalt  }
0x71: {  	_ =	shalt  }
0x72: {  	_ =	shalt  }
0x73: {  	_ =	shalt  }
0x74: {  	_ =	shalt  }
0x75: {  	_ =	shalt  }
0x76: {  	_ =	shalt  }
0x77: {  	_ =	shalt  }
0x78: {  	_ =	shalt  }
0x79: {  	_ =	shalt  }
0x7a: {  	_ =	shalt  }
0x7b: {  	_ =	shalt  }
0x7c: {  	_ =	shalt  }
0x7d: {  	_ =	shalt  }
0x7e: {  	_ =	shalt  }
0x7f: {  	_ =	shalt  }
0x80: {  	_ =	shalt  }
0x81: {  	_ =	shalt  }
0x82: {  	_ =	shalt  }
0x83: {  	_ =	shalt  }
0x84: {  	_ =	shalt  }
0x85: {  	_ =	shalt  }
0x86: {  	_ =	shalt  }
0x87: {  	_ =	shalt  }
.Lfunc_end0:
.L_simem_size_0:
called_computation_lowered:
.L_overlay_start_0:
0x88: {  	s2 =	sld [smem:$0x3FD9]  }
0x89: {  	s3 =	sld [smem:$0x3FFE];
	_ =	sdelay $0x1  }
0x8a: {  	s1 =	srdreg.scid  }
0x8b: {  	s0 =	sand.u32 $0x1, s1  }
0x8c: {  	s17 =	sshll.u32 s0, $0xA;
	s2 =	sadd.s32 s3, s2  }
0x8d: {  	s2 =	sadd.s32 s2, s17  }
0x8e: {  	[smem:$0x3FC6] =	sst s2  }
0x8f: {  	_ = 	snop  }
0x90: {  	s2 =	sld [smem:$0x3FC9]  }
0x91: {  	s18 =	sld [smem:$0x3FD0];
	(tm) =	ssettm $0x1  }
0x92: {  	s4 =	sld [smem:$0x3FFB];
	_ =	sdelay $0x3  }
0x93: {  	_ =	strace s4  }
0x94: {  	s4 =	sld [smem:$0x3FFC];
	_ =	sdelay $0x3  }
0x95: {  	_ =	strace s4  }
0x96: {  	s4 =	sld [smem:$0x3FFD];
	_ =	sdelay $0x3  }
0x97: {  	_ =	strace s4  }
0x98: {  	_ =	strace $0x8FFFFFFF  }
0x99: {  	s19 =	sld [smem:$0x3FDB];
	_ =	sdelay $0x1  }
0x9a: {  	s5 =	simm.s32 $_scs_section_size  }
0x9b: {  	s6 =	simm.s32 $_size__tile_overlayer_lowered;
	s7 =	simm.s32 $_tile_overlayer_lowered  }
0x9c: {  	s22 =	simm.s32 $0x1BFF;
	s21 =	sshll.u32 s7, $0x1;
	s4 =	sadd.s32 s5, s19  }
0x9d: {  	s8 =	simm.s32 $0x0;
	s20 =	sshll.u32 s6, $0x1;
	s6 =	sadd.s32 s21, s4  }
0x9e: {  	[timem:s8], [sflag:s22] =	dma.local [hbm:s6], s20  }
0x9f: {  	_ =	swait.ge [sflag:s22], s20  }
0xa0: {  	s5 =	ssub.s32 $0x0, s20;
	[sflag:s22] =	ssyncset.done $0x0  }
0xa1: {  	[sflag:s22] =	ssyncadd.s32 s5;
	_ =	sdelay $0x1  }
0xa2: {  	s23 =	simm.s32 $0x1B8B  }
0xa3: {  	_ =	swait.ge [sflag:s23], $0x1  }
0xa4: {  	[sflag:s23] =	ssyncset.done $0x0  }
0xa5: {  	s25 =	simm.s32 $0x1B8E;
	s24 =	sld [smem:$0x3FFE];
	[sflag:s23] =	ssyncadd.s32 $0xFFFFFFFF  }
0xa6: {  	s26 =	simm.s32 $execute0_lowered;
	[smem:$0x3FD2] =	sst s25  }
0xa7: {  	s6 =	sshll.u32 s26, $0x1;
	_ =	strace $0x80000046;
	[dreg:$0x1] =	wrdreg $0xFFFFFFFF  }
0xa8: {  	s28 =	simm.s32 $_size_execute0_lowered;
	s4 =	sadd.s32 s4, s6;
	[dreg:$0x0] =	wrdreg $0x0  }
0xa9: {  	s6 =	sshll.u32 s28, $0x1;
	[dreg:$0x2] =	wrdreg s4  }
0xaa: {  	[dreg:$0x3] =	wrdreg s6  }
0xab: {  	[dreg:$0x4] =	wrdreg $0xC0  }
0xac: {  	_ =	task [dreg:s8], $0x5FFFF  }
0xad: {  	[dreg:$0x1] =	wrdreg $0xFFFFFFFF  }
0xae: {  	[dreg:$0x0] =	wrdreg $0x60  }
0xaf: {  	[dreg:$0x2] =	wrdreg s2  }
0xb0: {  	[dreg:$0x3] =	wrdreg s24  }
0xb1: {  	[dreg:$0x4] =	wrdreg s18  }
0xb2: {  	[dreg:$0x5] =	wrdreg $0x9  }
0xb3: {  	_ =	task.clear_ibuf [dreg:s8], $0x6FFFF;
	_ =	strace $0x90000046  }
0xb4: {  	s29 =	simm.s32 $0x9;
	_ =	strace $0x80000048  }
0xb5: {  	_ =	swait.ge [sflag:s29], $0x1  }
0xb6: {  	[sflag:s29] =	ssyncadd.s32 $0xFFFFFFFF  }
0xb7: {  	_ =	strace $0x90000048  }
0xb8: {  	_ =	sfence  }
0xb9: {  	s30 =	sld [smem:$0x0];
	_ =	sdelay $0x2  }
0xba: {  	s31 =	sshll.u32 s1, $0xD;
	s1 =	sshrl.u32 s1, $0x2  }
0xbb: {  	s3 =	sand.u32 $0x4000, s31;
	s1 =	sadd.s32 s1, s30  }
0xbc: {  	s0 =	sor.u32 s3, s0;
	s1 =	sshll.u32 s1, $0x11  }
0xbd: {  	s0 =	sor.u32 s1, s0  }
0xbe: {  	s0 =	sadd.s32 $0x8F2B, s0  }
0xbf: {  	[sflag:s0] =	ssyncadd.remote.s32 $0x1  }
0xc0: {  	_ =	sfence.sel $0xFFFF  }
0xc1: {  	[dreg:$0x0] =	wrdreg $0xFFFFFFFF;
	(pc) =	sbr.abs _section_cstart, $3  }
0xc2: {  	[dreg:$0x1] =	wrdreg $0xFFFFFFFF  }
0xc3: {  	_ =	task.clear_ibuf [dreg:s8], $0x2FFFF;
	_ =	strace $0x9FFFFFFF  }
0xc4: {  	(tm) =	ssettm $0x7FFFFFFF  }
0xc5: {  	_ =	shalt  }
tec
execute0_lowered:
.L_overlay_start_1:
0x0: {  	(tag) =	ssettag $0x1  }
0x1: {  	s0 =	rddreg [dreg:$0x0]  }
0x2: {  	s2 =	srdreg.scid;
	s3 =	stileid.u32  }
0x3: {  	s1 =	rddreg [dreg:$0x1];
	s4 =	sand.u32 $0x1, s2;
	s21 =	sshll.u32 s3, $0x1  }
0x4: {  	s11 =	rddreg [dreg:$0x2];
	s3 =	simm.s32 $0x0;
	s2 =	sor.u32 s4, s21  }
0x5: {  	s1 =	sadd.s32 $0x400, s1;
	[smem:$0x7FF] =	sst s3;
	s12 =	smul.u32 $0x14, s2  }
0x6: {  	s5 =	ssub.s32 $0x2, s4;
	s4 =	sshll.u32 s4, $0x9;
	s2 =	smul.u32 $0x5000, s2  }
0x7: {  	_ =	strace $0x80000047;
	s6 =	sshrl.u32 s5, $0x1;
	[dreg:$0x5] =	wrdreg s1  }
0x8: {  	s1 =	ssub.s32 s5, s6;
	s22 =	sadd.s32 $0x4, s12;
	s23 =	sand.u32 $0xFE000, s2  }
0x9: {  	s24 =	sadd.s32 $0x5, s12;
	s26 =	sadd.s32 $0x6, s12;
	s9 =	sadd.s32 $0x7, s12  }
0xa: {  	s31 =	sadd.s32 $0x2000, s2;
	s10 =	sadd.s32 $0xA, s12;
	s16 =	sadd.s32 $0xB, s12  }
0xb: {  	s18 =	sadd.s32 $0xC, s12;
	s2 =	sadd.s32 $0x4000, s2;
	[dreg:$0x4] =	wrdreg s12  }
0xc: {  	s7 =	sshll.u32 s22, $0x4;
	s6 =	sor.u32 s4, s23;
	s5 =	sshll.u32 s22, $0x7  }
0xd: {  	s25 =	sshll.u32 s24, $0x7;
	s8 =	sshll.u32 s26, $0x4;
	s29 =	sshll.u32 s9, $0x4  }
0xe: {  	s30 =	sshll.u32 s9, $0x7;
	s14 =	sshll.u32 s10, $0x4;
	s17 =	sshll.u32 s16, $0x7  }
0xf: {  	s19 =	sshll.u32 s18, $0x4;
	s23 =	sadd.s32 $0xE, s12;
	s2 =	sand.u32 $0x1FE000, s2  }
0x10: {  	s7 =	sand.u32 $0x40, s7;
	s6 =	sshrl.u32 s6, $0x3;
	s5 =	sand.u32 $0x3FC00, s5  }
0x11: {  	s8 =	sand.u32 $0x60, s8;
	s2 =	sor.u32 s4, s2;
	s7 =	sadd.s32 s0, s7  }
0x12: {  	s13 =	sadd.s32 s0, s6;
	s6 =	sand.u32 $0x3FC00, s25;
	s8 =	sadd.s32 s0, s8  }
0x13: {  	s25 =	sshll.u32 s23, $0x7;
	s2 =	sshrl.u32 s2, $0x3;
	s5 =	sadd.s32 s5, s7  }
0x14: {  	s7 =	sshll.u32 s26, $0x7;
	s2 =	sadd.s32 s0, s2;
	[dreg:$0x6] =	wrdreg s13  }
0x15: {  	[dreg:$0x7] =	wrdreg s5;
	s5 =	sshll.u32 s24, $0x4;
	s7 =	sand.u32 $0x3FC00, s7  }
0x16: {  	s24 =	sshll.u32 s23, $0x4;
	[dreg:$0x15] =	wrdreg s2;
	s23 =	sadd.s32 $0x30, s13  }
0x17: {  	s5 =	sand.u32 $0x50, s5;
	s28 =	sadd.s32 s7, s8;
	s7 =	sand.u32 $0x1FE000, s31  }
0x18: {  	s8 =	sadd.s32 $0x9, s12;
	s26 =	sand.u32 $0x60, s24;
	s31 =	sadd.s32 $0x11, s12  }
0x19: {  	[dreg:$0x1a] =	wrdreg s23;
	s24 =	sadd.s32 $0x400, s11;
	s5 =	sadd.s32 s0, s5  }
0x1a: {  	[dreg:$0x9] =	wrdreg s28;
	s7 =	sor.u32 s4, s7;
	s28 =	sadd.s32 $0xF, s12  }
0x1b: {  	[dreg:$0x1b] =	wrdreg s24;
	s5 =	sadd.s32 s6, s5;
	s6 =	sand.u32 $0x3FC00, s30  }
0x1c: {  	s30 =	sshll.u32 s28, $0x4;
	[dreg:$0x8] =	wrdreg s5;
	s5 =	sand.u32 $0x70, s29  }
0x1d: {  	s29 =	sshll.u32 s28, $0x7;
	s28 =	sadd.s32 $0x1000, s11;
	s5 =	sadd.s32 s0, s5  }
0x1e: {  	s9 =	sshll.u32 s8, $0x7;
	[dreg:$0x1e] =	wrdreg s28;
	s5 =	sadd.s32 s6, s5  }
0x1f: {  	s6 =	sshll.u32 s8, $0x4;
	s8 =	sshll.u32 s10, $0x7;
	s10 =	sadd.s32 $0xD, s12  }
0x20: {  	[dreg:$0xa] =	wrdreg s5;
	s5 =	sshrl.u32 s7, $0x3;
	s7 =	sand.u32 $0x3FC00, s9  }
0x21: {  	s6 =	sand.u32 $0x50, s6;
	s9 =	sand.u32 $0x60, s14;
	s8 =	sand.u32 $0x3FC00, s8  }
0x22: {  	s21 =	sshll.u32 s10, $0x4;
	s22 =	sshll.u32 s10, $0x7;
	s6 =	sadd.s32 s0, s6  }
0x23: {  	s9 =	sadd.s32 s0, s9;
	s5 =	sadd.s32 s0, s5;
	s6 =	sadd.s32 s7, s6  }
0x24: {  	s15 =	sadd.s32 s8, s9;
	s7 =	sand.u32 $0x3FC00, s17;
	[dreg:$0x13] =	wrdreg s5  }
0x25: {  	s8 =	sshll.u32 s18, $0x7;
	s9 =	sand.u32 $0x40, s19;
	[dreg:$0xb] =	wrdreg s6  }
0x26: {  	[dreg:$0xc] =	wrdreg s15;
	s6 =	sshll.u32 s16, $0x4;
	s8 =	sand.u32 $0x3FC00, s8  }
0x27: {  	s9 =	sadd.s32 s0, s9;
	s16 =	sadd.s32 $0x13, s12;
	s6 =	sand.u32 $0x70, s6  }
0x28: {  	s20 =	sadd.s32 s8, s9;
	s8 =	sshll.u32 s31, $0x7;
	s9 =	sadd.s32 $0x12, s12  }
0x29: {  	s17 =	sshll.u32 s16, $0x4;
	s18 =	sshll.u32 s16, $0x7;
	s12 =	simm.s32 $0x16E00  }
0x2a: {  	s6 =	sadd.s32 s0, s6;
	[dreg:$0xe] =	wrdreg s20;
	s10 =	sshll.u32 s9, $0x4  }
0x2b: {  	s14 =	sshll.u32 s9, $0x7;
	s19 =	sand.u32 $0x3FC00, s18;
	s20 =	sadd.s32 $0x10, s13  }
0x2c: {  	s6 =	sadd.s32 s7, s6;
	s7 =	sand.u32 $0x3FC00, s22;
	[dreg:$0x16] =	wrdreg s20  }
0x2d: {  	s15 =	sand.u32 $0x60, s10;
	[dreg:$0xd] =	wrdreg s6;
	s6 =	sand.u32 $0x50, s21  }
0x2e: {  	s22 =	smax.u32 s1, $0x1;
	s1 =	simm.s32 $0x0;
	s6 =	sadd.s32 s0, s6  }
0x2f: {  	s21 =	sadd.s32 $0x20, s13;
	[dreg:$0x19] =	wrdreg s22;
	s6 =	sadd.s32 s7, s6  }
0x30: {  	s7 =	sadd.s32 s0, s26;
	[dreg:$0xf] =	wrdreg s6;
	s6 =	sand.u32 $0x3FC00, s25  }
0x31: {  	[dreg:$0x18] =	wrdreg s21;
	s6 =	sadd.s32 s6, s7;
	s7 =	sand.u32 $0x70, s30  }
0x32: {  	v0 =	vimm.f32 $2.000000000e+00;
	[dreg:$0x10] =	wrdreg s6;
	s6 =	sand.u32 $0x3FC00, s29;
	s7 =	sadd.s32 s0, s7  }
0x33: {  	(erf) = vrcp.f32 v0;
	s26 =	sadd.s32 $0xC00, s11;
	s6 =	sadd.s32 s6, s7;
	s7 =	sshll.u32 s31, $0x4  }
0x34: {  	s25 =	sadd.s32 $0x800, s11;
	[dreg:$0x1d] =	wrdreg s26;
	s4 =	sand.u32 $0x50, s7  }
0x35: {  	[dreg:$0x11] =	wrdreg s6;
	s6 =	sand.u32 $0x3FC00, s8;
	s4 =	sadd.s32 s0, s4  }
0x36: {  	[dreg:$0x1c] =	wrdreg s25;
	s30 =	sadd.s32 $0x1800, s11;
	s4 =	sadd.s32 s6, s4  }
0x37: {  	s6 =	sadd.s32 s0, s15;
	[dreg:$0x12] =	wrdreg s4;
	s4 =	sand.u32 $0x3FC00, s14  }
0x38: {  	s13 =	simm.s32 $0x18E00;
	[smem:$0x7FC] =	sst s30;
	s4 =	sadd.s32 s4, s6  }
0x39: {  	s29 =	sadd.s32 $0x1400, s11;
	[dreg:$0x14] =	wrdreg s4;
	s4 =	sand.u32 $0x70, s17  }
0x3a: {  	[dreg:$0x1f] =	wrdreg s29;
	s31 =	sadd.s32 $0x1C00, s11;
	s0 =	sadd.s32 s0, s4  }
0x3b: {  	s11 =	simm.s32 $0x14E00;
	[smem:$0x7FD] =	sst s31;
	s0 =	sadd.s32 s19, s0  }
0x3c: {  	v0 =	vpop (erf);
	s15 =	simm.s32 $0x2;
	s14 =	simm.s32 $0x1AE00;
	[dreg:$0x17] =	wrdreg s0  }
.LBB2_1:
0x3d: {  	[smem:$0x7FB] =	sst s1  }
0x3e: {  	s0 =	rddreg [dreg:$0x6]  }
0x3f: {  	s1 =	simm.s32 $0x80;
	s2 =	simm.s32 $0x400;
	s4 =	simm.s32 $0xFA00  }
0x40: {  	[tilespmem:s4], [sflag:$0x1] =	stream.strided.gather [hbm4b:s0+s1], $0x400, s2, s1, $0x38;
	[tilespmem:$0x1CE00] =	vst v63  }
0x41: {  	s6 =	rddreg [dreg:$0x16];
	s7 =	simm.s32 $0xFE00  }
0x42: {  	[tilespmem:s7], [sflag:$0x1] =	stream.strided.gather [hbm4b:s6+s1], $0x400, s2, s1, $0x38;
	[tilespmem:$0x1CE00] =	vst v63  }
0x43: {  	s8 =	rddreg [dreg:$0x18];
	s9 =	simm.s32 $0x10200  }
0x44: {  	[tilespmem:s9], [sflag:$0x1] =	stream.strided.gather [hbm4b:s8+s1], $0x400, s2, s1, $0x38;
	[tilespmem:$0x1CE00] =	vst v63  }
0x45: {  	s10 =	rddreg [dreg:$0x1a];
	s16 =	simm.s32 $0x10600  }
0x46: {  	[tilespmem:s16], [sflag:$0x1] =	stream.strided.gather [hbm4b:s10+s1], $0x400, s2, s1, $0x38;
	[tilespmem:$0x1CE00] =	vst v63  }
0x47: {  	s17 =	rddreg [dreg:$0x7];
	s18 =	simm.s32 $0x10A00  }
0x48: {  	[tilespmem:s18], [sflag:$0x1] =	stream.strided.gather [hbm4b:s17+s1], $0x400, s2, s1, $0x38;
	[tilespmem:$0x1CE00] =	vst v63  }
0x49: {  	s19 =	rddreg [dreg:$0x8];
	s20 =	simm.s32 $0x10E00  }
0x4a: {  	[tilespmem:s20], [sflag:$0x1] =	stream.strided.gather [hbm4b:s19+s1], $0x400, s2, s1, $0x38;
	[tilespmem:$0x1CE00] =	vst v63  }
0x4b: {  	s21 =	rddreg [dreg:$0x9];
	s22 =	simm.s32 $0x11200  }
0x4c: {  	[tilespmem:s22], [sflag:$0x1] =	stream.strided.gather [hbm4b:s21+s1], $0x400, s2, s1, $0x38;
	[tilespmem:$0x1CE00] =	vst v63  }
0x4d: {  	s23 =	rddreg [dreg:$0xa];
	s24 =	simm.s32 $0x11600  }
0x4e: {  	[tilespmem:s24], [sflag:$0x1] =	stream.strided.gather [hbm4b:s23+s1], $0x400, s2, s1, $0x38;
	[tilespmem:$0x1CE00] =	vst v63  }
0x4f: {  	s25 =	rddreg [dreg:$0x13];
	s26 =	simm.s32 $0x11A00  }
0x50: {  	[tilespmem:s26], [sflag:$0x1] =	stream.strided.gather [hbm4b:s25+s1], $0x400, s2, s1, $0x38;
	[tilespmem:$0x1CE00] =	vst v63  }
0x51: {  	s28 =	rddreg [dreg:$0xb];
	s29 =	simm.s32 $0x11E00  }
0x52: {  	[tilespmem:s29], [sflag:$0x1] =	stream.strided.gather [hbm4b:s28+s1], $0x400, s2, s1, $0x38;
	[tilespmem:$0x1CE00] =	vst v63  }
0x53: {  	s30 =	rddreg [dreg:$0xc];
	s31 =	simm.s32 $0x12200  }
0x54: {  	[tilespmem:s31], [sflag:$0x1] =	stream.strided.gather [hbm4b:s30+s1], $0x400, s2, s1, $0x38;
	[tilespmem:$0x1CE00] =	vst v63  }
0x55: {  	s5 =	rddreg [dreg:$0xd];
	s6 =	simm.s32 $0x12600  }
0x56: {  	[tilespmem:s6], [sflag:$0x1] =	stream.strided.gather [hbm4b:s5+s1], $0x400, s2, s1, $0x38;
	[tilespmem:$0x1CE00] =	vst v63  }
0x57: {  	s7 =	rddreg [dreg:$0xe];
	s8 =	simm.s32 $0x12A00  }
0x58: {  	[tilespmem:s8], [sflag:$0x1] =	stream.strided.gather [hbm4b:s7+s1], $0x400, s2, s1, $0x38;
	[tilespmem:$0x1CE00] =	vst v63  }
0x59: {  	s9 =	rddreg [dreg:$0xf];
	s10 =	simm.s32 $0x12E00  }
0x5a: {  	[tilespmem:s10], [sflag:$0x1] =	stream.strided.gather [hbm4b:s9+s1], $0x400, s2, s1, $0x38;
	[tilespmem:$0x1CE00] =	vst v63  }
0x5b: {  	s16 =	rddreg [dreg:$0x10];
	s17 =	simm.s32 $0x13200  }
0x5c: {  	[tilespmem:s17], [sflag:$0x1] =	stream.strided.gather [hbm4b:s16+s1], $0x400, s2, s1, $0x38;
	[tilespmem:$0x1CE00] =	vst v63  }
0x5d: {  	s18 =	rddreg [dreg:$0x11];
	s19 =	simm.s32 $0x13600  }
0x5e: {  	[tilespmem:s19], [sflag:$0x1] =	stream.strided.gather [hbm4b:s18+s1], $0x400, s2, s1, $0x38;
	[tilespmem:$0x1CE00] =	vst v63  }
0x5f: {  	s20 =	rddreg [dreg:$0x15];
	s21 =	simm.s32 $0x13A00  }
0x60: {  	[tilespmem:s21], [sflag:$0x1] =	stream.strided.gather [hbm4b:s20+s1], $0x400, s2, s1, $0x38;
	[tilespmem:$0x1CE00] =	vst v63  }
0x61: {  	s22 =	rddreg [dreg:$0x12];
	s23 =	simm.s32 $0x13E00  }
0x62: {  	[tilespmem:s23], [sflag:$0x1] =	stream.strided.gather [hbm4b:s22+s1], $0x400, s2, s1, $0x38;
	[tilespmem:$0x1CE00] =	vst v63  }
0x63: {  	s24 =	rddreg [dreg:$0x14];
	s25 =	simm.s32 $0x14200  }
0x64: {  	[tilespmem:s25], [sflag:$0x1] =	stream.strided.gather [hbm4b:s24+s1], $0x400, s2, s1, $0x38;
	[tilespmem:$0x1CE00] =	vst v63  }
0x65: {  	s26 =	rddreg [dreg:$0x17];
	s28 =	simm.s32 $0x14600  }
0x66: {  	[tilespmem:s28], [sflag:$0x1] =	stream.strided.gather [hbm4b:s26+s1], $0x400, s2, s1, $0x38;
	[tilespmem:$0x1CE00] =	vst v63  }
0x67: {  	s29 =	rddreg [dreg:$0x5];
	s30 =	simm.s32 $0x3  }
0x68: {  	[tilespmem:s3], [sflag:$0x3] =	stream.linear.gather [hbm4b:s29+s3], $0xFA00, $0x38;
	[tilespmem:$0x1CE00] =	vst v63  }
0x69: {  	_ =	swait.ge [sflag:s30], $0xFA00  }
0x6a: {  	[sflag:s30] =	ssyncset.done $0x0  }
0x6b: {  	s31 =	simm.s32 $0x1;
	[sflag:s30] =	ssyncadd.s32 $0xFFFF0600  }
0x6c: {  	_ =	swait.ge [sflag:s31], $0x400  }
0x6d: {  	[sflag:s31] =	ssyncset.done $0x0  }
0x6e: {  	[sflag:s31] =	ssyncadd.s32 $0xFFFFFC00  }
0x6f: {  	_ =	swait.ge [sflag:s31], $0x400  }
0x70: {  	[sflag:s31] =	ssyncset.done $0x0  }
0x71: {  	[sflag:s31] =	ssyncadd.s32 $0xFFFFFC00  }
0x72: {  	_ =	swait.ge [sflag:s31], $0x400  }
0x73: {  	[sflag:s31] =	ssyncset.done $0x0  }
0x74: {  	[sflag:s31] =	ssyncadd.s32 $0xFFFFFC00  }
0x75: {  	_ =	swait.ge [sflag:s31], $0x400  }
0x76: {  	[sflag:s31] =	ssyncset.done $0x0  }
0x77: {  	[sflag:s31] =	ssyncadd.s32 $0xFFFFFC00  }
0x78: {  	_ =	swait.ge [sflag:s31], $0x400  }
0x79: {  	[sflag:s31] =	ssyncset.done $0x0  }
0x7a: {  	[sflag:s31] =	ssyncadd.s32 $0xFFFFFC00  }
0x7b: {  	_ =	swait.ge [sflag:s31], $0x400  }
0x7c: {  	[sflag:s31] =	ssyncset.done $0x0  }
0x7d: {  	[sflag:s31] =	ssyncadd.s32 $0xFFFFFC00  }
0x7e: {  	_ =	swait.ge [sflag:s31], $0x400  }
0x7f: {  	[sflag:s31] =	ssyncset.done $0x0  }
0x80: {  	[sflag:s31] =	ssyncadd.s32 $0xFFFFFC00  }
0x81: {  	_ =	swait.ge [sflag:s31], $0x400  }
0x82: {  	[sflag:s31] =	ssyncset.done $0x0  }
0x83: {  	[sflag:s31] =	ssyncadd.s32 $0xFFFFFC00  }
0x84: {  	_ =	swait.ge [sflag:s31], $0x400  }
0x85: {  	[sflag:s31] =	ssyncset.done $0x0  }
0x86: {  	[sflag:s31] =	ssyncadd.s32 $0xFFFFFC00  }
0x87: {  	_ =	swait.ge [sflag:s31], $0x400  }
0x88: {  	[sflag:s31] =	ssyncset.done $0x0  }
0x89: {  	[sflag:s31] =	ssyncadd.s32 $0xFFFFFC00  }
0x8a: {  	_ =	swait.ge [sflag:s31], $0x400  }
0x8b: {  	[sflag:s31] =	ssyncset.done $0x0  }
0x8c: {  	[sflag:s31] =	ssyncadd.s32 $0xFFFFFC00  }
0x8d: {  	_ =	swait.ge [sflag:s31], $0x400  }
0x8e: {  	[sflag:s31] =	ssyncset.done $0x0  }
0x8f: {  	[sflag:s31] =	ssyncadd.s32 $0xFFFFFC00  }
0x90: {  	_ =	swait.ge [sflag:s31], $0x400  }
0x91: {  	[sflag:s31] =	ssyncset.done $0x0  }
0x92: {  	[sflag:s31] =	ssyncadd.s32 $0xFFFFFC00  }
0x93: {  	_ =	swait.ge [sflag:s31], $0x400  }
0x94: {  	[sflag:s31] =	ssyncset.done $0x0  }
0x95: {  	[sflag:s31] =	ssyncadd.s32 $0xFFFFFC00  }
0x96: {  	_ =	swait.ge [sflag:s31], $0x400  }
0x97: {  	[sflag:s31] =	ssyncset.done $0x0  }
0x98: {  	[sflag:s31] =	ssyncadd.s32 $0xFFFFFC00  }
0x99: {  	_ =	swait.ge [sflag:s31], $0x400  }
0x9a: {  	[sflag:s31] =	ssyncset.done $0x0  }
0x9b: {  	[sflag:s31] =	ssyncadd.s32 $0xFFFFFC00  }
0x9c: {  	_ =	swait.ge [sflag:s31], $0x400  }
0x9d: {  	[sflag:s31] =	ssyncset.done $0x0  }
0x9e: {  	[sflag:s31] =	ssyncadd.s32 $0xFFFFFC00  }
0x9f: {  	_ =	swait.ge [sflag:s31], $0x400  }
0xa0: {  	[sflag:s31] =	ssyncset.done $0x0  }
0xa1: {  	[sflag:s31] =	ssyncadd.s32 $0xFFFFFC00  }
0xa2: {  	_ =	swait.ge [sflag:s31], $0x400  }
0xa3: {  	[sflag:s31] =	ssyncset.done $0x0  }
0xa4: {  	[sflag:s31] =	ssyncadd.s32 $0xFFFFFC00  }
0xa5: {  	_ =	swait.ge [sflag:s31], $0x400  }
0xa6: {  	[sflag:s31] =	ssyncset.done $0x0  }
0xa7: {  	s17 =	simm.s32 $0x0;
	[sflag:s31] =	ssyncadd.s32 $0xFFFFFC00  }
.LBB2_2:
0xa8: {  	s1 =	sshll.u32 s17, $0xA;
	s2 =	simm.s32 $0x0  }
0xa9: {  	s4 =	simm.s32 $0x40;
	s29 =	simm.s32 $0x80;
	s30 =	simm.s32 $0xC0  }
0xaa: {  	s7 =	simm.s32 $0x100;
	s31 =	simm.s32 $0x140;
	s9 =	simm.s32 $0x180  }
0xab: {  	s16 =	simm.s32 $0x240;
	s1 =	sand.u32 $0x3FFFFC00, s1;
	s6 =	sand.u32 $0xE00, s2  }
0xac: {  	s4 =	sand.u32 $0x140, s4;
	s8 =	sand.u32 $0xE00, s7;
	s9 =	sand.u32 $0x180, s9  }
0xad: {  	s2 =	sand.u32 $0x100, s2;
	s7 =	sand.u32 $0x100, s7;
	s18 =	sadd.s32 $0xFA00, s1  }
0xae: {  	s28 =	sshrl.u32 s6, $0x2;
	s4 =	sshrl.u32 s4, $0x2;
	s6 =	sand.u32 $0x180, s29  }
0xaf: {  	s8 =	sshrl.u32 s8, $0x2;
	s9 =	sshrl.u32 s9, $0x2;
	s1 =	sadd.s32 s28, s18  }
0xb0: {  	s2 =	sshrl.u32 s2, $0x2;
	s6 =	sshrl.u32 s6, $0x2;
	s4 =	sadd.s32 s4, s1  }
0xb1: {  	s8 =	sadd.s32 s8, s18;
	s6 =	sadd.s32 s6, s1;
	v1 =	vld [tilespmem:s4+$0x0];
	s4 =	sand.u32 $0x1C0, s30  }
0xb2: {  	s5 =	sadd.s32 s9, s8;
	v2 =	vld [tilespmem:s6+$0x0];
	s6 =	sand.u32 $0x140, s31;
	s4 =	sshrl.u32 s4, $0x2  }
0xb3: {  	s9 =	simm.s32 $0x200;
	v5 =	vld [tilespmem:s5+$0x0];
	s6 =	sshrl.u32 s6, $0x2;
	s4 =	sadd.s32 s4, s1  }
0xb4: {  	s10 =	sand.u32 $0xE00, s9;
	s0 =	sadd.s32 s6, s8;
	s1 =	sadd.s32 s2, s1;
	v3 =	vld [tilespmem:s4+$0x0]  }
0xb5: {  	s6 =	simm.s32 $0x1C0;
	s2 =	sshrl.u32 s7, $0x2;
	s7 =	sand.u32 $0x140, s16;
	v4 =	vld [tilespmem:s0+$0x0]  }
0xb6: {  	v6 =	vld [tilespmem:s1+$0x0];
	s1 =	sand.u32 $0x1C0, s6;
	s2 =	sadd.s32 s2, s8;
	s6 =	simm.s32 $0x280  }
0xb7: {  	s1 =	sshrl.u32 s1, $0x2;
	v7 =	vld [tilespmem:s2+$0x0];
	s19 =	sand.u32 $0x180, s6;
	s2 =	sshrl.u32 s10, $0x2;
	v1 =	vadd.f32 $1.000000000e+00, v1;
	v2 =	vadd.f32 $1.000000000e+00, v2  }
0xb8: {  	v5 =	vadd.f32 $1.000000000e+00, v5;
	s1 =	sadd.s32 s1, s8;
	s8 =	sshrl.u32 s19, $0x2;
	s2 =	sadd.s32 s2, s18  }
0xb9: {  	s20 =	sshrl.u32 s7, $0x2;
	v8 =	vld [tilespmem:s1+$0x0];
	s21 =	sadd.s32 s8, s2;
	v1 =	vmul.f32 v1, v0;
	v2 =	vmul.f32 v2, v0  }
0xba: {  	s1 =	sadd.s32 s20, s2;
	v5 =	vmul.f32 v5, v0;
	v9 =	vld [tilespmem:s21+$0x0];
	v4 =	vadd.f32 $1.000000000e+00, v4;
	v3 =	vadd.f32 $1.000000000e+00, v3  }
0xbb: {  	v10 =	vld [tilespmem:s1+$0x0];
	v6 =	vadd.f32 $1.000000000e+00, v6;
	v1 =	vmul.f32 $9.990000000e+02, v1;
	v2 =	vmul.f32 $9.990000000e+02, v2  }
0xbc: {  	v5 =	vmul.f32 $9.990000000e+02, v5;
	v7 =	vadd.f32 $1.000000000e+00, v7;
	v4 =	vmul.f32 v4, v0  }
0xbd: {  	v3 =	vmul.f32 v3, v0;
	v6 =	vmul.f32 v6, v0;
	v1 =	vadd.f32 $8.388608000e+06, v1  }
0xbe: {  	v2 =	vadd.f32 $8.388608000e+06, v2;
	v5 =	vadd.f32 $8.388608000e+06, v5;
	v7 =	vmul.f32 v7, v0  }
0xbf: {  	v8 =	vadd.f32 $1.000000000e+00, v8;
	v4 =	vmul.f32 $9.990000000e+02, v4;
	v3 =	vmul.f32 $9.990000000e+02, v3  }
0xc0: {  	v6 =	vmul.f32 $9.990000000e+02, v6;
	v9 =	vadd.f32 $1.000000000e+00, v9;
	v10 =	vadd.f32 $1.000000000e+00, v10  }
0xc1: {  	v1 =	vadd.f32 $-8.388608000e+06, v1;
	v2 =	vadd.f32 $-8.388608000e+06, v2;
	v8 =	vmul.f32 v8, v0  }
0xc2: {  	v5 =	vadd.f32 $-8.388608000e+06, v5;
	v7 =	vmul.f32 $9.990000000e+02, v7;
	v4 =	vadd.f32 $8.388608000e+06, v4  }
0xc3: {  	v6 =	vadd.f32 $8.388608000e+06, v6;
	v3 =	vadd.f32 $8.388608000e+06, v3;
	v9 =	vmul.f32 v9, v0  }
0xc4: {  	s22 =	sand.u32 $0x100, s9;
	v10 =	vmul.f32 v10, v0;
	v1 =	vmax.f32 v1, $0.0e+00;
	v2 =	vmax.f32 v2, $0.0e+00  }
0xc5: {  	s23 =	simm.s32 $0x2C0;
	s1 =	sshrl.u32 s22, $0x2;
	v8 =	vmul.f32 $9.990000000e+02, v8;
	v5 =	vmax.f32 v5, $0.0e+00;
	v1 =	vmin.f32 v1, $9.990000000e+02  }
0xc6: {  	s4 =	sand.u32 $0x1C0, s23;
	s1 =	sadd.s32 s1, s2;
	v4 =	vadd.f32 $-8.388608000e+06, v4;
	v2 =	vmin.f32 v2, $9.990000000e+02;
	v6 =	vadd.f32 $-8.388608000e+06, v6  }
0xc7: {  	s24 =	simm.s32 $0x300;
	s4 =	sshrl.u32 s4, $0x2;
	v11 =	vld [tilespmem:s1+$0x0];
	v3 =	vadd.f32 $-8.388608000e+06, v3;
	v10 =	vmul.f32 $9.990000000e+02, v10;
	v9 =	vmul.f32 $9.990000000e+02, v9  }
0xc8: {  	s25 =	sand.u32 $0xE00, s24;
	s7 =	simm.s32 $0x380;
	s2 =	sadd.s32 s4, s2;
	v5 =	vmin.f32 v5, $9.990000000e+02;
	v1 =	vtrunc.f32 v1;
	v2 =	vtrunc.f32 v2  }
0xc9: {  	s26 =	sand.u32 $0x180, s7;
	s1 =	sshrl.u32 s25, $0x2;
	v12 =	vld [tilespmem:s2+$0x0];
	v1 =	vcvt.f32.s32 v1;
	v4 =	vmax.f32 v4, $0.0e+00;
	v2 =	vcvt.f32.s32 v2  }
0xca: {  	s29 =	simm.s32 $0x340;
	s4 =	sshrl.u32 s26, $0x2;
	s1 =	sadd.s32 s1, s18;
	v6 =	vmax.f32 v6, $0.0e+00;
	v3 =	vmax.f32 v3, $0.0e+00;
	v10 =	vadd.f32 $8.388608000e+06, v10  }
0xcb: {  	s30 =	sand.u32 $0x140, s29;
	s28 =	sadd.s32 s4, s1;
	v4 =	vmin.f32 v4, $9.990000000e+02;
	v6 =	vmin.f32 v6, $9.990000000e+02;
	v13 =	vmin.f32 v3, $9.990000000e+02  }
0xcc: {  	s2 =	sshrl.u32 s30, $0x2;
	s4 =	simm.s32 $0x20;
	v14 =	vld [tilespmem:s28+$0x0];
	v3 =	vadd.f32 $1.000000000e+00, v11;
	v11 =	vadd.f32 $8.388608000e+06, v7;
	v7 =	vtrunc.f32 v5  }
0xcd: {  	s2 =	sadd.s32 s2, s1;
	v4 =	vtrunc.f32 v4;
	v6 =	vtrunc.f32 v6;
	[tilespmem:s4+$0x149F0] =	vst v1;
	v1 =	vadd.f32 $-8.388608000e+06, v10  }
0xce: {  	s31 =	simm.s32 $0x3C0;
	s8 =	sand.u32 $0x100, s24;
	v5 =	vld [tilespmem:s2+$0x0];
	[tilespmem:s4+$0x14A00] =	vst v2;
	v2 =	vadd.f32 $8.388608000e+06, v9;
	v9 =	vadd.f32 $1.000000000e+00, v12;
	v6 =	vcvt.f32.s32 v6  }
0xcf: {  	s9 =	sand.u32 $0x1C0, s31;
	s8 =	sshrl.u32 s8, $0x2;
	v8 =	vadd.f32 $8.388608000e+06, v8;
	v4 =	vcvt.f32.s32 v4  }
0xd0: {  	s9 =	sshrl.u32 s9, $0x2;
	s10 =	sadd.s32 s8, s1;
	s2 =	simm.s32 $0x60;
	v13 =	vtrunc.f32 v13;
	v10 =	vmax.f32 v1, $0.0e+00;
	v9 =	vmul.f32 v9, v0;
	[tilespmem:s4+$0x149E0] =	vst v6  }
0xd1: {  	s8 =	sadd.s32 s9, s1;
	s9 =	simm.s32 $0xC;
	v1 =	vld [tilespmem:s10+$0x0];
	s10 =	simm.s32 $0x480;
	v6 =	vadd.f32 $-8.388608000e+06, v11;
	[tilespmem:s2+$0x149F0] =	vst v4;
	v11 =	vadd.f32 $1.000000000e+00, v14;
	v4 =	vcvt.f32.s32 v13  }
.LBB2_3:
0xd2: {  	s1 =	sadd.s32 $0xFFFFFF80, s10  }
0xd3: {  	s16 =	sadd.s32 $0xFFFFFFC0, s10;
	s19 =	sadd.s32 $0x40, s10;
	v5 =	vadd.f32 $1.000000000e+00, v5;
	v10 =	vmin.f32 v10, $9.990000000e+02;
	v7 =	vcvt.f32.s32 v7;
	s21 =	sand.u32 $0x180, s10  }
0xd4: {  	v3 =	vmul.f32 v3, v0;
	v8 =	vadd.f32 $-8.388608000e+06, v8;
	s9 =	sadd.s32 $0x4, s9;
	s20 =	sand.u32 $0xE00, s1;
	s19 =	sand.u32 $0x1C0, s19;
	v11 =	vmul.f32 v11, v0;
	[tilespmem:s4+$0x14A10] =	vst v4  }
0xd5: {  	v9 =	vmul.f32 $9.990000000e+02, v9;
	s4 =	sshrl.u32 s20, $0x2;
	s20 =	sshrl.u32 s21, $0x2;
	s19 =	sshrl.u32 s19, $0x2;
	v4 =	vmul.f32 v5, v0;
	v5 =	vmax.f32 v6, $0.0e+00;
	[tilespmem:s2+$0x14A00] =	vst v7  }
0xd6: {  	s1 =	sand.u32 $0x100, s1;
	s16 =	sand.u32 $0x140, s16;
	v6 =	vtrunc.f32 v10;
	v7 =	vmax.f32 v8, $0.0e+00;
	s4 =	sadd.s32 s4, s18;
	v5 =	vmin.f32 v5, $9.990000000e+02  }
0xd7: {  	v2 =	vadd.f32 $-8.388608000e+06, v2;
	s1 =	sshrl.u32 s1, $0x2;
	s16 =	sshrl.u32 s16, $0x2;
	s20 =	sadd.s32 s20, s4;
	v4 =	vmul.f32 $9.990000000e+02, v4;
	v8 =	vld [tilespmem:s8+$0x0];
	v5 =	vtrunc.f32 v5  }
0xd8: {  	v10 =	vmul.f32 $9.990000000e+02, v3;
	v7 =	vmin.f32 v7, $9.990000000e+02;
	s1 =	sadd.s32 s1, s4;
	s16 =	sadd.s32 s16, s4;
	s8 =	sadd.s32 s19, s4;
	v12 =	vld [tilespmem:s20+$0x0];
	v13 =	vcvt.f32.s32 v5  }
0xd9: {  	p0 =	slt.u32 s9, $0x3C;
	v11 =	vmul.f32 $9.990000000e+02, v11;
	v6 =	vcvt.f32.s32 v6;
	s4 =	smov.u32 s2;
	v5 =	vld [tilespmem:s16+$0x0];
	v4 =	vadd.f32 $8.388608000e+06, v4  }
.Ltmp0:
0xda: {  	v3 =	vadd.f32 $1.000000000e+00, v1;
	v2 =	vmax.f32 v2, $0.0e+00;
	v14 =	vadd.f32 $8.388608000e+06, v10;
	s2 =	sshra.s32 s6, $0x2;
	v1 =	vld [tilespmem:s1+$0x0];
	[tilespmem:s4+$0x149E0] =	vst v13;
	(pc) =	sbr.rel @p0 .LBB2_3-.Ltmp0, $4  }
0xdb: {  	s6 =	smov.u32 s7;
	s7 =	smov.u32 s10;
	v13 =	vtrunc.f32 v7;
	v4 =	vadd.f32 $-8.388608000e+06, v4;
	[tilespmem:s2+$0x149F0] =	vst v6;
	v6 =	vmin.f32 v2, $9.990000000e+02  }
0xdc: {  	v2 =	vadd.f32 $8.388608000e+06, v11;
	v15 =	vadd.f32 $1.000000000e+00, v8;
	v7 =	vtrunc.f32 v6  }
0xdd: {  	v6 =	vadd.f32 $-8.388608000e+06, v14;
	v8 =	vadd.f32 $8.388608000e+06, v9;
	v10 =	vmax.f32 v4, $0.0e+00  }
0xde: {  	s10 =	sadd.s32 $0x100, s10;
	v11 =	vadd.f32 $1.000000000e+00, v12;
	v4 =	vcvt.f32.s32 v13;
	v9 =	vmul.f32 v15, v0  }
0xdf: {  	v5 =	vadd.f32 $1.000000000e+00, v5;
	v7 =	vcvt.f32.s32 v7  }
0xe0: {  	v10 =	vmin.f32 v10, $9.990000000e+02;
	v3 =	vmul.f32 v3, v0;
	v8 =	vadd.f32 $-8.388608000e+06, v8  }
0xe1: {  	v6 =	vmax.f32 v6, $0.0e+00;
	v2 =	vadd.f32 $-8.388608000e+06, v2;
	v11 =	vmul.f32 v11, v0  }
0xe2: {  	v9 =	vmul.f32 $9.990000000e+02, v9;
	v10 =	vtrunc.f32 v10;
	v6 =	vmin.f32 v6, $9.990000000e+02  }
0xe3: {  	v1 =	vadd.f32 $1.000000000e+00, v1;
	v5 =	vmul.f32 v5, v0;
	v6 =	vtrunc.f32 v6  }
0xe4: {  	v12 =	vld [tilespmem:s8+$0x0];
	v8 =	vmax.f32 v8, $0.0e+00;
	v3 =	vmul.f32 $9.990000000e+02, v3;
	v10 =	vcvt.f32.s32 v10  }
0xe5: {  	v2 =	vmax.f32 v2, $0.0e+00;
	v1 =	vmul.f32 v1, v0;
	v6 =	vcvt.f32.s32 v6  }
0xe6: {  	v8 =	vmin.f32 v8, $9.990000000e+02;
	v11 =	vmul.f32 $9.990000000e+02, v11;
	v2 =	vmin.f32 v2, $9.990000000e+02  }
0xe7: {  	v9 =	vadd.f32 $8.388608000e+06, v9;
	v5 =	vmul.f32 $9.990000000e+02, v5;
	v8 =	vtrunc.f32 v8  }
0xe8: {  	v3 =	vadd.f32 $8.388608000e+06, v3;
	v2 =	vtrunc.f32 v2;
	v1 =	vmul.f32 $9.990000000e+02, v1  }
0xe9: {  	v11 =	vadd.f32 $8.388608000e+06, v11;
	v12 =	vadd.f32 $1.000000000e+00, v12;
	v8 =	vcvt.f32.s32 v8  }
0xea: {  	v2 =	vcvt.f32.s32 v2;
	v9 =	vadd.f32 $-8.388608000e+06, v9;
	v5 =	vadd.f32 $8.388608000e+06, v5  }
0xeb: {  	[tilespmem:s2+$0x14A00] =	vst v7;
	v3 =	vadd.f32 $-8.388608000e+06, v3;
	v1 =	vadd.f32 $8.388608000e+06, v1;
	v12 =	vmul.f32 v12, v0  }
0xec: {  	[tilespmem:s2+$0x149E0] =	vst v6;
	v7 =	vadd.f32 $-8.388608000e+06, v11;
	v6 =	vmax.f32 v9, $0.0e+00;
	v5 =	vadd.f32 $-8.388608000e+06, v5  }
0xed: {  	[tilespmem:s4+$0x14A10] =	vst v4;
	v3 =	vmax.f32 v3, $0.0e+00;
	v6 =	vmin.f32 v6, $9.990000000e+02;
	v4 =	vmul.f32 $9.990000000e+02, v12  }
0xee: {  	s1 =	sshra.s32 s6, $0x2;
	v1 =	vadd.f32 $-8.388608000e+06, v1;
	v3 =	vmin.f32 v3, $9.990000000e+02;
	v7 =	vmax.f32 v7, $0.0e+00  }
0xef: {  	[tilespmem:s1+$0x14A00] =	vst v2;
	v2 =	vtrunc.f32 v6;
	v5 =	vmax.f32 v5, $0.0e+00;
	v4 =	vadd.f32 $8.388608000e+06, v4  }
0xf0: {  	v3 =	vtrunc.f32 v3;
	v7 =	vmin.f32 v7, $9.990000000e+02;
	v1 =	vmax.f32 v1, $0.0e+00  }
0xf1: {  	[tilespmem:s1+$0x149F0] =	vst v10;
	v5 =	vmin.f32 v5, $9.990000000e+02;
	v3 =	vcvt.f32.s32 v3;
	v4 =	vadd.f32 $-8.388608000e+06, v4  }
0xf2: {  	[tilespmem:s2+$0x14A10] =	vst v8;
	v2 =	vcvt.f32.s32 v2;
	v1 =	vmin.f32 v1, $9.990000000e+02;
	v5 =	vtrunc.f32 v5  }
0xf3: {  	v1 =	vtrunc.f32 v1;
	v5 =	vcvt.f32.s32 v5;
	[tilespmem:s1+$0x149E0] =	vst v3;
	v3 =	vmax.f32 v4, $0.0e+00  }
0xf4: {  	s8 =	sshra.s32 s7, $0x2;
	v6 =	vtrunc.f32 v7;
	[tilespmem:s1+$0x14A10] =	vst v2;
	v1 =	vcvt.f32.s32 v1;
	v3 =	vmin.f32 v3, $9.990000000e+02  }
0xf5: {  	[tilespmem:s8+$0x149F0] =	vst v5;
	v4 =	vcvt.f32.s32 v6;
	v2 =	vtrunc.f32 v3  }
0xf6: {  	[tilespmem:s8+$0x149E0] =	vst v1;
	v2 =	vcvt.f32.s32 v2  }
0xf7: {  	p0 =	seq.s32 s17, $0x0;
	[tilespmem:s8+$0x14A00] =	vst v4  }
0xf8: {  	s1 =	simm.s32 @!p0 $0x2;
	[tilespmem:s8+$0x14A10] =	vst v2  }
0xf9: {  	_ =	swait.ge @!p0 [sflag:s1], $0x2000  }
0xfa: {  	[sflag:s1] =	ssyncset.done @!p0 $0x0  }
0xfb: {  	s9 =	simm.s32 $0x14A10;
	[sflag:s1] =	ssyncadd.s32 @!p0 $0xFFFFE000  }
0xfc: {  	v1 =	vld [tilespmem:s9+$0x0];
	_ =	sdelay $0x3  }
0xfd: {  	v3 =	vld [tilespmem:s9+$0xFFFFFFF0];
	_ =	sdelay $0x3  }
0xfe: {  	v2 =	vld.idx.msk [tilespmem:v1+s3+$0x0], $0xffff  }
0xff: {  	s10 =	simm.s32 $0x0;
	v4 =	vadd.s32 $0x3E8, v1  }
0x100: {  	s16 =	simm.s32 $0x10;
	s7 =	sand.u32 $0x1C00, s10  }
0x101: {  	s6 =	sand.u32 $0x70, s16;
	s2 =	sadd.s32 $0x14E00, s7  }
0x102: {  	s18 =	simm.s32 $0x14A30;
	s1 =	sor.u32 s6, s2;
	v7 =	vld.idx.msk [tilespmem:v3+s3+$0x0], $0xffff  }
0x103: {  	[tilespmem:s1+$0x0] =	vst v2;
	v2 =	vld [tilespmem:s18+$0x0]  }
0x104: {  	v8 =	vadd.s32 $0x3E8, v3;
	v5 =	vld.idx.msk [tilespmem:v4+s3+$0x0], $0xffff  }
0x105: {  	s9 =	simm.s32 $0x0;
	v6 =	vadd.s32 $0x7D0, v1  }
0x106: {  	s16 =	sand.u32 $0x60, s9  }
0x107: {  	s19 =	sadd.s32 $0x14E80, s7;
	s21 =	sor.u32 s16, s2  }
0x108: {  	s20 =	sor.u32 s6, s19;
	[tilespmem:s21+$0x0] =	vst v7;
	v4 =	vld [tilespmem:s18+$0xFFFFFFF0]  }
0x109: {  	v7 =	vld.idx.msk [tilespmem:v8+s3+$0x0], $0xffff;
	[tilespmem:s20+$0x0] =	vst v5  }
0x10a: {  	v8 =	vadd.s32 $0x7D0, v3;
	v5 =	vld.idx.msk [tilespmem:v6+s3+$0x0], $0xffff  }
0x10b: {  	v6 =	vadd.s32 $0xBB8, v1  }
0x10c: {  	v9 =	vld.idx.msk [tilespmem:v2+s3+$0x0], $0xffff  }
0x10d: {  	s24 =	simm.s32 $0x100;
	s22 =	sadd.s32 $0x14F00, s7;
	s4 =	sor.u32 s16, s19;
	v10 =	vadd.s32 $0x3E8, v2  }
0x10e: {  	s25 =	simm.s32 $0x30;
	s23 =	sor.u32 s6, s22;
	s8 =	sand.u32 $0x1C00, s24;
	[tilespmem:s4+$0x0] =	vst v7  }
0x10f: {  	s10 =	sadd.s32 $0x14E00, s8;
	s9 =	sand.u32 $0x70, s25;
	v8 =	vld.idx.msk [tilespmem:v8+s3+$0x0], $0xffff;
	[tilespmem:s23+$0x0] =	vst v5  }
0x110: {  	s2 =	sor.u32 s9, s10;
	v5 =	vld.idx.msk [tilespmem:v6+s3+$0x0], $0xffff  }
0x111: {  	v11 =	vadd.s32 $0xFA0, v1;
	v7 =	vld.idx.msk [tilespmem:v4+s3+$0x0], $0xffff;
	[tilespmem:s2+$0x0] =	vst v9  }
0x112: {  	v12 =	vadd.s32 $0x3E8, v4;
	v9 =	vld.idx.msk [tilespmem:v10+s3+$0x0], $0xffff  }
0x113: {  	s5 =	simm.s32 $0x20;
	s26 =	sadd.s32 $0x14F80, s7;
	s1 =	sor.u32 s16, s22;
	v10 =	vadd.s32 $0x7D0, v2  }
0x114: {  	s0 =	simm.s32 $0x14A50;
	s25 =	sand.u32 $0x60, s5;
	s18 =	sor.u32 s6, s26;
	[tilespmem:s1+$0x0] =	vst v8  }
0x115: {  	s19 =	sadd.s32 $0x14E80, s8;
	s10 =	sor.u32 s25, s10;
	v6 =	vld [tilespmem:s0+$0x0];
	[tilespmem:s18+$0x0] =	vst v5  }
0x116: {  	v13 =	vadd.s32 $0xBB8, v3;
	[tilespmem:s10+$0x0] =	vst v7;
	s18 =	sor.u32 s9, s19;
	v11 =	vld.idx.msk [tilespmem:v11+s3+$0x0], $0xffff  }
0x117: {  	v14 =	vadd.s32 $0x1388, v1;
	v8 =	vld.idx.msk [tilespmem:v12+s3+$0x0], $0xffff;
	[tilespmem:s18+$0x0] =	vst v9  }
0x118: {  	v7 =	vld.idx.msk [tilespmem:v10+s3+$0x0], $0xffff  }
0x119: {  	s28 =	simm.s32 $0x14A90;
	s4 =	sadd.s32 $0x15000, s7;
	v5 =	vld [tilespmem:s0+$0xFFFFFFF0];
	v9 =	vadd.s32 $0xBB8, v2  }
0x11a: {  	v25 =	vld [tilespmem:s28+$0xFFFFFFF0];
	s20 =	sor.u32 s6, s4;
	v10 =	vadd.s32 $0x7D0, v4  }
0x11b: {  	s1 =	sadd.s32 $0x14F00, s8;
	v12 =	vld.idx.msk [tilespmem:v13+s3+$0x0], $0xffff;
	[tilespmem:s20+$0x0] =	vst v11  }
0x11c: {  	s21 =	sor.u32 s9, s1;
	v13 =	vld.idx.msk [tilespmem:v14+s3+$0x0], $0xffff  }
0x11d: {  	s18 =	sor.u32 s25, s19;
	v11 =	vadd.s32 $0xFA0, v3;
	v14 =	vld.idx.msk [tilespmem:v6+s3+$0x0], $0xffff;
	[tilespmem:s21+$0x0] =	vst v7  }
0x11e: {  	v15 =	vadd.s32 $0x1770, v1;
	s22 =	simm.s32 $0x200;
	s23 =	simm.s32 $0x50;
	s2 =	sor.u32 s16, s26;
	[tilespmem:s18+$0x0] =	vst v8;
	v7 =	vld.idx.msk [tilespmem:v9+s3+$0x0], $0xffff  }
0x11f: {  	v17 =	vadd.s32 $0x3E8, v6;
	s18 =	sand.u32 $0x1C00, s22;
	s22 =	simm.s32 $0x14A70;
	s21 =	sadd.s32 $0x15080, s7;
	v8 =	vld.idx.msk [tilespmem:v10+s3+$0x0], $0xffff  }
0x120: {  	[tilespmem:s2+$0x0] =	vst v12;
	s24 =	sadd.s32 $0x14E00, s18;
	s20 =	sand.u32 $0x70, s23;
	v10 =	vld [tilespmem:s22+$0xFFFFFFF0];
	s26 =	sor.u32 s6, s21  }
0x121: {  	s10 =	sadd.s32 $0x14F80, s8;
	s0 =	sor.u32 s20, s24;
	v16 =	vld.idx.msk [tilespmem:v5+s3+$0x0], $0xffff;
	v9 =	vadd.s32 $0xFA0, v2;
	[tilespmem:s26+$0x0] =	vst v13  }
0x122: {  	v12 =	vadd.s32 $0x3E8, v5;
	s23 =	sor.u32 s9, s10;
	v11 =	vld.idx.msk [tilespmem:v11+s3+$0x0], $0xffff;
	[tilespmem:s0+$0x0] =	vst v14  }
0x123: {  	s5 =	simm.s32 $0x40;
	v13 =	vld.idx.msk [tilespmem:v15+s3+$0x0], $0xffff;
	[tilespmem:s23+$0x0] =	vst v7;
	v7 =	vadd.s32 $0xBB8, v4  }
0x124: {  	s19 =	sand.u32 $0x60, s5;
	v14 =	vld.idx.msk [tilespmem:v17+s3+$0x0], $0xffff;
	v15 =	vadd.s32 $0x1B58, v1  }
0x125: {  	s24 =	sor.u32 s19, s24;
	v1 =	vld [tilespmem:s22+$0x0];
	v17 =	vadd.s32 $0x7D0, v6  }
0x126: {  	v18 =	vadd.s32 $0x1388, v3;
	s1 =	sor.u32 s25, s1;
	s2 =	sadd.s32 $0x15100, s7;
	[tilespmem:s24+$0x0] =	vst v16;
	v9 =	vld.idx.msk [tilespmem:v9+s3+$0x0], $0xffff  }
0x127: {  	s26 =	sadd.s32 $0x14E80, s18;
	s0 =	sor.u32 s6, s2;
	[tilespmem:s1+$0x0] =	vst v8;
	v12 =	vld.idx.msk [tilespmem:v12+s3+$0x0], $0xffff  }
0x128: {  	s24 =	sor.u32 s20, s26;
	v16 =	vadd.s32 $0x1388, v2;
	[tilespmem:s0+$0x0] =	vst v13;
	v7 =	vld.idx.msk [tilespmem:v7+s3+$0x0], $0xffff  }
0x129: {  	s5 =	sor.u32 s16, s4;
	s4 =	sadd.s32 $0x15000, s8;
	[tilespmem:s24+$0x0] =	vst v14;
	v13 =	vld.idx.msk [tilespmem:v15+s3+$0x0], $0xffff  }
0x12a: {  	[tilespmem:s5+$0x0] =	vst v11;
	v14 =	vadd.s32 $0x7D0, v5;
	s24 =	sor.u32 s9, s4;
	v8 =	vld.idx.msk [tilespmem:v17+s3+$0x0], $0xffff  }
0x12b: {  	s26 =	sor.u32 s19, s26;
	[tilespmem:s24+$0x0] =	vst v9;
	v9 =	vld.idx.msk [tilespmem:v18+s3+$0x0], $0xffff;
	v15 =	vadd.s32 $0xFA0, v4  }
0x12c: {  	v11 =	vadd.s32 $0xBB8, v6;
	[tilespmem:s26+$0x0] =	vst v12;
	v12 =	vld.idx.msk [tilespmem:v10+s3+$0x0], $0xffff  }
0x12d: {  	v17 =	vadd.s32 $0x1770, v3;
	v16 =	vld.idx.msk [tilespmem:v16+s3+$0x0], $0xffff  }
0x12e: {  	v19 =	vadd.s32 $0x1770, v2;
	s10 =	sor.u32 s25, s10;
	s23 =	sadd.s32 $0x14F00, s18;
	v18 =	vld.idx.msk [tilespmem:v1+s3+$0x0], $0xffff  }
0x12f: {  	s5 =	sor.u32 s16, s21;
	s21 =	simm.s32 $0x300;
	s0 =	sor.u32 s20, s23;
	v20 =	vadd.s32 $0x3E8, v1;
	v14 =	vld.idx.msk [tilespmem:v14+s3+$0x0], $0xffff;
	[tilespmem:s10+$0x0] =	vst v7  }
0x130: {  	s22 =	simm.s32 $0x70;
	s21 =	sand.u32 $0x1C00, s21;
	s10 =	sadd.s32 $0x15080, s8;
	[tilespmem:s0+$0x0] =	vst v8;
	v7 =	vld.idx.msk [tilespmem:v15+s3+$0x0], $0xffff  }
0x131: {  	s22 =	sand.u32 $0x70, s22;
	s26 =	sadd.s32 $0x14E00, s21;
	s0 =	sor.u32 s9, s10;
	[tilespmem:s5+$0x0] =	vst v9;
	v8 =	vld.idx.msk [tilespmem:v11+s3+$0x0], $0xffff  }
0x132: {  	s5 =	sor.u32 s22, s26;
	v15 =	vadd.s32 $0x3E8, v10;
	[tilespmem:s0+$0x0] =	vst v16;
	v11 =	vld.idx.msk [tilespmem:v17+s3+$0x0], $0xffff;
	s0 =	simm.s32 $0x60  }
0x133: {  	v9 =	vadd.s32 $0xFA0, v6;
	[tilespmem:s5+$0x0] =	vst v18;
	v16 =	vld.idx.msk [tilespmem:v19+s3+$0x0], $0xffff;
	s24 =	sand.u32 $0x60, s0  }
0x134: {  	s1 =	sadd.s32 $0x14F80, s18;
	v18 =	vadd.s32 $0x1B58, v2;
	v17 =	vld.idx.msk [tilespmem:v20+s3+$0x0], $0xffff;
	s26 =	sor.u32 s24, s26  }
0x135: {  	s29 =	sor.u32 s20, s1;
	v19 =	vadd.s32 $0x7D0, v1;
	[tilespmem:s26+$0x0] =	vst v12  }
0x136: {  	s23 =	sor.u32 s19, s23;
	v2 =	vld [tilespmem:s28+$0x0];
	v20 =	vadd.s32 $0x1388, v4;
	[tilespmem:s29+$0x0] =	vst v8;
	s29 =	sadd.s32 $0x15100, s8  }
0x137: {  	s26 =	sadd.s32 $0x14E80, s21;
	[tilespmem:s23+$0x0] =	vst v14;
	v12 =	vld.idx.msk [tilespmem:v15+s3+$0x0], $0xffff;
	s28 =	sor.u32 s9, s29  }
0x138: {  	s30 =	sor.u32 s22, s26;
	v8 =	vadd.s32 $0xBB8, v5;
	v9 =	vld.idx.msk [tilespmem:v9+s3+$0x0], $0xffff;
	[tilespmem:s28+$0x0] =	vst v16  }
0x139: {  	s7 =	sadd.s32 $0x15180, s7;
	s4 =	sor.u32 s25, s4;
	v15 =	vadd.s32 $0x1388, v6;
	[tilespmem:s30+$0x0] =	vst v17;
	v26 =	vld.idx.msk [tilespmem:v18+s3+$0x0], $0xffff  }
0x13a: {  	[tilespmem:s4+$0x0] =	vst v7;
	s30 =	sor.u32 s6, s7;
	v14 =	vld.idx.msk [tilespmem:v19+s3+$0x0], $0xffff  }
0x13b: {  	s2 =	sor.u32 s16, s2;
	s28 =	sadd.s32 $0x15000, s18;
	v16 =	vadd.s32 $0x7D0, v10;
	s0 =	rddreg [dreg:$0x4];
	v18 =	vld.idx.msk [tilespmem:v20+s3+$0x0], $0xffff;
	[tilespmem:s30+$0x0] =	vst v13  }
0x13c: {  	v28 =	vld.idx.msk [tilespmem:v25+s3+$0x0], $0xffff;
	v17 =	vadd.s32 $0xBB8, v1;
	s5 =	sor.u32 s20, s28;
	[tilespmem:s2+$0x0] =	vst v11  }
0x13d: {  	v21 =	vadd.s32 $0x1770, v4;
	s31 =	sadd.s32 $0x14F00, s21;
	s30 =	sor.u32 s25, s10;
	s10 =	sor.u32 s24, s26;
	v8 =	vld.idx.msk [tilespmem:v8+s3+$0x0], $0xffff;
	[tilespmem:s5+$0x0] =	vst v9  }
0x13e: {  	s1 =	sor.u32 s19, s1;
	s6 =	sor.u32 s16, s7;
	s16 =	sor.u32 s22, s31;
	v19 =	vadd.s32 $0xFA0, v5;
	[tilespmem:s10+$0x0] =	vst v12;
	v15 =	vld.idx.msk [tilespmem:v15+s3+$0x0], $0xffff  }
0x13f: {  	v29 =	vadd.s32 $0x1B58, v3;
	s4 =	simm.s32 $0x90;
	s8 =	sadd.s32 $0x15180, s8;
	s7 =	sor.u32 s25, s29;
	v24 =	vld.idx.msk [tilespmem:v2+s3+$0x0], $0xffff;
	v12 =	vadd.s32 $0x1770, v6;
	[tilespmem:s16+$0x0] =	vst v14  }
0x140: {  	v3 =	vadd.s32 $0x1B58, v5;
	v7 =	vadd.s32 $0x1770, v5;
	v27 =	vadd.s32 $0x3E8, v2;
	s26 =	sor.u32 s25, s8;
	s8 =	sor.u32 s9, s8;
	s10 =	simm.s32 $0x400;
	v20 =	vld.idx.msk [tilespmem:v16+s3+$0x0], $0xffff;
	[tilespmem:s30+$0x0] =	vst v18  }
0x141: {  	v13 =	vadd.s32 $0xFA0, v10;
	v11 =	vadd.s32 $0x1388, v10;
	s23 =	sadd.s32 s0, s17;
	s0 =	sadd.s32 $0x15080, s18;
	v9 =	vadd.s32 $0x1388, v5;
	s16 =	sand.u32 $0x1C00, s10;
	[tilespmem:s8+$0x0] =	vst v26;
	v22 =	vld.idx.msk [tilespmem:v17+s3+$0x0], $0xffff  }
0x142: {  	s25 =	sand.u32 $0x70, s4;
	v5 =	vadd.s32 $0x1B58, v10;
	v16 =	vadd.s32 $0xBB8, v10;
	s30 =	sor.u32 s20, s0;
	v18 =	vadd.s32 $0x7D0, v25;
	s29 =	sadd.s32 $0x14E00, s16;
	v21 =	vld.idx.msk [tilespmem:v21+s3+$0x0], $0xffff;
	[tilespmem:s1+$0x0] =	vst v8  }
0x143: {  	s31 =	sor.u32 s24, s31;
	s5 =	simm.s32 $0x80;
	v14 =	vadd.s32 $0x1B58, v25;
	v26 =	vadd.s32 $0xFA0, v1;
	v17 =	vadd.s32 $0xBB8, v25;
	v23 =	vld.idx.msk [tilespmem:v19+s3+$0x0], $0xffff;
	[tilespmem:s30+$0x0] =	vst v15;
	s30 =	sor.u32 s25, s29  }
0x144: {  	s2 =	simm.s32 $0x8;
	s28 =	sor.u32 s19, s28;
	s9 =	sand.u32 $0x60, s5;
	v8 =	vadd.s32 $0x1770, v10;
	v10 =	vadd.s32 $0x1770, v25;
	v19 =	vadd.s32 $0x3E8, v25;
	[tilespmem:s30+$0x0] =	vst v24;
	v24 =	vld.idx.msk [tilespmem:v12+s3+$0x0], $0xffff  }
0x145: {  	s5 =	sadd.s32 $0x14F80, s21;
	s8 =	sor.u32 s19, s0;
	s0 =	sor.u32 s9, s29;
	v15 =	vadd.s32 $0xFA0, v25;
	v12 =	vadd.s32 $0x1388, v25;
	v25 =	vadd.s32 $0x1B58, v6;
	v6 =	vld.idx.msk [tilespmem:v29+s3+$0x0], $0xffff  }
0x146: {  	v4 =	vadd.s32 $0x1B58, v4;
	s1 =	sor.u32 s22, s5;
	[tilespmem:s0+$0x0] =	vst v28;
	s29 =	simm.s32 $0x14AB0;
	s30 =	sor.u32 s24, s5;
	v27 =	vld.idx.msk [tilespmem:v27+s3+$0x0], $0xffff  }
.LBB2_5:
0x147: {  	v28 =	vld [tilespmem:s29+$0x0];
	v29 =	vadd.s32 $0x7D0, v2;
	[tilespmem:s1+$0x0] =	vst v22;
	v30 =	vmov v5;
	v5 =	vmov v14  }
0x148: {  	s2 =	sadd.s32 $0x2, s2;
	s0 =	sadd.s32 $0x15100, s18;
	[tilespmem:s31+$0x0] =	vst v20;
	v14 =	vld.idx.msk [tilespmem:v26+s3+$0x0], $0xffff  }
0x149: {  	s1 =	sadd.s32 $0x14E80, s16;
	p1 =	slt.u32 s2, $0x3E;
	v20 =	vld [tilespmem:s29+$0xFFFFFFF0];
	[tilespmem:s28+$0x0] =	vst v23;
	s28 =	sor.u32 s20, s0  }
0x14a: {  	s31 =	sor.u32 s9, s1;
	s1 =	sor.u32 s25, s1;
	v23 =	vadd.s32 $0x1388, v1;
	s0 =	sor.u32 s19, s0;
	v22 =	vld.idx.msk [tilespmem:v19+s3+$0x0], $0xffff;
	[tilespmem:s28+$0x0] =	vst v24  }
0x14b: {  	[tilespmem:s1+$0x0] =	vst v27;
	v24 =	vld.idx.msk [tilespmem:v25+s3+$0x0], $0xffff  }
0x14c: {  	s1 =	sadd.s32 $0x15000, s21;
	v25 =	vld.idx.msk [tilespmem:v29+s3+$0x0], $0xffff;
	[tilespmem:s7+$0x0] =	vst v21;
	s7 =	smov.u32 s0  }
0x14d: {  	s28 =	sor.u32 s24, s1;
	s0 =	sor.u32 s22, s1;
	v21 =	vld.idx.msk [tilespmem:v16+s3+$0x0], $0xffff;
	[tilespmem:s6+$0x0] =	vst v6;
	v16 =	vmov v17;
	s6 =	smov.u32 s26  }
0x14e: {  	s10 =	sadd.s32 $0x100, s10;
	v26 =	vadd.s32 $0xBB8, v2;
	v19 =	vadd.s32 $0x3E8, v20;
	v6 =	vadd.s32 $0x7D0, v20;
	[tilespmem:s0+$0x0] =	vst v14;
	v27 =	vld.idx.msk [tilespmem:v9+s3+$0x0], $0xffff;
	v9 =	vmovc v11;
	v11 =	vmovc v12  }
0x14f: {  	v17 =	vadd.s32 $0xBB8, v20;
	v29 =	vadd.s32 $0xFA0, v20;
	v12 =	vadd.s32 $0x1388, v20;
	s0 =	sadd.s32 $0x15180, s18;
	s18 =	smov.u32 s21;
	s21 =	smov.u32 s16;
	v31 =	vld.idx.msk [tilespmem:v23+s3+$0x0], $0xffff  }
0x150: {  	v32 =	vadd.s32 $0x1770, v20;
	v14 =	vadd.s32 $0x1B58, v20;
	s1 =	sadd.s32 $0x14F00, s21;
	s26 =	sor.u32 s19, s0;
	s0 =	sor.u32 s20, s0;
	v33 =	vld.idx.msk [tilespmem:v28+s3+$0x0], $0xffff;
	[tilespmem:s31+$0x0] =	vst v22  }
0x151: {  	v35 =	vadd.s32 $0x1770, v1;
	s20 =	smov.u32 s22;
	s31 =	sor.u32 s9, s1;
	s1 =	sor.u32 s25, s1;
	v34 =	vld.idx.msk [tilespmem:v20+s3+$0x0], $0xffff;
	[tilespmem:s0+$0x0] =	vst v24  }
0x152: {  	s4 =	sadd.s32 $0x20, s4;
	v36 =	vadd.s32 $0x3E8, v28;
	s22 =	smov.u32 s25;
	s19 =	smov.u32 s24;
	v20 =	vld.idx.msk [tilespmem:v18+s3+$0x0], $0xffff;
	[tilespmem:s1+$0x0] =	vst v25;
	v18 =	vmov v6  }
0x153: {  	s16 =	sand.u32 $0x1C00, s10;
	s25 =	sand.u32 $0x70, s4;
	s0 =	sadd.s32 $0x15080, s18;
	v22 =	vld.idx.msk [tilespmem:v26+s3+$0x0], $0xffff;
	[tilespmem:s30+$0x0] =	vst v21  }
.Ltmp1:
0x154: {  	s1 =	sadd.s32 $0x14E00, s16;
	s24 =	sor.u32 s20, s0;
	v23 =	vld.idx.msk [tilespmem:v13+s3+$0x0], $0xffff;
	[tilespmem:s8+$0x0] =	vst v27;
	(pc) =	sbr.rel @p1 .LBB2_5-.Ltmp1, $4  }
0x155: {  	s30 =	sadd.s32 $0xFFFFFFF0, s4;
	s5 =	sor.u32 s25, s1;
	v26 =	vadd.s32 $0xFA0, v2;
	s8 =	sor.u32 s19, s0;
	v13 =	vmovc v15;
	v15 =	vmovc v29;
	[tilespmem:s24+$0x0] =	vst v31;
	v21 =	vld.idx.msk [tilespmem:v7+s3+$0x0], $0xffff;
	v7 =	vmov v8;
	v8 =	vmov v10  }
0x156: {  	v10 =	vmov v32;
	s24 =	smov.u32 s9;
	s9 =	sand.u32 $0x60, s30;
	[tilespmem:s5+$0x0] =	vst v33;
	v24 =	vld.idx.msk [tilespmem:v35+s3+$0x0], $0xffff  }
0x157: {  	s0 =	sor.u32 s9, s1;
	s1 =	sadd.s32 $0x14F80, s21;
	v27 =	vld.idx.msk [tilespmem:v36+s3+$0x0], $0xffff  }
0x158: {  	s29 =	sadd.s32 $0x20, s29;
	v25 =	vadd.s32 $0x1B58, v1;
	v1 =	vmovc v2;
	v2 =	vmovc v28;
	s30 =	sor.u32 s24, s1;
	s1 =	sor.u32 s22, s1;
	[tilespmem:s0+$0x0] =	vst v34;
	v6 =	vld.idx.msk [tilespmem:v4+s3+$0x0], $0xffff;
	v4 =	vmov v3;
	v3 =	vmov v30  }
0x159: {  	_ =	sdelay $0x3  }
0x15a: {  	v28 =	vadd.s32 $0x7D0, v2;
	v19 =	vld.idx.msk [tilespmem:v19+s3+$0x0], $0xffff;
	_ =	sdelay $0x1  }
0x15b: {  	s0 =	sadd.s32 $0x14E80, s16  }
0x15c: {  	s2 =	sor.u32 s25, s0  }
0x15d: {  	s0 =	sor.u32 s9, s0;
	[tilespmem:s2+$0x0] =	vst v27  }
0x15e: {  	v27 =	vld.idx.msk [tilespmem:v28+s3+$0x0], $0xffff;
	[tilespmem:s0+$0x0] =	vst v19  }
0x15f: {  	v28 =	vadd.s32 $0xBB8, v2;
	v18 =	vld.idx.msk [tilespmem:v18+s3+$0x0], $0xffff;
	_ =	sdelay $0x1  }
0x160: {  	s10 =	sadd.s32 $0x14F00, s16;
	[tilespmem:s31+$0x0] =	vst v20  }
0x161: {  	s4 =	sor.u32 s25, s10;
	v16 =	vld.idx.msk [tilespmem:v16+s3+$0x0], $0xffff  }
0x162: {  	s0 =	sor.u32 s9, s10;
	[tilespmem:s4+$0x0] =	vst v27  }
0x163: {  	v19 =	vld.idx.msk [tilespmem:v28+s3+$0x0], $0xffff;
	[tilespmem:s0+$0x0] =	vst v18  }
0x164: {  	v20 =	vadd.s32 $0xFA0, v2;
	v17 =	vld.idx.msk [tilespmem:v17+s3+$0x0], $0xffff  }
0x165: {  	[tilespmem:s1+$0x0] =	vst v22  }
0x166: {  	s5 =	sadd.s32 $0x14F80, s16;
	[tilespmem:s30+$0x0] =	vst v16  }
0x167: {  	[tilespmem:s28+$0x0] =	vst v23;
	s10 =	sor.u32 s25, s5;
	v13 =	vld.idx.msk [tilespmem:v13+s3+$0x0], $0xffff  }
0x168: {  	s1 =	sadd.s32 $0x15100, s18;
	v18 =	vld.idx.msk [tilespmem:v26+s3+$0x0], $0xffff;
	s0 =	sor.u32 s9, s5;
	[tilespmem:s10+$0x0] =	vst v19  }
0x169: {  	v22 =	vadd.s32 $0x1388, v1;
	s31 =	sor.u32 s20, s1;
	v16 =	vld.idx.msk [tilespmem:v20+s3+$0x0], $0xffff;
	[tilespmem:s0+$0x0] =	vst v17  }
0x16a: {  	[tilespmem:s31+$0x0] =	vst v24;
	s4 =	sadd.s32 $0x15000, s21;
	v19 =	vadd.s32 $0x1388, v2;
	v15 =	vld.idx.msk [tilespmem:v15+s3+$0x0], $0xffff  }
0x16b: {  	v9 =	vld.idx.msk [tilespmem:v9+s3+$0x0], $0xffff;
	[tilespmem:s6+$0x0] =	vst v6;
	s5 =	sor.u32 s22, s4;
	s4 =	sor.u32 s24, s4  }
0x16c: {  	[tilespmem:s4+$0x0] =	vst v13;
	s10 =	sadd.s32 $0x15000, s16  }
0x16d: {  	v11 =	vld.idx.msk [tilespmem:v11+s3+$0x0], $0xffff;
	[tilespmem:s5+$0x0] =	vst v18;
	s31 =	sor.u32 s25, s10  }
0x16e: {  	v17 =	vld.idx.msk [tilespmem:v22+s3+$0x0], $0xffff;
	s0 =	sor.u32 s9, s10;
	[tilespmem:s31+$0x0] =	vst v16  }
0x16f: {  	v18 =	vadd.s32 $0x1770, v1;
	v13 =	vld.idx.msk [tilespmem:v19+s3+$0x0], $0xffff;
	[tilespmem:s0+$0x0] =	vst v15  }
0x170: {  	[tilespmem:s8+$0x0] =	vst v9;
	s5 =	sadd.s32 $0x15080, s21;
	v16 =	vadd.s32 $0x1770, v2;
	v6 =	vld.idx.msk [tilespmem:v12+s3+$0x0], $0xffff  }
0x171: {  	[tilespmem:s7+$0x0] =	vst v21;
	v7 =	vld.idx.msk [tilespmem:v7+s3+$0x0], $0xffff;
	s2 =	sor.u32 s24, s5  }
0x172: {  	s7 =	sadd.s32 $0x15080, s16;
	v4 =	vld.idx.msk [tilespmem:v4+s3+$0x0], $0xffff;
	s6 =	sor.u32 s22, s5;
	[tilespmem:s2+$0x0] =	vst v11  }
0x173: {  	s10 =	sor.u32 s25, s7;
	v8 =	vld.idx.msk [tilespmem:v8+s3+$0x0], $0xffff;
	[tilespmem:s6+$0x0] =	vst v17  }
0x174: {  	v9 =	vld.idx.msk [tilespmem:v18+s3+$0x0], $0xffff;
	s0 =	sor.u32 s9, s7;
	[tilespmem:s10+$0x0] =	vst v13  }
0x175: {  	s1 =	sor.u32 s19, s1;
	v1 =	vadd.s32 $0x1B58, v1;
	v11 =	vld.idx.msk [tilespmem:v16+s3+$0x0], $0xffff;
	[tilespmem:s0+$0x0] =	vst v6  }
0x176: {  	[tilespmem:s1+$0x0] =	vst v7;
	s5 =	sadd.s32 $0x15100, s21;
	v2 =	vadd.s32 $0x1B58, v2;
	v6 =	vld.idx.msk [tilespmem:v10+s3+$0x0], $0xffff  }
0x177: {  	[tilespmem:s26+$0x0] =	vst v4;
	v3 =	vld.idx.msk [tilespmem:v3+s3+$0x0], $0xffff;
	s8 =	sor.u32 s24, s5  }
0x178: {  	s2 =	sor.u32 s22, s5;
	s6 =	sadd.s32 $0x15100, s16;
	v12 =	vld.idx.msk [tilespmem:v25+s3+$0x0], $0xffff;
	[tilespmem:s8+$0x0] =	vst v8  }
0x179: {  	s7 =	sor.u32 s25, s6;
	v5 =	vld.idx.msk [tilespmem:v5+s3+$0x0], $0xffff;
	[tilespmem:s2+$0x0] =	vst v9  }
0x17a: {  	s4 =	sadd.s32 $0x15180, s18;
	v1 =	vld.idx.msk [tilespmem:v1+s3+$0x0], $0xffff;
	s0 =	sor.u32 s9, s6;
	[tilespmem:s7+$0x0] =	vst v11  }
0x17b: {  	s31 =	sor.u32 s20, s4;
	s20 =	sor.u32 s19, s4;
	v2 =	vld.idx.msk [tilespmem:v2+s3+$0x0], $0xffff;
	[tilespmem:s0+$0x0] =	vst v6  }
0x17c: {  	[tilespmem:s20+$0x0] =	vst v3;
	s10 =	sadd.s32 $0x15180, s21;
	v4 =	vld.idx.msk [tilespmem:v14+s3+$0x0], $0xffff  }
0x17d: {  	[tilespmem:s31+$0x0] =	vst v12;
	s1 =	sor.u32 s24, s10  }
0x17e: {  	s21 =	sadd.s32 $0x15180, s16;
	s18 =	sor.u32 s22, s10;
	[tilespmem:s1+$0x0] =	vst v5  }
0x17f: {  	s22 =	sor.u32 s25, s21;
	[tilespmem:s18+$0x0] =	vst v1  }
0x180: {  	s24 =	rddreg [dreg:$0x2];
	s18 =	sshll.u32 s23, $0xD;
	s0 =	sor.u32 s9, s21;
	[tilespmem:s22+$0x0] =	vst v2  }
0x181: {  	[tilespmem:s0+$0x0] =	vst v4;
	s0 =	sadd.s32 s24, s18  }
0x182: {  	[hbm4b:s0+s3] =	stream.linear.scatter [tilespmem:s11], [sflag:$0x2], $0x2000, $0x38;
	[tilespmem:$0x1CE00] =	vst v63  }
0x183: {  	s0 =	simm.s32 @!p0 $0x2  }
0x184: {  	_ =	swait.ge @!p0 [sflag:s0], $0x2000  }
0x185: {  	[sflag:s0] =	ssyncset.done @!p0 $0x0  }
0x186: {  	s25 =	simm.s32 $0x14A10;
	[sflag:s0] =	ssyncadd.s32 @!p0 $0xFFFFE000  }
0x187: {  	v7 =	vld [tilespmem:s25+$0x0];
	_ =	sdelay $0x4  }
0x188: {  	v1 =	vadd.s32 $0x1F40, v7;
	_ =	sdelay $0x4  }
0x189: {  	v1 =	vld.idx.msk [tilespmem:v1+s3+$0x0], $0xffff  }
0x18a: {  	s26 =	simm.s32 $0x0;
	v2 =	vadd.s32 $0x2328, v7  }
0x18b: {  	s2 =	sand.u32 $0x1C00, s26;
	s31 =	simm.s32 $0x10  }
0x18c: {  	s1 =	sadd.s32 $0x16E00, s2;
	s6 =	sand.u32 $0x70, s31;
	v4 =	vld [tilespmem:s25+$0xFFFFFFF0]  }
0x18d: {  	s5 =	sor.u32 s6, s1;
	s7 =	simm.s32 $0x14A30  }
0x18e: {  	[tilespmem:s5+$0x0] =	vst v1;
	v1 =	vld [tilespmem:s7+$0x0]  }
0x18f: {  	v2 =	vld.idx.msk [tilespmem:v2+s3+$0x0], $0xffff  }
0x190: {  	v3 =	vadd.s32 $0x2710, v7  }
0x191: {  	v6 =	vadd.s32 $0x1F40, v4  }
0x192: {  	s8 =	sadd.s32 $0x16E80, s2;
	v5 =	vld [tilespmem:s7+$0xFFFFFFF0]  }
0x193: {  	s9 =	sor.u32 s6, s8  }
0x194: {  	v8 =	vadd.s32 $0x1F40, v1;
	[tilespmem:s9+$0x0] =	vst v2  }
0x195: {  	v2 =	vld.idx.msk [tilespmem:v3+s3+$0x0], $0xffff  }
0x196: {  	v3 =	vld.idx.msk [tilespmem:v6+s3+$0x0], $0xffff;
	v6 =	vadd.s32 $0x2AF8, v7  }
0x197: {  	v10 =	vadd.s32 $0x1F40, v5  }
0x198: {  	s10 =	simm.s32 $0x0;
	s16 =	sadd.s32 $0x16F00, s2;
	v9 =	vadd.s32 $0x2328, v4  }
0x199: {  	s4 =	sand.u32 $0x60, s10;
	s19 =	sor.u32 s6, s16;
	v8 =	vld.idx.msk [tilespmem:v8+s3+$0x0], $0xffff  }
0x19a: {  	s20 =	simm.s32 $0x100;
	s1 =	sor.u32 s4, s1;
	v11 =	vadd.s32 $0x2328, v1;
	[tilespmem:s19+$0x0] =	vst v2  }
0x19b: {  	s21 =	simm.s32 $0x30;
	[tilespmem:s1+$0x0] =	vst v3;
	s19 =	sand.u32 $0x1C00, s20;
	v3 =	vld.idx.msk [tilespmem:v6+s3+$0x0], $0xffff  }
0x19c: {  	v12 =	vadd.s32 $0x2EE0, v7;
	v10 =	vld.idx.msk [tilespmem:v10+s3+$0x0], $0xffff;
	s20 =	sand.u32 $0x70, s21;
	s22 =	sadd.s32 $0x16E00, s19  }
0x19d: {  	s23 =	simm.s32 $0x14A50;
	v9 =	vld.idx.msk [tilespmem:v9+s3+$0x0], $0xffff;
	s0 =	sor.u32 s20, s22  }
0x19e: {  	v13 =	vadd.s32 $0x2710, v4;
	v2 =	vld [tilespmem:s23+$0x0];
	[tilespmem:s0+$0x0] =	vst v8;
	s0 =	sadd.s32 $0x16F80, s2  }
0x19f: {  	v8 =	vld.idx.msk [tilespmem:v11+s3+$0x0], $0xffff;
	s24 =	sor.u32 s6, s0;
	v11 =	vadd.s32 $0x2328, v5  }
0x1a0: {  	s25 =	simm.s32 $0x20;
	[tilespmem:s24+$0x0] =	vst v3;
	v3 =	vadd.s32 $0x2710, v1  }
0x1a1: {  	s5 =	sor.u32 s4, s8;
	s21 =	sand.u32 $0x60, s25;
	v12 =	vld.idx.msk [tilespmem:v12+s3+$0x0], $0xffff  }
0x1a2: {  	v6 =	vld [tilespmem:s23+$0xFFFFFFF0];
	s26 =	sadd.s32 $0x16E80, s19;
	s1 =	sor.u32 s21, s22;
	[tilespmem:s5+$0x0] =	vst v9;
	v9 =	vadd.s32 $0x32C8, v7  }
0x1a3: {  	s31 =	sor.u32 s20, s26;
	[tilespmem:s1+$0x0] =	vst v10;
	v14 =	vadd.s32 $0x1F40, v2;
	v13 =	vld.idx.msk [tilespmem:v13+s3+$0x0], $0xffff  }
0x1a4: {  	v15 =	vadd.s32 $0x2AF8, v4;
	s7 =	sadd.s32 $0x17000, s2;
	v10 =	vld.idx.msk [tilespmem:v11+s3+$0x0], $0xffff;
	[tilespmem:s31+$0x0] =	vst v8  }
0x1a5: {  	s9 =	sor.u32 s6, s7;
	s25 =	simm.s32 $0x14A70;
	v11 =	vadd.s32 $0x2710, v5;
	v3 =	vld.idx.msk [tilespmem:v3+s3+$0x0], $0xffff  }
0x1a6: {  	v26 =	vld [tilespmem:s25+$0xFFFFFFF0];
	[tilespmem:s9+$0x0] =	vst v12;
	v12 =	vadd.s32 $0x2AF8, v1  }
0x1a7: {  	s10 =	sor.u32 s4, s16;
	v8 =	vadd.s32 $0x1F40, v6;
	v9 =	vld.idx.msk [tilespmem:v9+s3+$0x0], $0xffff  }
0x1a8: {  	s1 =	sadd.s32 $0x16F00, s19;
	s5 =	sor.u32 s21, s26;
	[tilespmem:s10+$0x0] =	vst v13;
	v13 =	vld.idx.msk [tilespmem:v14+s3+$0x0], $0xffff;
	v14 =	vadd.s32 $0x36B0, v7  }
0x1a9: {  	s22 =	simm.s32 $0x200;
	s16 =	sor.u32 s20, s1;
	v15 =	vld.idx.msk [tilespmem:v15+s3+$0x0], $0xffff;
	[tilespmem:s5+$0x0] =	vst v10  }
0x1aa: {  	s23 =	simm.s32 $0x50;
	s22 =	sand.u32 $0x1C00, s22;
	v16 =	vadd.s32 $0x2328, v2;
	s9 =	sadd.s32 $0x17080, s2;
	v10 =	vld.idx.msk [tilespmem:v11+s3+$0x0], $0xffff;
	[tilespmem:s16+$0x0] =	vst v3  }
0x1ab: {  	s23 =	sand.u32 $0x70, s23;
	s8 =	sadd.s32 $0x16E00, s22;
	s24 =	sor.u32 s6, s9;
	v11 =	vadd.s32 $0x2EE0, v4;
	v12 =	vld.idx.msk [tilespmem:v12+s3+$0x0], $0xffff  }
0x1ac: {  	s10 =	sor.u32 s23, s8;
	v8 =	vld.idx.msk [tilespmem:v8+s3+$0x0], $0xffff;
	[tilespmem:s24+$0x0] =	vst v9;
	v9 =	vadd.s32 $0x2EE0, v1  }
0x1ad: {  	[tilespmem:s10+$0x0] =	vst v13;
	v13 =	vld.idx.msk [tilespmem:v14+s3+$0x0], $0xffff;
	v14 =	vadd.s32 $0x2328, v6  }
0x1ae: {  	v17 =	vadd.s32 $0x2AF8, v5;
	s0 =	sor.u32 s4, s0;
	s26 =	simm.s32 $0x40;
	s16 =	sadd.s32 $0x16F80, s19;
	v3 =	vld [tilespmem:s25+$0x0]  }
0x1af: {  	v7 =	vadd.s32 $0x3A98, v7;
	s31 =	sor.u32 s20, s16;
	v16 =	vld.idx.msk [tilespmem:v16+s3+$0x0], $0xffff;
	[tilespmem:s0+$0x0] =	vst v15;
	s24 =	sand.u32 $0x60, s26  }
0x1b0: {  	v15 =	vadd.s32 $0x2710, v2;
	s10 =	sor.u32 s24, s8;
	v11 =	vld.idx.msk [tilespmem:v11+s3+$0x0], $0xffff;
	[tilespmem:s31+$0x0] =	vst v12  }
0x1b1: {  	s25 =	sor.u32 s21, s1;
	s1 =	sadd.s32 $0x17100, s2;
	[tilespmem:s10+$0x0] =	vst v8;
	v12 =	vadd.s32 $0x32C8, v4;
	v8 =	vld.idx.msk [tilespmem:v9+s3+$0x0], $0xffff  }
0x1b2: {  	s0 =	sadd.s32 $0x16E80, s22;
	s26 =	sor.u32 s6, s1;
	[tilespmem:s25+$0x0] =	vst v10;
	v10 =	vadd.s32 $0x32C8, v1;
	v9 =	vld.idx.msk [tilespmem:v14+s3+$0x0], $0xffff  }
0x1b3: {  	s31 =	sor.u32 s23, s0;
	v14 =	vld.idx.msk [tilespmem:v17+s3+$0x0], $0xffff;
	[tilespmem:s26+$0x0] =	vst v13;
	v13 =	vadd.s32 $0x1F40, v3  }
0x1b4: {  	s10 =	sor.u32 s4, s7;
	s25 =	sadd.s32 $0x17000, s19;
	[tilespmem:s31+$0x0] =	vst v16;
	v27 =	vld.idx.msk [tilespmem:v7+s3+$0x0], $0xffff;
	v7 =	vadd.s32 $0x1F40, v26  }
0x1b5: {  	s8 =	sor.u32 s20, s25;
	[tilespmem:s10+$0x0] =	vst v11;
	v11 =	vld.idx.msk [tilespmem:v15+s3+$0x0], $0xffff  }
0x1b6: {  	v16 =	vadd.s32 $0x2710, v6;
	v15 =	vld.idx.msk [tilespmem:v12+s3+$0x0], $0xffff;
	[tilespmem:s8+$0x0] =	vst v8  }
0x1b7: {  	s28 =	sadd.s32 $0x16F00, s22;
	v17 =	vadd.s32 $0x2EE0, v5;
	v18 =	vld.idx.msk [tilespmem:v10+s3+$0x0], $0xffff  }
0x1b8: {  	s5 =	sor.u32 s4, s9;
	s0 =	sor.u32 s24, s0;
	s31 =	sadd.s32 $0x17180, s2;
	v12 =	vadd.s32 $0x2AF8, v2;
	v25 =	vld.idx.msk [tilespmem:v13+s3+$0x0], $0xffff  }
0x1b9: {  	s2 =	sor.u32 s21, s25;
	s26 =	sor.u32 s23, s28;
	s10 =	sor.u32 s21, s16;
	[tilespmem:s0+$0x0] =	vst v9;
	v24 =	vld.idx.msk [tilespmem:v7+s3+$0x0], $0xffff;
	v7 =	vadd.s32 $0x36B0, v1  }
0x1ba: {  	v20 =	vadd.s32 $0x36B0, v4;
	s25 =	sor.u32 s4, s31;
	s16 =	sor.u32 s4, s1;
	s4 =	simm.s32 $0x300;
	[tilespmem:s10+$0x0] =	vst v14  }
0x1bb: {  	v19 =	vadd.s32 $0x2328, v26;
	v28 =	vadd.s32 $0x2328, v3;
	v4 =	vadd.s32 $0x3A98, v4;
	s1 =	sadd.s32 $0x17080, s19;
	s9 =	sand.u32 $0x1C00, s4;
	s10 =	simm.s32 $0x70;
	v21 =	vld.idx.msk [tilespmem:v16+s3+$0x0], $0xffff;
	[tilespmem:s26+$0x0] =	vst v11  }
0x1bc: {  	s7 =	sor.u32 s20, s1;
	v8 =	vadd.s32 $0x36B0, v5;
	v10 =	vadd.s32 $0x32C8, v5;
	v13 =	vadd.s32 $0x32C8, v26;
	s26 =	sand.u32 $0x70, s10;
	v22 =	vld.idx.msk [tilespmem:v17+s3+$0x0], $0xffff;
	[tilespmem:s5+$0x0] =	vst v15;
	s5 =	sadd.s32 $0x16E00, s9  }
0x1bd: {  	v17 =	vadd.s32 $0x2710, v26;
	v11 =	vadd.s32 $0x36B0, v26;
	v23 =	vld.idx.msk [tilespmem:v12+s3+$0x0], $0xffff;
	v15 =	vadd.s32 $0x2EE0, v26;
	s30 =	sor.u32 s26, s5;
	[tilespmem:s7+$0x0] =	vst v18  }
0x1be: {  	s29 =	sor.u32 s24, s28;
	s0 =	sor.u32 s6, s31;
	s31 =	simm.s32 $0x60;
	v18 =	vadd.s32 $0x2AF8, v26;
	[tilespmem:s30+$0x0] =	vst v25;
	v25 =	vld.idx.msk [tilespmem:v7+s3+$0x0], $0xffff;
	v7 =	vadd.s32 $0x3A98, v26;
	v26 =	vadd.s32 $0x2EE0, v2  }
0x1bf: {  	s28 =	simm.s32 $0x14A90;
	s8 =	simm.s32 $0x6;
	v5 =	vadd.s32 $0x3A98, v5;
	v14 =	vadd.s32 $0x2EE0, v6;
	v9 =	vadd.s32 $0x36B0, v6;
	s6 =	sand.u32 $0x60, s31;
	v20 =	vld.idx.msk [tilespmem:v20+s3+$0x0], $0xffff  }
0x1c0: {  	v16 =	vadd.s32 $0x2AF8, v6;
	[tilespmem:s0+$0x0] =	vst v27;
	v12 =	vadd.s32 $0x32C8, v6;
	v6 =	vadd.s32 $0x3A98, v6;
	s7 =	sor.u32 s21, s1;
	s30 =	sor.u32 s6, s5;
	s1 =	sadd.s32 $0x16F80, s22;
	v27 =	vld.idx.msk [tilespmem:v28+s3+$0x0], $0xffff  }
.LBB2_7:
0x1c1: {  	s8 =	sadd.s32 $0x2, s8;
	[tilespmem:s30+$0x0] =	vst v24;
	s30 =	sor.u32 s24, s1;
	s0 =	sor.u32 s23, s1;
	v24 =	vadd.s32 $0x3A98, v1;
	v1 =	vmov v2;
	v2 =	vmov v3;
	v3 =	vld [tilespmem:s28+$0x0]  }
0x1c2: {  	v28 =	vld [tilespmem:s28+$0xFFFFFFF0];
	p1 =	slt.u32 s8, $0x3E;
	v29 =	vadd.s32 $0x2710, v2;
	[tilespmem:s0+$0x0] =	vst v23  }
0x1c3: {  	s0 =	sadd.s32 $0x17100, s19;
	[tilespmem:s29+$0x0] =	vst v21;
	v21 =	vld.idx.msk [tilespmem:v26+s3+$0x0], $0xffff  }
0x1c4: {  	s1 =	sadd.s32 $0x16E80, s9;
	v23 =	vld.idx.msk [tilespmem:v19+s3+$0x0], $0xffff;
	[tilespmem:s2+$0x0] =	vst v22;
	s2 =	sor.u32 s21, s0;
	s0 =	sor.u32 s20, s0  }
0x1c5: {  	s5 =	sor.u32 s6, s1;
	s1 =	sor.u32 s26, s1;
	v26 =	vadd.s32 $0x32C8, v1;
	v22 =	vld.idx.msk [tilespmem:v16+s3+$0x0], $0xffff;
	[tilespmem:s0+$0x0] =	vst v25;
	v16 =	vmov v18  }
0x1c6: {  	v25 =	vadd.s32 $0x1F40, v3;
	[tilespmem:s1+$0x0] =	vst v27;
	v27 =	vld.idx.msk [tilespmem:v24+s3+$0x0], $0xffff  }
0x1c7: {  	s0 =	sadd.s32 $0x17000, s22;
	v24 =	vadd.s32 $0x1F40, v28;
	v19 =	vadd.s32 $0x2328, v28;
	v30 =	vadd.s32 $0x2710, v28;
	v29 =	vld.idx.msk [tilespmem:v29+s3+$0x0], $0xffff;
	[tilespmem:s16+$0x0] =	vst v20;
	s16 =	smov.u32 s2  }
0x1c8: {  	v18 =	vadd.s32 $0x2AF8, v28;
	v20 =	vadd.s32 $0x2EE0, v28;
	s2 =	sor.u32 s24, s0;
	s0 =	sor.u32 s23, s0;
	v31 =	vld.idx.msk [tilespmem:v10+s3+$0x0], $0xffff;
	v10 =	vmovc v12;
	v12 =	vmovc v13;
	v13 =	vadd.s32 $0x32C8, v28  }
0x1c9: {  	s4 =	sadd.s32 $0x100, s4;
	v33 =	vadd.s32 $0x2AF8, v2;
	v32 =	vadd.s32 $0x36B0, v28;
	v28 =	vadd.s32 $0x3A98, v28;
	[tilespmem:s0+$0x0] =	vst v21;
	v34 =	vld.idx.msk [tilespmem:v4+s3+$0x0], $0xffff;
	v4 =	vmovc v5;
	v5 =	vmovc v6  }
0x1ca: {  	s0 =	sadd.s32 $0x17180, s19;
	v6 =	vmov v7;
	v7 =	vmov v28;
	s19 =	smov.u32 s22;
	s22 =	smov.u32 s9;
	[tilespmem:s5+$0x0] =	vst v23;
	v35 =	vld.idx.msk [tilespmem:v26+s3+$0x0], $0xffff  }
0x1cb: {  	s1 =	sadd.s32 $0x16F00, s22;
	s5 =	sor.u32 s21, s0;
	s0 =	sor.u32 s20, s0;
	v25 =	vld.idx.msk [tilespmem:v25+s3+$0x0], $0xffff;
	[tilespmem:s30+$0x0] =	vst v22  }
0x1cc: {  	v28 =	vadd.s32 $0x36B0, v1;
	s20 =	smov.u32 s23;
	s29 =	sor.u32 s6, s1;
	s1 =	sor.u32 s26, s1;
	v24 =	vld.idx.msk [tilespmem:v24+s3+$0x0], $0xffff;
	[tilespmem:s0+$0x0] =	vst v27  }
0x1cd: {  	s10 =	sadd.s32 $0x20, s10;
	s23 =	smov.u32 s26;
	s21 =	smov.u32 s24;
	v27 =	vadd.s32 $0x2328, v3;
	v21 =	vld.idx.msk [tilespmem:v17+s3+$0x0], $0xffff;
	[tilespmem:s1+$0x0] =	vst v29;
	v17 =	vmov v30  }
.Ltmp2:
0x1ce: {  	s9 =	sand.u32 $0x1C00, s4;
	s0 =	sadd.s32 $0x17080, s19;
	v23 =	vld.idx.msk [tilespmem:v33+s3+$0x0], $0xffff;
	[tilespmem:s7+$0x0] =	vst v31;
	(pc) =	sbr.rel @p1 .LBB2_7-.Ltmp2, $4  }
0x1cf: {  	s26 =	sand.u32 $0x70, s10;
	s1 =	sadd.s32 $0x16E00, s9;
	s24 =	sor.u32 s20, s0;
	v22 =	vld.idx.msk [tilespmem:v14+s3+$0x0], $0xffff;
	[tilespmem:s25+$0x0] =	vst v34;
	v14 =	vmov v15;
	v15 =	vmov v20  }
0x1d0: {  	v26 =	vadd.s32 $0x2EE0, v2;
	s30 =	sadd.s32 $0xFFFFFFF0, s10;
	s7 =	sor.u32 s21, s0;
	s25 =	sor.u32 s26, s1;
	[tilespmem:s24+$0x0] =	vst v35;
	v20 =	vld.idx.msk [tilespmem:v8+s3+$0x0], $0xffff;
	v8 =	vmovc v9;
	v9 =	vmov v11;
	v11 =	vmov v32  }
0x1d1: {  	s24 =	smov.u32 s6;
	s6 =	sand.u32 $0x60, s30;
	[tilespmem:s25+$0x0] =	vst v25;
	v25 =	vld.idx.msk [tilespmem:v28+s3+$0x0], $0xffff;
	s25 =	smov.u32 s5  }
0x1d2: {  	s28 =	sadd.s32 $0x20, s28;
	s30 =	sor.u32 s6, s1;
	s1 =	sadd.s32 $0x16F80, s22;
	v27 =	vld.idx.msk [tilespmem:v27+s3+$0x0], $0xffff  }
0x1d3: {  	_ =	sdelay $0x2  }
0x1d4: {  	[tilespmem:s30+$0x0] =	vst v24  }
0x1d5: {  	v24 =	vadd.s32 $0x2710, v3;
	v19 =	vld.idx.msk [tilespmem:v19+s3+$0x0], $0xffff;
	_ =	sdelay $0x1  }
0x1d6: {  	s0 =	sadd.s32 $0x16E80, s9  }
0x1d7: {  	s4 =	sor.u32 s26, s0  }
0x1d8: {  	s0 =	sor.u32 s6, s0;
	[tilespmem:s4+$0x0] =	vst v27  }
0x1d9: {  	v24 =	vld.idx.msk [tilespmem:v24+s3+$0x0], $0xffff;
	[tilespmem:s0+$0x0] =	vst v19  }
0x1da: {  	v27 =	vadd.s32 $0x2AF8, v3;
	v17 =	vld.idx.msk [tilespmem:v17+s3+$0x0], $0xffff;
	_ =	sdelay $0x1  }
0x1db: {  	s10 =	sadd.s32 $0x16F00, s9;
	[tilespmem:s29+$0x0] =	vst v21  }
0x1dc: {  	s31 =	sor.u32 s26, s10;
	v16 =	vld.idx.msk [tilespmem:v16+s3+$0x0], $0xffff  }
0x1dd: {  	s0 =	sor.u32 s6, s10;
	[tilespmem:s31+$0x0] =	vst v24  }
0x1de: {  	v19 =	vld.idx.msk [tilespmem:v27+s3+$0x0], $0xffff;
	[tilespmem:s0+$0x0] =	vst v17  }
0x1df: {  	v21 =	vadd.s32 $0x2EE0, v3;
	v17 =	vld.idx.msk [tilespmem:v18+s3+$0x0], $0xffff  }
0x1e0: {  	s31 =	sor.u32 s24, s1  }
0x1e1: {  	s5 =	sor.u32 s23, s1;
	s8 =	sadd.s32 $0x16F80, s9;
	[tilespmem:s31+$0x0] =	vst v16  }
0x1e2: {  	[tilespmem:s5+$0x0] =	vst v23;
	s10 =	sor.u32 s26, s8;
	v14 =	vld.idx.msk [tilespmem:v14+s3+$0x0], $0xffff  }
0x1e3: {  	s0 =	sor.u32 s6, s8;
	v18 =	vld.idx.msk [tilespmem:v26+s3+$0x0], $0xffff;
	[tilespmem:s10+$0x0] =	vst v19  }
0x1e4: {  	v23 =	vadd.s32 $0x32C8, v2;
	v16 =	vld.idx.msk [tilespmem:v21+s3+$0x0], $0xffff;
	[tilespmem:s0+$0x0] =	vst v17  }
0x1e5: {  	[tilespmem:s2+$0x0] =	vst v22;
	s1 =	sadd.s32 $0x17000, s22;
	v19 =	vadd.s32 $0x32C8, v3;
	v15 =	vld.idx.msk [tilespmem:v15+s3+$0x0], $0xffff  }
0x1e6: {  	[tilespmem:s16+$0x0] =	vst v20;
	s5 =	sor.u32 s23, s1;
	s1 =	sor.u32 s24, s1  }
0x1e7: {  	v1 =	vadd.s32 $0x3A98, v1;
	v10 =	vld.idx.msk [tilespmem:v10+s3+$0x0], $0xffff;
	s10 =	sadd.s32 $0x17000, s9;
	[tilespmem:s1+$0x0] =	vst v14  }
0x1e8: {  	s31 =	sor.u32 s26, s10;
	[tilespmem:s5+$0x0] =	vst v18;
	v12 =	vld.idx.msk [tilespmem:v12+s3+$0x0], $0xffff  }
0x1e9: {  	s4 =	sor.u32 s6, s10;
	s0 =	sadd.s32 $0x17100, s19;
	v17 =	vld.idx.msk [tilespmem:v23+s3+$0x0], $0xffff;
	[tilespmem:s31+$0x0] =	vst v16  }
0x1ea: {  	v18 =	vadd.s32 $0x36B0, v2;
	s8 =	sor.u32 s20, s0;
	v14 =	vld.idx.msk [tilespmem:v19+s3+$0x0], $0xffff;
	[tilespmem:s4+$0x0] =	vst v15  }
0x1eb: {  	s5 =	sadd.s32 $0x17080, s22;
	[tilespmem:s8+$0x0] =	vst v25;
	v16 =	vadd.s32 $0x36B0, v3;
	v13 =	vld.idx.msk [tilespmem:v13+s3+$0x0], $0xffff  }
0x1ec: {  	[tilespmem:s7+$0x0] =	vst v10;
	s2 =	sor.u32 s24, s5;
	v1 =	vld.idx.msk [tilespmem:v1+s3+$0x0], $0xffff  }
0x1ed: {  	v8 =	vld.idx.msk [tilespmem:v8+s3+$0x0], $0xffff;
	s10 =	sadd.s32 $0x17080, s9;
	s8 =	sor.u32 s23, s5;
	[tilespmem:s2+$0x0] =	vst v12  }
0x1ee: {  	s16 =	sor.u32 s26, s10;
	[tilespmem:s8+$0x0] =	vst v17;
	v9 =	vld.idx.msk [tilespmem:v9+s3+$0x0], $0xffff  }
0x1ef: {  	s1 =	sor.u32 s6, s10;
	s4 =	sadd.s32 $0x17180, s19;
	v10 =	vld.idx.msk [tilespmem:v18+s3+$0x0], $0xffff;
	[tilespmem:s16+$0x0] =	vst v14  }
0x1f0: {  	v2 =	vadd.s32 $0x3A98, v2;
	s19 =	sor.u32 s20, s4;
	v12 =	vld.idx.msk [tilespmem:v16+s3+$0x0], $0xffff;
	[tilespmem:s1+$0x0] =	vst v13  }
0x1f1: {  	s0 =	sor.u32 s21, s0;
	s5 =	sadd.s32 $0x17100, s22;
	v3 =	vadd.s32 $0x3A98, v3;
	[tilespmem:s19+$0x0] =	vst v1;
	v1 =	vld.idx.msk [tilespmem:v11+s3+$0x0], $0xffff  }
0x1f2: {  	v4 =	vld.idx.msk [tilespmem:v4+s3+$0x0], $0xffff;
	[tilespmem:s0+$0x0] =	vst v8;
	s7 =	sor.u32 s24, s5  }
0x1f3: {  	v5 =	vld.idx.msk [tilespmem:v5+s3+$0x0], $0xffff;
	s31 =	sadd.s32 $0x17100, s9;
	s20 =	sor.u32 s23, s5;
	[tilespmem:s7+$0x0] =	vst v9  }
0x1f4: {  	s2 =	sor.u32 s26, s31;
	[tilespmem:s20+$0x0] =	vst v10;
	v6 =	vld.idx.msk [tilespmem:v6+s3+$0x0], $0xffff  }
0x1f5: {  	s8 =	sor.u32 s6, s31;
	v2 =	vld.idx.msk [tilespmem:v2+s3+$0x0], $0xffff;
	[tilespmem:s2+$0x0] =	vst v12  }
0x1f6: {  	v3 =	vld.idx.msk [tilespmem:v3+s3+$0x0], $0xffff;
	[tilespmem:s8+$0x0] =	vst v1  }
0x1f7: {  	[tilespmem:s25+$0x0] =	vst v4;
	s10 =	sadd.s32 $0x17180, s22;
	s19 =	sor.u32 s21, s4;
	v1 =	vld.idx.msk [tilespmem:v7+s3+$0x0], $0xffff  }
0x1f8: {  	[tilespmem:s19+$0x0] =	vst v5;
	s1 =	sor.u32 s24, s10  }
0x1f9: {  	s16 =	sor.u32 s23, s10;
	s20 =	sadd.s32 $0x17180, s9;
	[tilespmem:s1+$0x0] =	vst v6  }
0x1fa: {  	s21 =	sor.u32 s26, s20;
	[tilespmem:s16+$0x0] =	vst v2  }
0x1fb: {  	s0 =	sor.u32 s6, s20;
	[tilespmem:s21+$0x0] =	vst v3  }
0x1fc: {  	[tilespmem:s0+$0x0] =	vst v1  }
0x1fd: {  	s0 =	rddreg [dreg:$0x1b]  }
0x1fe: {  	s0 =	sadd.s32 s18, s0  }
0x1ff: {  	[hbm4b:s0+s3] =	stream.linear.scatter [tilespmem:s12], [sflag:$0x2], $0x2000, $0x38;
	[tilespmem:$0x1CE00] =	vst v63  }
0x200: {  	s0 =	simm.s32 @!p0 $0x2  }
0x201: {  	_ =	swait.ge @!p0 [sflag:s0], $0x2000  }
0x202: {  	[sflag:s0] =	ssyncset.done @!p0 $0x0  }
0x203: {  	s22 =	simm.s32 $0x14A10;
	[sflag:s0] =	ssyncadd.s32 @!p0 $0xFFFFE000  }
0x204: {  	v7 =	vld [tilespmem:s22+$0x0];
	_ =	sdelay $0x4  }
0x205: {  	v1 =	vadd.s32 $0x3E80, v7;
	_ =	sdelay $0x4  }
0x206: {  	v1 =	vld.idx.msk [tilespmem:v1+s3+$0x0], $0xffff  }
0x207: {  	s23 =	simm.s32 $0x0;
	v2 =	vadd.s32 $0x4268, v7  }
0x208: {  	s24 =	simm.s32 $0x10;
	s2 =	sand.u32 $0x1C00, s23  }
0x209: {  	s6 =	sand.u32 $0x70, s24;
	s1 =	sadd.s32 $0x18E00, s2;
	v4 =	vld [tilespmem:s22+$0xFFFFFFF0]  }
0x20a: {  	s26 =	simm.s32 $0x14A30;
	s25 =	sor.u32 s6, s1  }
0x20b: {  	[tilespmem:s25+$0x0] =	vst v1;
	v1 =	vld [tilespmem:s26+$0x0]  }
0x20c: {  	v2 =	vld.idx.msk [tilespmem:v2+s3+$0x0], $0xffff  }
0x20d: {  	v3 =	vadd.s32 $0x4650, v7  }
0x20e: {  	v6 =	vadd.s32 $0x3E80, v4  }
0x20f: {  	s31 =	sadd.s32 $0x18E80, s2;
	v5 =	vld [tilespmem:s26+$0xFFFFFFF0]  }
0x210: {  	s10 =	sor.u32 s6, s31  }
0x211: {  	v8 =	vadd.s32 $0x3E80, v1;
	[tilespmem:s10+$0x0] =	vst v2  }
0x212: {  	v2 =	vld.idx.msk [tilespmem:v3+s3+$0x0], $0xffff  }
0x213: {  	v3 =	vld.idx.msk [tilespmem:v6+s3+$0x0], $0xffff;
	v6 =	vadd.s32 $0x4A38, v7  }
0x214: {  	v10 =	vadd.s32 $0x3E80, v5  }
0x215: {  	s16 =	simm.s32 $0x0;
	s8 =	sadd.s32 $0x18F00, s2;
	v9 =	vadd.s32 $0x4268, v4  }
0x216: {  	s4 =	sand.u32 $0x60, s16;
	s19 =	sor.u32 s6, s8;
	v8 =	vld.idx.msk [tilespmem:v8+s3+$0x0], $0xffff  }
0x217: {  	s20 =	simm.s32 $0x100;
	s1 =	sor.u32 s4, s1;
	v11 =	vadd.s32 $0x4268, v1;
	[tilespmem:s19+$0x0] =	vst v2  }
0x218: {  	s21 =	simm.s32 $0x30;
	[tilespmem:s1+$0x0] =	vst v3;
	s19 =	sand.u32 $0x1C00, s20;
	v3 =	vld.idx.msk [tilespmem:v6+s3+$0x0], $0xffff  }
0x219: {  	v12 =	vadd.s32 $0x4E20, v7;
	v10 =	vld.idx.msk [tilespmem:v10+s3+$0x0], $0xffff;
	s20 =	sand.u32 $0x70, s21;
	s22 =	sadd.s32 $0x18E00, s19  }
0x21a: {  	s23 =	simm.s32 $0x14A50;
	v9 =	vld.idx.msk [tilespmem:v9+s3+$0x0], $0xffff;
	s0 =	sor.u32 s20, s22  }
0x21b: {  	v13 =	vadd.s32 $0x4650, v4;
	v2 =	vld [tilespmem:s23+$0x0];
	[tilespmem:s0+$0x0] =	vst v8;
	s0 =	sadd.s32 $0x18F80, s2  }
0x21c: {  	v8 =	vld.idx.msk [tilespmem:v11+s3+$0x0], $0xffff;
	s24 =	sor.u32 s6, s0;
	v11 =	vadd.s32 $0x4268, v5  }
0x21d: {  	s25 =	simm.s32 $0x20;
	[tilespmem:s24+$0x0] =	vst v3;
	v3 =	vadd.s32 $0x4650, v1  }
0x21e: {  	s5 =	sor.u32 s4, s31;
	s21 =	sand.u32 $0x60, s25;
	v12 =	vld.idx.msk [tilespmem:v12+s3+$0x0], $0xffff  }
0x21f: {  	v6 =	vld [tilespmem:s23+$0xFFFFFFF0];
	s26 =	sadd.s32 $0x18E80, s19;
	s1 =	sor.u32 s21, s22;
	[tilespmem:s5+$0x0] =	vst v9;
	v9 =	vadd.s32 $0x5208, v7  }
0x220: {  	s31 =	sor.u32 s20, s26;
	[tilespmem:s1+$0x0] =	vst v10;
	v14 =	vadd.s32 $0x3E80, v2;
	v13 =	vld.idx.msk [tilespmem:v13+s3+$0x0], $0xffff  }
0x221: {  	s7 =	sadd.s32 $0x19000, s2;
	v15 =	vadd.s32 $0x4A38, v4;
	v10 =	vld.idx.msk [tilespmem:v11+s3+$0x0], $0xffff;
	[tilespmem:s31+$0x0] =	vst v8  }
0x222: {  	s9 =	sor.u32 s6, s7;
	s25 =	simm.s32 $0x14A70;
	v11 =	vadd.s32 $0x4650, v5;
	v3 =	vld.idx.msk [tilespmem:v3+s3+$0x0], $0xffff  }
0x223: {  	v26 =	vld [tilespmem:s25+$0xFFFFFFF0];
	[tilespmem:s9+$0x0] =	vst v12;
	v12 =	vadd.s32 $0x4A38, v1  }
0x224: {  	s10 =	sor.u32 s4, s8;
	v8 =	vadd.s32 $0x3E80, v6;
	v9 =	vld.idx.msk [tilespmem:v9+s3+$0x0], $0xffff  }
0x225: {  	s1 =	sadd.s32 $0x18F00, s19;
	s5 =	sor.u32 s21, s26;
	[tilespmem:s10+$0x0] =	vst v13;
	v13 =	vld.idx.msk [tilespmem:v14+s3+$0x0], $0xffff;
	v14 =	vadd.s32 $0x55F0, v7  }
0x226: {  	s22 =	simm.s32 $0x200;
	s16 =	sor.u32 s20, s1;
	v15 =	vld.idx.msk [tilespmem:v15+s3+$0x0], $0xffff;
	[tilespmem:s5+$0x0] =	vst v10  }
0x227: {  	s23 =	simm.s32 $0x50;
	s22 =	sand.u32 $0x1C00, s22;
	v16 =	vadd.s32 $0x4268, v2;
	s9 =	sadd.s32 $0x19080, s2;
	v10 =	vld.idx.msk [tilespmem:v11+s3+$0x0], $0xffff;
	[tilespmem:s16+$0x0] =	vst v3  }
0x228: {  	s23 =	sand.u32 $0x70, s23;
	s8 =	sadd.s32 $0x18E00, s22;
	s24 =	sor.u32 s6, s9;
	v11 =	vadd.s32 $0x4E20, v4;
	v12 =	vld.idx.msk [tilespmem:v12+s3+$0x0], $0xffff  }
0x229: {  	s10 =	sor.u32 s23, s8;
	v8 =	vld.idx.msk [tilespmem:v8+s3+$0x0], $0xffff;
	[tilespmem:s24+$0x0] =	vst v9;
	v9 =	vadd.s32 $0x4E20, v1  }
0x22a: {  	[tilespmem:s10+$0x0] =	vst v13;
	v13 =	vld.idx.msk [tilespmem:v14+s3+$0x0], $0xffff;
	v14 =	vadd.s32 $0x4268, v6  }
0x22b: {  	v17 =	vadd.s32 $0x4A38, v5;
	s0 =	sor.u32 s4, s0;
	s26 =	simm.s32 $0x40;
	s16 =	sadd.s32 $0x18F80, s19;
	v3 =	vld [tilespmem:s25+$0x0]  }
0x22c: {  	v7 =	vadd.s32 $0x59D8, v7;
	s31 =	sor.u32 s20, s16;
	v16 =	vld.idx.msk [tilespmem:v16+s3+$0x0], $0xffff;
	[tilespmem:s0+$0x0] =	vst v15;
	s24 =	sand.u32 $0x60, s26  }
0x22d: {  	v15 =	vadd.s32 $0x4650, v2;
	s10 =	sor.u32 s24, s8;
	v11 =	vld.idx.msk [tilespmem:v11+s3+$0x0], $0xffff;
	[tilespmem:s31+$0x0] =	vst v12  }
0x22e: {  	s25 =	sor.u32 s21, s1;
	s1 =	sadd.s32 $0x19100, s2;
	[tilespmem:s10+$0x0] =	vst v8;
	v12 =	vadd.s32 $0x5208, v4;
	v8 =	vld.idx.msk [tilespmem:v9+s3+$0x0], $0xffff  }
0x22f: {  	s0 =	sadd.s32 $0x18E80, s22;
	s26 =	sor.u32 s6, s1;
	[tilespmem:s25+$0x0] =	vst v10;
	v10 =	vadd.s32 $0x5208, v1;
	v9 =	vld.idx.msk [tilespmem:v14+s3+$0x0], $0xffff  }
0x230: {  	s31 =	sor.u32 s23, s0;
	v14 =	vld.idx.msk [tilespmem:v17+s3+$0x0], $0xffff;
	[tilespmem:s26+$0x0] =	vst v13;
	v13 =	vadd.s32 $0x3E80, v3  }
0x231: {  	s10 =	sor.u32 s4, s7;
	s25 =	sadd.s32 $0x19000, s19;
	[tilespmem:s31+$0x0] =	vst v16;
	v27 =	vld.idx.msk [tilespmem:v7+s3+$0x0], $0xffff;
	v7 =	vadd.s32 $0x3E80, v26  }
0x232: {  	s8 =	sor.u32 s20, s25;
	[tilespmem:s10+$0x0] =	vst v11;
	v11 =	vld.idx.msk [tilespmem:v15+s3+$0x0], $0xffff  }
0x233: {  	v16 =	vadd.s32 $0x4650, v6;
	v15 =	vld.idx.msk [tilespmem:v12+s3+$0x0], $0xffff;
	[tilespmem:s8+$0x0] =	vst v8  }
0x234: {  	s28 =	sadd.s32 $0x18F00, s22;
	v17 =	vadd.s32 $0x4E20, v5;
	v18 =	vld.idx.msk [tilespmem:v10+s3+$0x0], $0xffff  }
0x235: {  	s5 =	sor.u32 s4, s9;
	s0 =	sor.u32 s24, s0;
	s31 =	sadd.s32 $0x19180, s2;
	v12 =	vadd.s32 $0x4A38, v2;
	v25 =	vld.idx.msk [tilespmem:v13+s3+$0x0], $0xffff  }
0x236: {  	s2 =	sor.u32 s21, s25;
	s26 =	sor.u32 s23, s28;
	s10 =	sor.u32 s21, s16;
	[tilespmem:s0+$0x0] =	vst v9;
	v24 =	vld.idx.msk [tilespmem:v7+s3+$0x0], $0xffff;
	v7 =	vadd.s32 $0x55F0, v1  }
0x237: {  	v20 =	vadd.s32 $0x55F0, v4;
	s25 =	sor.u32 s4, s31;
	s16 =	sor.u32 s4, s1;
	s4 =	simm.s32 $0x300;
	[tilespmem:s10+$0x0] =	vst v14  }
0x238: {  	v19 =	vadd.s32 $0x4268, v26;
	v28 =	vadd.s32 $0x4268, v3;
	v4 =	vadd.s32 $0x59D8, v4;
	s1 =	sadd.s32 $0x19080, s19;
	s9 =	sand.u32 $0x1C00, s4;
	s10 =	simm.s32 $0x70;
	v21 =	vld.idx.msk [tilespmem:v16+s3+$0x0], $0xffff;
	[tilespmem:s26+$0x0] =	vst v11  }
0x239: {  	s7 =	sor.u32 s20, s1;
	v8 =	vadd.s32 $0x55F0, v5;
	v10 =	vadd.s32 $0x5208, v5;
	v13 =	vadd.s32 $0x5208, v26;
	s26 =	sand.u32 $0x70, s10;
	v22 =	vld.idx.msk [tilespmem:v17+s3+$0x0], $0xffff;
	[tilespmem:s5+$0x0] =	vst v15;
	s5 =	sadd.s32 $0x18E00, s9  }
0x23a: {  	v17 =	vadd.s32 $0x4650, v26;
	v11 =	vadd.s32 $0x55F0, v26;
	v23 =	vld.idx.msk [tilespmem:v12+s3+$0x0], $0xffff;
	v15 =	vadd.s32 $0x4E20, v26;
	s30 =	sor.u32 s26, s5;
	[tilespmem:s7+$0x0] =	vst v18  }
0x23b: {  	s29 =	sor.u32 s24, s28;
	s0 =	sor.u32 s6, s31;
	s31 =	simm.s32 $0x60;
	v18 =	vadd.s32 $0x4A38, v26;
	[tilespmem:s30+$0x0] =	vst v25;
	v25 =	vld.idx.msk [tilespmem:v7+s3+$0x0], $0xffff;
	v7 =	vadd.s32 $0x59D8, v26;
	v26 =	vadd.s32 $0x4E20, v2  }
0x23c: {  	s28 =	simm.s32 $0x14A90;
	s8 =	simm.s32 $0x6;
	v5 =	vadd.s32 $0x59D8, v5;
	v14 =	vadd.s32 $0x4E20, v6;
	v9 =	vadd.s32 $0x55F0, v6;
	s6 =	sand.u32 $0x60, s31;
	v20 =	vld.idx.msk [tilespmem:v20+s3+$0x0], $0xffff  }
0x23d: {  	v16 =	vadd.s32 $0x4A38, v6;
	[tilespmem:s0+$0x0] =	vst v27;
	v12 =	vadd.s32 $0x5208, v6;
	v6 =	vadd.s32 $0x59D8, v6;
	s7 =	sor.u32 s21, s1;
	s30 =	sor.u32 s6, s5;
	s1 =	sadd.s32 $0x18F80, s22;
	v27 =	vld.idx.msk [tilespmem:v28+s3+$0x0], $0xffff  }
.LBB2_9:
0x23e: {  	s8 =	sadd.s32 $0x2, s8;
	[tilespmem:s30+$0x0] =	vst v24;
	s30 =	sor.u32 s24, s1;
	s0 =	sor.u32 s23, s1;
	v24 =	vadd.s32 $0x59D8, v1;
	v1 =	vmov v2;
	v2 =	vmov v3;
	v3 =	vld [tilespmem:s28+$0x0]  }
0x23f: {  	v28 =	vld [tilespmem:s28+$0xFFFFFFF0];
	p1 =	slt.u32 s8, $0x3E;
	v29 =	vadd.s32 $0x4650, v2;
	[tilespmem:s0+$0x0] =	vst v23  }
0x240: {  	s0 =	sadd.s32 $0x19100, s19;
	[tilespmem:s29+$0x0] =	vst v21;
	v21 =	vld.idx.msk [tilespmem:v26+s3+$0x0], $0xffff  }
0x241: {  	s1 =	sadd.s32 $0x18E80, s9;
	v23 =	vld.idx.msk [tilespmem:v19+s3+$0x0], $0xffff;
	[tilespmem:s2+$0x0] =	vst v22;
	s2 =	sor.u32 s21, s0;
	s0 =	sor.u32 s20, s0  }
0x242: {  	s5 =	sor.u32 s6, s1;
	s1 =	sor.u32 s26, s1;
	v26 =	vadd.s32 $0x5208, v1;
	v22 =	vld.idx.msk [tilespmem:v16+s3+$0x0], $0xffff;
	[tilespmem:s0+$0x0] =	vst v25;
	v16 =	vmov v18  }
0x243: {  	v25 =	vadd.s32 $0x3E80, v3;
	[tilespmem:s1+$0x0] =	vst v27;
	v27 =	vld.idx.msk [tilespmem:v24+s3+$0x0], $0xffff  }
0x244: {  	s0 =	sadd.s32 $0x19000, s22;
	v24 =	vadd.s32 $0x3E80, v28;
	v19 =	vadd.s32 $0x4268, v28;
	v30 =	vadd.s32 $0x4650, v28;
	v29 =	vld.idx.msk [tilespmem:v29+s3+$0x0], $0xffff;
	[tilespmem:s16+$0x0] =	vst v20;
	s16 =	smov.u32 s2  }
0x245: {  	v18 =	vadd.s32 $0x4A38, v28;
	v20 =	vadd.s32 $0x4E20, v28;
	s2 =	sor.u32 s24, s0;
	s0 =	sor.u32 s23, s0;
	v31 =	vld.idx.msk [tilespmem:v10+s3+$0x0], $0xffff;
	v10 =	vmovc v12;
	v12 =	vmovc v13;
	v13 =	vadd.s32 $0x5208, v28  }
0x246: {  	s4 =	sadd.s32 $0x100, s4;
	v33 =	vadd.s32 $0x4A38, v2;
	v32 =	vadd.s32 $0x55F0, v28;
	v28 =	vadd.s32 $0x59D8, v28;
	[tilespmem:s0+$0x0] =	vst v21;
	v34 =	vld.idx.msk [tilespmem:v4+s3+$0x0], $0xffff;
	v4 =	vmovc v5;
	v5 =	vmovc v6  }
0x247: {  	s0 =	sadd.s32 $0x19180, s19;
	v6 =	vmov v7;
	v7 =	vmov v28;
	s19 =	smov.u32 s22;
	s22 =	smov.u32 s9;
	[tilespmem:s5+$0x0] =	vst v23;
	v35 =	vld.idx.msk [tilespmem:v26+s3+$0x0], $0xffff  }
0x248: {  	s1 =	sadd.s32 $0x18F00, s22;
	s5 =	sor.u32 s21, s0;
	s0 =	sor.u32 s20, s0;
	v25 =	vld.idx.msk [tilespmem:v25+s3+$0x0], $0xffff;
	[tilespmem:s30+$0x0] =	vst v22  }
0x249: {  	v28 =	vadd.s32 $0x55F0, v1;
	s20 =	smov.u32 s23;
	s29 =	sor.u32 s6, s1;
	s1 =	sor.u32 s26, s1;
	v24 =	vld.idx.msk [tilespmem:v24+s3+$0x0], $0xffff;
	[tilespmem:s0+$0x0] =	vst v27  }
0x24a: {  	s10 =	sadd.s32 $0x20, s10;
	s23 =	smov.u32 s26;
	s21 =	smov.u32 s24;
	v27 =	vadd.s32 $0x4268, v3;
	v21 =	vld.idx.msk [tilespmem:v17+s3+$0x0], $0xffff;
	[tilespmem:s1+$0x0] =	vst v29;
	v17 =	vmov v30  }
.Ltmp3:
0x24b: {  	s9 =	sand.u32 $0x1C00, s4;
	s0 =	sadd.s32 $0x19080, s19;
	v23 =	vld.idx.msk [tilespmem:v33+s3+$0x0], $0xffff;
	[tilespmem:s7+$0x0] =	vst v31;
	(pc) =	sbr.rel @p1 .LBB2_9-.Ltmp3, $4  }
0x24c: {  	s26 =	sand.u32 $0x70, s10;
	s1 =	sadd.s32 $0x18E00, s9;
	s24 =	sor.u32 s20, s0;
	v22 =	vld.idx.msk [tilespmem:v14+s3+$0x0], $0xffff;
	[tilespmem:s25+$0x0] =	vst v34;
	v14 =	vmov v15;
	v15 =	vmov v20  }
0x24d: {  	v26 =	vadd.s32 $0x4E20, v2;
	s30 =	sadd.s32 $0xFFFFFFF0, s10;
	s7 =	sor.u32 s21, s0;
	s25 =	sor.u32 s26, s1;
	[tilespmem:s24+$0x0] =	vst v35;
	v20 =	vld.idx.msk [tilespmem:v8+s3+$0x0], $0xffff;
	v8 =	vmovc v9;
	v9 =	vmov v11;
	v11 =	vmov v32  }
0x24e: {  	s24 =	smov.u32 s6;
	s6 =	sand.u32 $0x60, s30;
	[tilespmem:s25+$0x0] =	vst v25;
	v25 =	vld.idx.msk [tilespmem:v28+s3+$0x0], $0xffff;
	s25 =	smov.u32 s5  }
0x24f: {  	s28 =	sadd.s32 $0x20, s28;
	s30 =	sor.u32 s6, s1;
	s1 =	sadd.s32 $0x18F80, s22;
	v27 =	vld.idx.msk [tilespmem:v27+s3+$0x0], $0xffff  }
0x250: {  	_ =	sdelay $0x2  }
0x251: {  	[tilespmem:s30+$0x0] =	vst v24  }
0x252: {  	v24 =	vadd.s32 $0x4650, v3;
	v19 =	vld.idx.msk [tilespmem:v19+s3+$0x0], $0xffff;
	_ =	sdelay $0x1  }
0x253: {  	s0 =	sadd.s32 $0x18E80, s9  }
0x254: {  	s4 =	sor.u32 s26, s0  }
0x255: {  	s0 =	sor.u32 s6, s0;
	[tilespmem:s4+$0x0] =	vst v27  }
0x256: {  	v24 =	vld.idx.msk [tilespmem:v24+s3+$0x0], $0xffff;
	[tilespmem:s0+$0x0] =	vst v19  }
0x257: {  	v27 =	vadd.s32 $0x4A38, v3;
	v17 =	vld.idx.msk [tilespmem:v17+s3+$0x0], $0xffff;
	_ =	sdelay $0x1  }
0x258: {  	s10 =	sadd.s32 $0x18F00, s9;
	[tilespmem:s29+$0x0] =	vst v21  }
0x259: {  	s31 =	sor.u32 s26, s10;
	v16 =	vld.idx.msk [tilespmem:v16+s3+$0x0], $0xffff  }
0x25a: {  	s0 =	sor.u32 s6, s10;
	[tilespmem:s31+$0x0] =	vst v24  }
0x25b: {  	v19 =	vld.idx.msk [tilespmem:v27+s3+$0x0], $0xffff;
	[tilespmem:s0+$0x0] =	vst v17  }
0x25c: {  	v21 =	vadd.s32 $0x4E20, v3;
	v17 =	vld.idx.msk [tilespmem:v18+s3+$0x0], $0xffff  }
0x25d: {  	s31 =	sor.u32 s24, s1  }
0x25e: {  	s5 =	sor.u32 s23, s1;
	s8 =	sadd.s32 $0x18F80, s9;
	[tilespmem:s31+$0x0] =	vst v16  }
0x25f: {  	[tilespmem:s5+$0x0] =	vst v23;
	s10 =	sor.u32 s26, s8;
	v14 =	vld.idx.msk [tilespmem:v14+s3+$0x0], $0xffff  }
0x260: {  	s0 =	sor.u32 s6, s8;
	v18 =	vld.idx.msk [tilespmem:v26+s3+$0x0], $0xffff;
	[tilespmem:s10+$0x0] =	vst v19  }
0x261: {  	v23 =	vadd.s32 $0x5208, v2;
	v16 =	vld.idx.msk [tilespmem:v21+s3+$0x0], $0xffff;
	[tilespmem:s0+$0x0] =	vst v17  }
0x262: {  	[tilespmem:s2+$0x0] =	vst v22;
	s1 =	sadd.s32 $0x19000, s22;
	v19 =	vadd.s32 $0x5208, v3;
	v15 =	vld.idx.msk [tilespmem:v15+s3+$0x0], $0xffff  }
0x263: {  	[tilespmem:s16+$0x0] =	vst v20;
	s5 =	sor.u32 s23, s1;
	s1 =	sor.u32 s24, s1  }
0x264: {  	v1 =	vadd.s32 $0x59D8, v1;
	v10 =	vld.idx.msk [tilespmem:v10+s3+$0x0], $0xffff;
	s10 =	sadd.s32 $0x19000, s9;
	[tilespmem:s1+$0x0] =	vst v14  }
0x265: {  	s31 =	sor.u32 s26, s10;
	[tilespmem:s5+$0x0] =	vst v18;
	v12 =	vld.idx.msk [tilespmem:v12+s3+$0x0], $0xffff  }
0x266: {  	s4 =	sor.u32 s6, s10;
	s0 =	sadd.s32 $0x19100, s19;
	v17 =	vld.idx.msk [tilespmem:v23+s3+$0x0], $0xffff;
	[tilespmem:s31+$0x0] =	vst v16  }
0x267: {  	v18 =	vadd.s32 $0x55F0, v2;
	s8 =	sor.u32 s20, s0;
	v14 =	vld.idx.msk [tilespmem:v19+s3+$0x0], $0xffff;
	[tilespmem:s4+$0x0] =	vst v15  }
0x268: {  	s5 =	sadd.s32 $0x19080, s22;
	[tilespmem:s8+$0x0] =	vst v25;
	v16 =	vadd.s32 $0x55F0, v3;
	v13 =	vld.idx.msk [tilespmem:v13+s3+$0x0], $0xffff  }
0x269: {  	[tilespmem:s7+$0x0] =	vst v10;
	s2 =	sor.u32 s24, s5;
	v1 =	vld.idx.msk [tilespmem:v1+s3+$0x0], $0xffff  }
0x26a: {  	v8 =	vld.idx.msk [tilespmem:v8+s3+$0x0], $0xffff;
	s10 =	sadd.s32 $0x19080, s9;
	s8 =	sor.u32 s23, s5;
	[tilespmem:s2+$0x0] =	vst v12  }
0x26b: {  	s16 =	sor.u32 s26, s10;
	[tilespmem:s8+$0x0] =	vst v17;
	v9 =	vld.idx.msk [tilespmem:v9+s3+$0x0], $0xffff  }
0x26c: {  	s1 =	sor.u32 s6, s10;
	s4 =	sadd.s32 $0x19180, s19;
	v10 =	vld.idx.msk [tilespmem:v18+s3+$0x0], $0xffff;
	[tilespmem:s16+$0x0] =	vst v14  }
0x26d: {  	v2 =	vadd.s32 $0x59D8, v2;
	s19 =	sor.u32 s20, s4;
	v12 =	vld.idx.msk [tilespmem:v16+s3+$0x0], $0xffff;
	[tilespmem:s1+$0x0] =	vst v13  }
0x26e: {  	s0 =	sor.u32 s21, s0;
	s5 =	sadd.s32 $0x19100, s22;
	v3 =	vadd.s32 $0x59D8, v3;
	[tilespmem:s19+$0x0] =	vst v1;
	v1 =	vld.idx.msk [tilespmem:v11+s3+$0x0], $0xffff  }
0x26f: {  	v4 =	vld.idx.msk [tilespmem:v4+s3+$0x0], $0xffff;
	[tilespmem:s0+$0x0] =	vst v8;
	s7 =	sor.u32 s24, s5  }
0x270: {  	v5 =	vld.idx.msk [tilespmem:v5+s3+$0x0], $0xffff;
	s31 =	sadd.s32 $0x19100, s9;
	s20 =	sor.u32 s23, s5;
	[tilespmem:s7+$0x0] =	vst v9  }
0x271: {  	s2 =	sor.u32 s26, s31;
	[tilespmem:s20+$0x0] =	vst v10;
	v6 =	vld.idx.msk [tilespmem:v6+s3+$0x0], $0xffff  }
0x272: {  	s8 =	sor.u32 s6, s31;
	v2 =	vld.idx.msk [tilespmem:v2+s3+$0x0], $0xffff;
	[tilespmem:s2+$0x0] =	vst v12  }
0x273: {  	v3 =	vld.idx.msk [tilespmem:v3+s3+$0x0], $0xffff;
	[tilespmem:s8+$0x0] =	vst v1  }
0x274: {  	[tilespmem:s25+$0x0] =	vst v4;
	s10 =	sadd.s32 $0x19180, s22;
	s19 =	sor.u32 s21, s4;
	v1 =	vld.idx.msk [tilespmem:v7+s3+$0x0], $0xffff  }
0x275: {  	[tilespmem:s19+$0x0] =	vst v5;
	s1 =	sor.u32 s24, s10  }
0x276: {  	s16 =	sor.u32 s23, s10;
	s20 =	sadd.s32 $0x19180, s9;
	[tilespmem:s1+$0x0] =	vst v6  }
0x277: {  	s21 =	sor.u32 s26, s20;
	[tilespmem:s16+$0x0] =	vst v2  }
0x278: {  	s0 =	sor.u32 s6, s20;
	[tilespmem:s21+$0x0] =	vst v3  }
0x279: {  	[tilespmem:s0+$0x0] =	vst v1  }
0x27a: {  	s0 =	rddreg [dreg:$0x1c]  }
0x27b: {  	s0 =	sadd.s32 s18, s0  }
0x27c: {  	[hbm4b:s0+s3] =	stream.linear.scatter [tilespmem:s13], [sflag:$0x2], $0x2000, $0x38;
	[tilespmem:$0x1CE00] =	vst v63  }
0x27d: {  	s0 =	simm.s32 @!p0 $0x2  }
0x27e: {  	_ =	swait.ge @!p0 [sflag:s0], $0x2000  }
0x27f: {  	[sflag:s0] =	ssyncset.done @!p0 $0x0  }
0x280: {  	s22 =	simm.s32 $0x14A10;
	[sflag:s0] =	ssyncadd.s32 @!p0 $0xFFFFE000  }
0x281: {  	v7 =	vld [tilespmem:s22+$0x0];
	_ =	sdelay $0x4  }
0x282: {  	v1 =	vadd.s32 $0x5DC0, v7;
	_ =	sdelay $0x4  }
0x283: {  	v1 =	vld.idx.msk [tilespmem:v1+s3+$0x0], $0xffff  }
0x284: {  	s23 =	simm.s32 $0x0;
	v2 =	vadd.s32 $0x61A8, v7  }
0x285: {  	s24 =	simm.s32 $0x10;
	s2 =	sand.u32 $0x1C00, s23  }
0x286: {  	s6 =	sand.u32 $0x70, s24;
	s1 =	sadd.s32 $0x1AE00, s2;
	v4 =	vld [tilespmem:s22+$0xFFFFFFF0]  }
0x287: {  	s26 =	simm.s32 $0x14A30;
	s25 =	sor.u32 s6, s1  }
0x288: {  	[tilespmem:s25+$0x0] =	vst v1;
	v1 =	vld [tilespmem:s26+$0x0]  }
0x289: {  	v2 =	vld.idx.msk [tilespmem:v2+s3+$0x0], $0xffff  }
0x28a: {  	v3 =	vadd.s32 $0x6590, v7  }
0x28b: {  	v6 =	vadd.s32 $0x5DC0, v4  }
0x28c: {  	s31 =	sadd.s32 $0x1AE80, s2;
	v5 =	vld [tilespmem:s26+$0xFFFFFFF0]  }
0x28d: {  	s10 =	sor.u32 s6, s31  }
0x28e: {  	v8 =	vadd.s32 $0x5DC0, v1;
	[tilespmem:s10+$0x0] =	vst v2  }
0x28f: {  	v2 =	vld.idx.msk [tilespmem:v3+s3+$0x0], $0xffff  }
0x290: {  	v3 =	vld.idx.msk [tilespmem:v6+s3+$0x0], $0xffff;
	v6 =	vadd.s32 $0x6978, v7  }
0x291: {  	v10 =	vadd.s32 $0x5DC0, v5  }
0x292: {  	s16 =	simm.s32 $0x0;
	s8 =	sadd.s32 $0x1AF00, s2;
	v9 =	vadd.s32 $0x61A8, v4  }
0x293: {  	s4 =	sand.u32 $0x60, s16;
	s19 =	sor.u32 s6, s8;
	v8 =	vld.idx.msk [tilespmem:v8+s3+$0x0], $0xffff  }
0x294: {  	s20 =	simm.s32 $0x100;
	s1 =	sor.u32 s4, s1;
	v11 =	vadd.s32 $0x61A8, v1;
	[tilespmem:s19+$0x0] =	vst v2  }
0x295: {  	s21 =	simm.s32 $0x30;
	[tilespmem:s1+$0x0] =	vst v3;
	s19 =	sand.u32 $0x1C00, s20;
	v3 =	vld.idx.msk [tilespmem:v6+s3+$0x0], $0xffff  }
0x296: {  	v12 =	vadd.s32 $0x6D60, v7;
	v10 =	vld.idx.msk [tilespmem:v10+s3+$0x0], $0xffff;
	s20 =	sand.u32 $0x70, s21;
	s22 =	sadd.s32 $0x1AE00, s19  }
0x297: {  	s23 =	simm.s32 $0x14A50;
	v9 =	vld.idx.msk [tilespmem:v9+s3+$0x0], $0xffff;
	s0 =	sor.u32 s20, s22  }
0x298: {  	v13 =	vadd.s32 $0x6590, v4;
	v2 =	vld [tilespmem:s23+$0x0];
	[tilespmem:s0+$0x0] =	vst v8;
	s0 =	sadd.s32 $0x1AF80, s2  }
0x299: {  	v8 =	vld.idx.msk [tilespmem:v11+s3+$0x0], $0xffff;
	s24 =	sor.u32 s6, s0;
	v11 =	vadd.s32 $0x61A8, v5  }
0x29a: {  	s25 =	simm.s32 $0x20;
	[tilespmem:s24+$0x0] =	vst v3;
	v3 =	vadd.s32 $0x6590, v1  }
0x29b: {  	s5 =	sor.u32 s4, s31;
	s21 =	sand.u32 $0x60, s25;
	v12 =	vld.idx.msk [tilespmem:v12+s3+$0x0], $0xffff  }
0x29c: {  	v6 =	vld [tilespmem:s23+$0xFFFFFFF0];
	s26 =	sadd.s32 $0x1AE80, s19;
	s1 =	sor.u32 s21, s22;
	[tilespmem:s5+$0x0] =	vst v9;
	v9 =	vadd.s32 $0x7148, v7  }
0x29d: {  	s31 =	sor.u32 s20, s26;
	[tilespmem:s1+$0x0] =	vst v10;
	v14 =	vadd.s32 $0x5DC0, v2;
	v13 =	vld.idx.msk [tilespmem:v13+s3+$0x0], $0xffff  }
0x29e: {  	s7 =	sadd.s32 $0x1B000, s2;
	v15 =	vadd.s32 $0x6978, v4;
	v10 =	vld.idx.msk [tilespmem:v11+s3+$0x0], $0xffff;
	[tilespmem:s31+$0x0] =	vst v8  }
0x29f: {  	s9 =	sor.u32 s6, s7;
	s25 =	simm.s32 $0x14A70;
	v11 =	vadd.s32 $0x6590, v5;
	v3 =	vld.idx.msk [tilespmem:v3+s3+$0x0], $0xffff  }
0x2a0: {  	v26 =	vld [tilespmem:s25+$0xFFFFFFF0];
	[tilespmem:s9+$0x0] =	vst v12;
	v12 =	vadd.s32 $0x6978, v1  }
0x2a1: {  	s10 =	sor.u32 s4, s8;
	v8 =	vadd.s32 $0x5DC0, v6;
	v9 =	vld.idx.msk [tilespmem:v9+s3+$0x0], $0xffff  }
0x2a2: {  	s1 =	sadd.s32 $0x1AF00, s19;
	s5 =	sor.u32 s21, s26;
	[tilespmem:s10+$0x0] =	vst v13;
	v13 =	vld.idx.msk [tilespmem:v14+s3+$0x0], $0xffff;
	v14 =	vadd.s32 $0x7530, v7  }
0x2a3: {  	s22 =	simm.s32 $0x200;
	s16 =	sor.u32 s20, s1;
	v15 =	vld.idx.msk [tilespmem:v15+s3+$0x0], $0xffff;
	[tilespmem:s5+$0x0] =	vst v10  }
0x2a4: {  	s23 =	simm.s32 $0x50;
	s22 =	sand.u32 $0x1C00, s22;
	v16 =	vadd.s32 $0x61A8, v2;
	s9 =	sadd.s32 $0x1B080, s2;
	v10 =	vld.idx.msk [tilespmem:v11+s3+$0x0], $0xffff;
	[tilespmem:s16+$0x0] =	vst v3  }
0x2a5: {  	s23 =	sand.u32 $0x70, s23;
	s8 =	sadd.s32 $0x1AE00, s22;
	s24 =	sor.u32 s6, s9;
	v11 =	vadd.s32 $0x6D60, v4;
	v12 =	vld.idx.msk [tilespmem:v12+s3+$0x0], $0xffff  }
0x2a6: {  	s10 =	sor.u32 s23, s8;
	v8 =	vld.idx.msk [tilespmem:v8+s3+$0x0], $0xffff;
	[tilespmem:s24+$0x0] =	vst v9;
	v9 =	vadd.s32 $0x6D60, v1  }
0x2a7: {  	[tilespmem:s10+$0x0] =	vst v13;
	v13 =	vld.idx.msk [tilespmem:v14+s3+$0x0], $0xffff;
	v14 =	vadd.s32 $0x61A8, v6  }
0x2a8: {  	v17 =	vadd.s32 $0x6978, v5;
	s0 =	sor.u32 s4, s0;
	s26 =	simm.s32 $0x40;
	s16 =	sadd.s32 $0x1AF80, s19;
	v3 =	vld [tilespmem:s25+$0x0]  }
0x2a9: {  	v7 =	vadd.s32 $0x7918, v7;
	s31 =	sor.u32 s20, s16;
	v16 =	vld.idx.msk [tilespmem:v16+s3+$0x0], $0xffff;
	[tilespmem:s0+$0x0] =	vst v15;
	s24 =	sand.u32 $0x60, s26  }
0x2aa: {  	v15 =	vadd.s32 $0x6590, v2;
	s10 =	sor.u32 s24, s8;
	v11 =	vld.idx.msk [tilespmem:v11+s3+$0x0], $0xffff;
	[tilespmem:s31+$0x0] =	vst v12  }
0x2ab: {  	s25 =	sor.u32 s21, s1;
	s1 =	sadd.s32 $0x1B100, s2;
	[tilespmem:s10+$0x0] =	vst v8;
	v12 =	vadd.s32 $0x7148, v4;
	v8 =	vld.idx.msk [tilespmem:v9+s3+$0x0], $0xffff  }
0x2ac: {  	s0 =	sadd.s32 $0x1AE80, s22;
	s26 =	sor.u32 s6, s1;
	[tilespmem:s25+$0x0] =	vst v10;
	v10 =	vadd.s32 $0x7148, v1;
	v9 =	vld.idx.msk [tilespmem:v14+s3+$0x0], $0xffff  }
0x2ad: {  	s31 =	sor.u32 s23, s0;
	v14 =	vld.idx.msk [tilespmem:v17+s3+$0x0], $0xffff;
	[tilespmem:s26+$0x0] =	vst v13;
	v13 =	vadd.s32 $0x5DC0, v3  }
0x2ae: {  	s10 =	sor.u32 s4, s7;
	s25 =	sadd.s32 $0x1B000, s19;
	[tilespmem:s31+$0x0] =	vst v16;
	v27 =	vld.idx.msk [tilespmem:v7+s3+$0x0], $0xffff;
	v7 =	vadd.s32 $0x5DC0, v26  }
0x2af: {  	s8 =	sor.u32 s20, s25;
	[tilespmem:s10+$0x0] =	vst v11;
	v11 =	vld.idx.msk [tilespmem:v15+s3+$0x0], $0xffff  }
0x2b0: {  	v16 =	vadd.s32 $0x6590, v6;
	v15 =	vld.idx.msk [tilespmem:v12+s3+$0x0], $0xffff;
	[tilespmem:s8+$0x0] =	vst v8  }
0x2b1: {  	s28 =	sadd.s32 $0x1AF00, s22;
	v17 =	vadd.s32 $0x6D60, v5;
	v18 =	vld.idx.msk [tilespmem:v10+s3+$0x0], $0xffff  }
0x2b2: {  	s5 =	sor.u32 s4, s9;
	s0 =	sor.u32 s24, s0;
	s31 =	sadd.s32 $0x1B180, s2;
	v12 =	vadd.s32 $0x6978, v2;
	v25 =	vld.idx.msk [tilespmem:v13+s3+$0x0], $0xffff  }
0x2b3: {  	s2 =	sor.u32 s21, s25;
	s26 =	sor.u32 s23, s28;
	s10 =	sor.u32 s21, s16;
	[tilespmem:s0+$0x0] =	vst v9;
	v24 =	vld.idx.msk [tilespmem:v7+s3+$0x0], $0xffff;
	v7 =	vadd.s32 $0x7530, v1  }
0x2b4: {  	v20 =	vadd.s32 $0x7530, v4;
	s25 =	sor.u32 s4, s31;
	s16 =	sor.u32 s4, s1;
	s4 =	simm.s32 $0x300;
	[tilespmem:s10+$0x0] =	vst v14  }
0x2b5: {  	v19 =	vadd.s32 $0x61A8, v26;
	v28 =	vadd.s32 $0x61A8, v3;
	v4 =	vadd.s32 $0x7918, v4;
	s1 =	sadd.s32 $0x1B080, s19;
	s9 =	sand.u32 $0x1C00, s4;
	s10 =	simm.s32 $0x70;
	v21 =	vld.idx.msk [tilespmem:v16+s3+$0x0], $0xffff;
	[tilespmem:s26+$0x0] =	vst v11  }
0x2b6: {  	s7 =	sor.u32 s20, s1;
	v8 =	vadd.s32 $0x7530, v5;
	v10 =	vadd.s32 $0x7148, v5;
	v13 =	vadd.s32 $0x7148, v26;
	s26 =	sand.u32 $0x70, s10;
	v22 =	vld.idx.msk [tilespmem:v17+s3+$0x0], $0xffff;
	[tilespmem:s5+$0x0] =	vst v15;
	s5 =	sadd.s32 $0x1AE00, s9  }
0x2b7: {  	v17 =	vadd.s32 $0x6590, v26;
	v11 =	vadd.s32 $0x7530, v26;
	v23 =	vld.idx.msk [tilespmem:v12+s3+$0x0], $0xffff;
	v15 =	vadd.s32 $0x6D60, v26;
	s30 =	sor.u32 s26, s5;
	[tilespmem:s7+$0x0] =	vst v18  }
0x2b8: {  	s29 =	sor.u32 s24, s28;
	s0 =	sor.u32 s6, s31;
	s31 =	simm.s32 $0x60;
	v18 =	vadd.s32 $0x6978, v26;
	[tilespmem:s30+$0x0] =	vst v25;
	v25 =	vld.idx.msk [tilespmem:v7+s3+$0x0], $0xffff;
	v7 =	vadd.s32 $0x7918, v26;
	v26 =	vadd.s32 $0x6D60, v2  }
0x2b9: {  	s28 =	simm.s32 $0x14A90;
	s8 =	simm.s32 $0x6;
	v5 =	vadd.s32 $0x7918, v5;
	v14 =	vadd.s32 $0x6D60, v6;
	v9 =	vadd.s32 $0x7530, v6;
	s6 =	sand.u32 $0x60, s31;
	v20 =	vld.idx.msk [tilespmem:v20+s3+$0x0], $0xffff  }
0x2ba: {  	v16 =	vadd.s32 $0x6978, v6;
	[tilespmem:s0+$0x0] =	vst v27;
	v12 =	vadd.s32 $0x7148, v6;
	v6 =	vadd.s32 $0x7918, v6;
	s7 =	sor.u32 s21, s1;
	s30 =	sor.u32 s6, s5;
	s1 =	sadd.s32 $0x1AF80, s22;
	v27 =	vld.idx.msk [tilespmem:v28+s3+$0x0], $0xffff  }
.LBB2_11:
0x2bb: {  	s8 =	sadd.s32 $0x2, s8;
	[tilespmem:s30+$0x0] =	vst v24;
	s30 =	sor.u32 s24, s1;
	s0 =	sor.u32 s23, s1;
	v24 =	vadd.s32 $0x7918, v1;
	v1 =	vmov v2;
	v2 =	vmov v3;
	v3 =	vld [tilespmem:s28+$0x0]  }
0x2bc: {  	v28 =	vld [tilespmem:s28+$0xFFFFFFF0];
	p0 =	slt.u32 s8, $0x3E;
	v29 =	vadd.s32 $0x6590, v2;
	[tilespmem:s0+$0x0] =	vst v23  }
0x2bd: {  	s0 =	sadd.s32 $0x1B100, s19;
	[tilespmem:s29+$0x0] =	vst v21;
	v21 =	vld.idx.msk [tilespmem:v26+s3+$0x0], $0xffff  }
0x2be: {  	s1 =	sadd.s32 $0x1AE80, s9;
	v23 =	vld.idx.msk [tilespmem:v19+s3+$0x0], $0xffff;
	[tilespmem:s2+$0x0] =	vst v22;
	s2 =	sor.u32 s21, s0;
	s0 =	sor.u32 s20, s0  }
0x2bf: {  	s5 =	sor.u32 s6, s1;
	s1 =	sor.u32 s26, s1;
	v26 =	vadd.s32 $0x7148, v1;
	v22 =	vld.idx.msk [tilespmem:v16+s3+$0x0], $0xffff;
	[tilespmem:s0+$0x0] =	vst v25;
	v16 =	vmov v18  }
0x2c0: {  	v25 =	vadd.s32 $0x5DC0, v3;
	[tilespmem:s1+$0x0] =	vst v27;
	v27 =	vld.idx.msk [tilespmem:v24+s3+$0x0], $0xffff  }
0x2c1: {  	s0 =	sadd.s32 $0x1B000, s22;
	v24 =	vadd.s32 $0x5DC0, v28;
	v19 =	vadd.s32 $0x61A8, v28;
	v30 =	vadd.s32 $0x6590, v28;
	v29 =	vld.idx.msk [tilespmem:v29+s3+$0x0], $0xffff;
	[tilespmem:s16+$0x0] =	vst v20;
	s16 =	smov.u32 s2  }
0x2c2: {  	v18 =	vadd.s32 $0x6978, v28;
	v20 =	vadd.s32 $0x6D60, v28;
	s2 =	sor.u32 s24, s0;
	s0 =	sor.u32 s23, s0;
	v31 =	vld.idx.msk [tilespmem:v10+s3+$0x0], $0xffff;
	v10 =	vmovc v12;
	v12 =	vmovc v13;
	v13 =	vadd.s32 $0x7148, v28  }
0x2c3: {  	s4 =	sadd.s32 $0x100, s4;
	v33 =	vadd.s32 $0x6978, v2;
	v32 =	vadd.s32 $0x7530, v28;
	v28 =	vadd.s32 $0x7918, v28;
	[tilespmem:s0+$0x0] =	vst v21;
	v34 =	vld.idx.msk [tilespmem:v4+s3+$0x0], $0xffff;
	v4 =	vmovc v5;
	v5 =	vmovc v6  }
0x2c4: {  	s0 =	sadd.s32 $0x1B180, s19;
	v6 =	vmov v7;
	v7 =	vmov v28;
	s19 =	smov.u32 s22;
	s22 =	smov.u32 s9;
	[tilespmem:s5+$0x0] =	vst v23;
	v35 =	vld.idx.msk [tilespmem:v26+s3+$0x0], $0xffff  }
0x2c5: {  	s1 =	sadd.s32 $0x1AF00, s22;
	s5 =	sor.u32 s21, s0;
	s0 =	sor.u32 s20, s0;
	v25 =	vld.idx.msk [tilespmem:v25+s3+$0x0], $0xffff;
	[tilespmem:s30+$0x0] =	vst v22  }
0x2c6: {  	v28 =	vadd.s32 $0x7530, v1;
	s20 =	smov.u32 s23;
	s29 =	sor.u32 s6, s1;
	s1 =	sor.u32 s26, s1;
	v24 =	vld.idx.msk [tilespmem:v24+s3+$0x0], $0xffff;
	[tilespmem:s0+$0x0] =	vst v27  }
0x2c7: {  	s10 =	sadd.s32 $0x20, s10;
	s23 =	smov.u32 s26;
	s21 =	smov.u32 s24;
	v27 =	vadd.s32 $0x61A8, v3;
	v21 =	vld.idx.msk [tilespmem:v17+s3+$0x0], $0xffff;
	[tilespmem:s1+$0x0] =	vst v29;
	v17 =	vmov v30  }
.Ltmp4:
0x2c8: {  	s9 =	sand.u32 $0x1C00, s4;
	s0 =	sadd.s32 $0x1B080, s19;
	v23 =	vld.idx.msk [tilespmem:v33+s3+$0x0], $0xffff;
	[tilespmem:s7+$0x0] =	vst v31;
	(pc) =	sbr.rel @p0 .LBB2_11-.Ltmp4, $4  }
0x2c9: {  	s26 =	sand.u32 $0x70, s10;
	s1 =	sadd.s32 $0x1AE00, s9;
	s24 =	sor.u32 s20, s0;
	v22 =	vld.idx.msk [tilespmem:v14+s3+$0x0], $0xffff;
	[tilespmem:s25+$0x0] =	vst v34;
	v14 =	vmov v15;
	v15 =	vmov v20  }
0x2ca: {  	v26 =	vadd.s32 $0x6D60, v2;
	s30 =	sadd.s32 $0xFFFFFFF0, s10;
	s7 =	sor.u32 s21, s0;
	s25 =	sor.u32 s26, s1;
	[tilespmem:s24+$0x0] =	vst v35;
	v20 =	vld.idx.msk [tilespmem:v8+s3+$0x0], $0xffff;
	v8 =	vmovc v9;
	v9 =	vmov v11;
	v11 =	vmov v32  }
0x2cb: {  	s24 =	smov.u32 s6;
	s6 =	sand.u32 $0x60, s30;
	[tilespmem:s25+$0x0] =	vst v25;
	v25 =	vld.idx.msk [tilespmem:v28+s3+$0x0], $0xffff;
	s25 =	smov.u32 s5  }
0x2cc: {  	s28 =	sadd.s32 $0x20, s28;
	s30 =	sor.u32 s6, s1;
	s1 =	sadd.s32 $0x1AF80, s22;
	v27 =	vld.idx.msk [tilespmem:v27+s3+$0x0], $0xffff  }
0x2cd: {  	_ =	sdelay $0x2  }
0x2ce: {  	[tilespmem:s30+$0x0] =	vst v24  }
0x2cf: {  	v24 =	vadd.s32 $0x6590, v3;
	v19 =	vld.idx.msk [tilespmem:v19+s3+$0x0], $0xffff;
	_ =	sdelay $0x1  }
0x2d0: {  	s0 =	sadd.s32 $0x1AE80, s9  }
0x2d1: {  	s4 =	sor.u32 s26, s0  }
0x2d2: {  	s0 =	sor.u32 s6, s0;
	[tilespmem:s4+$0x0] =	vst v27  }
0x2d3: {  	v24 =	vld.idx.msk [tilespmem:v24+s3+$0x0], $0xffff;
	[tilespmem:s0+$0x0] =	vst v19  }
0x2d4: {  	v27 =	vadd.s32 $0x6978, v3;
	v17 =	vld.idx.msk [tilespmem:v17+s3+$0x0], $0xffff;
	_ =	sdelay $0x1  }
0x2d5: {  	s10 =	sadd.s32 $0x1AF00, s9;
	[tilespmem:s29+$0x0] =	vst v21  }
0x2d6: {  	s31 =	sor.u32 s26, s10;
	v16 =	vld.idx.msk [tilespmem:v16+s3+$0x0], $0xffff  }
0x2d7: {  	s0 =	sor.u32 s6, s10;
	[tilespmem:s31+$0x0] =	vst v24  }
0x2d8: {  	v19 =	vld.idx.msk [tilespmem:v27+s3+$0x0], $0xffff;
	[tilespmem:s0+$0x0] =	vst v17  }
0x2d9: {  	v21 =	vadd.s32 $0x6D60, v3;
	v17 =	vld.idx.msk [tilespmem:v18+s3+$0x0], $0xffff  }
0x2da: {  	s31 =	sor.u32 s24, s1  }
0x2db: {  	s5 =	sor.u32 s23, s1;
	s8 =	sadd.s32 $0x1AF80, s9;
	[tilespmem:s31+$0x0] =	vst v16  }
0x2dc: {  	[tilespmem:s5+$0x0] =	vst v23;
	s10 =	sor.u32 s26, s8;
	v14 =	vld.idx.msk [tilespmem:v14+s3+$0x0], $0xffff  }
0x2dd: {  	s0 =	sor.u32 s6, s8;
	v18 =	vld.idx.msk [tilespmem:v26+s3+$0x0], $0xffff;
	[tilespmem:s10+$0x0] =	vst v19  }
0x2de: {  	v23 =	vadd.s32 $0x7148, v2;
	v16 =	vld.idx.msk [tilespmem:v21+s3+$0x0], $0xffff;
	[tilespmem:s0+$0x0] =	vst v17  }
0x2df: {  	[tilespmem:s2+$0x0] =	vst v22;
	s1 =	sadd.s32 $0x1B000, s22;
	v19 =	vadd.s32 $0x7148, v3;
	v15 =	vld.idx.msk [tilespmem:v15+s3+$0x0], $0xffff  }
0x2e0: {  	[tilespmem:s16+$0x0] =	vst v20;
	s5 =	sor.u32 s23, s1;
	s1 =	sor.u32 s24, s1  }
0x2e1: {  	v1 =	vadd.s32 $0x7918, v1;
	v10 =	vld.idx.msk [tilespmem:v10+s3+$0x0], $0xffff;
	s10 =	sadd.s32 $0x1B000, s9;
	[tilespmem:s1+$0x0] =	vst v14  }
0x2e2: {  	s31 =	sor.u32 s26, s10;
	[tilespmem:s5+$0x0] =	vst v18;
	v12 =	vld.idx.msk [tilespmem:v12+s3+$0x0], $0xffff  }
0x2e3: {  	s4 =	sor.u32 s6, s10;
	s0 =	sadd.s32 $0x1B100, s19;
	v17 =	vld.idx.msk [tilespmem:v23+s3+$0x0], $0xffff;
	[tilespmem:s31+$0x0] =	vst v16  }
0x2e4: {  	v18 =	vadd.s32 $0x7530, v2;
	s8 =	sor.u32 s20, s0;
	v14 =	vld.idx.msk [tilespmem:v19+s3+$0x0], $0xffff;
	[tilespmem:s4+$0x0] =	vst v15  }
0x2e5: {  	s5 =	sadd.s32 $0x1B080, s22;
	[tilespmem:s8+$0x0] =	vst v25;
	v16 =	vadd.s32 $0x7530, v3;
	v13 =	vld.idx.msk [tilespmem:v13+s3+$0x0], $0xffff  }
0x2e6: {  	[tilespmem:s7+$0x0] =	vst v10;
	s2 =	sor.u32 s24, s5;
	v1 =	vld.idx.msk [tilespmem:v1+s3+$0x0], $0xffff  }
0x2e7: {  	v8 =	vld.idx.msk [tilespmem:v8+s3+$0x0], $0xffff;
	s10 =	sadd.s32 $0x1B080, s9;
	s8 =	sor.u32 s23, s5;
	[tilespmem:s2+$0x0] =	vst v12  }
0x2e8: {  	s16 =	sor.u32 s26, s10;
	[tilespmem:s8+$0x0] =	vst v17;
	v9 =	vld.idx.msk [tilespmem:v9+s3+$0x0], $0xffff  }
0x2e9: {  	s1 =	sor.u32 s6, s10;
	s4 =	sadd.s32 $0x1B180, s19;
	v10 =	vld.idx.msk [tilespmem:v18+s3+$0x0], $0xffff;
	[tilespmem:s16+$0x0] =	vst v14  }
0x2ea: {  	v2 =	vadd.s32 $0x7918, v2;
	s19 =	sor.u32 s20, s4;
	v12 =	vld.idx.msk [tilespmem:v16+s3+$0x0], $0xffff;
	[tilespmem:s1+$0x0] =	vst v13  }
0x2eb: {  	s0 =	sor.u32 s21, s0;
	s5 =	sadd.s32 $0x1B100, s22;
	v3 =	vadd.s32 $0x7918, v3;
	[tilespmem:s19+$0x0] =	vst v1;
	v1 =	vld.idx.msk [tilespmem:v11+s3+$0x0], $0xffff  }
0x2ec: {  	v4 =	vld.idx.msk [tilespmem:v4+s3+$0x0], $0xffff;
	[tilespmem:s0+$0x0] =	vst v8;
	s7 =	sor.u32 s24, s5  }
0x2ed: {  	v5 =	vld.idx.msk [tilespmem:v5+s3+$0x0], $0xffff;
	s31 =	sadd.s32 $0x1B100, s9;
	s20 =	sor.u32 s23, s5;
	[tilespmem:s7+$0x0] =	vst v9  }
0x2ee: {  	s2 =	sor.u32 s26, s31;
	[tilespmem:s20+$0x0] =	vst v10;
	v6 =	vld.idx.msk [tilespmem:v6+s3+$0x0], $0xffff  }
0x2ef: {  	s8 =	sor.u32 s6, s31;
	v2 =	vld.idx.msk [tilespmem:v2+s3+$0x0], $0xffff;
	[tilespmem:s2+$0x0] =	vst v12  }
0x2f0: {  	v3 =	vld.idx.msk [tilespmem:v3+s3+$0x0], $0xffff;
	[tilespmem:s8+$0x0] =	vst v1  }
0x2f1: {  	[tilespmem:s25+$0x0] =	vst v4;
	s10 =	sadd.s32 $0x1B180, s22;
	s19 =	sor.u32 s21, s4;
	v1 =	vld.idx.msk [tilespmem:v7+s3+$0x0], $0xffff  }
0x2f2: {  	[tilespmem:s19+$0x0] =	vst v5;
	s1 =	sor.u32 s24, s10  }
0x2f3: {  	s16 =	sor.u32 s23, s10;
	s20 =	sadd.s32 $0x1B180, s9;
	[tilespmem:s1+$0x0] =	vst v6  }
0x2f4: {  	s21 =	sor.u32 s26, s20;
	[tilespmem:s16+$0x0] =	vst v2  }
0x2f5: {  	s0 =	sor.u32 s6, s20;
	[tilespmem:s21+$0x0] =	vst v3  }
0x2f6: {  	[tilespmem:s0+$0x0] =	vst v1  }
0x2f7: {  	s0 =	rddreg [dreg:$0x1d]  }
0x2f8: {  	s22 =	simm.s32 $0x0;
	s0 =	sadd.s32 s18, s0  }
0x2f9: {  	[hbm4b:s0+s22] =	stream.linear.scatter [tilespmem:s14], [sflag:$0x2], $0x2000, $0x38;
	[tilespmem:$0x1CE00] =	vst v63  }
0x2fa: {  	_ =	swait.ge [sflag:s15], $0x2000  }
0x2fb: {  	[sflag:s15] =	ssyncset.done $0x0  }
0x2fc: {  	s23 =	simm.s32 $0x14A10;
	[sflag:s15] =	ssyncadd.s32 $0xFFFFE000  }
0x2fd: {  	v7 =	vld [tilespmem:s23+$0x0];
	_ =	sdelay $0x4  }
0x2fe: {  	v1 =	vadd.s32 $0x7D00, v7;
	_ =	sdelay $0x4  }
0x2ff: {  	v1 =	vld.idx.msk [tilespmem:v1+s3+$0x0], $0xffff  }
0x300: {  	v2 =	vadd.s32 $0x80E8, v7  }
0x301: {  	s24 =	simm.s32 $0x10;
	s2 =	sand.u32 $0x1C00, s22  }
0x302: {  	s6 =	sand.u32 $0x70, s24;
	s1 =	sadd.s32 $0x14E00, s2;
	v4 =	vld [tilespmem:s23+$0xFFFFFFF0]  }
0x303: {  	s26 =	simm.s32 $0x14A30;
	s25 =	sor.u32 s6, s1  }
0x304: {  	[tilespmem:s25+$0x0] =	vst v1;
	v1 =	vld [tilespmem:s26+$0x0]  }
0x305: {  	v2 =	vld.idx.msk [tilespmem:v2+s3+$0x0], $0xffff  }
0x306: {  	v3 =	vadd.s32 $0x84D0, v7  }
0x307: {  	v6 =	vadd.s32 $0x7D00, v4  }
0x308: {  	s31 =	sadd.s32 $0x14E80, s2;
	v5 =	vld [tilespmem:s26+$0xFFFFFFF0]  }
0x309: {  	s10 =	sor.u32 s6, s31  }
0x30a: {  	v8 =	vadd.s32 $0x7D00, v1;
	[tilespmem:s10+$0x0] =	vst v2  }
0x30b: {  	v2 =	vld.idx.msk [tilespmem:v3+s3+$0x0], $0xffff  }
0x30c: {  	v3 =	vld.idx.msk [tilespmem:v6+s3+$0x0], $0xffff;
	v6 =	vadd.s32 $0x88B8, v7  }
0x30d: {  	v10 =	vadd.s32 $0x7D00, v5  }
0x30e: {  	s16 =	simm.s32 $0x0;
	s8 =	sadd.s32 $0x14F00, s2;
	v9 =	vadd.s32 $0x80E8, v4  }
0x30f: {  	s4 =	sand.u32 $0x60, s16;
	s19 =	sor.u32 s6, s8;
	v8 =	vld.idx.msk [tilespmem:v8+s3+$0x0], $0xffff  }
0x310: {  	s20 =	simm.s32 $0x100;
	s1 =	sor.u32 s4, s1;
	v11 =	vadd.s32 $0x80E8, v1;
	[tilespmem:s19+$0x0] =	vst v2  }
0x311: {  	s21 =	simm.s32 $0x30;
	[tilespmem:s1+$0x0] =	vst v3;
	s19 =	sand.u32 $0x1C00, s20;
	v3 =	vld.idx.msk [tilespmem:v6+s3+$0x0], $0xffff  }
0x312: {  	v12 =	vadd.s32 $0x8CA0, v7;
	v10 =	vld.idx.msk [tilespmem:v10+s3+$0x0], $0xffff;
	s20 =	sand.u32 $0x70, s21;
	s22 =	sadd.s32 $0x14E00, s19  }
0x313: {  	s23 =	simm.s32 $0x14A50;
	v9 =	vld.idx.msk [tilespmem:v9+s3+$0x0], $0xffff;
	s0 =	sor.u32 s20, s22  }
0x314: {  	v13 =	vadd.s32 $0x84D0, v4;
	v2 =	vld [tilespmem:s23+$0x0];
	[tilespmem:s0+$0x0] =	vst v8;
	s0 =	sadd.s32 $0x14F80, s2  }
0x315: {  	v8 =	vld.idx.msk [tilespmem:v11+s3+$0x0], $0xffff;
	s24 =	sor.u32 s6, s0;
	v11 =	vadd.s32 $0x80E8, v5  }
0x316: {  	s25 =	simm.s32 $0x20;
	[tilespmem:s24+$0x0] =	vst v3;
	v3 =	vadd.s32 $0x84D0, v1  }
0x317: {  	s5 =	sor.u32 s4, s31;
	s21 =	sand.u32 $0x60, s25;
	v12 =	vld.idx.msk [tilespmem:v12+s3+$0x0], $0xffff  }
0x318: {  	v6 =	vld [tilespmem:s23+$0xFFFFFFF0];
	s26 =	sadd.s32 $0x14E80, s19;
	s1 =	sor.u32 s21, s22;
	[tilespmem:s5+$0x0] =	vst v9;
	v9 =	vadd.s32 $0x9088, v7  }
0x319: {  	s31 =	sor.u32 s20, s26;
	[tilespmem:s1+$0x0] =	vst v10;
	v14 =	vadd.s32 $0x7D00, v2;
	v13 =	vld.idx.msk [tilespmem:v13+s3+$0x0], $0xffff  }
0x31a: {  	s7 =	sadd.s32 $0x15000, s2;
	v15 =	vadd.s32 $0x88B8, v4;
	v10 =	vld.idx.msk [tilespmem:v11+s3+$0x0], $0xffff;
	[tilespmem:s31+$0x0] =	vst v8  }
0x31b: {  	s9 =	sor.u32 s6, s7;
	s25 =	simm.s32 $0x14A70;
	v11 =	vadd.s32 $0x84D0, v5;
	v3 =	vld.idx.msk [tilespmem:v3+s3+$0x0], $0xffff  }
0x31c: {  	v26 =	vld [tilespmem:s25+$0xFFFFFFF0];
	[tilespmem:s9+$0x0] =	vst v12;
	v12 =	vadd.s32 $0x88B8, v1  }
0x31d: {  	s10 =	sor.u32 s4, s8;
	v8 =	vadd.s32 $0x7D00, v6;
	v9 =	vld.idx.msk [tilespmem:v9+s3+$0x0], $0xffff  }
0x31e: {  	s1 =	sadd.s32 $0x14F00, s19;
	s5 =	sor.u32 s21, s26;
	[tilespmem:s10+$0x0] =	vst v13;
	v13 =	vld.idx.msk [tilespmem:v14+s3+$0x0], $0xffff;
	v14 =	vadd.s32 $0x9470, v7  }
0x31f: {  	s22 =	simm.s32 $0x200;
	s16 =	sor.u32 s20, s1;
	v15 =	vld.idx.msk [tilespmem:v15+s3+$0x0], $0xffff;
	[tilespmem:s5+$0x0] =	vst v10  }
0x320: {  	s23 =	simm.s32 $0x50;
	s22 =	sand.u32 $0x1C00, s22;
	v16 =	vadd.s32 $0x80E8, v2;
	s9 =	sadd.s32 $0x15080, s2;
	v10 =	vld.idx.msk [tilespmem:v11+s3+$0x0], $0xffff;
	[tilespmem:s16+$0x0] =	vst v3  }
0x321: {  	s23 =	sand.u32 $0x70, s23;
	s8 =	sadd.s32 $0x14E00, s22;
	s24 =	sor.u32 s6, s9;
	v11 =	vadd.s32 $0x8CA0, v4;
	v12 =	vld.idx.msk [tilespmem:v12+s3+$0x0], $0xffff  }
0x322: {  	s10 =	sor.u32 s23, s8;
	v8 =	vld.idx.msk [tilespmem:v8+s3+$0x0], $0xffff;
	[tilespmem:s24+$0x0] =	vst v9;
	v9 =	vadd.s32 $0x8CA0, v1  }
0x323: {  	[tilespmem:s10+$0x0] =	vst v13;
	v13 =	vld.idx.msk [tilespmem:v14+s3+$0x0], $0xffff;
	v14 =	vadd.s32 $0x80E8, v6  }
0x324: {  	v17 =	vadd.s32 $0x88B8, v5;
	s0 =	sor.u32 s4, s0;
	s26 =	simm.s32 $0x40;
	s16 =	sadd.s32 $0x14F80, s19;
	v3 =	vld [tilespmem:s25+$0x0]  }
0x325: {  	v7 =	vadd.s32 $0x9858, v7;
	s31 =	sor.u32 s20, s16;
	v16 =	vld.idx.msk [tilespmem:v16+s3+$0x0], $0xffff;
	[tilespmem:s0+$0x0] =	vst v15;
	s24 =	sand.u32 $0x60, s26  }
0x326: {  	v15 =	vadd.s32 $0x84D0, v2;
	s10 =	sor.u32 s24, s8;
	v11 =	vld.idx.msk [tilespmem:v11+s3+$0x0], $0xffff;
	[tilespmem:s31+$0x0] =	vst v12  }
0x327: {  	s25 =	sor.u32 s21, s1;
	s1 =	sadd.s32 $0x15100, s2;
	[tilespmem:s10+$0x0] =	vst v8;
	v12 =	vadd.s32 $0x9088, v4;
	v8 =	vld.idx.msk [tilespmem:v9+s3+$0x0], $0xffff  }
0x328: {  	s0 =	sadd.s32 $0x14E80, s22;
	s26 =	sor.u32 s6, s1;
	[tilespmem:s25+$0x0] =	vst v10;
	v10 =	vadd.s32 $0x9088, v1;
	v9 =	vld.idx.msk [tilespmem:v14+s3+$0x0], $0xffff  }
0x329: {  	s31 =	sor.u32 s23, s0;
	v14 =	vld.idx.msk [tilespmem:v17+s3+$0x0], $0xffff;
	[tilespmem:s26+$0x0] =	vst v13;
	v13 =	vadd.s32 $0x7D00, v3  }
0x32a: {  	s10 =	sor.u32 s4, s7;
	s25 =	sadd.s32 $0x15000, s19;
	[tilespmem:s31+$0x0] =	vst v16;
	v27 =	vld.idx.msk [tilespmem:v7+s3+$0x0], $0xffff;
	v7 =	vadd.s32 $0x7D00, v26  }
0x32b: {  	s8 =	sor.u32 s20, s25;
	[tilespmem:s10+$0x0] =	vst v11;
	v11 =	vld.idx.msk [tilespmem:v15+s3+$0x0], $0xffff  }
0x32c: {  	v16 =	vadd.s32 $0x84D0, v6;
	v15 =	vld.idx.msk [tilespmem:v12+s3+$0x0], $0xffff;
	[tilespmem:s8+$0x0] =	vst v8  }
0x32d: {  	s28 =	sadd.s32 $0x14F00, s22;
	v17 =	vadd.s32 $0x8CA0, v5;
	v18 =	vld.idx.msk [tilespmem:v10+s3+$0x0], $0xffff  }
0x32e: {  	s5 =	sor.u32 s4, s9;
	s0 =	sor.u32 s24, s0;
	s31 =	sadd.s32 $0x15180, s2;
	v12 =	vadd.s32 $0x88B8, v2;
	v25 =	vld.idx.msk [tilespmem:v13+s3+$0x0], $0xffff  }
0x32f: {  	s2 =	sor.u32 s21, s25;
	s26 =	sor.u32 s23, s28;
	s10 =	sor.u32 s21, s16;
	[tilespmem:s0+$0x0] =	vst v9;
	v24 =	vld.idx.msk [tilespmem:v7+s3+$0x0], $0xffff;
	v7 =	vadd.s32 $0x9470, v1  }
0x330: {  	v20 =	vadd.s32 $0x9470, v4;
	s25 =	sor.u32 s4, s31;
	s16 =	sor.u32 s4, s1;
	s4 =	simm.s32 $0x300;
	[tilespmem:s10+$0x0] =	vst v14  }
0x331: {  	v19 =	vadd.s32 $0x80E8, v26;
	v28 =	vadd.s32 $0x80E8, v3;
	v4 =	vadd.s32 $0x9858, v4;
	s1 =	sadd.s32 $0x15080, s19;
	s9 =	sand.u32 $0x1C00, s4;
	s10 =	simm.s32 $0x70;
	v21 =	vld.idx.msk [tilespmem:v16+s3+$0x0], $0xffff;
	[tilespmem:s26+$0x0] =	vst v11  }
0x332: {  	s7 =	sor.u32 s20, s1;
	v8 =	vadd.s32 $0x9470, v5;
	v10 =	vadd.s32 $0x9088, v5;
	v13 =	vadd.s32 $0x9088, v26;
	s26 =	sand.u32 $0x70, s10;
	v22 =	vld.idx.msk [tilespmem:v17+s3+$0x0], $0xffff;
	[tilespmem:s5+$0x0] =	vst v15;
	s5 =	sadd.s32 $0x14E00, s9  }
0x333: {  	v17 =	vadd.s32 $0x84D0, v26;
	v11 =	vadd.s32 $0x9470, v26;
	v23 =	vld.idx.msk [tilespmem:v12+s3+$0x0], $0xffff;
	v15 =	vadd.s32 $0x8CA0, v26;
	s30 =	sor.u32 s26, s5;
	[tilespmem:s7+$0x0] =	vst v18  }
0x334: {  	s29 =	sor.u32 s24, s28;
	s0 =	sor.u32 s6, s31;
	s31 =	simm.s32 $0x60;
	v18 =	vadd.s32 $0x88B8, v26;
	[tilespmem:s30+$0x0] =	vst v25;
	v25 =	vld.idx.msk [tilespmem:v7+s3+$0x0], $0xffff;
	v7 =	vadd.s32 $0x9858, v26;
	v26 =	vadd.s32 $0x8CA0, v2  }
0x335: {  	s28 =	simm.s32 $0x14A90;
	s8 =	simm.s32 $0x6;
	v5 =	vadd.s32 $0x9858, v5;
	v14 =	vadd.s32 $0x8CA0, v6;
	v9 =	vadd.s32 $0x9470, v6;
	s6 =	sand.u32 $0x60, s31;
	v20 =	vld.idx.msk [tilespmem:v20+s3+$0x0], $0xffff  }
0x336: {  	v16 =	vadd.s32 $0x88B8, v6;
	[tilespmem:s0+$0x0] =	vst v27;
	v12 =	vadd.s32 $0x9088, v6;
	v6 =	vadd.s32 $0x9858, v6;
	s7 =	sor.u32 s21, s1;
	s30 =	sor.u32 s6, s5;
	s1 =	sadd.s32 $0x14F80, s22;
	v27 =	vld.idx.msk [tilespmem:v28+s3+$0x0], $0xffff  }
.LBB2_13:
0x337: {  	s8 =	sadd.s32 $0x2, s8;
	[tilespmem:s30+$0x0] =	vst v24;
	s30 =	sor.u32 s24, s1;
	s0 =	sor.u32 s23, s1;
	v24 =	vadd.s32 $0x9858, v1;
	v1 =	vmov v2;
	v2 =	vmov v3;
	v3 =	vld [tilespmem:s28+$0x0]  }
0x338: {  	v28 =	vld [tilespmem:s28+$0xFFFFFFF0];
	p0 =	slt.u32 s8, $0x3E;
	v29 =	vadd.s32 $0x84D0, v2;
	[tilespmem:s0+$0x0] =	vst v23  }
0x339: {  	s0 =	sadd.s32 $0x15100, s19;
	[tilespmem:s29+$0x0] =	vst v21;
	v21 =	vld.idx.msk [tilespmem:v26+s3+$0x0], $0xffff  }
0x33a: {  	s1 =	sadd.s32 $0x14E80, s9;
	v23 =	vld.idx.msk [tilespmem:v19+s3+$0x0], $0xffff;
	[tilespmem:s2+$0x0] =	vst v22;
	s2 =	sor.u32 s21, s0;
	s0 =	sor.u32 s20, s0  }
0x33b: {  	s5 =	sor.u32 s6, s1;
	s1 =	sor.u32 s26, s1;
	v26 =	vadd.s32 $0x9088, v1;
	v22 =	vld.idx.msk [tilespmem:v16+s3+$0x0], $0xffff;
	[tilespmem:s0+$0x0] =	vst v25;
	v16 =	vmov v18  }
0x33c: {  	v25 =	vadd.s32 $0x7D00, v3;
	[tilespmem:s1+$0x0] =	vst v27;
	v27 =	vld.idx.msk [tilespmem:v24+s3+$0x0], $0xffff  }
0x33d: {  	s0 =	sadd.s32 $0x15000, s22;
	v24 =	vadd.s32 $0x7D00, v28;
	v19 =	vadd.s32 $0x80E8, v28;
	v30 =	vadd.s32 $0x84D0, v28;
	v29 =	vld.idx.msk [tilespmem:v29+s3+$0x0], $0xffff;
	[tilespmem:s16+$0x0] =	vst v20;
	s16 =	smov.u32 s2  }
0x33e: {  	v18 =	vadd.s32 $0x88B8, v28;
	v20 =	vadd.s32 $0x8CA0, v28;
	s2 =	sor.u32 s24, s0;
	s0 =	sor.u32 s23, s0;
	v31 =	vld.idx.msk [tilespmem:v10+s3+$0x0], $0xffff;
	v10 =	vmovc v12;
	v12 =	vmovc v13;
	v13 =	vadd.s32 $0x9088, v28  }
0x33f: {  	s4 =	sadd.s32 $0x100, s4;
	v33 =	vadd.s32 $0x88B8, v2;
	v32 =	vadd.s32 $0x9470, v28;
	v28 =	vadd.s32 $0x9858, v28;
	[tilespmem:s0+$0x0] =	vst v21;
	v34 =	vld.idx.msk [tilespmem:v4+s3+$0x0], $0xffff;
	v4 =	vmovc v5;
	v5 =	vmovc v6  }
0x340: {  	s0 =	sadd.s32 $0x15180, s19;
	v6 =	vmov v7;
	v7 =	vmov v28;
	s19 =	smov.u32 s22;
	s22 =	smov.u32 s9;
	[tilespmem:s5+$0x0] =	vst v23;
	v35 =	vld.idx.msk [tilespmem:v26+s3+$0x0], $0xffff  }
0x341: {  	s1 =	sadd.s32 $0x14F00, s22;
	s5 =	sor.u32 s21, s0;
	s0 =	sor.u32 s20, s0;
	v25 =	vld.idx.msk [tilespmem:v25+s3+$0x0], $0xffff;
	[tilespmem:s30+$0x0] =	vst v22  }
0x342: {  	v28 =	vadd.s32 $0x9470, v1;
	s20 =	smov.u32 s23;
	s29 =	sor.u32 s6, s1;
	s1 =	sor.u32 s26, s1;
	v24 =	vld.idx.msk [tilespmem:v24+s3+$0x0], $0xffff;
	[tilespmem:s0+$0x0] =	vst v27  }
0x343: {  	s10 =	sadd.s32 $0x20, s10;
	s23 =	smov.u32 s26;
	s21 =	smov.u32 s24;
	v27 =	vadd.s32 $0x80E8, v3;
	v21 =	vld.idx.msk [tilespmem:v17+s3+$0x0], $0xffff;
	[tilespmem:s1+$0x0] =	vst v29;
	v17 =	vmov v30  }
.Ltmp5:
0x344: {  	s9 =	sand.u32 $0x1C00, s4;
	s0 =	sadd.s32 $0x15080, s19;
	v23 =	vld.idx.msk [tilespmem:v33+s3+$0x0], $0xffff;
	[tilespmem:s7+$0x0] =	vst v31;
	(pc) =	sbr.rel @p0 .LBB2_13-.Ltmp5, $4  }
0x345: {  	s26 =	sand.u32 $0x70, s10;
	s1 =	sadd.s32 $0x14E00, s9;
	s24 =	sor.u32 s20, s0;
	v22 =	vld.idx.msk [tilespmem:v14+s3+$0x0], $0xffff;
	[tilespmem:s25+$0x0] =	vst v34;
	v14 =	vmov v15;
	v15 =	vmov v20  }
0x346: {  	v26 =	vadd.s32 $0x8CA0, v2;
	s30 =	sadd.s32 $0xFFFFFFF0, s10;
	s7 =	sor.u32 s21, s0;
	s25 =	sor.u32 s26, s1;
	[tilespmem:s24+$0x0] =	vst v35;
	v20 =	vld.idx.msk [tilespmem:v8+s3+$0x0], $0xffff;
	v8 =	vmovc v9;
	v9 =	vmov v11;
	v11 =	vmov v32  }
0x347: {  	s24 =	smov.u32 s6;
	s6 =	sand.u32 $0x60, s30;
	[tilespmem:s25+$0x0] =	vst v25;
	v25 =	vld.idx.msk [tilespmem:v28+s3+$0x0], $0xffff;
	s25 =	smov.u32 s5  }
0x348: {  	s28 =	sadd.s32 $0x20, s28;
	s30 =	sor.u32 s6, s1;
	s1 =	sadd.s32 $0x14F80, s22;
	v27 =	vld.idx.msk [tilespmem:v27+s3+$0x0], $0xffff  }
0x349: {  	_ =	sdelay $0x2  }
0x34a: {  	[tilespmem:s30+$0x0] =	vst v24  }
0x34b: {  	v24 =	vadd.s32 $0x84D0, v3;
	v19 =	vld.idx.msk [tilespmem:v19+s3+$0x0], $0xffff;
	_ =	sdelay $0x1  }
0x34c: {  	s0 =	sadd.s32 $0x14E80, s9  }
0x34d: {  	s4 =	sor.u32 s26, s0  }
0x34e: {  	s0 =	sor.u32 s6, s0;
	[tilespmem:s4+$0x0] =	vst v27  }
0x34f: {  	v24 =	vld.idx.msk [tilespmem:v24+s3+$0x0], $0xffff;
	[tilespmem:s0+$0x0] =	vst v19  }
0x350: {  	v27 =	vadd.s32 $0x88B8, v3;
	v17 =	vld.idx.msk [tilespmem:v17+s3+$0x0], $0xffff;
	_ =	sdelay $0x1  }
0x351: {  	s10 =	sadd.s32 $0x14F00, s9;
	[tilespmem:s29+$0x0] =	vst v21  }
0x352: {  	s31 =	sor.u32 s26, s10;
	v16 =	vld.idx.msk [tilespmem:v16+s3+$0x0], $0xffff  }
0x353: {  	s0 =	sor.u32 s6, s10;
	[tilespmem:s31+$0x0] =	vst v24  }
0x354: {  	v19 =	vld.idx.msk [tilespmem:v27+s3+$0x0], $0xffff;
	[tilespmem:s0+$0x0] =	vst v17  }
0x355: {  	v21 =	vadd.s32 $0x8CA0, v3;
	v17 =	vld.idx.msk [tilespmem:v18+s3+$0x0], $0xffff  }
0x356: {  	s31 =	sor.u32 s24, s1  }
0x357: {  	s5 =	sor.u32 s23, s1;
	s8 =	sadd.s32 $0x14F80, s9;
	[tilespmem:s31+$0x0] =	vst v16  }
0x358: {  	[tilespmem:s5+$0x0] =	vst v23;
	s10 =	sor.u32 s26, s8;
	v14 =	vld.idx.msk [tilespmem:v14+s3+$0x0], $0xffff  }
0x359: {  	s0 =	sor.u32 s6, s8;
	v18 =	vld.idx.msk [tilespmem:v26+s3+$0x0], $0xffff;
	[tilespmem:s10+$0x0] =	vst v19  }
0x35a: {  	v23 =	vadd.s32 $0x9088, v2;
	v16 =	vld.idx.msk [tilespmem:v21+s3+$0x0], $0xffff;
	[tilespmem:s0+$0x0] =	vst v17  }
0x35b: {  	[tilespmem:s2+$0x0] =	vst v22;
	s1 =	sadd.s32 $0x15000, s22;
	v19 =	vadd.s32 $0x9088, v3;
	v15 =	vld.idx.msk [tilespmem:v15+s3+$0x0], $0xffff  }
0x35c: {  	[tilespmem:s16+$0x0] =	vst v20;
	s5 =	sor.u32 s23, s1;
	s1 =	sor.u32 s24, s1  }
0x35d: {  	v1 =	vadd.s32 $0x9858, v1;
	v10 =	vld.idx.msk [tilespmem:v10+s3+$0x0], $0xffff;
	s10 =	sadd.s32 $0x15000, s9;
	[tilespmem:s1+$0x0] =	vst v14  }
0x35e: {  	s31 =	sor.u32 s26, s10;
	[tilespmem:s5+$0x0] =	vst v18;
	v12 =	vld.idx.msk [tilespmem:v12+s3+$0x0], $0xffff  }
0x35f: {  	s4 =	sor.u32 s6, s10;
	s0 =	sadd.s32 $0x15100, s19;
	v17 =	vld.idx.msk [tilespmem:v23+s3+$0x0], $0xffff;
	[tilespmem:s31+$0x0] =	vst v16  }
0x360: {  	v18 =	vadd.s32 $0x9470, v2;
	s8 =	sor.u32 s20, s0;
	v14 =	vld.idx.msk [tilespmem:v19+s3+$0x0], $0xffff;
	[tilespmem:s4+$0x0] =	vst v15  }
0x361: {  	s5 =	sadd.s32 $0x15080, s22;
	[tilespmem:s8+$0x0] =	vst v25;
	v16 =	vadd.s32 $0x9470, v3;
	v13 =	vld.idx.msk [tilespmem:v13+s3+$0x0], $0xffff  }
0x362: {  	[tilespmem:s7+$0x0] =	vst v10;
	s2 =	sor.u32 s24, s5;
	v1 =	vld.idx.msk [tilespmem:v1+s3+$0x0], $0xffff  }
0x363: {  	v8 =	vld.idx.msk [tilespmem:v8+s3+$0x0], $0xffff;
	s10 =	sadd.s32 $0x15080, s9;
	s8 =	sor.u32 s23, s5;
	[tilespmem:s2+$0x0] =	vst v12  }
0x364: {  	s16 =	sor.u32 s26, s10;
	[tilespmem:s8+$0x0] =	vst v17;
	v9 =	vld.idx.msk [tilespmem:v9+s3+$0x0], $0xffff  }
0x365: {  	s1 =	sor.u32 s6, s10;
	s4 =	sadd.s32 $0x15180, s19;
	v10 =	vld.idx.msk [tilespmem:v18+s3+$0x0], $0xffff;
	[tilespmem:s16+$0x0] =	vst v14  }
0x366: {  	v2 =	vadd.s32 $0x9858, v2;
	s19 =	sor.u32 s20, s4;
	v12 =	vld.idx.msk [tilespmem:v16+s3+$0x0], $0xffff;
	[tilespmem:s1+$0x0] =	vst v13  }
0x367: {  	s0 =	sor.u32 s21, s0;
	s5 =	sadd.s32 $0x15100, s22;
	v3 =	vadd.s32 $0x9858, v3;
	[tilespmem:s19+$0x0] =	vst v1;
	v1 =	vld.idx.msk [tilespmem:v11+s3+$0x0], $0xffff  }
0x368: {  	v4 =	vld.idx.msk [tilespmem:v4+s3+$0x0], $0xffff;
	[tilespmem:s0+$0x0] =	vst v8;
	s7 =	sor.u32 s24, s5  }
0x369: {  	v5 =	vld.idx.msk [tilespmem:v5+s3+$0x0], $0xffff;
	s31 =	sadd.s32 $0x15100, s9;
	s20 =	sor.u32 s23, s5;
	[tilespmem:s7+$0x0] =	vst v9  }
0x36a: {  	s2 =	sor.u32 s26, s31;
	[tilespmem:s20+$0x0] =	vst v10;
	v6 =	vld.idx.msk [tilespmem:v6+s3+$0x0], $0xffff  }
0x36b: {  	s8 =	sor.u32 s6, s31;
	v2 =	vld.idx.msk [tilespmem:v2+s3+$0x0], $0xffff;
	[tilespmem:s2+$0x0] =	vst v12  }
0x36c: {  	v3 =	vld.idx.msk [tilespmem:v3+s3+$0x0], $0xffff;
	[tilespmem:s8+$0x0] =	vst v1  }
0x36d: {  	[tilespmem:s25+$0x0] =	vst v4;
	s10 =	sadd.s32 $0x15180, s22;
	s19 =	sor.u32 s21, s4;
	v1 =	vld.idx.msk [tilespmem:v7+s3+$0x0], $0xffff  }
0x36e: {  	[tilespmem:s19+$0x0] =	vst v5;
	s1 =	sor.u32 s24, s10  }
0x36f: {  	s16 =	sor.u32 s23, s10;
	s20 =	sadd.s32 $0x15180, s9;
	[tilespmem:s1+$0x0] =	vst v6  }
0x370: {  	s21 =	sor.u32 s26, s20;
	[tilespmem:s16+$0x0] =	vst v2  }
0x371: {  	s0 =	sor.u32 s6, s20;
	[tilespmem:s21+$0x0] =	vst v3  }
0x372: {  	[tilespmem:s0+$0x0] =	vst v1  }
0x373: {  	s0 =	rddreg [dreg:$0x1e]  }
0x374: {  	s22 =	simm.s32 $0x0;
	s0 =	sadd.s32 s18, s0  }
0x375: {  	[hbm4b:s0+s22] =	stream.linear.scatter [tilespmem:s11], [sflag:$0x2], $0x2000, $0x38;
	[tilespmem:$0x1CE00] =	vst v63  }
0x376: {  	_ =	swait.ge [sflag:s15], $0x2000  }
0x377: {  	[sflag:s15] =	ssyncset.done $0x0  }
0x378: {  	s23 =	simm.s32 $0x14A10;
	[sflag:s15] =	ssyncadd.s32 $0xFFFFE000  }
0x379: {  	v7 =	vld [tilespmem:s23+$0x0];
	_ =	sdelay $0x4  }
0x37a: {  	v1 =	vadd.s32 $0x9C40, v7;
	_ =	sdelay $0x4  }
0x37b: {  	v1 =	vld.idx.msk [tilespmem:v1+s3+$0x0], $0xffff  }
0x37c: {  	v2 =	vadd.s32 $0xA028, v7  }
0x37d: {  	s24 =	simm.s32 $0x10;
	s2 =	sand.u32 $0x1C00, s22  }
0x37e: {  	s6 =	sand.u32 $0x70, s24;
	s1 =	sadd.s32 $0x16E00, s2;
	v4 =	vld [tilespmem:s23+$0xFFFFFFF0]  }
0x37f: {  	s26 =	simm.s32 $0x14A30;
	s25 =	sor.u32 s6, s1  }
0x380: {  	[tilespmem:s25+$0x0] =	vst v1;
	v1 =	vld [tilespmem:s26+$0x0]  }
0x381: {  	v2 =	vld.idx.msk [tilespmem:v2+s3+$0x0], $0xffff  }
0x382: {  	v3 =	vadd.s32 $0xA410, v7  }
0x383: {  	v6 =	vadd.s32 $0x9C40, v4  }
0x384: {  	s31 =	sadd.s32 $0x16E80, s2;
	v5 =	vld [tilespmem:s26+$0xFFFFFFF0]  }
0x385: {  	s10 =	sor.u32 s6, s31  }
0x386: {  	v8 =	vadd.s32 $0x9C40, v1;
	[tilespmem:s10+$0x0] =	vst v2  }
0x387: {  	v2 =	vld.idx.msk [tilespmem:v3+s3+$0x0], $0xffff  }
0x388: {  	v3 =	vld.idx.msk [tilespmem:v6+s3+$0x0], $0xffff;
	v6 =	vadd.s32 $0xA7F8, v7  }
0x389: {  	v10 =	vadd.s32 $0x9C40, v5  }
0x38a: {  	s16 =	simm.s32 $0x0;
	s8 =	sadd.s32 $0x16F00, s2;
	v9 =	vadd.s32 $0xA028, v4  }
0x38b: {  	s4 =	sand.u32 $0x60, s16;
	s19 =	sor.u32 s6, s8;
	v8 =	vld.idx.msk [tilespmem:v8+s3+$0x0], $0xffff  }
0x38c: {  	s20 =	simm.s32 $0x100;
	s1 =	sor.u32 s4, s1;
	v11 =	vadd.s32 $0xA028, v1;
	[tilespmem:s19+$0x0] =	vst v2  }
0x38d: {  	s21 =	simm.s32 $0x30;
	[tilespmem:s1+$0x0] =	vst v3;
	s19 =	sand.u32 $0x1C00, s20;
	v3 =	vld.idx.msk [tilespmem:v6+s3+$0x0], $0xffff  }
0x38e: {  	v12 =	vadd.s32 $0xABE0, v7;
	v10 =	vld.idx.msk [tilespmem:v10+s3+$0x0], $0xffff;
	s20 =	sand.u32 $0x70, s21;
	s22 =	sadd.s32 $0x16E00, s19  }
0x38f: {  	s23 =	simm.s32 $0x14A50;
	v9 =	vld.idx.msk [tilespmem:v9+s3+$0x0], $0xffff;
	s0 =	sor.u32 s20, s22  }
0x390: {  	v13 =	vadd.s32 $0xA410, v4;
	v2 =	vld [tilespmem:s23+$0x0];
	[tilespmem:s0+$0x0] =	vst v8;
	s0 =	sadd.s32 $0x16F80, s2  }
0x391: {  	v8 =	vld.idx.msk [tilespmem:v11+s3+$0x0], $0xffff;
	s24 =	sor.u32 s6, s0;
	v11 =	vadd.s32 $0xA028, v5  }
0x392: {  	s25 =	simm.s32 $0x20;
	[tilespmem:s24+$0x0] =	vst v3;
	v3 =	vadd.s32 $0xA410, v1  }
0x393: {  	s5 =	sor.u32 s4, s31;
	s21 =	sand.u32 $0x60, s25;
	v12 =	vld.idx.msk [tilespmem:v12+s3+$0x0], $0xffff  }
0x394: {  	v6 =	vld [tilespmem:s23+$0xFFFFFFF0];
	s26 =	sadd.s32 $0x16E80, s19;
	s1 =	sor.u32 s21, s22;
	[tilespmem:s5+$0x0] =	vst v9;
	v9 =	vadd.s32 $0xAFC8, v7  }
0x395: {  	s31 =	sor.u32 s20, s26;
	[tilespmem:s1+$0x0] =	vst v10;
	v14 =	vadd.s32 $0x9C40, v2;
	v13 =	vld.idx.msk [tilespmem:v13+s3+$0x0], $0xffff  }
0x396: {  	s7 =	sadd.s32 $0x17000, s2;
	v15 =	vadd.s32 $0xA7F8, v4;
	v10 =	vld.idx.msk [tilespmem:v11+s3+$0x0], $0xffff;
	[tilespmem:s31+$0x0] =	vst v8  }
0x397: {  	s9 =	sor.u32 s6, s7;
	s25 =	simm.s32 $0x14A70;
	v11 =	vadd.s32 $0xA410, v5;
	v3 =	vld.idx.msk [tilespmem:v3+s3+$0x0], $0xffff  }
0x398: {  	v26 =	vld [tilespmem:s25+$0xFFFFFFF0];
	[tilespmem:s9+$0x0] =	vst v12;
	v12 =	vadd.s32 $0xA7F8, v1  }
0x399: {  	s10 =	sor.u32 s4, s8;
	v8 =	vadd.s32 $0x9C40, v6;
	v9 =	vld.idx.msk [tilespmem:v9+s3+$0x0], $0xffff  }
0x39a: {  	s1 =	sadd.s32 $0x16F00, s19;
	s5 =	sor.u32 s21, s26;
	[tilespmem:s10+$0x0] =	vst v13;
	v13 =	vld.idx.msk [tilespmem:v14+s3+$0x0], $0xffff;
	v14 =	vadd.s32 $0xB3B0, v7  }
0x39b: {  	s22 =	simm.s32 $0x200;
	s16 =	sor.u32 s20, s1;
	v15 =	vld.idx.msk [tilespmem:v15+s3+$0x0], $0xffff;
	[tilespmem:s5+$0x0] =	vst v10  }
0x39c: {  	s23 =	simm.s32 $0x50;
	s22 =	sand.u32 $0x1C00, s22;
	v16 =	vadd.s32 $0xA028, v2;
	s9 =	sadd.s32 $0x17080, s2;
	v10 =	vld.idx.msk [tilespmem:v11+s3+$0x0], $0xffff;
	[tilespmem:s16+$0x0] =	vst v3  }
0x39d: {  	s23 =	sand.u32 $0x70, s23;
	s8 =	sadd.s32 $0x16E00, s22;
	s24 =	sor.u32 s6, s9;
	v11 =	vadd.s32 $0xABE0, v4;
	v12 =	vld.idx.msk [tilespmem:v12+s3+$0x0], $0xffff  }
0x39e: {  	s10 =	sor.u32 s23, s8;
	v8 =	vld.idx.msk [tilespmem:v8+s3+$0x0], $0xffff;
	[tilespmem:s24+$0x0] =	vst v9;
	v9 =	vadd.s32 $0xABE0, v1  }
0x39f: {  	[tilespmem:s10+$0x0] =	vst v13;
	v13 =	vld.idx.msk [tilespmem:v14+s3+$0x0], $0xffff;
	v14 =	vadd.s32 $0xA028, v6  }
0x3a0: {  	v17 =	vadd.s32 $0xA7F8, v5;
	s0 =	sor.u32 s4, s0;
	s26 =	simm.s32 $0x40;
	s16 =	sadd.s32 $0x16F80, s19;
	v3 =	vld [tilespmem:s25+$0x0]  }
0x3a1: {  	v7 =	vadd.s32 $0xB798, v7;
	s31 =	sor.u32 s20, s16;
	v16 =	vld.idx.msk [tilespmem:v16+s3+$0x0], $0xffff;
	[tilespmem:s0+$0x0] =	vst v15;
	s24 =	sand.u32 $0x60, s26  }
0x3a2: {  	v15 =	vadd.s32 $0xA410, v2;
	s10 =	sor.u32 s24, s8;
	v11 =	vld.idx.msk [tilespmem:v11+s3+$0x0], $0xffff;
	[tilespmem:s31+$0x0] =	vst v12  }
0x3a3: {  	s25 =	sor.u32 s21, s1;
	s1 =	sadd.s32 $0x17100, s2;
	[tilespmem:s10+$0x0] =	vst v8;
	v12 =	vadd.s32 $0xAFC8, v4;
	v8 =	vld.idx.msk [tilespmem:v9+s3+$0x0], $0xffff  }
0x3a4: {  	s0 =	sadd.s32 $0x16E80, s22;
	s26 =	sor.u32 s6, s1;
	[tilespmem:s25+$0x0] =	vst v10;
	v10 =	vadd.s32 $0xAFC8, v1;
	v9 =	vld.idx.msk [tilespmem:v14+s3+$0x0], $0xffff  }
0x3a5: {  	s31 =	sor.u32 s23, s0;
	v14 =	vld.idx.msk [tilespmem:v17+s3+$0x0], $0xffff;
	[tilespmem:s26+$0x0] =	vst v13;
	v13 =	vadd.s32 $0x9C40, v3  }
0x3a6: {  	s10 =	sor.u32 s4, s7;
	s25 =	sadd.s32 $0x17000, s19;
	[tilespmem:s31+$0x0] =	vst v16;
	v27 =	vld.idx.msk [tilespmem:v7+s3+$0x0], $0xffff;
	v7 =	vadd.s32 $0x9C40, v26  }
0x3a7: {  	s8 =	sor.u32 s20, s25;
	[tilespmem:s10+$0x0] =	vst v11;
	v11 =	vld.idx.msk [tilespmem:v15+s3+$0x0], $0xffff  }
0x3a8: {  	v16 =	vadd.s32 $0xA410, v6;
	v15 =	vld.idx.msk [tilespmem:v12+s3+$0x0], $0xffff;
	[tilespmem:s8+$0x0] =	vst v8  }
0x3a9: {  	s28 =	sadd.s32 $0x16F00, s22;
	v17 =	vadd.s32 $0xABE0, v5;
	v18 =	vld.idx.msk [tilespmem:v10+s3+$0x0], $0xffff  }
0x3aa: {  	s5 =	sor.u32 s4, s9;
	s0 =	sor.u32 s24, s0;
	s31 =	sadd.s32 $0x17180, s2;
	v12 =	vadd.s32 $0xA7F8, v2;
	v25 =	vld.idx.msk [tilespmem:v13+s3+$0x0], $0xffff  }
0x3ab: {  	s2 =	sor.u32 s21, s25;
	s26 =	sor.u32 s23, s28;
	s10 =	sor.u32 s21, s16;
	[tilespmem:s0+$0x0] =	vst v9;
	v24 =	vld.idx.msk [tilespmem:v7+s3+$0x0], $0xffff;
	v7 =	vadd.s32 $0xB3B0, v1  }
0x3ac: {  	v20 =	vadd.s32 $0xB3B0, v4;
	s25 =	sor.u32 s4, s31;
	s16 =	sor.u32 s4, s1;
	s4 =	simm.s32 $0x300;
	[tilespmem:s10+$0x0] =	vst v14  }
0x3ad: {  	v19 =	vadd.s32 $0xA028, v26;
	v28 =	vadd.s32 $0xA028, v3;
	v4 =	vadd.s32 $0xB798, v4;
	s1 =	sadd.s32 $0x17080, s19;
	s9 =	sand.u32 $0x1C00, s4;
	s10 =	simm.s32 $0x70;
	v21 =	vld.idx.msk [tilespmem:v16+s3+$0x0], $0xffff;
	[tilespmem:s26+$0x0] =	vst v11  }
0x3ae: {  	s7 =	sor.u32 s20, s1;
	v8 =	vadd.s32 $0xB3B0, v5;
	v10 =	vadd.s32 $0xAFC8, v5;
	v13 =	vadd.s32 $0xAFC8, v26;
	s26 =	sand.u32 $0x70, s10;
	v22 =	vld.idx.msk [tilespmem:v17+s3+$0x0], $0xffff;
	[tilespmem:s5+$0x0] =	vst v15;
	s5 =	sadd.s32 $0x16E00, s9  }
0x3af: {  	v17 =	vadd.s32 $0xA410, v26;
	v11 =	vadd.s32 $0xB3B0, v26;
	v23 =	vld.idx.msk [tilespmem:v12+s3+$0x0], $0xffff;
	v15 =	vadd.s32 $0xABE0, v26;
	s30 =	sor.u32 s26, s5;
	[tilespmem:s7+$0x0] =	vst v18  }
0x3b0: {  	s29 =	sor.u32 s24, s28;
	s0 =	sor.u32 s6, s31;
	s31 =	simm.s32 $0x60;
	v18 =	vadd.s32 $0xA7F8, v26;
	[tilespmem:s30+$0x0] =	vst v25;
	v25 =	vld.idx.msk [tilespmem:v7+s3+$0x0], $0xffff;
	v7 =	vadd.s32 $0xB798, v26;
	v26 =	vadd.s32 $0xABE0, v2  }
0x3b1: {  	s28 =	simm.s32 $0x14A90;
	s8 =	simm.s32 $0x6;
	v5 =	vadd.s32 $0xB798, v5;
	v14 =	vadd.s32 $0xABE0, v6;
	v9 =	vadd.s32 $0xB3B0, v6;
	s6 =	sand.u32 $0x60, s31;
	v20 =	vld.idx.msk [tilespmem:v20+s3+$0x0], $0xffff  }
0x3b2: {  	v16 =	vadd.s32 $0xA7F8, v6;
	[tilespmem:s0+$0x0] =	vst v27;
	v12 =	vadd.s32 $0xAFC8, v6;
	v6 =	vadd.s32 $0xB798, v6;
	s7 =	sor.u32 s21, s1;
	s30 =	sor.u32 s6, s5;
	s1 =	sadd.s32 $0x16F80, s22;
	v27 =	vld.idx.msk [tilespmem:v28+s3+$0x0], $0xffff  }
.LBB2_15:
0x3b3: {  	s8 =	sadd.s32 $0x2, s8;
	[tilespmem:s30+$0x0] =	vst v24;
	s30 =	sor.u32 s24, s1;
	s0 =	sor.u32 s23, s1;
	v24 =	vadd.s32 $0xB798, v1;
	v1 =	vmov v2;
	v2 =	vmov v3;
	v3 =	vld [tilespmem:s28+$0x0]  }
0x3b4: {  	v28 =	vld [tilespmem:s28+$0xFFFFFFF0];
	p0 =	slt.u32 s8, $0x3E;
	v29 =	vadd.s32 $0xA410, v2;
	[tilespmem:s0+$0x0] =	vst v23  }
0x3b5: {  	s0 =	sadd.s32 $0x17100, s19;
	[tilespmem:s29+$0x0] =	vst v21;
	v21 =	vld.idx.msk [tilespmem:v26+s3+$0x0], $0xffff  }
0x3b6: {  	s1 =	sadd.s32 $0x16E80, s9;
	v23 =	vld.idx.msk [tilespmem:v19+s3+$0x0], $0xffff;
	[tilespmem:s2+$0x0] =	vst v22;
	s2 =	sor.u32 s21, s0;
	s0 =	sor.u32 s20, s0  }
0x3b7: {  	s5 =	sor.u32 s6, s1;
	s1 =	sor.u32 s26, s1;
	v26 =	vadd.s32 $0xAFC8, v1;
	v22 =	vld.idx.msk [tilespmem:v16+s3+$0x0], $0xffff;
	[tilespmem:s0+$0x0] =	vst v25;
	v16 =	vmov v18  }
0x3b8: {  	v25 =	vadd.s32 $0x9C40, v3;
	[tilespmem:s1+$0x0] =	vst v27;
	v27 =	vld.idx.msk [tilespmem:v24+s3+$0x0], $0xffff  }
0x3b9: {  	s0 =	sadd.s32 $0x17000, s22;
	v24 =	vadd.s32 $0x9C40, v28;
	v19 =	vadd.s32 $0xA028, v28;
	v30 =	vadd.s32 $0xA410, v28;
	v29 =	vld.idx.msk [tilespmem:v29+s3+$0x0], $0xffff;
	[tilespmem:s16+$0x0] =	vst v20;
	s16 =	smov.u32 s2  }
0x3ba: {  	v18 =	vadd.s32 $0xA7F8, v28;
	v20 =	vadd.s32 $0xABE0, v28;
	s2 =	sor.u32 s24, s0;
	s0 =	sor.u32 s23, s0;
	v31 =	vld.idx.msk [tilespmem:v10+s3+$0x0], $0xffff;
	v10 =	vmovc v12;
	v12 =	vmovc v13;
	v13 =	vadd.s32 $0xAFC8, v28  }
0x3bb: {  	s4 =	sadd.s32 $0x100, s4;
	v33 =	vadd.s32 $0xA7F8, v2;
	v32 =	vadd.s32 $0xB3B0, v28;
	v28 =	vadd.s32 $0xB798, v28;
	[tilespmem:s0+$0x0] =	vst v21;
	v34 =	vld.idx.msk [tilespmem:v4+s3+$0x0], $0xffff;
	v4 =	vmovc v5;
	v5 =	vmovc v6  }
0x3bc: {  	s0 =	sadd.s32 $0x17180, s19;
	v6 =	vmov v7;
	v7 =	vmov v28;
	s19 =	smov.u32 s22;
	s22 =	smov.u32 s9;
	[tilespmem:s5+$0x0] =	vst v23;
	v35 =	vld.idx.msk [tilespmem:v26+s3+$0x0], $0xffff  }
0x3bd: {  	s1 =	sadd.s32 $0x16F00, s22;
	s5 =	sor.u32 s21, s0;
	s0 =	sor.u32 s20, s0;
	v25 =	vld.idx.msk [tilespmem:v25+s3+$0x0], $0xffff;
	[tilespmem:s30+$0x0] =	vst v22  }
0x3be: {  	v28 =	vadd.s32 $0xB3B0, v1;
	s20 =	smov.u32 s23;
	s29 =	sor.u32 s6, s1;
	s1 =	sor.u32 s26, s1;
	v24 =	vld.idx.msk [tilespmem:v24+s3+$0x0], $0xffff;
	[tilespmem:s0+$0x0] =	vst v27  }
0x3bf: {  	s10 =	sadd.s32 $0x20, s10;
	s23 =	smov.u32 s26;
	s21 =	smov.u32 s24;
	v27 =	vadd.s32 $0xA028, v3;
	v21 =	vld.idx.msk [tilespmem:v17+s3+$0x0], $0xffff;
	[tilespmem:s1+$0x0] =	vst v29;
	v17 =	vmov v30  }
.Ltmp6:
0x3c0: {  	s9 =	sand.u32 $0x1C00, s4;
	s0 =	sadd.s32 $0x17080, s19;
	v23 =	vld.idx.msk [tilespmem:v33+s3+$0x0], $0xffff;
	[tilespmem:s7+$0x0] =	vst v31;
	(pc) =	sbr.rel @p0 .LBB2_15-.Ltmp6, $4  }
0x3c1: {  	s26 =	sand.u32 $0x70, s10;
	s1 =	sadd.s32 $0x16E00, s9;
	s24 =	sor.u32 s20, s0;
	v22 =	vld.idx.msk [tilespmem:v14+s3+$0x0], $0xffff;
	[tilespmem:s25+$0x0] =	vst v34;
	v14 =	vmov v15;
	v15 =	vmov v20  }
0x3c2: {  	v26 =	vadd.s32 $0xABE0, v2;
	s30 =	sadd.s32 $0xFFFFFFF0, s10;
	s7 =	sor.u32 s21, s0;
	s25 =	sor.u32 s26, s1;
	[tilespmem:s24+$0x0] =	vst v35;
	v20 =	vld.idx.msk [tilespmem:v8+s3+$0x0], $0xffff;
	v8 =	vmovc v9;
	v9 =	vmov v11;
	v11 =	vmov v32  }
0x3c3: {  	s24 =	smov.u32 s6;
	s6 =	sand.u32 $0x60, s30;
	[tilespmem:s25+$0x0] =	vst v25;
	v25 =	vld.idx.msk [tilespmem:v28+s3+$0x0], $0xffff;
	s25 =	smov.u32 s5  }
0x3c4: {  	s28 =	sadd.s32 $0x20, s28;
	s30 =	sor.u32 s6, s1;
	s1 =	sadd.s32 $0x16F80, s22;
	v27 =	vld.idx.msk [tilespmem:v27+s3+$0x0], $0xffff  }
0x3c5: {  	_ =	sdelay $0x2  }
0x3c6: {  	[tilespmem:s30+$0x0] =	vst v24  }
0x3c7: {  	v24 =	vadd.s32 $0xA410, v3;
	v19 =	vld.idx.msk [tilespmem:v19+s3+$0x0], $0xffff;
	_ =	sdelay $0x1  }
0x3c8: {  	s0 =	sadd.s32 $0x16E80, s9  }
0x3c9: {  	s4 =	sor.u32 s26, s0  }
0x3ca: {  	s0 =	sor.u32 s6, s0;
	[tilespmem:s4+$0x0] =	vst v27  }
0x3cb: {  	v24 =	vld.idx.msk [tilespmem:v24+s3+$0x0], $0xffff;
	[tilespmem:s0+$0x0] =	vst v19  }
0x3cc: {  	v27 =	vadd.s32 $0xA7F8, v3;
	v17 =	vld.idx.msk [tilespmem:v17+s3+$0x0], $0xffff;
	_ =	sdelay $0x1  }
0x3cd: {  	s10 =	sadd.s32 $0x16F00, s9;
	[tilespmem:s29+$0x0] =	vst v21  }
0x3ce: {  	s31 =	sor.u32 s26, s10;
	v16 =	vld.idx.msk [tilespmem:v16+s3+$0x0], $0xffff  }
0x3cf: {  	s0 =	sor.u32 s6, s10;
	[tilespmem:s31+$0x0] =	vst v24  }
0x3d0: {  	v19 =	vld.idx.msk [tilespmem:v27+s3+$0x0], $0xffff;
	[tilespmem:s0+$0x0] =	vst v17  }
0x3d1: {  	v21 =	vadd.s32 $0xABE0, v3;
	v17 =	vld.idx.msk [tilespmem:v18+s3+$0x0], $0xffff  }
0x3d2: {  	s31 =	sor.u32 s24, s1  }
0x3d3: {  	s5 =	sor.u32 s23, s1;
	s8 =	sadd.s32 $0x16F80, s9;
	[tilespmem:s31+$0x0] =	vst v16  }
0x3d4: {  	[tilespmem:s5+$0x0] =	vst v23;
	s10 =	sor.u32 s26, s8;
	v14 =	vld.idx.msk [tilespmem:v14+s3+$0x0], $0xffff  }
0x3d5: {  	s0 =	sor.u32 s6, s8;
	v18 =	vld.idx.msk [tilespmem:v26+s3+$0x0], $0xffff;
	[tilespmem:s10+$0x0] =	vst v19  }
0x3d6: {  	v23 =	vadd.s32 $0xAFC8, v2;
	v16 =	vld.idx.msk [tilespmem:v21+s3+$0x0], $0xffff;
	[tilespmem:s0+$0x0] =	vst v17  }
0x3d7: {  	[tilespmem:s2+$0x0] =	vst v22;
	s1 =	sadd.s32 $0x17000, s22;
	v19 =	vadd.s32 $0xAFC8, v3;
	v15 =	vld.idx.msk [tilespmem:v15+s3+$0x0], $0xffff  }
0x3d8: {  	[tilespmem:s16+$0x0] =	vst v20;
	s5 =	sor.u32 s23, s1;
	s1 =	sor.u32 s24, s1  }
0x3d9: {  	v1 =	vadd.s32 $0xB798, v1;
	v10 =	vld.idx.msk [tilespmem:v10+s3+$0x0], $0xffff;
	s10 =	sadd.s32 $0x17000, s9;
	[tilespmem:s1+$0x0] =	vst v14  }
0x3da: {  	s31 =	sor.u32 s26, s10;
	[tilespmem:s5+$0x0] =	vst v18;
	v12 =	vld.idx.msk [tilespmem:v12+s3+$0x0], $0xffff  }
0x3db: {  	s4 =	sor.u32 s6, s10;
	s0 =	sadd.s32 $0x17100, s19;
	v17 =	vld.idx.msk [tilespmem:v23+s3+$0x0], $0xffff;
	[tilespmem:s31+$0x0] =	vst v16  }
0x3dc: {  	v18 =	vadd.s32 $0xB3B0, v2;
	s8 =	sor.u32 s20, s0;
	v14 =	vld.idx.msk [tilespmem:v19+s3+$0x0], $0xffff;
	[tilespmem:s4+$0x0] =	vst v15  }
0x3dd: {  	s5 =	sadd.s32 $0x17080, s22;
	[tilespmem:s8+$0x0] =	vst v25;
	v16 =	vadd.s32 $0xB3B0, v3;
	v13 =	vld.idx.msk [tilespmem:v13+s3+$0x0], $0xffff  }
0x3de: {  	[tilespmem:s7+$0x0] =	vst v10;
	s2 =	sor.u32 s24, s5;
	v1 =	vld.idx.msk [tilespmem:v1+s3+$0x0], $0xffff  }
0x3df: {  	v8 =	vld.idx.msk [tilespmem:v8+s3+$0x0], $0xffff;
	s10 =	sadd.s32 $0x17080, s9;
	s8 =	sor.u32 s23, s5;
	[tilespmem:s2+$0x0] =	vst v12  }
0x3e0: {  	s16 =	sor.u32 s26, s10;
	[tilespmem:s8+$0x0] =	vst v17;
	v9 =	vld.idx.msk [tilespmem:v9+s3+$0x0], $0xffff  }
0x3e1: {  	s1 =	sor.u32 s6, s10;
	s4 =	sadd.s32 $0x17180, s19;
	v10 =	vld.idx.msk [tilespmem:v18+s3+$0x0], $0xffff;
	[tilespmem:s16+$0x0] =	vst v14  }
0x3e2: {  	v2 =	vadd.s32 $0xB798, v2;
	s19 =	sor.u32 s20, s4;
	v12 =	vld.idx.msk [tilespmem:v16+s3+$0x0], $0xffff;
	[tilespmem:s1+$0x0] =	vst v13  }
0x3e3: {  	s0 =	sor.u32 s21, s0;
	s5 =	sadd.s32 $0x17100, s22;
	v3 =	vadd.s32 $0xB798, v3;
	[tilespmem:s19+$0x0] =	vst v1;
	v1 =	vld.idx.msk [tilespmem:v11+s3+$0x0], $0xffff  }
0x3e4: {  	v4 =	vld.idx.msk [tilespmem:v4+s3+$0x0], $0xffff;
	[tilespmem:s0+$0x0] =	vst v8;
	s7 =	sor.u32 s24, s5  }
0x3e5: {  	v5 =	vld.idx.msk [tilespmem:v5+s3+$0x0], $0xffff;
	s31 =	sadd.s32 $0x17100, s9;
	s20 =	sor.u32 s23, s5;
	[tilespmem:s7+$0x0] =	vst v9  }
0x3e6: {  	s2 =	sor.u32 s26, s31;
	[tilespmem:s20+$0x0] =	vst v10;
	v6 =	vld.idx.msk [tilespmem:v6+s3+$0x0], $0xffff  }
0x3e7: {  	s8 =	sor.u32 s6, s31;
	v2 =	vld.idx.msk [tilespmem:v2+s3+$0x0], $0xffff;
	[tilespmem:s2+$0x0] =	vst v12  }
0x3e8: {  	v3 =	vld.idx.msk [tilespmem:v3+s3+$0x0], $0xffff;
	[tilespmem:s8+$0x0] =	vst v1  }
0x3e9: {  	[tilespmem:s25+$0x0] =	vst v4;
	s10 =	sadd.s32 $0x17180, s22;
	s19 =	sor.u32 s21, s4;
	v1 =	vld.idx.msk [tilespmem:v7+s3+$0x0], $0xffff  }
0x3ea: {  	[tilespmem:s19+$0x0] =	vst v5;
	s1 =	sor.u32 s24, s10  }
0x3eb: {  	s16 =	sor.u32 s23, s10;
	s20 =	sadd.s32 $0x17180, s9;
	[tilespmem:s1+$0x0] =	vst v6  }
0x3ec: {  	s21 =	sor.u32 s26, s20;
	[tilespmem:s16+$0x0] =	vst v2  }
0x3ed: {  	s0 =	sor.u32 s6, s20;
	[tilespmem:s21+$0x0] =	vst v3  }
0x3ee: {  	[tilespmem:s0+$0x0] =	vst v1  }
0x3ef: {  	s0 =	rddreg [dreg:$0x1f]  }
0x3f0: {  	s22 =	simm.s32 $0x0;
	s0 =	sadd.s32 s18, s0  }
0x3f1: {  	[hbm4b:s0+s22] =	stream.linear.scatter [tilespmem:s12], [sflag:$0x2], $0x2000, $0x38;
	[tilespmem:$0x1CE00] =	vst v63  }
0x3f2: {  	_ =	swait.ge [sflag:s15], $0x2000  }
0x3f3: {  	[sflag:s15] =	ssyncset.done $0x0  }
0x3f4: {  	s23 =	simm.s32 $0x14A10;
	[sflag:s15] =	ssyncadd.s32 $0xFFFFE000  }
0x3f5: {  	v7 =	vld [tilespmem:s23+$0x0];
	_ =	sdelay $0x4  }
0x3f6: {  	v1 =	vadd.s32 $0xBB80, v7;
	_ =	sdelay $0x4  }
0x3f7: {  	v1 =	vld.idx.msk [tilespmem:v1+s3+$0x0], $0xffff  }
0x3f8: {  	v2 =	vadd.s32 $0xBF68, v7  }
0x3f9: {  	s24 =	simm.s32 $0x10;
	s2 =	sand.u32 $0x1C00, s22  }
0x3fa: {  	s6 =	sand.u32 $0x70, s24;
	s1 =	sadd.s32 $0x18E00, s2;
	v4 =	vld [tilespmem:s23+$0xFFFFFFF0]  }
0x3fb: {  	s26 =	simm.s32 $0x14A30;
	s25 =	sor.u32 s6, s1  }
0x3fc: {  	[tilespmem:s25+$0x0] =	vst v1;
	v1 =	vld [tilespmem:s26+$0x0]  }
0x3fd: {  	v2 =	vld.idx.msk [tilespmem:v2+s3+$0x0], $0xffff  }
0x3fe: {  	v3 =	vadd.s32 $0xC350, v7  }
0x3ff: {  	v6 =	vadd.s32 $0xBB80, v4  }
0x400: {  	s31 =	sadd.s32 $0x18E80, s2;
	v5 =	vld [tilespmem:s26+$0xFFFFFFF0]  }
0x401: {  	s10 =	sor.u32 s6, s31  }
0x402: {  	v8 =	vadd.s32 $0xBB80, v1;
	[tilespmem:s10+$0x0] =	vst v2  }
0x403: {  	v2 =	vld.idx.msk [tilespmem:v3+s3+$0x0], $0xffff  }
0x404: {  	v3 =	vld.idx.msk [tilespmem:v6+s3+$0x0], $0xffff;
	v6 =	vadd.s32 $0xC738, v7  }
0x405: {  	v10 =	vadd.s32 $0xBB80, v5  }
0x406: {  	s16 =	simm.s32 $0x0;
	s8 =	sadd.s32 $0x18F00, s2;
	v9 =	vadd.s32 $0xBF68, v4  }
0x407: {  	s4 =	sand.u32 $0x60, s16;
	s19 =	sor.u32 s6, s8;
	v8 =	vld.idx.msk [tilespmem:v8+s3+$0x0], $0xffff  }
0x408: {  	s20 =	simm.s32 $0x100;
	s1 =	sor.u32 s4, s1;
	v11 =	vadd.s32 $0xBF68, v1;
	[tilespmem:s19+$0x0] =	vst v2  }
0x409: {  	s21 =	simm.s32 $0x30;
	[tilespmem:s1+$0x0] =	vst v3;
	s19 =	sand.u32 $0x1C00, s20;
	v3 =	vld.idx.msk [tilespmem:v6+s3+$0x0], $0xffff  }
0x40a: {  	v12 =	vadd.s32 $0xCB20, v7;
	v10 =	vld.idx.msk [tilespmem:v10+s3+$0x0], $0xffff;
	s20 =	sand.u32 $0x70, s21;
	s22 =	sadd.s32 $0x18E00, s19  }
0x40b: {  	s23 =	simm.s32 $0x14A50;
	v9 =	vld.idx.msk [tilespmem:v9+s3+$0x0], $0xffff;
	s0 =	sor.u32 s20, s22  }
0x40c: {  	v13 =	vadd.s32 $0xC350, v4;
	v2 =	vld [tilespmem:s23+$0x0];
	[tilespmem:s0+$0x0] =	vst v8;
	s0 =	sadd.s32 $0x18F80, s2  }
0x40d: {  	v8 =	vld.idx.msk [tilespmem:v11+s3+$0x0], $0xffff;
	s24 =	sor.u32 s6, s0;
	v11 =	vadd.s32 $0xBF68, v5  }
0x40e: {  	s25 =	simm.s32 $0x20;
	[tilespmem:s24+$0x0] =	vst v3;
	v3 =	vadd.s32 $0xC350, v1  }
0x40f: {  	s5 =	sor.u32 s4, s31;
	s21 =	sand.u32 $0x60, s25;
	v12 =	vld.idx.msk [tilespmem:v12+s3+$0x0], $0xffff  }
0x410: {  	v6 =	vld [tilespmem:s23+$0xFFFFFFF0];
	s26 =	sadd.s32 $0x18E80, s19;
	s1 =	sor.u32 s21, s22;
	[tilespmem:s5+$0x0] =	vst v9;
	v9 =	vadd.s32 $0xCF08, v7  }
0x411: {  	s31 =	sor.u32 s20, s26;
	[tilespmem:s1+$0x0] =	vst v10;
	v14 =	vadd.s32 $0xBB80, v2;
	v13 =	vld.idx.msk [tilespmem:v13+s3+$0x0], $0xffff  }
0x412: {  	s7 =	sadd.s32 $0x19000, s2;
	v15 =	vadd.s32 $0xC738, v4;
	v10 =	vld.idx.msk [tilespmem:v11+s3+$0x0], $0xffff;
	[tilespmem:s31+$0x0] =	vst v8  }
0x413: {  	s9 =	sor.u32 s6, s7;
	s25 =	simm.s32 $0x14A70;
	v11 =	vadd.s32 $0xC350, v5;
	v3 =	vld.idx.msk [tilespmem:v3+s3+$0x0], $0xffff  }
0x414: {  	v26 =	vld [tilespmem:s25+$0xFFFFFFF0];
	[tilespmem:s9+$0x0] =	vst v12;
	v12 =	vadd.s32 $0xC738, v1  }
0x415: {  	s10 =	sor.u32 s4, s8;
	v8 =	vadd.s32 $0xBB80, v6;
	v9 =	vld.idx.msk [tilespmem:v9+s3+$0x0], $0xffff  }
0x416: {  	s1 =	sadd.s32 $0x18F00, s19;
	s5 =	sor.u32 s21, s26;
	[tilespmem:s10+$0x0] =	vst v13;
	v13 =	vld.idx.msk [tilespmem:v14+s3+$0x0], $0xffff;
	v14 =	vadd.s32 $0xD2F0, v7  }
0x417: {  	s22 =	simm.s32 $0x200;
	s16 =	sor.u32 s20, s1;
	v15 =	vld.idx.msk [tilespmem:v15+s3+$0x0], $0xffff;
	[tilespmem:s5+$0x0] =	vst v10  }
0x418: {  	s23 =	simm.s32 $0x50;
	s22 =	sand.u32 $0x1C00, s22;
	v16 =	vadd.s32 $0xBF68, v2;
	s9 =	sadd.s32 $0x19080, s2;
	v10 =	vld.idx.msk [tilespmem:v11+s3+$0x0], $0xffff;
	[tilespmem:s16+$0x0] =	vst v3  }
0x419: {  	s23 =	sand.u32 $0x70, s23;
	s8 =	sadd.s32 $0x18E00, s22;
	s24 =	sor.u32 s6, s9;
	v11 =	vadd.s32 $0xCB20, v4;
	v12 =	vld.idx.msk [tilespmem:v12+s3+$0x0], $0xffff  }
0x41a: {  	s10 =	sor.u32 s23, s8;
	v8 =	vld.idx.msk [tilespmem:v8+s3+$0x0], $0xffff;
	[tilespmem:s24+$0x0] =	vst v9;
	v9 =	vadd.s32 $0xCB20, v1  }
0x41b: {  	[tilespmem:s10+$0x0] =	vst v13;
	v13 =	vld.idx.msk [tilespmem:v14+s3+$0x0], $0xffff;
	v14 =	vadd.s32 $0xBF68, v6  }
0x41c: {  	v17 =	vadd.s32 $0xC738, v5;
	s0 =	sor.u32 s4, s0;
	s26 =	simm.s32 $0x40;
	s16 =	sadd.s32 $0x18F80, s19;
	v3 =	vld [tilespmem:s25+$0x0]  }
0x41d: {  	v7 =	vadd.s32 $0xD6D8, v7;
	s31 =	sor.u32 s20, s16;
	v16 =	vld.idx.msk [tilespmem:v16+s3+$0x0], $0xffff;
	[tilespmem:s0+$0x0] =	vst v15;
	s24 =	sand.u32 $0x60, s26  }
0x41e: {  	v15 =	vadd.s32 $0xC350, v2;
	s10 =	sor.u32 s24, s8;
	v11 =	vld.idx.msk [tilespmem:v11+s3+$0x0], $0xffff;
	[tilespmem:s31+$0x0] =	vst v12  }
0x41f: {  	s25 =	sor.u32 s21, s1;
	s1 =	sadd.s32 $0x19100, s2;
	[tilespmem:s10+$0x0] =	vst v8;
	v12 =	vadd.s32 $0xCF08, v4;
	v8 =	vld.idx.msk [tilespmem:v9+s3+$0x0], $0xffff  }
0x420: {  	s0 =	sadd.s32 $0x18E80, s22;
	s26 =	sor.u32 s6, s1;
	[tilespmem:s25+$0x0] =	vst v10;
	v10 =	vadd.s32 $0xCF08, v1;
	v9 =	vld.idx.msk [tilespmem:v14+s3+$0x0], $0xffff  }
0x421: {  	s31 =	sor.u32 s23, s0;
	v14 =	vld.idx.msk [tilespmem:v17+s3+$0x0], $0xffff;
	[tilespmem:s26+$0x0] =	vst v13;
	v13 =	vadd.s32 $0xBB80, v3  }
0x422: {  	s10 =	sor.u32 s4, s7;
	s25 =	sadd.s32 $0x19000, s19;
	[tilespmem:s31+$0x0] =	vst v16;
	v27 =	vld.idx.msk [tilespmem:v7+s3+$0x0], $0xffff;
	v7 =	vadd.s32 $0xBB80, v26  }
0x423: {  	s8 =	sor.u32 s20, s25;
	[tilespmem:s10+$0x0] =	vst v11;
	v11 =	vld.idx.msk [tilespmem:v15+s3+$0x0], $0xffff  }
0x424: {  	v16 =	vadd.s32 $0xC350, v6;
	v15 =	vld.idx.msk [tilespmem:v12+s3+$0x0], $0xffff;
	[tilespmem:s8+$0x0] =	vst v8  }
0x425: {  	s28 =	sadd.s32 $0x18F00, s22;
	v17 =	vadd.s32 $0xCB20, v5;
	v18 =	vld.idx.msk [tilespmem:v10+s3+$0x0], $0xffff  }
0x426: {  	s5 =	sor.u32 s4, s9;
	s0 =	sor.u32 s24, s0;
	s31 =	sadd.s32 $0x19180, s2;
	v12 =	vadd.s32 $0xC738, v2;
	v25 =	vld.idx.msk [tilespmem:v13+s3+$0x0], $0xffff  }
0x427: {  	s2 =	sor.u32 s21, s25;
	s26 =	sor.u32 s23, s28;
	s10 =	sor.u32 s21, s16;
	[tilespmem:s0+$0x0] =	vst v9;
	v24 =	vld.idx.msk [tilespmem:v7+s3+$0x0], $0xffff;
	v7 =	vadd.s32 $0xD2F0, v1  }
0x428: {  	v20 =	vadd.s32 $0xD2F0, v4;
	s25 =	sor.u32 s4, s31;
	s16 =	sor.u32 s4, s1;
	s4 =	simm.s32 $0x300;
	[tilespmem:s10+$0x0] =	vst v14  }
0x429: {  	v19 =	vadd.s32 $0xBF68, v26;
	v28 =	vadd.s32 $0xBF68, v3;
	v4 =	vadd.s32 $0xD6D8, v4;
	s1 =	sadd.s32 $0x19080, s19;
	s9 =	sand.u32 $0x1C00, s4;
	s10 =	simm.s32 $0x70;
	v21 =	vld.idx.msk [tilespmem:v16+s3+$0x0], $0xffff;
	[tilespmem:s26+$0x0] =	vst v11  }
0x42a: {  	s7 =	sor.u32 s20, s1;
	v8 =	vadd.s32 $0xD2F0, v5;
	v10 =	vadd.s32 $0xCF08, v5;
	v13 =	vadd.s32 $0xCF08, v26;
	s26 =	sand.u32 $0x70, s10;
	v22 =	vld.idx.msk [tilespmem:v17+s3+$0x0], $0xffff;
	[tilespmem:s5+$0x0] =	vst v15;
	s5 =	sadd.s32 $0x18E00, s9  }
0x42b: {  	v17 =	vadd.s32 $0xC350, v26;
	v11 =	vadd.s32 $0xD2F0, v26;
	v23 =	vld.idx.msk [tilespmem:v12+s3+$0x0], $0xffff;
	v15 =	vadd.s32 $0xCB20, v26;
	s30 =	sor.u32 s26, s5;
	[tilespmem:s7+$0x0] =	vst v18  }
0x42c: {  	s29 =	sor.u32 s24, s28;
	s0 =	sor.u32 s6, s31;
	s31 =	simm.s32 $0x60;
	v18 =	vadd.s32 $0xC738, v26;
	[tilespmem:s30+$0x0] =	vst v25;
	v25 =	vld.idx.msk [tilespmem:v7+s3+$0x0], $0xffff;
	v7 =	vadd.s32 $0xD6D8, v26;
	v26 =	vadd.s32 $0xCB20, v2  }
0x42d: {  	s28 =	simm.s32 $0x14A90;
	s8 =	simm.s32 $0x6;
	v5 =	vadd.s32 $0xD6D8, v5;
	v14 =	vadd.s32 $0xCB20, v6;
	v9 =	vadd.s32 $0xD2F0, v6;
	s6 =	sand.u32 $0x60, s31;
	v20 =	vld.idx.msk [tilespmem:v20+s3+$0x0], $0xffff  }
0x42e: {  	v16 =	vadd.s32 $0xC738, v6;
	[tilespmem:s0+$0x0] =	vst v27;
	v12 =	vadd.s32 $0xCF08, v6;
	v6 =	vadd.s32 $0xD6D8, v6;
	s7 =	sor.u32 s21, s1;
	s30 =	sor.u32 s6, s5;
	s1 =	sadd.s32 $0x18F80, s22;
	v27 =	vld.idx.msk [tilespmem:v28+s3+$0x0], $0xffff  }
.LBB2_17:
0x42f: {  	s8 =	sadd.s32 $0x2, s8;
	[tilespmem:s30+$0x0] =	vst v24;
	s30 =	sor.u32 s24, s1;
	s0 =	sor.u32 s23, s1;
	v24 =	vadd.s32 $0xD6D8, v1;
	v1 =	vmov v2;
	v2 =	vmov v3;
	v3 =	vld [tilespmem:s28+$0x0]  }
0x430: {  	v28 =	vld [tilespmem:s28+$0xFFFFFFF0];
	p0 =	slt.u32 s8, $0x3E;
	v29 =	vadd.s32 $0xC350, v2;
	[tilespmem:s0+$0x0] =	vst v23  }
0x431: {  	s0 =	sadd.s32 $0x19100, s19;
	[tilespmem:s29+$0x0] =	vst v21;
	v21 =	vld.idx.msk [tilespmem:v26+s3+$0x0], $0xffff  }
0x432: {  	s1 =	sadd.s32 $0x18E80, s9;
	v23 =	vld.idx.msk [tilespmem:v19+s3+$0x0], $0xffff;
	[tilespmem:s2+$0x0] =	vst v22;
	s2 =	sor.u32 s21, s0;
	s0 =	sor.u32 s20, s0  }
0x433: {  	s5 =	sor.u32 s6, s1;
	s1 =	sor.u32 s26, s1;
	v26 =	vadd.s32 $0xCF08, v1;
	v22 =	vld.idx.msk [tilespmem:v16+s3+$0x0], $0xffff;
	[tilespmem:s0+$0x0] =	vst v25;
	v16 =	vmov v18  }
0x434: {  	v25 =	vadd.s32 $0xBB80, v3;
	[tilespmem:s1+$0x0] =	vst v27;
	v27 =	vld.idx.msk [tilespmem:v24+s3+$0x0], $0xffff  }
0x435: {  	s0 =	sadd.s32 $0x19000, s22;
	v24 =	vadd.s32 $0xBB80, v28;
	v19 =	vadd.s32 $0xBF68, v28;
	v30 =	vadd.s32 $0xC350, v28;
	v29 =	vld.idx.msk [tilespmem:v29+s3+$0x0], $0xffff;
	[tilespmem:s16+$0x0] =	vst v20;
	s16 =	smov.u32 s2  }
0x436: {  	v18 =	vadd.s32 $0xC738, v28;
	v20 =	vadd.s32 $0xCB20, v28;
	s2 =	sor.u32 s24, s0;
	s0 =	sor.u32 s23, s0;
	v31 =	vld.idx.msk [tilespmem:v10+s3+$0x0], $0xffff;
	v10 =	vmovc v12;
	v12 =	vmovc v13;
	v13 =	vadd.s32 $0xCF08, v28  }
0x437: {  	s4 =	sadd.s32 $0x100, s4;
	v33 =	vadd.s32 $0xC738, v2;
	v32 =	vadd.s32 $0xD2F0, v28;
	v28 =	vadd.s32 $0xD6D8, v28;
	[tilespmem:s0+$0x0] =	vst v21;
	v34 =	vld.idx.msk [tilespmem:v4+s3+$0x0], $0xffff;
	v4 =	vmovc v5;
	v5 =	vmovc v6  }
0x438: {  	s0 =	sadd.s32 $0x19180, s19;
	v6 =	vmov v7;
	v7 =	vmov v28;
	s19 =	smov.u32 s22;
	s22 =	smov.u32 s9;
	[tilespmem:s5+$0x0] =	vst v23;
	v35 =	vld.idx.msk [tilespmem:v26+s3+$0x0], $0xffff  }
0x439: {  	s1 =	sadd.s32 $0x18F00, s22;
	s5 =	sor.u32 s21, s0;
	s0 =	sor.u32 s20, s0;
	v25 =	vld.idx.msk [tilespmem:v25+s3+$0x0], $0xffff;
	[tilespmem:s30+$0x0] =	vst v22  }
0x43a: {  	v28 =	vadd.s32 $0xD2F0, v1;
	s20 =	smov.u32 s23;
	s29 =	sor.u32 s6, s1;
	s1 =	sor.u32 s26, s1;
	v24 =	vld.idx.msk [tilespmem:v24+s3+$0x0], $0xffff;
	[tilespmem:s0+$0x0] =	vst v27  }
0x43b: {  	s10 =	sadd.s32 $0x20, s10;
	s23 =	smov.u32 s26;
	s21 =	smov.u32 s24;
	v27 =	vadd.s32 $0xBF68, v3;
	v21 =	vld.idx.msk [tilespmem:v17+s3+$0x0], $0xffff;
	[tilespmem:s1+$0x0] =	vst v29;
	v17 =	vmov v30  }
.Ltmp7:
0x43c: {  	s9 =	sand.u32 $0x1C00, s4;
	s0 =	sadd.s32 $0x19080, s19;
	v23 =	vld.idx.msk [tilespmem:v33+s3+$0x0], $0xffff;
	[tilespmem:s7+$0x0] =	vst v31;
	(pc) =	sbr.rel @p0 .LBB2_17-.Ltmp7, $4  }
0x43d: {  	s26 =	sand.u32 $0x70, s10;
	s1 =	sadd.s32 $0x18E00, s9;
	s24 =	sor.u32 s20, s0;
	v22 =	vld.idx.msk [tilespmem:v14+s3+$0x0], $0xffff;
	[tilespmem:s25+$0x0] =	vst v34;
	v14 =	vmov v15;
	v15 =	vmov v20  }
0x43e: {  	v26 =	vadd.s32 $0xCB20, v2;
	s30 =	sadd.s32 $0xFFFFFFF0, s10;
	s7 =	sor.u32 s21, s0;
	s25 =	sor.u32 s26, s1;
	[tilespmem:s24+$0x0] =	vst v35;
	v20 =	vld.idx.msk [tilespmem:v8+s3+$0x0], $0xffff;
	v8 =	vmovc v9;
	v9 =	vmov v11;
	v11 =	vmov v32  }
0x43f: {  	s24 =	smov.u32 s6;
	s6 =	sand.u32 $0x60, s30;
	[tilespmem:s25+$0x0] =	vst v25;
	v25 =	vld.idx.msk [tilespmem:v28+s3+$0x0], $0xffff;
	s25 =	smov.u32 s5  }
0x440: {  	s28 =	sadd.s32 $0x20, s28;
	s30 =	sor.u32 s6, s1;
	s1 =	sadd.s32 $0x18F80, s22;
	v27 =	vld.idx.msk [tilespmem:v27+s3+$0x0], $0xffff  }
0x441: {  	_ =	sdelay $0x2  }
0x442: {  	[tilespmem:s30+$0x0] =	vst v24  }
0x443: {  	v24 =	vadd.s32 $0xC350, v3;
	v19 =	vld.idx.msk [tilespmem:v19+s3+$0x0], $0xffff;
	_ =	sdelay $0x1  }
0x444: {  	s0 =	sadd.s32 $0x18E80, s9  }
0x445: {  	s4 =	sor.u32 s26, s0  }
0x446: {  	s0 =	sor.u32 s6, s0;
	[tilespmem:s4+$0x0] =	vst v27  }
0x447: {  	v24 =	vld.idx.msk [tilespmem:v24+s3+$0x0], $0xffff;
	[tilespmem:s0+$0x0] =	vst v19  }
0x448: {  	v27 =	vadd.s32 $0xC738, v3;
	v17 =	vld.idx.msk [tilespmem:v17+s3+$0x0], $0xffff;
	_ =	sdelay $0x1  }
0x449: {  	s10 =	sadd.s32 $0x18F00, s9;
	[tilespmem:s29+$0x0] =	vst v21  }
0x44a: {  	s31 =	sor.u32 s26, s10;
	v16 =	vld.idx.msk [tilespmem:v16+s3+$0x0], $0xffff  }
0x44b: {  	s0 =	sor.u32 s6, s10;
	[tilespmem:s31+$0x0] =	vst v24  }
0x44c: {  	v19 =	vld.idx.msk [tilespmem:v27+s3+$0x0], $0xffff;
	[tilespmem:s0+$0x0] =	vst v17  }
0x44d: {  	v21 =	vadd.s32 $0xCB20, v3;
	v17 =	vld.idx.msk [tilespmem:v18+s3+$0x0], $0xffff  }
0x44e: {  	s31 =	sor.u32 s24, s1  }
0x44f: {  	s5 =	sor.u32 s23, s1;
	s8 =	sadd.s32 $0x18F80, s9;
	[tilespmem:s31+$0x0] =	vst v16  }
0x450: {  	[tilespmem:s5+$0x0] =	vst v23;
	s10 =	sor.u32 s26, s8;
	v14 =	vld.idx.msk [tilespmem:v14+s3+$0x0], $0xffff  }
0x451: {  	s0 =	sor.u32 s6, s8;
	v18 =	vld.idx.msk [tilespmem:v26+s3+$0x0], $0xffff;
	[tilespmem:s10+$0x0] =	vst v19  }
0x452: {  	v23 =	vadd.s32 $0xCF08, v2;
	v16 =	vld.idx.msk [tilespmem:v21+s3+$0x0], $0xffff;
	[tilespmem:s0+$0x0] =	vst v17  }
0x453: {  	[tilespmem:s2+$0x0] =	vst v22;
	s1 =	sadd.s32 $0x19000, s22;
	v19 =	vadd.s32 $0xCF08, v3;
	v15 =	vld.idx.msk [tilespmem:v15+s3+$0x0], $0xffff  }
0x454: {  	[tilespmem:s16+$0x0] =	vst v20;
	s5 =	sor.u32 s23, s1;
	s1 =	sor.u32 s24, s1  }
0x455: {  	v1 =	vadd.s32 $0xD6D8, v1;
	v10 =	vld.idx.msk [tilespmem:v10+s3+$0x0], $0xffff;
	s10 =	sadd.s32 $0x19000, s9;
	[tilespmem:s1+$0x0] =	vst v14  }
0x456: {  	s31 =	sor.u32 s26, s10;
	[tilespmem:s5+$0x0] =	vst v18;
	v12 =	vld.idx.msk [tilespmem:v12+s3+$0x0], $0xffff  }
0x457: {  	s4 =	sor.u32 s6, s10;
	s0 =	sadd.s32 $0x19100, s19;
	v17 =	vld.idx.msk [tilespmem:v23+s3+$0x0], $0xffff;
	[tilespmem:s31+$0x0] =	vst v16  }
0x458: {  	v18 =	vadd.s32 $0xD2F0, v2;
	s8 =	sor.u32 s20, s0;
	v14 =	vld.idx.msk [tilespmem:v19+s3+$0x0], $0xffff;
	[tilespmem:s4+$0x0] =	vst v15  }
0x459: {  	s5 =	sadd.s32 $0x19080, s22;
	[tilespmem:s8+$0x0] =	vst v25;
	v16 =	vadd.s32 $0xD2F0, v3;
	v13 =	vld.idx.msk [tilespmem:v13+s3+$0x0], $0xffff  }
0x45a: {  	[tilespmem:s7+$0x0] =	vst v10;
	s2 =	sor.u32 s24, s5;
	v1 =	vld.idx.msk [tilespmem:v1+s3+$0x0], $0xffff  }
0x45b: {  	v8 =	vld.idx.msk [tilespmem:v8+s3+$0x0], $0xffff;
	s10 =	sadd.s32 $0x19080, s9;
	s8 =	sor.u32 s23, s5;
	[tilespmem:s2+$0x0] =	vst v12  }
0x45c: {  	s16 =	sor.u32 s26, s10;
	[tilespmem:s8+$0x0] =	vst v17;
	v9 =	vld.idx.msk [tilespmem:v9+s3+$0x0], $0xffff  }
0x45d: {  	s1 =	sor.u32 s6, s10;
	s4 =	sadd.s32 $0x19180, s19;
	v10 =	vld.idx.msk [tilespmem:v18+s3+$0x0], $0xffff;
	[tilespmem:s16+$0x0] =	vst v14  }
0x45e: {  	v2 =	vadd.s32 $0xD6D8, v2;
	s19 =	sor.u32 s20, s4;
	v12 =	vld.idx.msk [tilespmem:v16+s3+$0x0], $0xffff;
	[tilespmem:s1+$0x0] =	vst v13  }
0x45f: {  	s0 =	sor.u32 s21, s0;
	s5 =	sadd.s32 $0x19100, s22;
	v3 =	vadd.s32 $0xD6D8, v3;
	[tilespmem:s19+$0x0] =	vst v1;
	v1 =	vld.idx.msk [tilespmem:v11+s3+$0x0], $0xffff  }
0x460: {  	v4 =	vld.idx.msk [tilespmem:v4+s3+$0x0], $0xffff;
	[tilespmem:s0+$0x0] =	vst v8;
	s7 =	sor.u32 s24, s5  }
0x461: {  	v5 =	vld.idx.msk [tilespmem:v5+s3+$0x0], $0xffff;
	s31 =	sadd.s32 $0x19100, s9;
	s20 =	sor.u32 s23, s5;
	[tilespmem:s7+$0x0] =	vst v9  }
0x462: {  	s2 =	sor.u32 s26, s31;
	[tilespmem:s20+$0x0] =	vst v10;
	v6 =	vld.idx.msk [tilespmem:v6+s3+$0x0], $0xffff  }
0x463: {  	s8 =	sor.u32 s6, s31;
	v2 =	vld.idx.msk [tilespmem:v2+s3+$0x0], $0xffff;
	[tilespmem:s2+$0x0] =	vst v12  }
0x464: {  	v3 =	vld.idx.msk [tilespmem:v3+s3+$0x0], $0xffff;
	[tilespmem:s8+$0x0] =	vst v1  }
0x465: {  	[tilespmem:s25+$0x0] =	vst v4;
	s10 =	sadd.s32 $0x19180, s22;
	s19 =	sor.u32 s21, s4;
	v1 =	vld.idx.msk [tilespmem:v7+s3+$0x0], $0xffff  }
0x466: {  	[tilespmem:s19+$0x0] =	vst v5;
	s1 =	sor.u32 s24, s10  }
0x467: {  	s16 =	sor.u32 s23, s10;
	s20 =	sadd.s32 $0x19180, s9;
	[tilespmem:s1+$0x0] =	vst v6  }
0x468: {  	s21 =	sor.u32 s26, s20;
	[tilespmem:s16+$0x0] =	vst v2  }
0x469: {  	s0 =	sor.u32 s6, s20;
	[tilespmem:s21+$0x0] =	vst v3  }
0x46a: {  	[tilespmem:s0+$0x0] =	vst v1  }
0x46b: {  	s0 =	sld [smem:$0x7FC];
	_ =	sdelay $0x2  }
0x46c: {  	s22 =	simm.s32 $0x0;
	s0 =	sadd.s32 s18, s0  }
0x46d: {  	[hbm4b:s0+s22] =	stream.linear.scatter [tilespmem:s13], [sflag:$0x2], $0x2000, $0x38;
	[tilespmem:$0x1CE00] =	vst v63  }
0x46e: {  	_ =	swait.ge [sflag:s15], $0x2000  }
0x46f: {  	[sflag:s15] =	ssyncset.done $0x0  }
0x470: {  	s23 =	simm.s32 $0x14A10;
	[sflag:s15] =	ssyncadd.s32 $0xFFFFE000  }
0x471: {  	v7 =	vld [tilespmem:s23+$0x0];
	_ =	sdelay $0x4  }
0x472: {  	v1 =	vadd.s32 $0xDAC0, v7;
	_ =	sdelay $0x4  }
0x473: {  	v1 =	vld.idx.msk [tilespmem:v1+s3+$0x0], $0xffff  }
0x474: {  	v2 =	vadd.s32 $0xDEA8, v7  }
0x475: {  	s24 =	simm.s32 $0x10;
	s2 =	sand.u32 $0x1C00, s22  }
0x476: {  	s6 =	sand.u32 $0x70, s24;
	s1 =	sadd.s32 $0x1AE00, s2;
	v4 =	vld [tilespmem:s23+$0xFFFFFFF0]  }
0x477: {  	s26 =	simm.s32 $0x14A30;
	s25 =	sor.u32 s6, s1  }
0x478: {  	[tilespmem:s25+$0x0] =	vst v1;
	v1 =	vld [tilespmem:s26+$0x0]  }
0x479: {  	v2 =	vld.idx.msk [tilespmem:v2+s3+$0x0], $0xffff  }
0x47a: {  	v3 =	vadd.s32 $0xE290, v7  }
0x47b: {  	v6 =	vadd.s32 $0xDAC0, v4  }
0x47c: {  	s31 =	sadd.s32 $0x1AE80, s2;
	v5 =	vld [tilespmem:s26+$0xFFFFFFF0]  }
0x47d: {  	s10 =	sor.u32 s6, s31  }
0x47e: {  	v8 =	vadd.s32 $0xDAC0, v1;
	[tilespmem:s10+$0x0] =	vst v2  }
0x47f: {  	v2 =	vld.idx.msk [tilespmem:v3+s3+$0x0], $0xffff  }
0x480: {  	v3 =	vld.idx.msk [tilespmem:v6+s3+$0x0], $0xffff;
	v6 =	vadd.s32 $0xE678, v7  }
0x481: {  	v10 =	vadd.s32 $0xDAC0, v5  }
0x482: {  	s16 =	simm.s32 $0x0;
	s8 =	sadd.s32 $0x1AF00, s2;
	v9 =	vadd.s32 $0xDEA8, v4  }
0x483: {  	s4 =	sand.u32 $0x60, s16;
	s19 =	sor.u32 s6, s8;
	v8 =	vld.idx.msk [tilespmem:v8+s3+$0x0], $0xffff  }
0x484: {  	s20 =	simm.s32 $0x100;
	s1 =	sor.u32 s4, s1;
	v11 =	vadd.s32 $0xDEA8, v1;
	[tilespmem:s19+$0x0] =	vst v2  }
0x485: {  	s21 =	simm.s32 $0x30;
	[tilespmem:s1+$0x0] =	vst v3;
	s19 =	sand.u32 $0x1C00, s20;
	v3 =	vld.idx.msk [tilespmem:v6+s3+$0x0], $0xffff  }
0x486: {  	v12 =	vadd.s32 $0xEA60, v7;
	v10 =	vld.idx.msk [tilespmem:v10+s3+$0x0], $0xffff;
	s20 =	sand.u32 $0x70, s21;
	s22 =	sadd.s32 $0x1AE00, s19  }
0x487: {  	s23 =	simm.s32 $0x14A50;
	v9 =	vld.idx.msk [tilespmem:v9+s3+$0x0], $0xffff;
	s0 =	sor.u32 s20, s22  }
0x488: {  	v13 =	vadd.s32 $0xE290, v4;
	v2 =	vld [tilespmem:s23+$0x0];
	[tilespmem:s0+$0x0] =	vst v8;
	s0 =	sadd.s32 $0x1AF80, s2  }
0x489: {  	v8 =	vld.idx.msk [tilespmem:v11+s3+$0x0], $0xffff;
	s24 =	sor.u32 s6, s0;
	v11 =	vadd.s32 $0xDEA8, v5  }
0x48a: {  	s25 =	simm.s32 $0x20;
	[tilespmem:s24+$0x0] =	vst v3;
	v3 =	vadd.s32 $0xE290, v1  }
0x48b: {  	s5 =	sor.u32 s4, s31;
	s21 =	sand.u32 $0x60, s25;
	v12 =	vld.idx.msk [tilespmem:v12+s3+$0x0], $0xffff  }
0x48c: {  	v6 =	vld [tilespmem:s23+$0xFFFFFFF0];
	s26 =	sadd.s32 $0x1AE80, s19;
	s1 =	sor.u32 s21, s22;
	[tilespmem:s5+$0x0] =	vst v9;
	v9 =	vadd.s32 $0xEE48, v7  }
0x48d: {  	s31 =	sor.u32 s20, s26;
	[tilespmem:s1+$0x0] =	vst v10;
	v14 =	vadd.s32 $0xDAC0, v2;
	v13 =	vld.idx.msk [tilespmem:v13+s3+$0x0], $0xffff  }
0x48e: {  	s7 =	sadd.s32 $0x1B000, s2;
	v15 =	vadd.s32 $0xE678, v4;
	v10 =	vld.idx.msk [tilespmem:v11+s3+$0x0], $0xffff;
	[tilespmem:s31+$0x0] =	vst v8  }
0x48f: {  	s9 =	sor.u32 s6, s7;
	s25 =	simm.s32 $0x14A70;
	v11 =	vadd.s32 $0xE290, v5;
	v3 =	vld.idx.msk [tilespmem:v3+s3+$0x0], $0xffff  }
0x490: {  	v26 =	vld [tilespmem:s25+$0xFFFFFFF0];
	[tilespmem:s9+$0x0] =	vst v12;
	v12 =	vadd.s32 $0xE678, v1  }
0x491: {  	s10 =	sor.u32 s4, s8;
	v8 =	vadd.s32 $0xDAC0, v6;
	v9 =	vld.idx.msk [tilespmem:v9+s3+$0x0], $0xffff  }
0x492: {  	s1 =	sadd.s32 $0x1AF00, s19;
	s5 =	sor.u32 s21, s26;
	[tilespmem:s10+$0x0] =	vst v13;
	v13 =	vld.idx.msk [tilespmem:v14+s3+$0x0], $0xffff;
	v14 =	vadd.s32 $0xF230, v7  }
0x493: {  	s22 =	simm.s32 $0x200;
	s16 =	sor.u32 s20, s1;
	v15 =	vld.idx.msk [tilespmem:v15+s3+$0x0], $0xffff;
	[tilespmem:s5+$0x0] =	vst v10  }
0x494: {  	s23 =	simm.s32 $0x50;
	s22 =	sand.u32 $0x1C00, s22;
	v16 =	vadd.s32 $0xDEA8, v2;
	s9 =	sadd.s32 $0x1B080, s2;
	v10 =	vld.idx.msk [tilespmem:v11+s3+$0x0], $0xffff;
	[tilespmem:s16+$0x0] =	vst v3  }
0x495: {  	s23 =	sand.u32 $0x70, s23;
	s8 =	sadd.s32 $0x1AE00, s22;
	s24 =	sor.u32 s6, s9;
	v11 =	vadd.s32 $0xEA60, v4;
	v12 =	vld.idx.msk [tilespmem:v12+s3+$0x0], $0xffff  }
0x496: {  	s10 =	sor.u32 s23, s8;
	v8 =	vld.idx.msk [tilespmem:v8+s3+$0x0], $0xffff;
	[tilespmem:s24+$0x0] =	vst v9;
	v9 =	vadd.s32 $0xEA60, v1  }
0x497: {  	[tilespmem:s10+$0x0] =	vst v13;
	v13 =	vld.idx.msk [tilespmem:v14+s3+$0x0], $0xffff;
	v14 =	vadd.s32 $0xDEA8, v6  }
0x498: {  	v17 =	vadd.s32 $0xE678, v5;
	s0 =	sor.u32 s4, s0;
	s26 =	simm.s32 $0x40;
	s16 =	sadd.s32 $0x1AF80, s19;
	v3 =	vld [tilespmem:s25+$0x0]  }
0x499: {  	v7 =	vadd.s32 $0xF618, v7;
	s31 =	sor.u32 s20, s16;
	v16 =	vld.idx.msk [tilespmem:v16+s3+$0x0], $0xffff;
	[tilespmem:s0+$0x0] =	vst v15;
	s24 =	sand.u32 $0x60, s26  }
0x49a: {  	v15 =	vadd.s32 $0xE290, v2;
	s10 =	sor.u32 s24, s8;
	v11 =	vld.idx.msk [tilespmem:v11+s3+$0x0], $0xffff;
	[tilespmem:s31+$0x0] =	vst v12  }
0x49b: {  	s25 =	sor.u32 s21, s1;
	s1 =	sadd.s32 $0x1B100, s2;
	[tilespmem:s10+$0x0] =	vst v8;
	v12 =	vadd.s32 $0xEE48, v4;
	v8 =	vld.idx.msk [tilespmem:v9+s3+$0x0], $0xffff  }
0x49c: {  	s0 =	sadd.s32 $0x1AE80, s22;
	s26 =	sor.u32 s6, s1;
	[tilespmem:s25+$0x0] =	vst v10;
	v10 =	vadd.s32 $0xEE48, v1;
	v9 =	vld.idx.msk [tilespmem:v14+s3+$0x0], $0xffff  }
0x49d: {  	s31 =	sor.u32 s23, s0;
	v14 =	vld.idx.msk [tilespmem:v17+s3+$0x0], $0xffff;
	[tilespmem:s26+$0x0] =	vst v13;
	v13 =	vadd.s32 $0xDAC0, v3  }
0x49e: {  	s10 =	sor.u32 s4, s7;
	s25 =	sadd.s32 $0x1B000, s19;
	[tilespmem:s31+$0x0] =	vst v16;
	v27 =	vld.idx.msk [tilespmem:v7+s3+$0x0], $0xffff;
	v7 =	vadd.s32 $0xDAC0, v26  }
0x49f: {  	s8 =	sor.u32 s20, s25;
	[tilespmem:s10+$0x0] =	vst v11;
	v11 =	vld.idx.msk [tilespmem:v15+s3+$0x0], $0xffff  }
0x4a0: {  	v16 =	vadd.s32 $0xE290, v6;
	v15 =	vld.idx.msk [tilespmem:v12+s3+$0x0], $0xffff;
	[tilespmem:s8+$0x0] =	vst v8  }
0x4a1: {  	s28 =	sadd.s32 $0x1AF00, s22;
	v17 =	vadd.s32 $0xEA60, v5;
	v18 =	vld.idx.msk [tilespmem:v10+s3+$0x0], $0xffff  }
0x4a2: {  	s5 =	sor.u32 s4, s9;
	s0 =	sor.u32 s24, s0;
	s31 =	sadd.s32 $0x1B180, s2;
	v12 =	vadd.s32 $0xE678, v2;
	v25 =	vld.idx.msk [tilespmem:v13+s3+$0x0], $0xffff  }
0x4a3: {  	s2 =	sor.u32 s21, s25;
	s26 =	sor.u32 s23, s28;
	s10 =	sor.u32 s21, s16;
	[tilespmem:s0+$0x0] =	vst v9;
	v24 =	vld.idx.msk [tilespmem:v7+s3+$0x0], $0xffff;
	v7 =	vadd.s32 $0xF230, v1  }
0x4a4: {  	v20 =	vadd.s32 $0xF230, v4;
	s25 =	sor.u32 s4, s31;
	s16 =	sor.u32 s4, s1;
	s4 =	simm.s32 $0x300;
	[tilespmem:s10+$0x0] =	vst v14  }
0x4a5: {  	v19 =	vadd.s32 $0xDEA8, v26;
	v28 =	vadd.s32 $0xDEA8, v3;
	v4 =	vadd.s32 $0xF618, v4;
	s1 =	sadd.s32 $0x1B080, s19;
	s9 =	sand.u32 $0x1C00, s4;
	s10 =	simm.s32 $0x70;
	v21 =	vld.idx.msk [tilespmem:v16+s3+$0x0], $0xffff;
	[tilespmem:s26+$0x0] =	vst v11  }
0x4a6: {  	s7 =	sor.u32 s20, s1;
	v8 =	vadd.s32 $0xF230, v5;
	v10 =	vadd.s32 $0xEE48, v5;
	v13 =	vadd.s32 $0xEE48, v26;
	s26 =	sand.u32 $0x70, s10;
	v22 =	vld.idx.msk [tilespmem:v17+s3+$0x0], $0xffff;
	[tilespmem:s5+$0x0] =	vst v15;
	s5 =	sadd.s32 $0x1AE00, s9  }
0x4a7: {  	v17 =	vadd.s32 $0xE290, v26;
	v11 =	vadd.s32 $0xF230, v26;
	v23 =	vld.idx.msk [tilespmem:v12+s3+$0x0], $0xffff;
	v15 =	vadd.s32 $0xEA60, v26;
	s30 =	sor.u32 s26, s5;
	[tilespmem:s7+$0x0] =	vst v18  }
0x4a8: {  	s29 =	sor.u32 s24, s28;
	s0 =	sor.u32 s6, s31;
	s31 =	simm.s32 $0x60;
	v18 =	vadd.s32 $0xE678, v26;
	[tilespmem:s30+$0x0] =	vst v25;
	v25 =	vld.idx.msk [tilespmem:v7+s3+$0x0], $0xffff;
	v7 =	vadd.s32 $0xF618, v26;
	v26 =	vadd.s32 $0xEA60, v2  }
0x4a9: {  	s28 =	simm.s32 $0x14A90;
	s8 =	simm.s32 $0x6;
	v5 =	vadd.s32 $0xF618, v5;
	v14 =	vadd.s32 $0xEA60, v6;
	v9 =	vadd.s32 $0xF230, v6;
	s6 =	sand.u32 $0x60, s31;
	v20 =	vld.idx.msk [tilespmem:v20+s3+$0x0], $0xffff  }
0x4aa: {  	v16 =	vadd.s32 $0xE678, v6;
	[tilespmem:s0+$0x0] =	vst v27;
	v12 =	vadd.s32 $0xEE48, v6;
	v6 =	vadd.s32 $0xF618, v6;
	s7 =	sor.u32 s21, s1;
	s30 =	sor.u32 s6, s5;
	s1 =	sadd.s32 $0x1AF80, s22;
	v27 =	vld.idx.msk [tilespmem:v28+s3+$0x0], $0xffff  }
.LBB2_19:
0x4ab: {  	s8 =	sadd.s32 $0x2, s8;
	[tilespmem:s30+$0x0] =	vst v24;
	s30 =	sor.u32 s24, s1;
	s0 =	sor.u32 s23, s1;
	v24 =	vadd.s32 $0xF618, v1;
	v1 =	vmov v2;
	v2 =	vmov v3;
	v3 =	vld [tilespmem:s28+$0x0]  }
0x4ac: {  	v28 =	vld [tilespmem:s28+$0xFFFFFFF0];
	p0 =	slt.u32 s8, $0x3E;
	v29 =	vadd.s32 $0xE290, v2;
	[tilespmem:s0+$0x0] =	vst v23  }
0x4ad: {  	s0 =	sadd.s32 $0x1B100, s19;
	[tilespmem:s29+$0x0] =	vst v21;
	v21 =	vld.idx.msk [tilespmem:v26+s3+$0x0], $0xffff  }
0x4ae: {  	s1 =	sadd.s32 $0x1AE80, s9;
	v23 =	vld.idx.msk [tilespmem:v19+s3+$0x0], $0xffff;
	[tilespmem:s2+$0x0] =	vst v22;
	s2 =	sor.u32 s21, s0;
	s0 =	sor.u32 s20, s0  }
0x4af: {  	s5 =	sor.u32 s6, s1;
	s1 =	sor.u32 s26, s1;
	v26 =	vadd.s32 $0xEE48, v1;
	v22 =	vld.idx.msk [tilespmem:v16+s3+$0x0], $0xffff;
	[tilespmem:s0+$0x0] =	vst v25;
	v16 =	vmov v18  }
0x4b0: {  	v25 =	vadd.s32 $0xDAC0, v3;
	[tilespmem:s1+$0x0] =	vst v27;
	v27 =	vld.idx.msk [tilespmem:v24+s3+$0x0], $0xffff  }
0x4b1: {  	s0 =	sadd.s32 $0x1B000, s22;
	v24 =	vadd.s32 $0xDAC0, v28;
	v19 =	vadd.s32 $0xDEA8, v28;
	v30 =	vadd.s32 $0xE290, v28;
	v29 =	vld.idx.msk [tilespmem:v29+s3+$0x0], $0xffff;
	[tilespmem:s16+$0x0] =	vst v20;
	s16 =	smov.u32 s2  }
0x4b2: {  	v18 =	vadd.s32 $0xE678, v28;
	v20 =	vadd.s32 $0xEA60, v28;
	s2 =	sor.u32 s24, s0;
	s0 =	sor.u32 s23, s0;
	v31 =	vld.idx.msk [tilespmem:v10+s3+$0x0], $0xffff;
	v10 =	vmovc v12;
	v12 =	vmovc v13;
	v13 =	vadd.s32 $0xEE48, v28  }
0x4b3: {  	s4 =	sadd.s32 $0x100, s4;
	v33 =	vadd.s32 $0xE678, v2;
	v32 =	vadd.s32 $0xF230, v28;
	v28 =	vadd.s32 $0xF618, v28;
	[tilespmem:s0+$0x0] =	vst v21;
	v34 =	vld.idx.msk [tilespmem:v4+s3+$0x0], $0xffff;
	v4 =	vmovc v5;
	v5 =	vmovc v6  }
0x4b4: {  	s0 =	sadd.s32 $0x1B180, s19;
	v6 =	vmov v7;
	v7 =	vmov v28;
	s19 =	smov.u32 s22;
	s22 =	smov.u32 s9;
	[tilespmem:s5+$0x0] =	vst v23;
	v35 =	vld.idx.msk [tilespmem:v26+s3+$0x0], $0xffff  }
0x4b5: {  	s1 =	sadd.s32 $0x1AF00, s22;
	s5 =	sor.u32 s21, s0;
	s0 =	sor.u32 s20, s0;
	v25 =	vld.idx.msk [tilespmem:v25+s3+$0x0], $0xffff;
	[tilespmem:s30+$0x0] =	vst v22  }
0x4b6: {  	v28 =	vadd.s32 $0xF230, v1;
	s20 =	smov.u32 s23;
	s29 =	sor.u32 s6, s1;
	s1 =	sor.u32 s26, s1;
	v24 =	vld.idx.msk [tilespmem:v24+s3+$0x0], $0xffff;
	[tilespmem:s0+$0x0] =	vst v27  }
0x4b7: {  	s10 =	sadd.s32 $0x20, s10;
	s23 =	smov.u32 s26;
	s21 =	smov.u32 s24;
	v27 =	vadd.s32 $0xDEA8, v3;
	v21 =	vld.idx.msk [tilespmem:v17+s3+$0x0], $0xffff;
	[tilespmem:s1+$0x0] =	vst v29;
	v17 =	vmov v30  }
.Ltmp8:
0x4b8: {  	s9 =	sand.u32 $0x1C00, s4;
	s0 =	sadd.s32 $0x1B080, s19;
	v23 =	vld.idx.msk [tilespmem:v33+s3+$0x0], $0xffff;
	[tilespmem:s7+$0x0] =	vst v31;
	(pc) =	sbr.rel @p0 .LBB2_19-.Ltmp8, $4  }
0x4b9: {  	s26 =	sand.u32 $0x70, s10;
	s1 =	sadd.s32 $0x1AE00, s9;
	s24 =	sor.u32 s20, s0;
	v22 =	vld.idx.msk [tilespmem:v14+s3+$0x0], $0xffff;
	[tilespmem:s25+$0x0] =	vst v34;
	v14 =	vmov v15;
	v15 =	vmov v20  }
0x4ba: {  	v26 =	vadd.s32 $0xEA60, v2;
	s30 =	sadd.s32 $0xFFFFFFF0, s10;
	s7 =	sor.u32 s21, s0;
	s25 =	sor.u32 s26, s1;
	[tilespmem:s24+$0x0] =	vst v35;
	v20 =	vld.idx.msk [tilespmem:v8+s3+$0x0], $0xffff;
	v8 =	vmovc v9;
	v9 =	vmov v11;
	v11 =	vmov v32  }
0x4bb: {  	s24 =	smov.u32 s6;
	s6 =	sand.u32 $0x60, s30;
	[tilespmem:s25+$0x0] =	vst v25;
	v25 =	vld.idx.msk [tilespmem:v28+s3+$0x0], $0xffff;
	s25 =	smov.u32 s5  }
0x4bc: {  	s28 =	sadd.s32 $0x20, s28;
	s30 =	sor.u32 s6, s1;
	s1 =	sadd.s32 $0x1AF80, s22;
	v27 =	vld.idx.msk [tilespmem:v27+s3+$0x0], $0xffff  }
0x4bd: {  	_ =	sdelay $0x2  }
0x4be: {  	[tilespmem:s30+$0x0] =	vst v24  }
0x4bf: {  	v50 =	vadd.s32 $0xE290, v3;
	v19 =	vld.idx.msk [tilespmem:v19+s3+$0x0], $0xffff;
	_ =	sdelay $0x1  }
0x4c0: {  	s0 =	sadd.s32 $0x1AE80, s9  }
0x4c1: {  	s4 =	sor.u32 s26, s0  }
0x4c2: {  	s0 =	sor.u32 s6, s0;
	[tilespmem:s4+$0x0] =	vst v27  }
0x4c3: {  	v24 =	vld.idx.msk [tilespmem:v50+s3+$0x0], $0xffff;
	[tilespmem:s0+$0x0] =	vst v19  }
0x4c4: {  	v51 =	vadd.s32 $0xE678, v3;
	v17 =	vld.idx.msk [tilespmem:v17+s3+$0x0], $0xffff;
	_ =	sdelay $0x1  }
0x4c5: {  	s30 =	sadd.s32 $0x1AF00, s9  }
0x4c6: {  	[tilespmem:s29+$0x0] =	vst v21;
	s31 =	sor.u32 s26, s30  }
0x4c7: {  	v16 =	vld.idx.msk [tilespmem:v16+s3+$0x0], $0xffff;
	s0 =	sor.u32 s6, s30;
	[tilespmem:s31+$0x0] =	vst v24  }
0x4c8: {  	v52 =	vld.idx.msk [tilespmem:v51+s3+$0x0], $0xffff;
	[tilespmem:s0+$0x0] =	vst v17  }
0x4c9: {  	v53 =	vadd.s32 $0xEA60, v3;
	v17 =	vld.idx.msk [tilespmem:v18+s3+$0x0], $0xffff  }
0x4ca: {  	s4 =	sor.u32 s23, s1  }
0x4cb: {  	s5 =	sadd.s32 $0x1AF80, s9;
	s10 =	sor.u32 s24, s1;
	[tilespmem:s4+$0x0] =	vst v23  }
0x4cc: {  	s8 =	sor.u32 s26, s5;
	v54 =	vld.idx.msk [tilespmem:v26+s3+$0x0], $0xffff;
	[tilespmem:s10+$0x0] =	vst v16  }
0x4cd: {  	v55 =	vadd.s32 $0xEE48, v2;
	v14 =	vld.idx.msk [tilespmem:v14+s3+$0x0], $0xffff;
	s0 =	sor.u32 s6, s5;
	[tilespmem:s8+$0x0] =	vst v52  }
0x4ce: {  	v56 =	vld.idx.msk [tilespmem:v53+s3+$0x0], $0xffff;
	[tilespmem:s0+$0x0] =	vst v17  }
0x4cf: {  	s28 =	sadd.s32 $0x1B000, s22;
	v57 =	vadd.s32 $0xEE48, v3;
	[tilespmem:s2+$0x0] =	vst v22;
	v15 =	vld.idx.msk [tilespmem:v15+s3+$0x0], $0xffff  }
0x4d0: {  	s29 =	sor.u32 s23, s28;
	[tilespmem:s16+$0x0] =	vst v20  }
0x4d1: {  	v1 =	vadd.s32 $0xF618, v1;
	v10 =	vld.idx.msk [tilespmem:v10+s3+$0x0], $0xffff;
	s1 =	sor.u32 s24, s28;
	s31 =	sadd.s32 $0x1B000, s9;
	[tilespmem:s29+$0x0] =	vst v54  }
0x4d2: {  	v58 =	vld.idx.msk [tilespmem:v55+s3+$0x0], $0xffff;
	s5 =	sor.u32 s26, s31;
	[tilespmem:s1+$0x0] =	vst v14  }
0x4d3: {  	v59 =	vadd.s32 $0xF230, v2;
	v12 =	vld.idx.msk [tilespmem:v12+s3+$0x0], $0xffff;
	s8 =	sor.u32 s6, s31;
	s0 =	sadd.s32 $0x1B100, s19;
	[tilespmem:s5+$0x0] =	vst v56  }
0x4d4: {  	s30 =	sor.u32 s20, s0;
	v60 =	vld.idx.msk [tilespmem:v57+s3+$0x0], $0xffff;
	[tilespmem:s8+$0x0] =	vst v15  }
0x4d5: {  	v61 =	vadd.s32 $0xF230, v3;
	s10 =	sadd.s32 $0x1B080, s22;
	[tilespmem:s30+$0x0] =	vst v25;
	v13 =	vld.idx.msk [tilespmem:v13+s3+$0x0], $0xffff  }
0x4d6: {  	s28 =	sor.u32 s23, s10;
	[tilespmem:s7+$0x0] =	vst v10;
	v1 =	vld.idx.msk [tilespmem:v1+s3+$0x0], $0xffff  }
0x4d7: {  	s2 =	sor.u32 s24, s10;
	v8 =	vld.idx.msk [tilespmem:v8+s3+$0x0], $0xffff;
	s29 =	sadd.s32 $0x1B080, s9;
	[tilespmem:s28+$0x0] =	vst v58  }
0x4d8: {  	v62 =	vld.idx.msk [tilespmem:v59+s3+$0x0], $0xffff;
	[tilespmem:s2+$0x0] =	vst v12;
	s30 =	sor.u32 s26, s29  }
0x4d9: {  	v2 =	vadd.s32 $0xF618, v2;
	s1 =	sor.u32 s6, s29;
	s31 =	sadd.s32 $0x1B180, s19;
	v9 =	vld.idx.msk [tilespmem:v9+s3+$0x0], $0xffff;
	[tilespmem:s30+$0x0] =	vst v60  }
0x4da: {  	s7 =	sor.u32 s20, s31;
	v63 =	vld.idx.msk [tilespmem:v61+s3+$0x0], $0xffff;
	[tilespmem:s1+$0x0] =	vst v13  }
0x4db: {  	v3 =	vadd.s32 $0xF618, v3;
	s0 =	sor.u32 s21, s0;
	s5 =	sadd.s32 $0x1B100, s22;
	[tilespmem:s7+$0x0] =	vst v1;
	v1 =	vld.idx.msk [tilespmem:v11+s3+$0x0], $0xffff  }
0x4dc: {  	v4 =	vld.idx.msk [tilespmem:v4+s3+$0x0], $0xffff;
	[tilespmem:s0+$0x0] =	vst v8;
	s8 =	sor.u32 s23, s5  }
0x4dd: {  	s10 =	sadd.s32 $0x1B100, s9;
	v5 =	vld.idx.msk [tilespmem:v5+s3+$0x0], $0xffff;
	s19 =	sor.u32 s24, s5;
	[tilespmem:s8+$0x0] =	vst v62  }
0x4de: {  	s16 =	sor.u32 s26, s10;
	[tilespmem:s19+$0x0] =	vst v9;
	v2 =	vld.idx.msk [tilespmem:v2+s3+$0x0], $0xffff  }
0x4df: {  	s20 =	sor.u32 s6, s10;
	v6 =	vld.idx.msk [tilespmem:v6+s3+$0x0], $0xffff;
	[tilespmem:s16+$0x0] =	vst v63  }
0x4e0: {  	v3 =	vld.idx.msk [tilespmem:v3+s3+$0x0], $0xffff;
	[tilespmem:s20+$0x0] =	vst v1  }
0x4e1: {  	[tilespmem:s25+$0x0] =	vst v4;
	s29 =	sor.u32 s21, s31;
	s22 =	sadd.s32 $0x1B180, s22;
	v1 =	vld.idx.msk [tilespmem:v7+s3+$0x0], $0xffff  }
0x4e2: {  	s28 =	sor.u32 s23, s22;
	[tilespmem:s29+$0x0] =	vst v5  }
0x4e3: {  	s30 =	sadd.s32 $0x1B180, s9;
	s1 =	sor.u32 s24, s22;
	[tilespmem:s28+$0x0] =	vst v2  }
0x4e4: {  	s31 =	sor.u32 s26, s30;
	[tilespmem:s1+$0x0] =	vst v6  }
0x4e5: {  	s17 =	sadd.s32 $0x1, s17;
	s0 =	sor.u32 s6, s30;
	[tilespmem:s31+$0x0] =	vst v3  }
0x4e6: {  	p0 =	sne.s32 s17, $0x14;
	[tilespmem:s0+$0x0] =	vst v1  }
.Ltmp9:
0x4e7: {  	s0 =	sld [smem:$0x7FD];
	(pc) =	sbr.rel @p0 .LBB2_2-.Ltmp9, $3  }
0x4e8: {  	_ =	sdelay $0x1  }
0x4e9: {  	s0 =	sadd.s32 s18, s0  }
0x4ea: {  	[hbm4b:s0+s3] =	stream.linear.scatter [tilespmem:s14], [sflag:$0x2], $0x2000, $0x38;
	[tilespmem:$0x1CE00] =	vst v63  }
0x4eb: {  	_ =	swait.ge [sflag:s15], $0x2000  }
0x4ec: {  	[sflag:s15] =	ssyncset.done $0x0  }
0x4ed: {  	[sflag:s15] =	ssyncadd.s32 $0xFFFFE000  }
0x4ee: {  	_ =	swait.ge [sflag:s15], $0x2000  }
0x4ef: {  	[sflag:s15] =	ssyncset.done $0x0  }
0x4f0: {  	[sflag:s15] =	ssyncadd.s32 $0xFFFFE000  }
0x4f1: {  	_ =	swait.ge [sflag:s15], $0x2000  }
0x4f2: {  	[sflag:s15] =	ssyncset.done $0x0  }
0x4f3: {  	[sflag:s15] =	ssyncadd.s32 $0xFFFFE000  }
0x4f4: {  	_ =	swait.ge [sflag:s15], $0x2000  }
0x4f5: {  	s1 =	sld [smem:$0x7FB];
	_ =	sdelay $0x2  }
0x4f6: {  	s0 =	rddreg [dreg:$0x19];
	s1 =	sadd.s32 $0x1, s1  }
0x4f7: {  	p0 =	sne.s32 s1, s0  }
.Ltmp10:
0x4f8: {  	_ = 	snop;
	(pc) =	sbr.rel @p0 .LBB2_1-.Ltmp10, $3  }
0x4f9: {  	_ =	sdelay $0x1  }
0x4fa: {  	[sflag:s15] =	ssyncset.done $0x0  }
0x4fb: {  	[sflag:s15] =	ssyncadd.s32 $0xFFFFE000  }
0x4fc: {  	_ =	sfence.sel $0x180000  }
0x4fd: {  	[bflag:$0x0] =	sbarrier.arrive $0xFFFF  }
0x4fe: {  	_ =	strace $0x90000047  }
0x4ff: {  	s0 =	stileid.u32;
	[bflag:$0x2] =	sbarrier.arrive $0xFFFF  }
0x500: {  	p0 =	sne.s32 s0, $0x0;
	s0 =	rddreg [dreg:$0x3]  }
0x501: {  	s0 =	sadd.s32 @!p0 $0x100000, s0  }
0x502: {  	[sflag:s0] =	ssyncadd.tile.s32 @!p0 $0x1;
	_ =	shalt  }
.Lfunc_end2:
_tile_overlayer_lowered:
.L_overlay_start_2:
0x503: {  	(tag) =	ssettag $0x2  }
0x504: {  	s0 =	rddreg [dreg:$0x0];
	s2 =	stileid.u32  }
0x505: {  	s1 =	rddreg [dreg:$0x1];
	p0 =	sne.s32 s2, $0x0  }
0x506: {  	s3 =	rddreg [dreg:$0x2];
	[bflag:$0x3] =	sbarrier.arrive $0xFFFF;
	s2 =	simm.s32 @!p0 $0x1C03  }
0x507: {  	[timem:s3], [sflag:s2] =	dma.local @!p0 [hbm:s0], s1  }
0x508: {  	s0 =	simm.s32 @!p0 $0x3  }
0x509: {  	_ =	swait.ge @!p0 [sflag:s0], s1  }
0x50a: {  	s1 =	ssub.s32 @!p0 $0x0, s1;
	[sflag:s0] =	ssyncset.done @!p0 $0x0  }
0x50b: {  	[sflag:s0] =	ssyncadd.s32 @!p0 s1  }
0x50c: {  	[bflag:$0x3] =	sbarrier.arrive $0xFFFF  }
0x50d: {  	_ =	shalt  }

</sc_bundles>
